<compile_context>
chip_gen: v7x
topology: tpu7x:2x2x1
jax: 0.10.2.dev20260603
libtpu: 0.0.44.dev20260713+nightly
codegen_flags: <defaults>
</compile_context>

<pallas_src>
import functools

import jax
import jax.numpy as jnp
from jax import lax
from jax.experimental import pallas as pl
from jax.experimental.pallas import tpu as pltpu
from jax.experimental.pallas import tpu_sc as plsc

N = 10000
E = 320000
D = 128
DE = 144
NC = 2
NS = 16
NW = NC * NS
NP = 10240
CH = 128
NCHG = E // CH
NKB = NCHG // NW
NKR = NCHG % NW
RPT = NP // NS
ZCH = 128
NZ = RPT // ZCH
SW = 16
RB = 1000
NRB = N // RB

_mesh = plsc.VectorSubcoreMesh(
    core_axis_name="c", subcore_axis_name="s", num_cores=NC, num_subcores=NS)


def _zero_fill(buf, rows, width):
  def body(i, _):
    for j in range(width // 16):
      buf[i, pl.ds(j * 16, 16)] = jnp.zeros((16,), jnp.float32)
    return 0
  lax.fori_loop(0, rows, body, 0, unroll=False)


def _chunk_base(wid, k):
  return pl.multiple_of((wid + NW * k) * CH, 8)


@functools.partial(
    pl.kernel,
    out_type=jax.ShapeDtypeStruct((NC, NP, SW), jnp.float32),
    mesh=_mesh,
    scratch_types=[
        pltpu.VMEM_SHARED((NP, SW), jnp.float32),
        pltpu.VMEM((CH,), jnp.int32),
        pltpu.VMEM((CH,), jnp.int32),
        pltpu.VMEM((CH,), jnp.int32),
        pltpu.VMEM((CH,), jnp.int32),
        pltpu.VMEM((CH, SW), jnp.float32),
        pltpu.VMEM((ZCH, SW), jnp.float32),
        pltpu.SemaphoreType.DMA,
        pltpu.SemaphoreType.DMA,
        pltpu.SemaphoreType.DMA,
        pltpu.SemaphoreType.DMA,
        pltpu.SemaphoreType.DMA,
        pltpu.SemaphoreType.DMA,
    ],
    compiler_params=pltpu.CompilerParams(use_tc_tiling_on_sc=False),
)
def _sc_degree(dst_hbm, deg_out, shared_deg, idx0, idx1, idx2, idx3,
               ones_v, zrow_v, isem0, isem1, isem2, isem3, ssem0, ssem1):
  cid = lax.axis_index("c")
  sid = lax.axis_index("s")
  wid = sid * NC + cid
  nk = NKB + jnp.where(wid < NKR, 1, 0)

  def fill_ones(i, _):
    ones_v[i, :] = jnp.full((SW,), 1.0, jnp.float32)
    return 0
  lax.fori_loop(0, CH, fill_ones, 0, unroll=False)
  _zero_fill(zrow_v, ZCH, SW)

  for z in range(NZ):
    r0 = pl.multiple_of(sid * RPT + z * ZCH, ZCH)
    pltpu.sync_copy(zrow_v, shared_deg.at[pl.ds(r0, ZCH)])
  plsc.subcore_barrier()

  ibufs = ((idx0, isem0), (idx1, isem1), (idx2, isem2), (idx3, isem3))
  ssems = (ssem0, ssem1)

  def fire_idx(i4, k):
    idx, isem = ibufs[i4]
    pltpu.async_copy(dst_hbm.at[pl.ds(_chunk_base(wid, k), CH)], idx, isem)

  def wait_idx(i4):
    idx, isem = ibufs[i4]
    pltpu.make_async_copy(dst_hbm.at[pl.ds(0, CH)], idx, isem).wait()

  def fire_scatter(i4):
    pltpu.async_copy(ones_v, shared_deg.at[ibufs[i4][0]], ssems[i4 % 2],
                     add=True)

  def wait_scatter(i4):
    pltpu.make_async_copy(ones_v, shared_deg.at[ibufs[i4][0]],
                          ssems[i4 % 2]).wait()

  fire_idx(0, 0)

  @pl.when(nk > 1)
  def _():
    fire_idx(1, 1)

  def body(k, _):
    def step(m4):
      i_p2 = (m4 + 2) % 4
      wait_idx(m4)

      @pl.when(k >= 2)
      def _():
        wait_scatter(i_p2)

      fire_scatter(m4)

      @pl.when(k + 2 < nk)
      def _():
        fire_idx(i_p2, k + 2)

    for m in range(4):
      @pl.when(k % 4 == m)
      def _(m=m):
        step(m)
    return 0
  lax.fori_loop(0, nk, body, 0, unroll=False)

  for m in range(4):
    @pl.when((nk - 1) % 4 == m)
    def _(m=m):
      wait_scatter(m)

    @pl.when(((nk - 2) % 4 == m) & (nk >= 2))
    def _(m=m):
      wait_scatter(m)
  plsc.subcore_barrier()

  for z in range(NZ):
    r0 = pl.multiple_of(sid * RPT + z * ZCH, ZCH)
    pltpu.sync_copy(shared_deg.at[pl.ds(r0, ZCH)], zrow_v)
    pltpu.sync_copy(zrow_v, deg_out.at[cid, pl.ds(r0, ZCH)])


@functools.partial(
    pl.kernel,
    out_type=(
        jax.ShapeDtypeStruct((NC, NP, D), jnp.float32),
        jax.ShapeDtypeStruct((NC, NP, SW), jnp.float32),
    ),
    mesh=_mesh,
    scratch_types=[
        pltpu.VMEM_SHARED((NP, DE), jnp.float32),
        pltpu.VMEM((CH,), jnp.int32),
        pltpu.VMEM((CH,), jnp.int32),
        pltpu.VMEM((CH,), jnp.int32),
        pltpu.VMEM((CH,), jnp.int32),
        pltpu.VMEM((CH,), jnp.int32),
        pltpu.VMEM((CH,), jnp.int32),
        pltpu.VMEM((CH,), jnp.int32),
        pltpu.VMEM((CH,), jnp.int32),
        pltpu.VMEM((CH, DE), jnp.float32),
        pltpu.VMEM((CH, DE), jnp.float32),
        pltpu.SemaphoreType.DMA,
        pltpu.SemaphoreType.DMA,
        pltpu.SemaphoreType.DMA,
        pltpu.SemaphoreType.DMA,
        pltpu.SemaphoreType.DMA,
        pltpu.SemaphoreType.DMA,
        pltpu.SemaphoreType.DMA,
        pltpu.SemaphoreType.DMA,
    ],
    compiler_params=pltpu.CompilerParams(use_tc_tiling_on_sc=False),
)
def _sc_edges(src_hbm, dst_hbm, hext_hbm, gc_out, s1_out, shared_g,
              is0, id0, is1, id1, is2, id2, is3, id3, rows0, rows1,
              im0, im1, im2, im3, gsem0, gsem1, ssem0, ssem1):
  zbuf_v = rows0
  cid = lax.axis_index("c")
  sid = lax.axis_index("s")
  wid = sid * NC + cid
  nk = NKB + jnp.where(wid < NKR, 1, 0)

  _zero_fill(zbuf_v, ZCH, DE)
  for z in range(NZ):
    r0 = pl.multiple_of(sid * RPT + z * ZCH, ZCH)
    pltpu.sync_copy(zbuf_v, shared_g.at[pl.ds(r0, ZCH)])
  plsc.subcore_barrier()

  ibufs = ((is0, id0, im0), (is1, id1, im1), (is2, id2, im2), (is3, id3, im3))
  rbufs = ((rows0, gsem0, ssem0), (rows1, gsem1, ssem1))

  def fire_idx(i4, k):
    idxs, idxd, isem = ibufs[i4]
    base = _chunk_base(wid, k)
    pltpu.async_copy(src_hbm.at[pl.ds(base, CH)], idxs, isem)
    pltpu.async_copy(dst_hbm.at[pl.ds(base, CH)], idxd, isem)

  def wait_idx(i4):
    idxs, idxd, isem = ibufs[i4]
    pltpu.make_async_copy(src_hbm.at[pl.ds(0, CH)], idxs, isem).wait()
    pltpu.make_async_copy(dst_hbm.at[pl.ds(0, CH)], idxd, isem).wait()

  def fire_gather(r2, i4):
    rows, gsem, _ = rbufs[r2]
    pltpu.async_copy(hext_hbm.at[ibufs[i4][0]], rows, gsem)

  def wait_gather(r2, i4):
    rows, gsem, _ = rbufs[r2]
    pltpu.make_async_copy(hext_hbm.at[ibufs[i4][0]], rows, gsem).wait()

  def fire_scatter(r2, i4):
    rows, _, ssem = rbufs[r2]
    pltpu.async_copy(rows, shared_g.at[ibufs[i4][1]], ssem, add=True)

  def wait_scatter(r2, i4):
    rows, _, ssem = rbufs[r2]
    pltpu.make_async_copy(rows, shared_g.at[ibufs[i4][1]], ssem).wait()

  fire_idx(0, 0)

  @pl.when(nk > 1)
  def _():
    fire_idx(1, 1)

  @pl.when(nk > 2)
  def _():
    fire_idx(2, 2)

  wait_idx(0)
  fire_gather(0, 0)

  def body(k, _):
    def step(m4):
      b = m4 % 2
      nb = 1 - b
      i_n = (m4 + 1) % 4
      i_p = (m4 + 3) % 4
      wait_gather(b, m4)

      @pl.when(k >= 1)
      def _():
        wait_scatter(nb, i_p)

      fire_scatter(b, m4)

      @pl.when(k + 1 < nk)
      def _():
        wait_idx(i_n)
        fire_gather(nb, i_n)

        @pl.when(k + 3 < nk)
        def _():
          fire_idx(i_p, k + 3)

    for m in range(4):
      @pl.when(k % 4 == m)
      def _(m=m):
        step(m)
    return 0
  lax.fori_loop(0, nk, body, 0, unroll=False)

  for m in range(4):
    @pl.when((nk - 1) % 4 == m)
    def _(m=m):
      wait_scatter(m % 2, m)
  plsc.subcore_barrier()

  for z in range(NZ):
    r0 = pl.multiple_of(sid * RPT + z * ZCH, ZCH)
    pltpu.sync_copy(shared_g.at[pl.ds(r0, ZCH)], zbuf_v)

    def splat_s1(r, _):
      v = zbuf_v[r, pl.ds(D, SW)]
      zbuf_v[r, pl.ds(D, SW)] = jnp.full((SW,), v[0], jnp.float32)
      return 0
    lax.fori_loop(0, ZCH, splat_s1, 0, unroll=False)
    pltpu.sync_copy(zbuf_v.at[:, pl.ds(0, D)], gc_out.at[cid, pl.ds(r0, ZCH)])
    pltpu.sync_copy(zbuf_v.at[:, pl.ds(D, SW)], s1_out.at[cid, pl.ds(r0, ZCH)])


def _tc_prep_body(deg_ref, f_ref, h_ref, isq16_ref):
  deg = deg_ref[0, :, 0:1] + deg_ref[1, :, 0:1]
  isq = lax.rsqrt(jnp.maximum(deg, 1.0))
  h = jnp.concatenate(
      [f_ref[...] * isq, isq, jnp.zeros((RB, DE - D - 1), jnp.float32)],
      axis=1)
  h_ref[...] = h
  isq16_ref[...] = jnp.broadcast_to(isq, (RB, SW))


def _tc_prep(deg_p, feature):
  return pl.pallas_call(
      _tc_prep_body,
      grid=(NRB,),
      in_specs=[
          pl.BlockSpec((NC, RB, SW), lambda i: (0, i, 0)),
          pl.BlockSpec((RB, D), lambda i: (i, 0)),
      ],
      out_specs=[
          pl.BlockSpec((RB, DE), lambda i: (i, 0)),
          pl.BlockSpec((RB, SW), lambda i: (i, 0)),
      ],
      out_shape=[
          jax.ShapeDtypeStruct((N, DE), jnp.float32),
          jax.ShapeDtypeStruct((N, SW), jnp.float32),
      ],
  )(deg_p, feature)


def _tc_final_body(f_ref, isq16_ref, g_ref, s1_ref, wg_ref, we_ref, o_ref):
  g = g_ref[0] + g_ref[1]
  s1 = s1_ref[0, :, 0:1] + s1_ref[1, :, 0:1]
  f = f_ref[...]
  hf = f * isq16_ref[:, 0:1]
  a = f + hf * s1
  b = hf * g
  dn = (((1,), (1,)), ((), ()))
  r = lax.dot_general(a, wg_ref[...], dn,
                      preferred_element_type=jnp.float32,
                      precision=lax.Precision.HIGHEST)
  r = r + lax.dot_general(b, we_ref[...], dn,
                          preferred_element_type=jnp.float32,
                          precision=lax.Precision.HIGHEST)
  r = jnp.where(r >= 0, r, 0.2 * r)
  nrm = jnp.sqrt(jnp.sum(r * r, axis=1, keepdims=True))
  o_ref[...] = r / jnp.maximum(nrm, 1e-12)


def _tc_final(feature, isq16, g_p, s1_p, W_gcn, W_enh):
  return pl.pallas_call(
      _tc_final_body,
      grid=(NRB,),
      in_specs=[
          pl.BlockSpec((RB, D), lambda i: (i, 0)),
          pl.BlockSpec((RB, SW), lambda i: (i, 0)),
          pl.BlockSpec((NC, RB, D), lambda i: (0, i, 0)),
          pl.BlockSpec((NC, RB, SW), lambda i: (0, i, 0)),
          pl.BlockSpec((D, D), lambda i: (0, 0)),
          pl.BlockSpec((D, D), lambda i: (0, 0)),
      ],
      out_specs=pl.BlockSpec((RB, D), lambda i: (i, 0)),
      out_shape=jax.ShapeDtypeStruct((N, D), jnp.float32),
  )(feature, isq16, g_p, s1_p, W_gcn, W_enh)


def kernel(feature, edge_index, W_gcn, W_enh):
  ei = edge_index.astype(jnp.int32)
  src = ei[0]
  dst = ei[1]
  deg_p = _sc_degree(dst)
  hext, isq16 = _tc_prep(deg_p, feature)
  g_p, s1_p = _sc_edges(src, dst, hext)
  return _tc_final(feature, isq16, g_p, s1_p, W_gcn, W_enh)

# --- scband reference (transcript-rebuilt; emitter-appended) ---
"""Pipeline reference for scband-ngcf-layer-81398220194344 (READ-ONLY COPY).

The authoritative reference and input builder live on the scoring server;
editing this copy changes nothing except your own understanding.
"""

import jax, jax.numpy as jnp
import numpy as np

N_NODES = 10000
N_EDGES = 320000
D = 128


def setup_inputs(seed: int = 0) -> dict:
    key = jax.random.key(seed)
    k1, k2, k3, k4 = jax.random.split(key, 4)
    feature = jax.random.normal(k1, (N_NODES, D), dtype=jnp.float32)
    edge_index = jax.random.randint(k2, (2, N_EDGES), 0, N_NODES, dtype=jnp.int64)
    # Linear weights [out, in], xavier-ish scale
    scale = float(np.sqrt(6.0 / (D + D)))
    W_gcn = jax.random.uniform(k3, (D, D), dtype=jnp.float32, minval=-scale, maxval=scale)
    W_enh = jax.random.uniform(k4, (D, D), dtype=jnp.float32, minval=-scale, maxval=scale)
    return {"feature": feature, "edge_index": edge_index, "W_gcn": W_gcn, "W_enh": W_enh}


def reference(feature, edge_index, W_gcn, W_enh):
    src = edge_index[0]
    dst = edge_index[1]
    N = feature.shape[0]
    # in-degree per node (DGL stores this as g.ndata['in_d']); clamp to avoid div-by-zero
    deg = jnp.zeros((N,), dtype=jnp.float32).at[dst].add(1.0)
    in_d = jnp.maximum(deg, 1.0)
    norm = jnp.sqrt(in_d[src]) * jnp.sqrt(in_d[dst])  # [E]
    # message 1: edges.dst['emd'] / norm, summed at dst
    m1 = feature[dst] / norm[:, None]
    r1 = jax.ops.segment_sum(m1, dst, num_segments=N)
    # message 2: edges.dst['emd'] * edges.src['emd'] / norm, summed at dst
    m2 = (feature[dst] * feature[src]) / norm[:, None]
    r2 = jax.ops.segment_sum(m2, dst, num_segments=N)
    result = r1 @ W_gcn.T + r2 @ W_enh.T + feature @ W_gcn.T
    result = jnp.where(result >= 0, result, 0.2 * result)  # LeakyReLU(0.2)
    # F.normalize(p=2, dim=1)
    nrm = jnp.sqrt(jnp.sum(result * result, axis=1, keepdims=True))
    result = result / jnp.maximum(nrm, 1e-12)
    return result

if __name__ == "__main__":
    import jax
    _d = setup_inputs()
    print(jax.jit(kernel)(*tuple(_d.values())))

</pallas_src>

<mosaic_0001>
#map = affine_map<(d0, d1) -> (0)>
#map1 = affine_map<(d0, d1) -> (0, 0)>
#map2 = affine_map<(d0, d1) -> (0, 0, 0)>
module attributes {stable_mosaic.version = 14 : i64} {
  func.func @_sc_edges(%arg0: i32, %arg1: i32, %arg2: memref<320000xi32, #tpu.memory_space<hbm>>, %arg3: memref<320000xi32, #tpu.memory_space<hbm>>, %arg4: memref<10000x144xf32, #tpu.memory_space<hbm>>, %arg5: memref<2x10240x128xf32, #tpu.memory_space<hbm>>, %arg6: memref<2x10240x16xf32, #tpu.memory_space<hbm>>, %arg7: memref<10240x144xf32, #tpu.memory_space<vmem_shared>>, %arg8: memref<128xi32, #tpu.memory_space<vmem>>, %arg9: memref<128xi32, #tpu.memory_space<vmem>>, %arg10: memref<128xi32, #tpu.memory_space<vmem>>, %arg11: memref<128xi32, #tpu.memory_space<vmem>>, %arg12: memref<128xi32, #tpu.memory_space<vmem>>, %arg13: memref<128xi32, #tpu.memory_space<vmem>>, %arg14: memref<128xi32, #tpu.memory_space<vmem>>, %arg15: memref<128xi32, #tpu.memory_space<vmem>>, %arg16: memref<128x144xf32, #tpu.memory_space<vmem>>, %arg17: memref<128x144xf32, #tpu.memory_space<vmem>>, %arg18: memref<!tpu.dma_semaphore, #tpu.memory_space<semaphore_mem>>, %arg19: memref<!tpu.dma_semaphore, #tpu.memory_space<semaphore_mem>>, %arg20: memref<!tpu.dma_semaphore, #tpu.memory_space<semaphore_mem>>, %arg21: memref<!tpu.dma_semaphore, #tpu.memory_space<semaphore_mem>>, %arg22: memref<!tpu.dma_semaphore, #tpu.memory_space<semaphore_mem>>, %arg23: memref<!tpu.dma_semaphore, #tpu.memory_space<semaphore_mem>>, %arg24: memref<!tpu.dma_semaphore, #tpu.memory_space<semaphore_mem>>, %arg25: memref<!tpu.dma_semaphore, #tpu.memory_space<semaphore_mem>>) attributes {dimension_semantics = [#tpu.dimension_semantics<core_parallel>, #tpu.dimension_semantics<subcore_parallel>], iteration_bounds = array<i64: 2, 16>, scalar_prefetch = 0 : i64, scratch_operands = 19 : i64, tpu.core_type = #tpu.core_type<sc_vector_subcore>, window_params = [{transform_indices = #map}, {transform_indices = #map}, {transform_indices = #map1}, {transform_indices = #map2}, {transform_indices = #map2}]} {
    %mul3A = arith.constant 2 : i32
    %mul3A_0 = arith.muli %arg1, %mul3A : i32
    %add3A = arith.addi %mul3A_0, %arg0 : i32
    %lt3A = arith.constant 4 : i32
    %lt3A_1 = arith.cmpi slt, %add3A, %lt3A : i32
    %jit3A = arith.constant 1 : i32
    %jit3A_2 = arith.constant 0 : i32
    %select_n3A = arith.select %lt3A_1, %jit3A, %jit3A_2 : i32
    %add3A_3 = arith.constant 78 : i32
    %add3A_4 = arith.addi %add3A_3, %select_n3A : i32
    %scan3A = arith.constant 0 : i32
    %scan3A_5 = arith.constant 0 : i32
    %scan3A_6 = arith.constant 128 : i32
    %scan3A_7 = arith.addi %scan3A_5, %scan3A_6 : i32
    %scan3A_8 = arith.constant 1 : i32
    %scan3A_9 = scf.for %scan3A_219 = %scan3A_5 to %scan3A_7 step %scan3A_8 iter_args(%scan3A_220 = %scan3A) -> (i32)  : i32 {
      %broadcast_in_dim3A = arith.constant 0.000000e+00 : f32
      %broadcast_in_dim3A_221 = vector.broadcast %broadcast_in_dim3A : f32 to vector<16xf32>
      %swap3A = arith.index_cast %scan3A_219 : i32 to index
      %swap3A_222 = arith.constant 0 : index
      %swap3A_223 = tpu.vector_load %arg16[%swap3A, %swap3A_222] {strides = array<i32>} : memref<128x144xf32, #tpu.memory_space<vmem>>, vector<1x16xf32>,
      %swap3A_224 = vector.shape_cast %swap3A_223 : vector<1x16xf32> to vector<16xf32>
      %swap3A_225 = vector.shape_cast %broadcast_in_dim3A_221 : vector<16xf32> to vector<1x16xf32>
      tpu.vector_store %arg16[%swap3A, %swap3A_222], %swap3A_225 {strides = array<i32>} : memref<128x144xf32, #tpu.memory_space<vmem>>, vector<1x16xf32>,
      %broadcast_in_dim3A_226 = arith.constant 0.000000e+00 : f32
      %broadcast_in_dim3A_227 = vector.broadcast %broadcast_in_dim3A_226 : f32 to vector<16xf32>
      %swap3A_228 = arith.index_cast %scan3A_219 : i32 to index
      %swap3A_229 = arith.constant 16 : index
      %swap3A_230 = tpu.vector_load %arg16[%swap3A_228, %swap3A_229] {strides = array<i32>} : memref<128x144xf32, #tpu.memory_space<vmem>>, vector<1x16xf32>,
      %swap3A_231 = vector.shape_cast %swap3A_230 : vector<1x16xf32> to vector<16xf32>
      %swap3A_232 = vector.shape_cast %broadcast_in_dim3A_227 : vector<16xf32> to vector<1x16xf32>
      tpu.vector_store %arg16[%swap3A_228, %swap3A_229], %swap3A_232 {strides = array<i32>} : memref<128x144xf32, #tpu.memory_space<vmem>>, vector<1x16xf32>,
      %broadcast_in_dim3A_233 = arith.constant 0.000000e+00 : f32
      %broadcast_in_dim3A_234 = vector.broadcast %broadcast_in_dim3A_233 : f32 to vector<16xf32>
      %swap3A_235 = arith.index_cast %scan3A_219 : i32 to index
      %swap3A_236 = arith.constant 32 : index
      %swap3A_237 = tpu.vector_load %arg16[%swap3A_235, %swap3A_236] {strides = array<i32>} : memref<128x144xf32, #tpu.memory_space<vmem>>, vector<1x16xf32>,
      %swap3A_238 = vector.shape_cast %swap3A_237 : vector<1x16xf32> to vector<16xf32>
      %swap3A_239 = vector.shape_cast %broadcast_in_dim3A_234 : vector<16xf32> to vector<1x16xf32>
      tpu.vector_store %arg16[%swap3A_235, %swap3A_236], %swap3A_239 {strides = array<i32>} : memref<128x144xf32, #tpu.memory_space<vmem>>, vector<1x16xf32>,
      %broadcast_in_dim3A_240 = arith.constant 0.000000e+00 : f32
      %broadcast_in_dim3A_241 = vector.broadcast %broadcast_in_dim3A_240 : f32 to vector<16xf32>
      %swap3A_242 = arith.index_cast %scan3A_219 : i32 to index
      %swap3A_243 = arith.constant 48 : index
      %swap3A_244 = tpu.vector_load %arg16[%swap3A_242, %swap3A_243] {strides = array<i32>} : memref<128x144xf32, #tpu.memory_space<vmem>>, vector<1x16xf32>,
      %swap3A_245 = vector.shape_cast %swap3A_244 : vector<1x16xf32> to vector<16xf32>
      %swap3A_246 = vector.shape_cast %broadcast_in_dim3A_241 : vector<16xf32> to vector<1x16xf32>
      tpu.vector_store %arg16[%swap3A_242, %swap3A_243], %swap3A_246 {strides = array<i32>} : memref<128x144xf32, #tpu.memory_space<vmem>>, vector<1x16xf32>,
      %broadcast_in_dim3A_247 = arith.constant 0.000000e+00 : f32
      %broadcast_in_dim3A_248 = vector.broadcast %broadcast_in_dim3A_247 : f32 to vector<16xf32>
      %swap3A_249 = arith.index_cast %scan3A_219 : i32 to index
      %swap3A_250 = arith.constant 64 : index
      %swap3A_251 = tpu.vector_load %arg16[%swap3A_249, %swap3A_250] {strides = array<i32>} : memref<128x144xf32, #tpu.memory_space<vmem>>, vector<1x16xf32>,
      %swap3A_252 = vector.shape_cast %swap3A_251 : vector<1x16xf32> to vector<16xf32>
      %swap3A_253 = vector.shape_cast %broadcast_in_dim3A_248 : vector<16xf32> to vector<1x16xf32>
      tpu.vector_store %arg16[%swap3A_249, %swap3A_250], %swap3A_253 {strides = array<i32>} : memref<128x144xf32, #tpu.memory_space<vmem>>, vector<1x16xf32>,
      %broadcast_in_dim3A_254 = arith.constant 0.000000e+00 : f32
      %broadcast_in_dim3A_255 = vector.broadcast %broadcast_in_dim3A_254 : f32 to vector<16xf32>
      %swap3A_256 = arith.index_cast %scan3A_219 : i32 to index
      %swap3A_257 = arith.constant 80 : index
      %swap3A_258 = tpu.vector_load %arg16[%swap3A_256, %swap3A_257] {strides = array<i32>} : memref<128x144xf32, #tpu.memory_space<vmem>>, vector<1x16xf32>,
      %swap3A_259 = vector.shape_cast %swap3A_258 : vector<1x16xf32> to vector<16xf32>
      %swap3A_260 = vector.shape_cast %broadcast_in_dim3A_255 : vector<16xf32> to vector<1x16xf32>
      tpu.vector_store %arg16[%swap3A_256, %swap3A_257], %swap3A_260 {strides = array<i32>} : memref<128x144xf32, #tpu.memory_space<vmem>>, vector<1x16xf32>,
      %broadcast_in_dim3A_261 = arith.constant 0.000000e+00 : f32
      %broadcast_in_dim3A_262 = vector.broadcast %broadcast_in_dim3A_261 : f32 to vector<16xf32>
      %swap3A_263 = arith.index_cast %scan3A_219 : i32 to index
      %swap3A_264 = arith.constant 96 : index
      %swap3A_265 = tpu.vector_load %arg16[%swap3A_263, %swap3A_264] {strides = array<i32>} : memref<128x144xf32, #tpu.memory_space<vmem>>, vector<1x16xf32>,
      %swap3A_266 = vector.shape_cast %swap3A_265 : vector<1x16xf32> to vector<16xf32>
      %swap3A_267 = vector.shape_cast %broadcast_in_dim3A_262 : vector<16xf32> to vector<1x16xf32>
      tpu.vector_store %arg16[%swap3A_263, %swap3A_264], %swap3A_267 {strides = array<i32>} : memref<128x144xf32, #tpu.memory_space<vmem>>, vector<1x16xf32>,
      %broadcast_in_dim3A_268 = arith.constant 0.000000e+00 : f32
      %broadcast_in_dim3A_269 = vector.broadcast %broadcast_in_dim3A_268 : f32 to vector<16xf32>
      %swap3A_270 = arith.index_cast %scan3A_219 : i32 to index
      %swap3A_271 = arith.constant 112 : index
      %swap3A_272 = tpu.vector_load %arg16[%swap3A_270, %swap3A_271] {strides = array<i32>} : memref<128x144xf32, #tpu.memory_space<vmem>>, vector<1x16xf32>,
      %swap3A_273 = vector.shape_cast %swap3A_272 : vector<1x16xf32> to vector<16xf32>
      %swap3A_274 = vector.shape_cast %broadcast_in_dim3A_269 : vector<16xf32> to vector<1x16xf32>
      tpu.vector_store %arg16[%swap3A_270, %swap3A_271], %swap3A_274 {strides = array<i32>} : memref<128x144xf32, #tpu.memory_space<vmem>>, vector<1x16xf32>,
      %broadcast_in_dim3A_275 = arith.constant 0.000000e+00 : f32
      %broadcast_in_dim3A_276 = vector.broadcast %broadcast_in_dim3A_275 : f32 to vector<16xf32>
      %swap3A_277 = arith.index_cast %scan3A_219 : i32 to index
      %swap3A_278 = arith.constant 128 : index
      %swap3A_279 = tpu.vector_load %arg16[%swap3A_277, %swap3A_278] {strides = array<i32>} : memref<128x144xf32, #tpu.memory_space<vmem>>, vector<1x16xf32>,
      %swap3A_280 = vector.shape_cast %swap3A_279 : vector<1x16xf32> to vector<16xf32>
      %swap3A_281 = vector.shape_cast %broadcast_in_dim3A_276 : vector<16xf32> to vector<1x16xf32>
      tpu.vector_store %arg16[%swap3A_277, %swap3A_278], %swap3A_281 {strides = array<i32>} : memref<128x144xf32, #tpu.memory_space<vmem>>, vector<1x16xf32>,
      %scan3A_282 = arith.constant 0 : i32
      scf.yield %scan3A_282 : i32
    }
    %scan3A_10 = arith.constant 128 : i32
    %mul3A_11 = arith.constant 640 : i32
    %mul3A_12 = arith.muli %arg1, %mul3A_11 : i32
    %add3A_13 = arith.constant 0 : i32
    %add3A_14 = arith.addi %mul3A_12, %add3A_13 : i32
    %multiple_of3A = tpu.assume_multiple %add3A_14, 128 : i32
    "tpu.region"() ({
      %run_scoped3A = tpu.sem_alloc : memref<!tpu.dma_semaphore, #tpu.memory_space<semaphore_mem>>
      %dma_start3A_219 = arith.constant 0 : i32
      %dma_start3A_220 = tpu.memref_slice %arg7[%multiple_of3A, %dma_start3A_219] : memref<10240x144xf32, #tpu.memory_space<vmem_shared>> -> memref<128x144xf32, #tpu.memory_space<vmem_shared>>
      %dma_start3A_221 = arith.constant 0 : i32
      %dma_start3A_222 = tpu.memref_slice %arg7[%multiple_of3A, %dma_start3A_221] : memref<10240x144xf32, #tpu.memory_space<vmem_shared>> -> memref<128x144xf32, #tpu.memory_space<vmem_shared>>
      tpu.enqueue_dma source(%arg16 : memref<128x144xf32, #tpu.memory_space<vmem>>) target(%dma_start3A_222 : memref<128x144xf32, #tpu.memory_space<vmem_shared>>) target_semaphore(%run_scoped3A : memref<!tpu.dma_semaphore, #tpu.memory_space<semaphore_mem>>)
      %dma_wait3A_223 = arith.constant 0 : i32
      %dma_wait3A_224 = tpu.memref_slice %arg7[%multiple_of3A, %dma_wait3A_223] : memref<10240x144xf32, #tpu.memory_space<vmem_shared>> -> memref<128x144xf32, #tpu.memory_space<vmem_shared>>
      %dma_wait3A_225 = arith.constant 0 : i32
      %dma_wait3A_226 = tpu.memref_slice %arg7[%multiple_of3A, %dma_wait3A_225] : memref<10240x144xf32, #tpu.memory_space<vmem_shared>> -> memref<128x144xf32, #tpu.memory_space<vmem_shared>>
      tpu.wait_dma2 semaphore(%run_scoped3A : memref<!tpu.dma_semaphore, #tpu.memory_space<semaphore_mem>>) src(%arg16 : memref<128x144xf32, #tpu.memory_space<vmem>>) dst(%dma_wait3A_226 : memref<128x144xf32, #tpu.memory_space<vmem_shared>>)
      tpu.yield
    }) : () -> ()
    %mul3A_15 = arith.constant 640 : i32
    %mul3A_16 = arith.muli %arg1, %mul3A_15 : i32
    %add3A_17 = arith.constant 128 : i32
    %add3A_18 = arith.addi %mul3A_16, %add3A_17 : i32
    %multiple_of3A_19 = tpu.assume_multiple %add3A_18, 128 : i32
    "tpu.region"() ({
      %run_scoped3A = tpu.sem_alloc : memref<!tpu.dma_semaphore, #tpu.memory_space<semaphore_mem>>
      %dma_start3A_219 = arith.constant 0 : i32
      %dma_start3A_220 = tpu.memref_slice %arg7[%multiple_of3A_19, %dma_start3A_219] : memref<10240x144xf32, #tpu.memory_space<vmem_shared>> -> memref<128x144xf32, #tpu.memory_space<vmem_shared>>
      %dma_start3A_221 = arith.constant 0 : i32
      %dma_start3A_222 = tpu.memref_slice %arg7[%multiple_of3A_19, %dma_start3A_221] : memref<10240x144xf32, #tpu.memory_space<vmem_shared>> -> memref<128x144xf32, #tpu.memory_space<vmem_shared>>
      tpu.enqueue_dma source(%arg16 : memref<128x144xf32, #tpu.memory_space<vmem>>) target(%dma_start3A_222 : memref<128x144xf32, #tpu.memory_space<vmem_shared>>) target_semaphore(%run_scoped3A : memref<!tpu.dma_semaphore, #tpu.memory_space<semaphore_mem>>)
      %dma_wait3A_223 = arith.constant 0 : i32
      %dma_wait3A_224 = tpu.memref_slice %arg7[%multiple_of3A_19, %dma_wait3A_223] : memref<10240x144xf32, #tpu.memory_space<vmem_shared>> -> memref<128x144xf32, #tpu.memory_space<vmem_shared>>
      %dma_wait3A_225 = arith.constant 0 : i32
      %dma_wait3A_226 = tpu.memref_slice %arg7[%multiple_of3A_19, %dma_wait3A_225] : memref<10240x144xf32, #tpu.memory_space<vmem_shared>> -> memref<128x144xf32, #tpu.memory_space<vmem_shared>>
      tpu.wait_dma2 semaphore(%run_scoped3A : memref<!tpu.dma_semaphore, #tpu.memory_space<semaphore_mem>>) src(%arg16 : memref<128x144xf32, #tpu.memory_space<vmem>>) dst(%dma_wait3A_226 : memref<128x144xf32, #tpu.memory_space<vmem_shared>>)
      tpu.yield
    }) : () -> ()
    %mul3A_20 = arith.constant 640 : i32
    %mul3A_21 = arith.muli %arg1, %mul3A_20 : i32
    %add3A_22 = arith.constant 256 : i32
    %add3A_23 = arith.addi %mul3A_21, %add3A_22 : i32
    %multiple_of3A_24 = tpu.assume_multiple %add3A_23, 128 : i32
    "tpu.region"() ({
      %run_scoped3A = tpu.sem_alloc : memref<!tpu.dma_semaphore, #tpu.memory_space<semaphore_mem>>
      %dma_start3A_219 = arith.constant 0 : i32
      %dma_start3A_220 = tpu.memref_slice %arg7[%multiple_of3A_24, %dma_start3A_219] : memref<10240x144xf32, #tpu.memory_space<vmem_shared>> -> memref<128x144xf32, #tpu.memory_space<vmem_shared>>
      %dma_start3A_221 = arith.constant 0 : i32
      %dma_start3A_222 = tpu.memref_slice %arg7[%multiple_of3A_24, %dma_start3A_221] : memref<10240x144xf32, #tpu.memory_space<vmem_shared>> -> memref<128x144xf32, #tpu.memory_space<vmem_shared>>
      tpu.enqueue_dma source(%arg16 : memref<128x144xf32, #tpu.memory_space<vmem>>) target(%dma_start3A_222 : memref<128x144xf32, #tpu.memory_space<vmem_shared>>) target_semaphore(%run_scoped3A : memref<!tpu.dma_semaphore, #tpu.memory_space<semaphore_mem>>)
      %dma_wait3A_223 = arith.constant 0 : i32
      %dma_wait3A_224 = tpu.memref_slice %arg7[%multiple_of3A_24, %dma_wait3A_223] : memref<10240x144xf32, #tpu.memory_space<vmem_shared>> -> memref<128x144xf32, #tpu.memory_space<vmem_shared>>
      %dma_wait3A_225 = arith.constant 0 : i32
      %dma_wait3A_226 = tpu.memref_slice %arg7[%multiple_of3A_24, %dma_wait3A_225] : memref<10240x144xf32, #tpu.memory_space<vmem_shared>> -> memref<128x144xf32, #tpu.memory_space<vmem_shared>>
      tpu.wait_dma2 semaphore(%run_scoped3A : memref<!tpu.dma_semaphore, #tpu.memory_space<semaphore_mem>>) src(%arg16 : memref<128x144xf32, #tpu.memory_space<vmem>>) dst(%dma_wait3A_226 : memref<128x144xf32, #tpu.memory_space<vmem_shared>>)
      tpu.yield
    }) : () -> ()
    %mul3A_25 = arith.constant 640 : i32
    %mul3A_26 = arith.muli %arg1, %mul3A_25 : i32
    %add3A_27 = arith.constant 384 : i32
    %add3A_28 = arith.addi %mul3A_26, %add3A_27 : i32
    %multiple_of3A_29 = tpu.assume_multiple %add3A_28, 128 : i32
    "tpu.region"() ({
      %run_scoped3A = tpu.sem_alloc : memref<!tpu.dma_semaphore, #tpu.memory_space<semaphore_mem>>
      %dma_start3A_219 = arith.constant 0 : i32
      %dma_start3A_220 = tpu.memref_slice %arg7[%multiple_of3A_29, %dma_start3A_219] : memref<10240x144xf32, #tpu.memory_space<vmem_shared>> -> memref<128x144xf32, #tpu.memory_space<vmem_shared>>
      %dma_start3A_221 = arith.constant 0 : i32
      %dma_start3A_222 = tpu.memref_slice %arg7[%multiple_of3A_29, %dma_start3A_221] : memref<10240x144xf32, #tpu.memory_space<vmem_shared>> -> memref<128x144xf32, #tpu.memory_space<vmem_shared>>
      tpu.enqueue_dma source(%arg16 : memref<128x144xf32, #tpu.memory_space<vmem>>) target(%dma_start3A_222 : memref<128x144xf32, #tpu.memory_space<vmem_shared>>) target_semaphore(%run_scoped3A : memref<!tpu.dma_semaphore, #tpu.memory_space<semaphore_mem>>)
      %dma_wait3A_223 = arith.constant 0 : i32
      %dma_wait3A_224 = tpu.memref_slice %arg7[%multiple_of3A_29, %dma_wait3A_223] : memref<10240x144xf32, #tpu.memory_space<vmem_shared>> -> memref<128x144xf32, #tpu.memory_space<vmem_shared>>
      %dma_wait3A_225 = arith.constant 0 : i32
      %dma_wait3A_226 = tpu.memref_slice %arg7[%multiple_of3A_29, %dma_wait3A_225] : memref<10240x144xf32, #tpu.memory_space<vmem_shared>> -> memref<128x144xf32, #tpu.memory_space<vmem_shared>>
      tpu.wait_dma2 semaphore(%run_scoped3A : memref<!tpu.dma_semaphore, #tpu.memory_space<semaphore_mem>>) src(%arg16 : memref<128x144xf32, #tpu.memory_space<vmem>>) dst(%dma_wait3A_226 : memref<128x144xf32, #tpu.memory_space<vmem_shared>>)
      tpu.yield
    }) : () -> ()
    %mul3A_30 = arith.constant 640 : i32
    %mul3A_31 = arith.muli %arg1, %mul3A_30 : i32
    %add3A_32 = arith.constant 512 : i32
    %add3A_33 = arith.addi %mul3A_31, %add3A_32 : i32
    %multiple_of3A_34 = tpu.assume_multiple %add3A_33, 128 : i32
    "tpu.region"() ({
      %run_scoped3A = tpu.sem_alloc : memref<!tpu.dma_semaphore, #tpu.memory_space<semaphore_mem>>
      %dma_start3A_219 = arith.constant 0 : i32
      %dma_start3A_220 = tpu.memref_slice %arg7[%multiple_of3A_34, %dma_start3A_219] : memref<10240x144xf32, #tpu.memory_space<vmem_shared>> -> memref<128x144xf32, #tpu.memory_space<vmem_shared>>
      %dma_start3A_221 = arith.constant 0 : i32
      %dma_start3A_222 = tpu.memref_slice %arg7[%multiple_of3A_34, %dma_start3A_221] : memref<10240x144xf32, #tpu.memory_space<vmem_shared>> -> memref<128x144xf32, #tpu.memory_space<vmem_shared>>
      tpu.enqueue_dma source(%arg16 : memref<128x144xf32, #tpu.memory_space<vmem>>) target(%dma_start3A_222 : memref<128x144xf32, #tpu.memory_space<vmem_shared>>) target_semaphore(%run_scoped3A : memref<!tpu.dma_semaphore, #tpu.memory_space<semaphore_mem>>)
      %dma_wait3A_223 = arith.constant 0 : i32
      %dma_wait3A_224 = tpu.memref_slice %arg7[%multiple_of3A_34, %dma_wait3A_223] : memref<10240x144xf32, #tpu.memory_space<vmem_shared>> -> memref<128x144xf32, #tpu.memory_space<vmem_shared>>
      %dma_wait3A_225 = arith.constant 0 : i32
      %dma_wait3A_226 = tpu.memref_slice %arg7[%multiple_of3A_34, %dma_wait3A_225] : memref<10240x144xf32, #tpu.memory_space<vmem_shared>> -> memref<128x144xf32, #tpu.memory_space<vmem_shared>>
      tpu.wait_dma2 semaphore(%run_scoped3A : memref<!tpu.dma_semaphore, #tpu.memory_space<semaphore_mem>>) src(%arg16 : memref<128x144xf32, #tpu.memory_space<vmem>>) dst(%dma_wait3A_226 : memref<128x144xf32, #tpu.memory_space<vmem_shared>>)
      tpu.yield
    }) : () -> ()
    %barrier3A = arith.constant 0 : index
    tpu.barrier barrier_id(%barrier3A)
    %add3A_35 = arith.constant 0 : i32
    %add3A_36 = arith.addi %add3A, %add3A_35 : i32
    %mul3A_37 = arith.constant 128 : i32
    %mul3A_38 = arith.muli %add3A_36, %mul3A_37 : i32
    %multiple_of3A_39 = tpu.assume_multiple %mul3A_38, 8 : i32
    %dma_start3A = tpu.memref_slice %arg2[%multiple_of3A_39] : memref<320000xi32, #tpu.memory_space<hbm>> -> memref<128xi32, #tpu.memory_space<hbm>>
    %dma_start3A_40 = tpu.memref_slice %arg2[%multiple_of3A_39] : memref<320000xi32, #tpu.memory_space<hbm>> -> memref<128xi32, #tpu.memory_space<hbm>>
    tpu.enqueue_dma source(%dma_start3A_40 : memref<128xi32, #tpu.memory_space<hbm>>) target(%arg8 : memref<128xi32, #tpu.memory_space<vmem>>) target_semaphore(%arg18 : memref<!tpu.dma_semaphore, #tpu.memory_space<semaphore_mem>>)
    %dma_start3A_41 = tpu.memref_slice %arg3[%multiple_of3A_39] : memref<320000xi32, #tpu.memory_space<hbm>> -> memref<128xi32, #tpu.memory_space<hbm>>
    %dma_start3A_42 = tpu.memref_slice %arg3[%multiple_of3A_39] : memref<320000xi32, #tpu.memory_space<hbm>> -> memref<128xi32, #tpu.memory_space<hbm>>
    tpu.enqueue_dma source(%dma_start3A_42 : memref<128xi32, #tpu.memory_space<hbm>>) target(%arg9 : memref<128xi32, #tpu.memory_space<vmem>>) target_semaphore(%arg18 : memref<!tpu.dma_semaphore, #tpu.memory_space<semaphore_mem>>)
    %gt3A = arith.constant 1 : i32
    %gt3A_43 = arith.cmpi sgt, %add3A_4, %gt3A : i32
    %convert_element_type3A = arith.extui %gt3A_43 : i1 to i32
    %cond3A = arith.constant 0 : i32
    %cond3A_44 = arith.cmpi ne, %convert_element_type3A, %cond3A : i32
    scf.if %cond3A_44 {
      %add3A_219 = arith.constant 32 : i32
      %add3A_220 = arith.addi %add3A, %add3A_219 : i32
      %mul3A_221 = arith.constant 128 : i32
      %mul3A_222 = arith.muli %add3A_220, %mul3A_221 : i32
      %multiple_of3A_223 = tpu.assume_multiple %mul3A_222, 8 : i32
      %dma_start3A_224 = tpu.memref_slice %arg2[%multiple_of3A_223] : memref<320000xi32, #tpu.memory_space<hbm>> -> memref<128xi32, #tpu.memory_space<hbm>>
      %dma_start3A_225 = tpu.memref_slice %arg2[%multiple_of3A_223] : memref<320000xi32, #tpu.memory_space<hbm>> -> memref<128xi32, #tpu.memory_space<hbm>>
      tpu.enqueue_dma source(%dma_start3A_225 : memref<128xi32, #tpu.memory_space<hbm>>) target(%arg10 : memref<128xi32, #tpu.memory_space<vmem>>) target_semaphore(%arg19 : memref<!tpu.dma_semaphore, #tpu.memory_space<semaphore_mem>>)
      %dma_start3A_226 = tpu.memref_slice %arg3[%multiple_of3A_223] : memref<320000xi32, #tpu.memory_space<hbm>> -> memref<128xi32, #tpu.memory_space<hbm>>
      %dma_start3A_227 = tpu.memref_slice %arg3[%multiple_of3A_223] : memref<320000xi32, #tpu.memory_space<hbm>> -> memref<128xi32, #tpu.memory_space<hbm>>
      tpu.enqueue_dma source(%dma_start3A_227 : memref<128xi32, #tpu.memory_space<hbm>>) target(%arg11 : memref<128xi32, #tpu.memory_space<vmem>>) target_semaphore(%arg19 : memref<!tpu.dma_semaphore, #tpu.memory_space<semaphore_mem>>)
    } else {
    }
    %gt3A_45 = arith.constant 2 : i32
    %gt3A_46 = arith.cmpi sgt, %add3A_4, %gt3A_45 : i32
    %convert_element_type3A_47 = arith.extui %gt3A_46 : i1 to i32
    %cond3A_48 = arith.constant 0 : i32
    %cond3A_49 = arith.cmpi ne, %convert_element_type3A_47, %cond3A_48 : i32
    scf.if %cond3A_49 {
      %add3A_219 = arith.constant 64 : i32
      %add3A_220 = arith.addi %add3A, %add3A_219 : i32
      %mul3A_221 = arith.constant 128 : i32
      %mul3A_222 = arith.muli %add3A_220, %mul3A_221 : i32
      %multiple_of3A_223 = tpu.assume_multiple %mul3A_222, 8 : i32
      %dma_start3A_224 = tpu.memref_slice %arg2[%multiple_of3A_223] : memref<320000xi32, #tpu.memory_space<hbm>> -> memref<128xi32, #tpu.memory_space<hbm>>
      %dma_start3A_225 = tpu.memref_slice %arg2[%multiple_of3A_223] : memref<320000xi32, #tpu.memory_space<hbm>> -> memref<128xi32, #tpu.memory_space<hbm>>
      tpu.enqueue_dma source(%dma_start3A_225 : memref<128xi32, #tpu.memory_space<hbm>>) target(%arg12 : memref<128xi32, #tpu.memory_space<vmem>>) target_semaphore(%arg20 : memref<!tpu.dma_semaphore, #tpu.memory_space<semaphore_mem>>)
      %dma_start3A_226 = tpu.memref_slice %arg3[%multiple_of3A_223] : memref<320000xi32, #tpu.memory_space<hbm>> -> memref<128xi32, #tpu.memory_space<hbm>>
      %dma_start3A_227 = tpu.memref_slice %arg3[%multiple_of3A_223] : memref<320000xi32, #tpu.memory_space<hbm>> -> memref<128xi32, #tpu.memory_space<hbm>>
      tpu.enqueue_dma source(%dma_start3A_227 : memref<128xi32, #tpu.memory_space<hbm>>) target(%arg13 : memref<128xi32, #tpu.memory_space<vmem>>) target_semaphore(%arg20 : memref<!tpu.dma_semaphore, #tpu.memory_space<semaphore_mem>>)
    } else {
    }
    %dma_wait3A = arith.constant 0 : i32
    %dma_wait3A_50 = tpu.memref_slice %arg2[%dma_wait3A] : memref<320000xi32, #tpu.memory_space<hbm>> -> memref<128xi32, #tpu.memory_space<hbm>>
    %dma_wait3A_51 = arith.constant 0 : i32
    %dma_wait3A_52 = tpu.memref_slice %arg2[%dma_wait3A_51] : memref<320000xi32, #tpu.memory_space<hbm>> -> memref<128xi32, #tpu.memory_space<hbm>>
    tpu.wait_dma2 semaphore(%arg18 : memref<!tpu.dma_semaphore, #tpu.memory_space<semaphore_mem>>) src(%dma_wait3A_52 : memref<128xi32, #tpu.memory_space<hbm>>) dst(%arg8 : memref<128xi32, #tpu.memory_space<vmem>>)
    %dma_wait3A_53 = arith.constant 0 : i32
    %dma_wait3A_54 = tpu.memref_slice %arg3[%dma_wait3A_53] : memref<320000xi32, #tpu.memory_space<hbm>> -> memref<128xi32, #tpu.memory_space<hbm>>
    %dma_wait3A_55 = arith.constant 0 : i32
    %dma_wait3A_56 = tpu.memref_slice %arg3[%dma_wait3A_55] : memref<320000xi32, #tpu.memory_space<hbm>> -> memref<128xi32, #tpu.memory_space<hbm>>
    tpu.wait_dma2 semaphore(%arg18 : memref<!tpu.dma_semaphore, #tpu.memory_space<semaphore_mem>>) src(%dma_wait3A_56 : memref<128xi32, #tpu.memory_space<hbm>>) dst(%arg9 : memref<128xi32, #tpu.memory_space<vmem>>)
    %dma_start3A_57 = arith.constant 0 : i32
    %dma_start3A_58 = arith.constant 0 : i32
    %dma_start3A_59 = tpu.memref_slice %arg4[%dma_start3A_57, %dma_start3A_58] : memref<10000x144xf32, #tpu.memory_space<hbm>> -> memref<10000x144xf32, #tpu.memory_space<hbm>>
    tpu.enqueue_indirect_dma source(%dma_start3A_59 : memref<10000x144xf32, #tpu.memory_space<hbm>>) target(%arg16 : memref<128x144xf32, #tpu.memory_space<vmem>>) offsets(%arg8 : memref<128xi32, #tpu.memory_space<vmem>>) semaphore(%arg22 : memref<!tpu.dma_semaphore, #tpu.memory_space<semaphore_mem>>)
    %while3A = arith.constant 0 : i32
    %while3A_60 = arith.constant 0 : i32
    %while3A_61 = arith.subi %add3A_4, %while3A : i32
    %while3A_62 = arith.addi %while3A, %while3A_61 : i32
    %while3A_63 = arith.constant 1 : i32
    %while3A_64 = arith.divsi %while3A_61, %while3A_63 : i32
    %while3A_65 = arith.muli %while3A_64, %while3A_63 : i32
    %while3A_66 = arith.addi %while3A, %while3A_65 : i32
    %while3A_67 = arith.constant 1 : i32
    %while3A_68 = scf.for %while3A_219 = %while3A to %while3A_66 step %while3A_67 iter_args(%while3A_220 = %while3A_60) -> (i32)  : i32 {
      %jit3A_221 = arith.constant 4 : i32
      %eq3A_222 = arith.constant 0 : i32
      %eq3A_223 = arith.cmpi eq, %jit3A_221, %eq3A_222 : i32
      %jit3A_224 = arith.constant 1 : i32
      %select_n3A_225 = arith.select %eq3A_223, %jit3A_224, %jit3A_221 : i32
      %rem3A_226 = arith.remsi %while3A_219, %select_n3A_225 : i32
      %ne3A_227 = arith.constant 0 : i32
      %ne3A_228 = arith.cmpi ne, %rem3A_226, %ne3A_227 : i32
      %lt3A_229 = arith.constant 0 : i32
      %lt3A_230 = arith.cmpi slt, %rem3A_226, %lt3A_229 : i32
      %lt3A_231 = arith.constant 0 : i32
      %lt3A_232 = arith.cmpi slt, %select_n3A_225, %lt3A_231 : i32
      %ne3A_233 = arith.xori %lt3A_230, %lt3A_232 : i1
      %and3A_234 = arith.andi %ne3A_233, %ne3A_228 : i1
      %add3A_235 = arith.addi %rem3A_226, %select_n3A_225 : i32
      %select_n3A_236 = arith.select %and3A_234, %add3A_235, %rem3A_226 : i32
      %eq3A_237 = arith.constant 0 : i32
      %eq3A_238 = arith.cmpi eq, %select_n3A_236, %eq3A_237 : i32
      %convert_element_type3A_239 = arith.extui %eq3A_238 : i1 to i32
      %cond3A_240 = arith.constant 0 : i32
      %cond3A_241 = arith.cmpi ne, %convert_element_type3A_239, %cond3A_240 : i32
      scf.if %cond3A_241 {
        %dma_wait3A_306 = arith.constant 0 : i32
        %dma_wait3A_307 = arith.constant 0 : i32
        %dma_wait3A_308 = tpu.memref_slice %arg4[%dma_wait3A_306, %dma_wait3A_307] : memref<10000x144xf32, #tpu.memory_space<hbm>> -> memref<10000x144xf32, #tpu.memory_space<hbm>>
        tpu.wait_indirect_dma semaphore(%arg22 : memref<!tpu.dma_semaphore, #tpu.memory_space<semaphore_mem>>) src(%dma_wait3A_308 : memref<10000x144xf32, #tpu.memory_space<hbm>>) dst(%arg16 : memref<128x144xf32, #tpu.memory_space<vmem>>)
        %ge3A = arith.constant 1 : i32
        %ge3A_309 = arith.cmpi sge, %while3A_219, %ge3A : i32
        %convert_element_type3A_310 = arith.extui %ge3A_309 : i1 to i32
        %cond3A_311 = arith.constant 0 : i32
        %cond3A_312 = arith.cmpi ne, %convert_element_type3A_310, %cond3A_311 : i32
        scf.if %cond3A_312 {
          %dma_wait3A_322 = arith.constant 0 : i32
          %dma_wait3A_323 = arith.constant 0 : i32
          %dma_wait3A_324 = tpu.memref_slice %arg7[%dma_wait3A_322, %dma_wait3A_323] : memref<10240x144xf32, #tpu.memory_space<vmem_shared>> -> memref<10240x144xf32, #tpu.memory_space<vmem_shared>>
          tpu.wait_indirect_dma semaphore(%arg25 : memref<!tpu.dma_semaphore, #tpu.memory_space<semaphore_mem>>) src(%arg17 : memref<128x144xf32, #tpu.memory_space<vmem>>) dst(%dma_wait3A_324 : memref<10240x144xf32, #tpu.memory_space<vmem_shared>>)
        } else {
        }
        %dma_start3A_313 = arith.constant 0 : i32
        %dma_start3A_314 = arith.constant 0 : i32
        %dma_start3A_315 = tpu.memref_slice %arg7[%dma_start3A_313, %dma_start3A_314] : memref<10240x144xf32, #tpu.memory_space<vmem_shared>> -> memref<10240x144xf32, #tpu.memory_space<vmem_shared>>
        tpu.enqueue_indirect_dma source(%arg16 : memref<128x144xf32, #tpu.memory_space<vmem>>) target(%dma_start3A_315 : memref<10240x144xf32, #tpu.memory_space<vmem_shared>>) offsets(%arg9 : memref<128xi32, #tpu.memory_space<vmem>>) semaphore(%arg24 : memref<!tpu.dma_semaphore, #tpu.memory_space<semaphore_mem>>) {add = true}
        %add3A_316 = arith.constant 1 : i32
        %add3A_317 = arith.addi %while3A_219, %add3A_316 : i32
        %lt3A_318 = arith.cmpi slt, %add3A_317, %add3A_4 : i32
        %convert_element_type3A_319 = arith.extui %lt3A_318 : i1 to i32
        %cond3A_320 = arith.constant 0 : i32
        %cond3A_321 = arith.cmpi ne, %convert_element_type3A_319, %cond3A_320 : i32
        scf.if %cond3A_321 {
          %dma_wait3A_322 = arith.constant 0 : i32
          %dma_wait3A_323 = tpu.memref_slice %arg2[%dma_wait3A_322] : memref<320000xi32, #tpu.memory_space<hbm>> -> memref<128xi32, #tpu.memory_space<hbm>>
          %dma_wait3A_324 = arith.constant 0 : i32
          %dma_wait3A_325 = tpu.memref_slice %arg2[%dma_wait3A_324] : memref<320000xi32, #tpu.memory_space<hbm>> -> memref<128xi32, #tpu.memory_space<hbm>>
          tpu.wait_dma2 semaphore(%arg19 : memref<!tpu.dma_semaphore, #tpu.memory_space<semaphore_mem>>) src(%dma_wait3A_325 : memref<128xi32, #tpu.memory_space<hbm>>) dst(%arg10 : memref<128xi32, #tpu.memory_space<vmem>>)
          %dma_wait3A_326 = arith.constant 0 : i32
          %dma_wait3A_327 = tpu.memref_slice %arg3[%dma_wait3A_326] : memref<320000xi32, #tpu.memory_space<hbm>> -> memref<128xi32, #tpu.memory_space<hbm>>
          %dma_wait3A_328 = arith.constant 0 : i32
          %dma_wait3A_329 = tpu.memref_slice %arg3[%dma_wait3A_328] : memref<320000xi32, #tpu.memory_space<hbm>> -> memref<128xi32, #tpu.memory_space<hbm>>
          tpu.wait_dma2 semaphore(%arg19 : memref<!tpu.dma_semaphore, #tpu.memory_space<semaphore_mem>>) src(%dma_wait3A_329 : memref<128xi32, #tpu.memory_space<hbm>>) dst(%arg11 : memref<128xi32, #tpu.memory_space<vmem>>)
          %dma_start3A_330 = arith.constant 0 : i32
          %dma_start3A_331 = arith.constant 0 : i32
          %dma_start3A_332 = tpu.memref_slice %arg4[%dma_start3A_330, %dma_start3A_331] : memref<10000x144xf32, #tpu.memory_space<hbm>> -> memref<10000x144xf32, #tpu.memory_space<hbm>>
          tpu.enqueue_indirect_dma source(%dma_start3A_332 : memref<10000x144xf32, #tpu.memory_space<hbm>>) target(%arg17 : memref<128x144xf32, #tpu.memory_space<vmem>>) offsets(%arg10 : memref<128xi32, #tpu.memory_space<vmem>>) semaphore(%arg23 : memref<!tpu.dma_semaphore, #tpu.memory_space<semaphore_mem>>)
          %add3A_333 = arith.constant 3 : i32
          %add3A_334 = arith.addi %while3A_219, %add3A_333 : i32
          %lt3A_335 = arith.cmpi slt, %add3A_334, %add3A_4 : i32
          %convert_element_type3A_336 = arith.extui %lt3A_335 : i1 to i32
          %cond3A_337 = arith.constant 0 : i32
          %cond3A_338 = arith.cmpi ne, %convert_element_type3A_336, %cond3A_337 : i32
          scf.if %cond3A_338 {
            %add3A_339 = arith.constant 3 : i32
            %add3A_340 = arith.addi %while3A_219, %add3A_339 : i32
            %mul3A_341 = arith.constant 32 : i32
            %mul3A_342 = arith.muli %mul3A_341, %add3A_340 : i32
            %add3A_343 = arith.addi %add3A, %mul3A_342 : i32
            %mul3A_344 = arith.constant 128 : i32
            %mul3A_345 = arith.muli %add3A_343, %mul3A_344 : i32
            %multiple_of3A_346 = tpu.assume_multiple %mul3A_345, 8 : i32
            %dma_start3A_347 = tpu.memref_slice %arg2[%multiple_of3A_346] : memref<320000xi32, #tpu.memory_space<hbm>> -> memref<128xi32, #tpu.memory_space<hbm>>
            %dma_start3A_348 = tpu.memref_slice %arg2[%multiple_of3A_346] : memref<320000xi32, #tpu.memory_space<hbm>> -> memref<128xi32, #tpu.memory_space<hbm>>
            tpu.enqueue_dma source(%dma_start3A_348 : memref<128xi32, #tpu.memory_space<hbm>>) target(%arg14 : memref<128xi32, #tpu.memory_space<vmem>>) target_semaphore(%arg21 : memref<!tpu.dma_semaphore, #tpu.memory_space<semaphore_mem>>)
            %dma_start3A_349 = tpu.memref_slice %arg3[%multiple_of3A_346] : memref<320000xi32, #tpu.memory_space<hbm>> -> memref<128xi32, #tpu.memory_space<hbm>>
            %dma_start3A_350 = tpu.memref_slice %arg3[%multiple_of3A_346] : memref<320000xi32, #tpu.memory_space<hbm>> -> memref<128xi32, #tpu.memory_space<hbm>>
            tpu.enqueue_dma source(%dma_start3A_350 : memref<128xi32, #tpu.memory_space<hbm>>) target(%arg15 : memref<128xi32, #tpu.memory_space<vmem>>) target_semaphore(%arg21 : memref<!tpu.dma_semaphore, #tpu.memory_space<semaphore_mem>>)
          } else {
          }
        } else {
        }
      } else {
      }
      %jit3A_242 = arith.constant 4 : i32
      %eq3A_243 = arith.constant 0 : i32
      %eq3A_244 = arith.cmpi eq, %jit3A_242, %eq3A_243 : i32
      %jit3A_245 = arith.constant 1 : i32
      %select_n3A_246 = arith.select %eq3A_244, %jit3A_245, %jit3A_242 : i32
      %rem3A_247 = arith.remsi %while3A_219, %select_n3A_246 : i32
      %ne3A_248 = arith.constant 0 : i32
      %ne3A_249 = arith.cmpi ne, %rem3A_247, %ne3A_248 : i32
      %lt3A_250 = arith.constant 0 : i32
      %lt3A_251 = arith.cmpi slt, %rem3A_247, %lt3A_250 : i32
      %lt3A_252 = arith.constant 0 : i32
      %lt3A_253 = arith.cmpi slt, %select_n3A_246, %lt3A_252 : i32
      %ne3A_254 = arith.xori %lt3A_251, %lt3A_253 : i1
      %and3A_255 = arith.andi %ne3A_254, %ne3A_249 : i1
      %add3A_256 = arith.addi %rem3A_247, %select_n3A_246 : i32
      %select_n3A_257 = arith.select %and3A_255, %add3A_256, %rem3A_247 : i32
      %eq3A_258 = arith.constant 1 : i32
      %eq3A_259 = arith.cmpi eq, %select_n3A_257, %eq3A_258 : i32
      %convert_element_type3A_260 = arith.extui %eq3A_259 : i1 to i32
      %cond3A_261 = arith.constant 0 : i32
      %cond3A_262 = arith.cmpi ne, %convert_element_type3A_260, %cond3A_261 : i32
      scf.if %cond3A_262 {
        %dma_wait3A_306 = arith.constant 0 : i32
        %dma_wait3A_307 = arith.constant 0 : i32
        %dma_wait3A_308 = tpu.memref_slice %arg4[%dma_wait3A_306, %dma_wait3A_307] : memref<10000x144xf32, #tpu.memory_space<hbm>> -> memref<10000x144xf32, #tpu.memory_space<hbm>>
        tpu.wait_indirect_dma semaphore(%arg23 : memref<!tpu.dma_semaphore, #tpu.memory_space<semaphore_mem>>) src(%dma_wait3A_308 : memref<10000x144xf32, #tpu.memory_space<hbm>>) dst(%arg17 : memref<128x144xf32, #tpu.memory_space<vmem>>)
        %ge3A = arith.constant 1 : i32
        %ge3A_309 = arith.cmpi sge, %while3A_219, %ge3A : i32
        %convert_element_type3A_310 = arith.extui %ge3A_309 : i1 to i32
        %cond3A_311 = arith.constant 0 : i32
        %cond3A_312 = arith.cmpi ne, %convert_element_type3A_310, %cond3A_311 : i32
        scf.if %cond3A_312 {
          %dma_wait3A_322 = arith.constant 0 : i32
          %dma_wait3A_323 = arith.constant 0 : i32
          %dma_wait3A_324 = tpu.memref_slice %arg7[%dma_wait3A_322, %dma_wait3A_323] : memref<10240x144xf32, #tpu.memory_space<vmem_shared>> -> memref<10240x144xf32, #tpu.memory_space<vmem_shared>>
          tpu.wait_indirect_dma semaphore(%arg24 : memref<!tpu.dma_semaphore, #tpu.memory_space<semaphore_mem>>) src(%arg16 : memref<128x144xf32, #tpu.memory_space<vmem>>) dst(%dma_wait3A_324 : memref<10240x144xf32, #tpu.memory_space<vmem_shared>>)
        } else {
        }
        %dma_start3A_313 = arith.constant 0 : i32
        %dma_start3A_314 = arith.constant 0 : i32
        %dma_start3A_315 = tpu.memref_slice %arg7[%dma_start3A_313, %dma_start3A_314] : memref<10240x144xf32, #tpu.memory_space<vmem_shared>> -> memref<10240x144xf32, #tpu.memory_space<vmem_shared>>
        tpu.enqueue_indirect_dma source(%arg17 : memref<128x144xf32, #tpu.memory_space<vmem>>) target(%dma_start3A_315 : memref<10240x144xf32, #tpu.memory_space<vmem_shared>>) offsets(%arg11 : memref<128xi32, #tpu.memory_space<vmem>>) semaphore(%arg25 : memref<!tpu.dma_semaphore, #tpu.memory_space<semaphore_mem>>) {add = true}
        %add3A_316 = arith.constant 1 : i32
        %add3A_317 = arith.addi %while3A_219, %add3A_316 : i32
        %lt3A_318 = arith.cmpi slt, %add3A_317, %add3A_4 : i32
        %convert_element_type3A_319 = arith.extui %lt3A_318 : i1 to i32
        %cond3A_320 = arith.constant 0 : i32
        %cond3A_321 = arith.cmpi ne, %convert_element_type3A_319, %cond3A_320 : i32
        scf.if %cond3A_321 {
          %dma_wait3A_322 = arith.constant 0 : i32
          %dma_wait3A_323 = tpu.memref_slice %arg2[%dma_wait3A_322] : memref<320000xi32, #tpu.memory_space<hbm>> -> memref<128xi32, #tpu.memory_space<hbm>>
          %dma_wait3A_324 = arith.constant 0 : i32
          %dma_wait3A_325 = tpu.memref_slice %arg2[%dma_wait3A_324] : memref<320000xi32, #tpu.memory_space<hbm>> -> memref<128xi32, #tpu.memory_space<hbm>>
          tpu.wait_dma2 semaphore(%arg20 : memref<!tpu.dma_semaphore, #tpu.memory_space<semaphore_mem>>) src(%dma_wait3A_325 : memref<128xi32, #tpu.memory_space<hbm>>) dst(%arg12 : memref<128xi32, #tpu.memory_space<vmem>>)
          %dma_wait3A_326 = arith.constant 0 : i32
          %dma_wait3A_327 = tpu.memref_slice %arg3[%dma_wait3A_326] : memref<320000xi32, #tpu.memory_space<hbm>> -> memref<128xi32, #tpu.memory_space<hbm>>
          %dma_wait3A_328 = arith.constant 0 : i32
          %dma_wait3A_329 = tpu.memref_slice %arg3[%dma_wait3A_328] : memref<320000xi32, #tpu.memory_space<hbm>> -> memref<128xi32, #tpu.memory_space<hbm>>
          tpu.wait_dma2 semaphore(%arg20 : memref<!tpu.dma_semaphore, #tpu.memory_space<semaphore_mem>>) src(%dma_wait3A_329 : memref<128xi32, #tpu.memory_space<hbm>>) dst(%arg13 : memref<128xi32, #tpu.memory_space<vmem>>)
          %dma_start3A_330 = arith.constant 0 : i32
          %dma_start3A_331 = arith.constant 0 : i32
          %dma_start3A_332 = tpu.memref_slice %arg4[%dma_start3A_330, %dma_start3A_331] : memref<10000x144xf32, #tpu.memory_space<hbm>> -> memref<10000x144xf32, #tpu.memory_space<hbm>>
          tpu.enqueue_indirect_dma source(%dma_start3A_332 : memref<10000x144xf32, #tpu.memory_space<hbm>>) target(%arg16 : memref<128x144xf32, #tpu.memory_space<vmem>>) offsets(%arg12 : memref<128xi32, #tpu.memory_space<vmem>>) semaphore(%arg22 : memref<!tpu.dma_semaphore, #tpu.memory_space<semaphore_mem>>)
          %add3A_333 = arith.constant 3 : i32
          %add3A_334 = arith.addi %while3A_219, %add3A_333 : i32
          %lt3A_335 = arith.cmpi slt, %add3A_334, %add3A_4 : i32
          %convert_element_type3A_336 = arith.extui %lt3A_335 : i1 to i32
          %cond3A_337 = arith.constant 0 : i32
          %cond3A_338 = arith.cmpi ne, %convert_element_type3A_336, %cond3A_337 : i32
          scf.if %cond3A_338 {
            %add3A_339 = arith.constant 3 : i32
            %add3A_340 = arith.addi %while3A_219, %add3A_339 : i32
            %mul3A_341 = arith.constant 32 : i32
            %mul3A_342 = arith.muli %mul3A_341, %add3A_340 : i32
            %add3A_343 = arith.addi %add3A, %mul3A_342 : i32
            %mul3A_344 = arith.constant 128 : i32
            %mul3A_345 = arith.muli %add3A_343, %mul3A_344 : i32
            %multiple_of3A_346 = tpu.assume_multiple %mul3A_345, 8 : i32
            %dma_start3A_347 = tpu.memref_slice %arg2[%multiple_of3A_346] : memref<320000xi32, #tpu.memory_space<hbm>> -> memref<128xi32, #tpu.memory_space<hbm>>
            %dma_start3A_348 = tpu.memref_slice %arg2[%multiple_of3A_346] : memref<320000xi32, #tpu.memory_space<hbm>> -> memref<128xi32, #tpu.memory_space<hbm>>
            tpu.enqueue_dma source(%dma_start3A_348 : memref<128xi32, #tpu.memory_space<hbm>>) target(%arg8 : memref<128xi32, #tpu.memory_space<vmem>>) target_semaphore(%arg18 : memref<!tpu.dma_semaphore, #tpu.memory_space<semaphore_mem>>)
            %dma_start3A_349 = tpu.memref_slice %arg3[%multiple_of3A_346] : memref<320000xi32, #tpu.memory_space<hbm>> -> memref<128xi32, #tpu.memory_space<hbm>>
            %dma_start3A_350 = tpu.memref_slice %arg3[%multiple_of3A_346] : memref<320000xi32, #tpu.memory_space<hbm>> -> memref<128xi32, #tpu.memory_space<hbm>>
            tpu.enqueue_dma source(%dma_start3A_350 : memref<128xi32, #tpu.memory_space<hbm>>) target(%arg9 : memref<128xi32, #tpu.memory_space<vmem>>) target_semaphore(%arg18 : memref<!tpu.dma_semaphore, #tpu.memory_space<semaphore_mem>>)
          } else {
          }
        } else {
        }
      } else {
      }
      %jit3A_263 = arith.constant 4 : i32
      %eq3A_264 = arith.constant 0 : i32
      %eq3A_265 = arith.cmpi eq, %jit3A_263, %eq3A_264 : i32
      %jit3A_266 = arith.constant 1 : i32
      %select_n3A_267 = arith.select %eq3A_265, %jit3A_266, %jit3A_263 : i32
      %rem3A_268 = arith.remsi %while3A_219, %select_n3A_267 : i32
      %ne3A_269 = arith.constant 0 : i32
      %ne3A_270 = arith.cmpi ne, %rem3A_268, %ne3A_269 : i32
      %lt3A_271 = arith.constant 0 : i32
      %lt3A_272 = arith.cmpi slt, %rem3A_268, %lt3A_271 : i32
      %lt3A_273 = arith.constant 0 : i32
      %lt3A_274 = arith.cmpi slt, %select_n3A_267, %lt3A_273 : i32
      %ne3A_275 = arith.xori %lt3A_272, %lt3A_274 : i1
      %and3A_276 = arith.andi %ne3A_275, %ne3A_270 : i1
      %add3A_277 = arith.addi %rem3A_268, %select_n3A_267 : i32
      %select_n3A_278 = arith.select %and3A_276, %add3A_277, %rem3A_268 : i32
      %eq3A_279 = arith.constant 2 : i32
      %eq3A_280 = arith.cmpi eq, %select_n3A_278, %eq3A_279 : i32
      %convert_element_type3A_281 = arith.extui %eq3A_280 : i1 to i32
      %cond3A_282 = arith.constant 0 : i32
      %cond3A_283 = arith.cmpi ne, %convert_element_type3A_281, %cond3A_282 : i32
      scf.if %cond3A_283 {
        %dma_wait3A_306 = arith.constant 0 : i32
        %dma_wait3A_307 = arith.constant 0 : i32
        %dma_wait3A_308 = tpu.memref_slice %arg4[%dma_wait3A_306, %dma_wait3A_307] : memref<10000x144xf32, #tpu.memory_space<hbm>> -> memref<10000x144xf32, #tpu.memory_space<hbm>>
        tpu.wait_indirect_dma semaphore(%arg22 : memref<!tpu.dma_semaphore, #tpu.memory_space<semaphore_mem>>) src(%dma_wait3A_308 : memref<10000x144xf32, #tpu.memory_space<hbm>>) dst(%arg16 : memref<128x144xf32, #tpu.memory_space<vmem>>)
        %ge3A = arith.constant 1 : i32
        %ge3A_309 = arith.cmpi sge, %while3A_219, %ge3A : i32
        %convert_element_type3A_310 = arith.extui %ge3A_309 : i1 to i32
        %cond3A_311 = arith.constant 0 : i32
        %cond3A_312 = arith.cmpi ne, %convert_element_type3A_310, %cond3A_311 : i32
        scf.if %cond3A_312 {
          %dma_wait3A_322 = arith.constant 0 : i32
          %dma_wait3A_323 = arith.constant 0 : i32
          %dma_wait3A_324 = tpu.memref_slice %arg7[%dma_wait3A_322, %dma_wait3A_323] : memref<10240x144xf32, #tpu.memory_space<vmem_shared>> -> memref<10240x144xf32, #tpu.memory_space<vmem_shared>>
          tpu.wait_indirect_dma semaphore(%arg25 : memref<!tpu.dma_semaphore, #tpu.memory_space<semaphore_mem>>) src(%arg17 : memref<128x144xf32, #tpu.memory_space<vmem>>) dst(%dma_wait3A_324 : memref<10240x144xf32, #tpu.memory_space<vmem_shared>>)
        } else {
        }
        %dma_start3A_313 = arith.constant 0 : i32
        %dma_start3A_314 = arith.constant 0 : i32
        %dma_start3A_315 = tpu.memref_slice %arg7[%dma_start3A_313, %dma_start3A_314] : memref<10240x144xf32, #tpu.memory_space<vmem_shared>> -> memref<10240x144xf32, #tpu.memory_space<vmem_shared>>
        tpu.enqueue_indirect_dma source(%arg16 : memref<128x144xf32, #tpu.memory_space<vmem>>) target(%dma_start3A_315 : memref<10240x144xf32, #tpu.memory_space<vmem_shared>>) offsets(%arg13 : memref<128xi32, #tpu.memory_space<vmem>>) semaphore(%arg24 : memref<!tpu.dma_semaphore, #tpu.memory_space<semaphore_mem>>) {add = true}
        %add3A_316 = arith.constant 1 : i32
        %add3A_317 = arith.addi %while3A_219, %add3A_316 : i32
        %lt3A_318 = arith.cmpi slt, %add3A_317, %add3A_4 : i32
        %convert_element_type3A_319 = arith.extui %lt3A_318 : i1 to i32
        %cond3A_320 = arith.constant 0 : i32
        %cond3A_321 = arith.cmpi ne, %convert_element_type3A_319, %cond3A_320 : i32
        scf.if %cond3A_321 {
          %dma_wait3A_322 = arith.constant 0 : i32
          %dma_wait3A_323 = tpu.memref_slice %arg2[%dma_wait3A_322] : memref<320000xi32, #tpu.memory_space<hbm>> -> memref<128xi32, #tpu.memory_space<hbm>>
          %dma_wait3A_324 = arith.constant 0 : i32
          %dma_wait3A_325 = tpu.memref_slice %arg2[%dma_wait3A_324] : memref<320000xi32, #tpu.memory_space<hbm>> -> memref<128xi32, #tpu.memory_space<hbm>>
          tpu.wait_dma2 semaphore(%arg21 : memref<!tpu.dma_semaphore, #tpu.memory_space<semaphore_mem>>) src(%dma_wait3A_325 : memref<128xi32, #tpu.memory_space<hbm>>) dst(%arg14 : memref<128xi32, #tpu.memory_space<vmem>>)
          %dma_wait3A_326 = arith.constant 0 : i32
          %dma_wait3A_327 = tpu.memref_slice %arg3[%dma_wait3A_326] : memref<320000xi32, #tpu.memory_space<hbm>> -> memref<128xi32, #tpu.memory_space<hbm>>
          %dma_wait3A_328 = arith.constant 0 : i32
          %dma_wait3A_329 = tpu.memref_slice %arg3[%dma_wait3A_328] : memref<320000xi32, #tpu.memory_space<hbm>> -> memref<128xi32, #tpu.memory_space<hbm>>
          tpu.wait_dma2 semaphore(%arg21 : memref<!tpu.dma_semaphore, #tpu.memory_space<semaphore_mem>>) src(%dma_wait3A_329 : memref<128xi32, #tpu.memory_space<hbm>>) dst(%arg15 : memref<128xi32, #tpu.memory_space<vmem>>)
          %dma_start3A_330 = arith.constant 0 : i32
          %dma_start3A_331 = arith.constant 0 : i32
          %dma_start3A_332 = tpu.memref_slice %arg4[%dma_start3A_330, %dma_start3A_331] : memref<10000x144xf32, #tpu.memory_space<hbm>> -> memref<10000x144xf32, #tpu.memory_space<hbm>>
          tpu.enqueue_indirect_dma source(%dma_start3A_332 : memref<10000x144xf32, #tpu.memory_space<hbm>>) target(%arg17 : memref<128x144xf32, #tpu.memory_space<vmem>>) offsets(%arg14 : memref<128xi32, #tpu.memory_space<vmem>>) semaphore(%arg23 : memref<!tpu.dma_semaphore, #tpu.memory_space<semaphore_mem>>)
          %add3A_333 = arith.constant 3 : i32
          %add3A_334 = arith.addi %while3A_219, %add3A_333 : i32
          %lt3A_335 = arith.cmpi slt, %add3A_334, %add3A_4 : i32
          %convert_element_type3A_336 = arith.extui %lt3A_335 : i1 to i32
          %cond3A_337 = arith.constant 0 : i32
          %cond3A_338 = arith.cmpi ne, %convert_element_type3A_336, %cond3A_337 : i32
          scf.if %cond3A_338 {
            %add3A_339 = arith.constant 3 : i32
            %add3A_340 = arith.addi %while3A_219, %add3A_339 : i32
            %mul3A_341 = arith.constant 32 : i32
            %mul3A_342 = arith.muli %mul3A_341, %add3A_340 : i32
            %add3A_343 = arith.addi %add3A, %mul3A_342 : i32
            %mul3A_344 = arith.constant 128 : i32
            %mul3A_345 = arith.muli %add3A_343, %mul3A_344 : i32
            %multiple_of3A_346 = tpu.assume_multiple %mul3A_345, 8 : i32
            %dma_start3A_347 = tpu.memref_slice %arg2[%multiple_of3A_346] : memref<320000xi32, #tpu.memory_space<hbm>> -> memref<128xi32, #tpu.memory_space<hbm>>
            %dma_start3A_348 = tpu.memref_slice %arg2[%multiple_of3A_346] : memref<320000xi32, #tpu.memory_space<hbm>> -> memref<128xi32, #tpu.memory_space<hbm>>
            tpu.enqueue_dma source(%dma_start3A_348 : memref<128xi32, #tpu.memory_space<hbm>>) target(%arg10 : memref<128xi32, #tpu.memory_space<vmem>>) target_semaphore(%arg19 : memref<!tpu.dma_semaphore, #tpu.memory_space<semaphore_mem>>)
            %dma_start3A_349 = tpu.memref_slice %arg3[%multiple_of3A_346] : memref<320000xi32, #tpu.memory_space<hbm>> -> memref<128xi32, #tpu.memory_space<hbm>>
            %dma_start3A_350 = tpu.memref_slice %arg3[%multiple_of3A_346] : memref<320000xi32, #tpu.memory_space<hbm>> -> memref<128xi32, #tpu.memory_space<hbm>>
            tpu.enqueue_dma source(%dma_start3A_350 : memref<128xi32, #tpu.memory_space<hbm>>) target(%arg11 : memref<128xi32, #tpu.memory_space<vmem>>) target_semaphore(%arg19 : memref<!tpu.dma_semaphore, #tpu.memory_space<semaphore_mem>>)
          } else {
          }
        } else {
        }
      } else {
      }
      %jit3A_284 = arith.constant 4 : i32
      %eq3A_285 = arith.constant 0 : i32
      %eq3A_286 = arith.cmpi eq, %jit3A_284, %eq3A_285 : i32
      %jit3A_287 = arith.constant 1 : i32
      %select_n3A_288 = arith.select %eq3A_286, %jit3A_287, %jit3A_284 : i32
      %rem3A_289 = arith.remsi %while3A_219, %select_n3A_288 : i32
      %ne3A_290 = arith.constant 0 : i32
      %ne3A_291 = arith.cmpi ne, %rem3A_289, %ne3A_290 : i32
      %lt3A_292 = arith.constant 0 : i32
      %lt3A_293 = arith.cmpi slt, %rem3A_289, %lt3A_292 : i32
      %lt3A_294 = arith.constant 0 : i32
      %lt3A_295 = arith.cmpi slt, %select_n3A_288, %lt3A_294 : i32
      %ne3A_296 = arith.xori %lt3A_293, %lt3A_295 : i1
      %and3A_297 = arith.andi %ne3A_296, %ne3A_291 : i1
      %add3A_298 = arith.addi %rem3A_289, %select_n3A_288 : i32
      %select_n3A_299 = arith.select %and3A_297, %add3A_298, %rem3A_289 : i32
      %eq3A_300 = arith.constant 3 : i32
      %eq3A_301 = arith.cmpi eq, %select_n3A_299, %eq3A_300 : i32
      %convert_element_type3A_302 = arith.extui %eq3A_301 : i1 to i32
      %cond3A_303 = arith.constant 0 : i32
      %cond3A_304 = arith.cmpi ne, %convert_element_type3A_302, %cond3A_303 : i32
      scf.if %cond3A_304 {
        %dma_wait3A_306 = arith.constant 0 : i32
        %dma_wait3A_307 = arith.constant 0 : i32
        %dma_wait3A_308 = tpu.memref_slice %arg4[%dma_wait3A_306, %dma_wait3A_307] : memref<10000x144xf32, #tpu.memory_space<hbm>> -> memref<10000x144xf32, #tpu.memory_space<hbm>>
        tpu.wait_indirect_dma semaphore(%arg23 : memref<!tpu.dma_semaphore, #tpu.memory_space<semaphore_mem>>) src(%dma_wait3A_308 : memref<10000x144xf32, #tpu.memory_space<hbm>>) dst(%arg17 : memref<128x144xf32, #tpu.memory_space<vmem>>)
        %ge3A = arith.constant 1 : i32
        %ge3A_309 = arith.cmpi sge, %while3A_219, %ge3A : i32
        %convert_element_type3A_310 = arith.extui %ge3A_309 : i1 to i32
        %cond3A_311 = arith.constant 0 : i32
        %cond3A_312 = arith.cmpi ne, %convert_element_type3A_310, %cond3A_311 : i32
        scf.if %cond3A_312 {
          %dma_wait3A_322 = arith.constant 0 : i32
          %dma_wait3A_323 = arith.constant 0 : i32
          %dma_wait3A_324 = tpu.memref_slice %arg7[%dma_wait3A_322, %dma_wait3A_323] : memref<10240x144xf32, #tpu.memory_space<vmem_shared>> -> memref<10240x144xf32, #tpu.memory_space<vmem_shared>>
          tpu.wait_indirect_dma semaphore(%arg24 : memref<!tpu.dma_semaphore, #tpu.memory_space<semaphore_mem>>) src(%arg16 : memref<128x144xf32, #tpu.memory_space<vmem>>) dst(%dma_wait3A_324 : memref<10240x144xf32, #tpu.memory_space<vmem_shared>>)
        } else {
        }
        %dma_start3A_313 = arith.constant 0 : i32
        %dma_start3A_314 = arith.constant 0 : i32
        %dma_start3A_315 = tpu.memref_slice %arg7[%dma_start3A_313, %dma_start3A_314] : memref<10240x144xf32, #tpu.memory_space<vmem_shared>> -> memref<10240x144xf32, #tpu.memory_space<vmem_shared>>
        tpu.enqueue_indirect_dma source(%arg17 : memref<128x144xf32, #tpu.memory_space<vmem>>) target(%dma_start3A_315 : memref<10240x144xf32, #tpu.memory_space<vmem_shared>>) offsets(%arg15 : memref<128xi32, #tpu.memory_space<vmem>>) semaphore(%arg25 : memref<!tpu.dma_semaphore, #tpu.memory_space<semaphore_mem>>) {add = true}
        %add3A_316 = arith.constant 1 : i32
        %add3A_317 = arith.addi %while3A_219, %add3A_316 : i32
        %lt3A_318 = arith.cmpi slt, %add3A_317, %add3A_4 : i32
        %convert_element_type3A_319 = arith.extui %lt3A_318 : i1 to i32
        %cond3A_320 = arith.constant 0 : i32
        %cond3A_321 = arith.cmpi ne, %convert_element_type3A_319, %cond3A_320 : i32
        scf.if %cond3A_321 {
          %dma_wait3A_322 = arith.constant 0 : i32
          %dma_wait3A_323 = tpu.memref_slice %arg2[%dma_wait3A_322] : memref<320000xi32, #tpu.memory_space<hbm>> -> memref<128xi32, #tpu.memory_space<hbm>>
          %dma_wait3A_324 = arith.constant 0 : i32
          %dma_wait3A_325 = tpu.memref_slice %arg2[%dma_wait3A_324] : memref<320000xi32, #tpu.memory_space<hbm>> -> memref<128xi32, #tpu.memory_space<hbm>>
          tpu.wait_dma2 semaphore(%arg18 : memref<!tpu.dma_semaphore, #tpu.memory_space<semaphore_mem>>) src(%dma_wait3A_325 : memref<128xi32, #tpu.memory_space<hbm>>) dst(%arg8 : memref<128xi32, #tpu.memory_space<vmem>>)
          %dma_wait3A_326 = arith.constant 0 : i32
          %dma_wait3A_327 = tpu.memref_slice %arg3[%dma_wait3A_326] : memref<320000xi32, #tpu.memory_space<hbm>> -> memref<128xi32, #tpu.memory_space<hbm>>
          %dma_wait3A_328 = arith.constant 0 : i32
          %dma_wait3A_329 = tpu.memref_slice %arg3[%dma_wait3A_328] : memref<320000xi32, #tpu.memory_space<hbm>> -> memref<128xi32, #tpu.memory_space<hbm>>
          tpu.wait_dma2 semaphore(%arg18 : memref<!tpu.dma_semaphore, #tpu.memory_space<semaphore_mem>>) src(%dma_wait3A_329 : memref<128xi32, #tpu.memory_space<hbm>>) dst(%arg9 : memref<128xi32, #tpu.memory_space<vmem>>)
          %dma_start3A_330 = arith.constant 0 : i32
          %dma_start3A_331 = arith.constant 0 : i32
          %dma_start3A_332 = tpu.memref_slice %arg4[%dma_start3A_330, %dma_start3A_331] : memref<10000x144xf32, #tpu.memory_space<hbm>> -> memref<10000x144xf32, #tpu.memory_space<hbm>>
          tpu.enqueue_indirect_dma source(%dma_start3A_332 : memref<10000x144xf32, #tpu.memory_space<hbm>>) target(%arg16 : memref<128x144xf32, #tpu.memory_space<vmem>>) offsets(%arg8 : memref<128xi32, #tpu.memory_space<vmem>>) semaphore(%arg22 : memref<!tpu.dma_semaphore, #tpu.memory_space<semaphore_mem>>)
          %add3A_333 = arith.constant 3 : i32
          %add3A_334 = arith.addi %while3A_219, %add3A_333 : i32
          %lt3A_335 = arith.cmpi slt, %add3A_334, %add3A_4 : i32
          %convert_element_type3A_336 = arith.extui %lt3A_335 : i1 to i32
          %cond3A_337 = arith.constant 0 : i32
          %cond3A_338 = arith.cmpi ne, %convert_element_type3A_336, %cond3A_337 : i32
          scf.if %cond3A_338 {
            %add3A_339 = arith.constant 3 : i32
            %add3A_340 = arith.addi %while3A_219, %add3A_339 : i32
            %mul3A_341 = arith.constant 32 : i32
            %mul3A_342 = arith.muli %mul3A_341, %add3A_340 : i32
            %add3A_343 = arith.addi %add3A, %mul3A_342 : i32
            %mul3A_344 = arith.constant 128 : i32
            %mul3A_345 = arith.muli %add3A_343, %mul3A_344 : i32
            %multiple_of3A_346 = tpu.assume_multiple %mul3A_345, 8 : i32
            %dma_start3A_347 = tpu.memref_slice %arg2[%multiple_of3A_346] : memref<320000xi32, #tpu.memory_space<hbm>> -> memref<128xi32, #tpu.memory_space<hbm>>
            %dma_start3A_348 = tpu.memref_slice %arg2[%multiple_of3A_346] : memref<320000xi32, #tpu.memory_space<hbm>> -> memref<128xi32, #tpu.memory_space<hbm>>
            tpu.enqueue_dma source(%dma_start3A_348 : memref<128xi32, #tpu.memory_space<hbm>>) target(%arg12 : memref<128xi32, #tpu.memory_space<vmem>>) target_semaphore(%arg20 : memref<!tpu.dma_semaphore, #tpu.memory_space<semaphore_mem>>)
            %dma_start3A_349 = tpu.memref_slice %arg3[%multiple_of3A_346] : memref<320000xi32, #tpu.memory_space<hbm>> -> memref<128xi32, #tpu.memory_space<hbm>>
            %dma_start3A_350 = tpu.memref_slice %arg3[%multiple_of3A_346] : memref<320000xi32, #tpu.memory_space<hbm>> -> memref<128xi32, #tpu.memory_space<hbm>>
            tpu.enqueue_dma source(%dma_start3A_350 : memref<128xi32, #tpu.memory_space<hbm>>) target(%arg13 : memref<128xi32, #tpu.memory_space<vmem>>) target_semaphore(%arg20 : memref<!tpu.dma_semaphore, #tpu.memory_space<semaphore_mem>>)
          } else {
          }
        } else {
        }
      } else {
      }
      %while3A_305 = arith.constant 0 : i32
      scf.yield %while3A_305 : i32
    }
    %while3A_69 = arith.constant 1 : i32
    %while3A_70 = scf.for %while3A_219 = %while3A_66 to %while3A_62 step %while3A_69 iter_args(%while3A_220 = %while3A_68) -> (i32)  : i32 {
      %jit3A_221 = arith.constant 4 : i32
      %eq3A_222 = arith.constant 0 : i32
      %eq3A_223 = arith.cmpi eq, %jit3A_221, %eq3A_222 : i32
      %jit3A_224 = arith.constant 1 : i32
      %select_n3A_225 = arith.select %eq3A_223, %jit3A_224, %jit3A_221 : i32
      %rem3A_226 = arith.remsi %while3A_219, %select_n3A_225 : i32
      %ne3A_227 = arith.constant 0 : i32
      %ne3A_228 = arith.cmpi ne, %rem3A_226, %ne3A_227 : i32
      %lt3A_229 = arith.constant 0 : i32
      %lt3A_230 = arith.cmpi slt, %rem3A_226, %lt3A_229 : i32
      %lt3A_231 = arith.constant 0 : i32
      %lt3A_232 = arith.cmpi slt, %select_n3A_225, %lt3A_231 : i32
      %ne3A_233 = arith.xori %lt3A_230, %lt3A_232 : i1
      %and3A_234 = arith.andi %ne3A_233, %ne3A_228 : i1
      %add3A_235 = arith.addi %rem3A_226, %select_n3A_225 : i32
      %select_n3A_236 = arith.select %and3A_234, %add3A_235, %rem3A_226 : i32
      %eq3A_237 = arith.constant 0 : i32
      %eq3A_238 = arith.cmpi eq, %select_n3A_236, %eq3A_237 : i32
      %convert_element_type3A_239 = arith.extui %eq3A_238 : i1 to i32
      %cond3A_240 = arith.constant 0 : i32
      %cond3A_241 = arith.cmpi ne, %convert_element_type3A_239, %cond3A_240 : i32
      scf.if %cond3A_241 {
        %dma_wait3A_306 = arith.constant 0 : i32
        %dma_wait3A_307 = arith.constant 0 : i32
        %dma_wait3A_308 = tpu.memref_slice %arg4[%dma_wait3A_306, %dma_wait3A_307] : memref<10000x144xf32, #tpu.memory_space<hbm>> -> memref<10000x144xf32, #tpu.memory_space<hbm>>
        tpu.wait_indirect_dma semaphore(%arg22 : memref<!tpu.dma_semaphore, #tpu.memory_space<semaphore_mem>>) src(%dma_wait3A_308 : memref<10000x144xf32, #tpu.memory_space<hbm>>) dst(%arg16 : memref<128x144xf32, #tpu.memory_space<vmem>>)
        %ge3A = arith.constant 1 : i32
        %ge3A_309 = arith.cmpi sge, %while3A_219, %ge3A : i32
        %convert_element_type3A_310 = arith.extui %ge3A_309 : i1 to i32
        %cond3A_311 = arith.constant 0 : i32
        %cond3A_312 = arith.cmpi ne, %convert_element_type3A_310, %cond3A_311 : i32
        scf.if %cond3A_312 {
          %dma_wait3A_322 = arith.constant 0 : i32
          %dma_wait3A_323 = arith.constant 0 : i32
          %dma_wait3A_324 = tpu.memref_slice %arg7[%dma_wait3A_322, %dma_wait3A_323] : memref<10240x144xf32, #tpu.memory_space<vmem_shared>> -> memref<10240x144xf32, #tpu.memory_space<vmem_shared>>
          tpu.wait_indirect_dma semaphore(%arg25 : memref<!tpu.dma_semaphore, #tpu.memory_space<semaphore_mem>>) src(%arg17 : memref<128x144xf32, #tpu.memory_space<vmem>>) dst(%dma_wait3A_324 : memref<10240x144xf32, #tpu.memory_space<vmem_shared>>)
        } else {
        }
        %dma_start3A_313 = arith.constant 0 : i32
        %dma_start3A_314 = arith.constant 0 : i32
        %dma_start3A_315 = tpu.memref_slice %arg7[%dma_start3A_313, %dma_start3A_314] : memref<10240x144xf32, #tpu.memory_space<vmem_shared>> -> memref<10240x144xf32, #tpu.memory_space<vmem_shared>>
        tpu.enqueue_indirect_dma source(%arg16 : memref<128x144xf32, #tpu.memory_space<vmem>>) target(%dma_start3A_315 : memref<10240x144xf32, #tpu.memory_space<vmem_shared>>) offsets(%arg9 : memref<128xi32, #tpu.memory_space<vmem>>) semaphore(%arg24 : memref<!tpu.dma_semaphore, #tpu.memory_space<semaphore_mem>>) {add = true}
        %add3A_316 = arith.constant 1 : i32
        %add3A_317 = arith.addi %while3A_219, %add3A_316 : i32
        %lt3A_318 = arith.cmpi slt, %add3A_317, %add3A_4 : i32
        %convert_element_type3A_319 = arith.extui %lt3A_318 : i1 to i32
        %cond3A_320 = arith.constant 0 : i32
        %cond3A_321 = arith.cmpi ne, %convert_element_type3A_319, %cond3A_320 : i32
        scf.if %cond3A_321 {
          %dma_wait3A_322 = arith.constant 0 : i32
          %dma_wait3A_323 = tpu.memref_slice %arg2[%dma_wait3A_322] : memref<320000xi32, #tpu.memory_space<hbm>> -> memref<128xi32, #tpu.memory_space<hbm>>
          %dma_wait3A_324 = arith.constant 0 : i32
          %dma_wait3A_325 = tpu.memref_slice %arg2[%dma_wait3A_324] : memref<320000xi32, #tpu.memory_space<hbm>> -> memref<128xi32, #tpu.memory_space<hbm>>
          tpu.wait_dma2 semaphore(%arg19 : memref<!tpu.dma_semaphore, #tpu.memory_space<semaphore_mem>>) src(%dma_wait3A_325 : memref<128xi32, #tpu.memory_space<hbm>>) dst(%arg10 : memref<128xi32, #tpu.memory_space<vmem>>)
          %dma_wait3A_326 = arith.constant 0 : i32
          %dma_wait3A_327 = tpu.memref_slice %arg3[%dma_wait3A_326] : memref<320000xi32, #tpu.memory_space<hbm>> -> memref<128xi32, #tpu.memory_space<hbm>>
          %dma_wait3A_328 = arith.constant 0 : i32
          %dma_wait3A_329 = tpu.memref_slice %arg3[%dma_wait3A_328] : memref<320000xi32, #tpu.memory_space<hbm>> -> memref<128xi32, #tpu.memory_space<hbm>>
          tpu.wait_dma2 semaphore(%arg19 : memref<!tpu.dma_semaphore, #tpu.memory_space<semaphore_mem>>) src(%dma_wait3A_329 : memref<128xi32, #tpu.memory_space<hbm>>) dst(%arg11 : memref<128xi32, #tpu.memory_space<vmem>>)
          %dma_start3A_330 = arith.constant 0 : i32
          %dma_start3A_331 = arith.constant 0 : i32
          %dma_start3A_332 = tpu.memref_slice %arg4[%dma_start3A_330, %dma_start3A_331] : memref<10000x144xf32, #tpu.memory_space<hbm>> -> memref<10000x144xf32, #tpu.memory_space<hbm>>
          tpu.enqueue_indirect_dma source(%dma_start3A_332 : memref<10000x144xf32, #tpu.memory_space<hbm>>) target(%arg17 : memref<128x144xf32, #tpu.memory_space<vmem>>) offsets(%arg10 : memref<128xi32, #tpu.memory_space<vmem>>) semaphore(%arg23 : memref<!tpu.dma_semaphore, #tpu.memory_space<semaphore_mem>>)
          %add3A_333 = arith.constant 3 : i32
          %add3A_334 = arith.addi %while3A_219, %add3A_333 : i32
          %lt3A_335 = arith.cmpi slt, %add3A_334, %add3A_4 : i32
          %convert_element_type3A_336 = arith.extui %lt3A_335 : i1 to i32
          %cond3A_337 = arith.constant 0 : i32
          %cond3A_338 = arith.cmpi ne, %convert_element_type3A_336, %cond3A_337 : i32
          scf.if %cond3A_338 {
            %add3A_339 = arith.constant 3 : i32
            %add3A_340 = arith.addi %while3A_219, %add3A_339 : i32
            %mul3A_341 = arith.constant 32 : i32
            %mul3A_342 = arith.muli %mul3A_341, %add3A_340 : i32
            %add3A_343 = arith.addi %add3A, %mul3A_342 : i32
            %mul3A_344 = arith.constant 128 : i32
            %mul3A_345 = arith.muli %add3A_343, %mul3A_344 : i32
            %multiple_of3A_346 = tpu.assume_multiple %mul3A_345, 8 : i32
            %dma_start3A_347 = tpu.memref_slice %arg2[%multiple_of3A_346] : memref<320000xi32, #tpu.memory_space<hbm>> -> memref<128xi32, #tpu.memory_space<hbm>>
            %dma_start3A_348 = tpu.memref_slice %arg2[%multiple_of3A_346] : memref<320000xi32, #tpu.memory_space<hbm>> -> memref<128xi32, #tpu.memory_space<hbm>>
            tpu.enqueue_dma source(%dma_start3A_348 : memref<128xi32, #tpu.memory_space<hbm>>) target(%arg14 : memref<128xi32, #tpu.memory_space<vmem>>) target_semaphore(%arg21 : memref<!tpu.dma_semaphore, #tpu.memory_space<semaphore_mem>>)
            %dma_start3A_349 = tpu.memref_slice %arg3[%multiple_of3A_346] : memref<320000xi32, #tpu.memory_space<hbm>> -> memref<128xi32, #tpu.memory_space<hbm>>
            %dma_start3A_350 = tpu.memref_slice %arg3[%multiple_of3A_346] : memref<320000xi32, #tpu.memory_space<hbm>> -> memref<128xi32, #tpu.memory_space<hbm>>
            tpu.enqueue_dma source(%dma_start3A_350 : memref<128xi32, #tpu.memory_space<hbm>>) target(%arg15 : memref<128xi32, #tpu.memory_space<vmem>>) target_semaphore(%arg21 : memref<!tpu.dma_semaphore, #tpu.memory_space<semaphore_mem>>)
          } else {
          }
        } else {
        }
      } else {
      }
      %jit3A_242 = arith.constant 4 : i32
      %eq3A_243 = arith.constant 0 : i32
      %eq3A_244 = arith.cmpi eq, %jit3A_242, %eq3A_243 : i32
      %jit3A_245 = arith.constant 1 : i32
      %select_n3A_246 = arith.select %eq3A_244, %jit3A_245, %jit3A_242 : i32
      %rem3A_247 = arith.remsi %while3A_219, %select_n3A_246 : i32
      %ne3A_248 = arith.constant 0 : i32
      %ne3A_249 = arith.cmpi ne, %rem3A_247, %ne3A_248 : i32
      %lt3A_250 = arith.constant 0 : i32
      %lt3A_251 = arith.cmpi slt, %rem3A_247, %lt3A_250 : i32
      %lt3A_252 = arith.constant 0 : i32
      %lt3A_253 = arith.cmpi slt, %select_n3A_246, %lt3A_252 : i32
      %ne3A_254 = arith.xori %lt3A_251, %lt3A_253 : i1
      %and3A_255 = arith.andi %ne3A_254, %ne3A_249 : i1
      %add3A_256 = arith.addi %rem3A_247, %select_n3A_246 : i32
      %select_n3A_257 = arith.select %and3A_255, %add3A_256, %rem3A_247 : i32
      %eq3A_258 = arith.constant 1 : i32
      %eq3A_259 = arith.cmpi eq, %select_n3A_257, %eq3A_258 : i32
      %convert_element_type3A_260 = arith.extui %eq3A_259 : i1 to i32
      %cond3A_261 = arith.constant 0 : i32
      %cond3A_262 = arith.cmpi ne, %convert_element_type3A_260, %cond3A_261 : i32
      scf.if %cond3A_262 {
        %dma_wait3A_306 = arith.constant 0 : i32
        %dma_wait3A_307 = arith.constant 0 : i32
        %dma_wait3A_308 = tpu.memref_slice %arg4[%dma_wait3A_306, %dma_wait3A_307] : memref<10000x144xf32, #tpu.memory_space<hbm>> -> memref<10000x144xf32, #tpu.memory_space<hbm>>
        tpu.wait_indirect_dma semaphore(%arg23 : memref<!tpu.dma_semaphore, #tpu.memory_space<semaphore_mem>>) src(%dma_wait3A_308 : memref<10000x144xf32, #tpu.memory_space<hbm>>) dst(%arg17 : memref<128x144xf32, #tpu.memory_space<vmem>>)
        %ge3A = arith.constant 1 : i32
        %ge3A_309 = arith.cmpi sge, %while3A_219, %ge3A : i32
        %convert_element_type3A_310 = arith.extui %ge3A_309 : i1 to i32
        %cond3A_311 = arith.constant 0 : i32
        %cond3A_312 = arith.cmpi ne, %convert_element_type3A_310, %cond3A_311 : i32
        scf.if %cond3A_312 {
          %dma_wait3A_322 = arith.constant 0 : i32
          %dma_wait3A_323 = arith.constant 0 : i32
          %dma_wait3A_324 = tpu.memref_slice %arg7[%dma_wait3A_322, %dma_wait3A_323] : memref<10240x144xf32, #tpu.memory_space<vmem_shared>> -> memref<10240x144xf32, #tpu.memory_space<vmem_shared>>
          tpu.wait_indirect_dma semaphore(%arg24 : memref<!tpu.dma_semaphore, #tpu.memory_space<semaphore_mem>>) src(%arg16 : memref<128x144xf32, #tpu.memory_space<vmem>>) dst(%dma_wait3A_324 : memref<10240x144xf32, #tpu.memory_space<vmem_shared>>)
        } else {
        }
        %dma_start3A_313 = arith.constant 0 : i32
        %dma_start3A_314 = arith.constant 0 : i32
        %dma_start3A_315 = tpu.memref_slice %arg7[%dma_start3A_313, %dma_start3A_314] : memref<10240x144xf32, #tpu.memory_space<vmem_shared>> -> memref<10240x144xf32, #tpu.memory_space<vmem_shared>>
        tpu.enqueue_indirect_dma source(%arg17 : memref<128x144xf32, #tpu.memory_space<vmem>>) target(%dma_start3A_315 : memref<10240x144xf32, #tpu.memory_space<vmem_shared>>) offsets(%arg11 : memref<128xi32, #tpu.memory_space<vmem>>) semaphore(%arg25 : memref<!tpu.dma_semaphore, #tpu.memory_space<semaphore_mem>>) {add = true}
        %add3A_316 = arith.constant 1 : i32
        %add3A_317 = arith.addi %while3A_219, %add3A_316 : i32
        %lt3A_318 = arith.cmpi slt, %add3A_317, %add3A_4 : i32
        %convert_element_type3A_319 = arith.extui %lt3A_318 : i1 to i32
        %cond3A_320 = arith.constant 0 : i32
        %cond3A_321 = arith.cmpi ne, %convert_element_type3A_319, %cond3A_320 : i32
        scf.if %cond3A_321 {
          %dma_wait3A_322 = arith.constant 0 : i32
          %dma_wait3A_323 = tpu.memref_slice %arg2[%dma_wait3A_322] : memref<320000xi32, #tpu.memory_space<hbm>> -> memref<128xi32, #tpu.memory_space<hbm>>
          %dma_wait3A_324 = arith.constant 0 : i32
          %dma_wait3A_325 = tpu.memref_slice %arg2[%dma_wait3A_324] : memref<320000xi32, #tpu.memory_space<hbm>> -> memref<128xi32, #tpu.memory_space<hbm>>
          tpu.wait_dma2 semaphore(%arg20 : memref<!tpu.dma_semaphore, #tpu.memory_space<semaphore_mem>>) src(%dma_wait3A_325 : memref<128xi32, #tpu.memory_space<hbm>>) dst(%arg12 : memref<128xi32, #tpu.memory_space<vmem>>)
          %dma_wait3A_326 = arith.constant 0 : i32
          %dma_wait3A_327 = tpu.memref_slice %arg3[%dma_wait3A_326] : memref<320000xi32, #tpu.memory_space<hbm>> -> memref<128xi32, #tpu.memory_space<hbm>>
          %dma_wait3A_328 = arith.constant 0 : i32
          %dma_wait3A_329 = tpu.memref_slice %arg3[%dma_wait3A_328] : memref<320000xi32, #tpu.memory_space<hbm>> -> memref<128xi32, #tpu.memory_space<hbm>>
          tpu.wait_dma2 semaphore(%arg20 : memref<!tpu.dma_semaphore, #tpu.memory_space<semaphore_mem>>) src(%dma_wait3A_329 : memref<128xi32, #tpu.memory_space<hbm>>) dst(%arg13 : memref<128xi32, #tpu.memory_space<vmem>>)
          %dma_start3A_330 = arith.constant 0 : i32
          %dma_start3A_331 = arith.constant 0 : i32
          %dma_start3A_332 = tpu.memref_slice %arg4[%dma_start3A_330, %dma_start3A_331] : memref<10000x144xf32, #tpu.memory_space<hbm>> -> memref<10000x144xf32, #tpu.memory_space<hbm>>
          tpu.enqueue_indirect_dma source(%dma_start3A_332 : memref<10000x144xf32, #tpu.memory_space<hbm>>) target(%arg16 : memref<128x144xf32, #tpu.memory_space<vmem>>) offsets(%arg12 : memref<128xi32, #tpu.memory_space<vmem>>) semaphore(%arg22 : memref<!tpu.dma_semaphore, #tpu.memory_space<semaphore_mem>>)
          %add3A_333 = arith.constant 3 : i32
          %add3A_334 = arith.addi %while3A_219, %add3A_333 : i32
          %lt3A_335 = arith.cmpi slt, %add3A_334, %add3A_4 : i32
          %convert_element_type3A_336 = arith.extui %lt3A_335 : i1 to i32
          %cond3A_337 = arith.constant 0 : i32
          %cond3A_338 = arith.cmpi ne, %convert_element_type3A_336, %cond3A_337 : i32
          scf.if %cond3A_338 {
            %add3A_339 = arith.constant 3 : i32
            %add3A_340 = arith.addi %while3A_219, %add3A_339 : i32
            %mul3A_341 = arith.constant 32 : i32
            %mul3A_342 = arith.muli %mul3A_341, %add3A_340 : i32
            %add3A_343 = arith.addi %add3A, %mul3A_342 : i32
            %mul3A_344 = arith.constant 128 : i32
            %mul3A_345 = arith.muli %add3A_343, %mul3A_344 : i32
            %multiple_of3A_346 = tpu.assume_multiple %mul3A_345, 8 : i32
            %dma_start3A_347 = tpu.memref_slice %arg2[%multiple_of3A_346] : memref<320000xi32, #tpu.memory_space<hbm>> -> memref<128xi32, #tpu.memory_space<hbm>>
            %dma_start3A_348 = tpu.memref_slice %arg2[%multiple_of3A_346] : memref<320000xi32, #tpu.memory_space<hbm>> -> memref<128xi32, #tpu.memory_space<hbm>>
            tpu.enqueue_dma source(%dma_start3A_348 : memref<128xi32, #tpu.memory_space<hbm>>) target(%arg8 : memref<128xi32, #tpu.memory_space<vmem>>) target_semaphore(%arg18 : memref<!tpu.dma_semaphore, #tpu.memory_space<semaphore_mem>>)
            %dma_start3A_349 = tpu.memref_slice %arg3[%multiple_of3A_346] : memref<320000xi32, #tpu.memory_space<hbm>> -> memref<128xi32, #tpu.memory_space<hbm>>
            %dma_start3A_350 = tpu.memref_slice %arg3[%multiple_of3A_346] : memref<320000xi32, #tpu.memory_space<hbm>> -> memref<128xi32, #tpu.memory_space<hbm>>
            tpu.enqueue_dma source(%dma_start3A_350 : memref<128xi32, #tpu.memory_space<hbm>>) target(%arg9 : memref<128xi32, #tpu.memory_space<vmem>>) target_semaphore(%arg18 : memref<!tpu.dma_semaphore, #tpu.memory_space<semaphore_mem>>)
          } else {
          }
        } else {
        }
      } else {
      }
      %jit3A_263 = arith.constant 4 : i32
      %eq3A_264 = arith.constant 0 : i32
      %eq3A_265 = arith.cmpi eq, %jit3A_263, %eq3A_264 : i32
      %jit3A_266 = arith.constant 1 : i32
      %select_n3A_267 = arith.select %eq3A_265, %jit3A_266, %jit3A_263 : i32
      %rem3A_268 = arith.remsi %while3A_219, %select_n3A_267 : i32
      %ne3A_269 = arith.constant 0 : i32
      %ne3A_270 = arith.cmpi ne, %rem3A_268, %ne3A_269 : i32
      %lt3A_271 = arith.constant 0 : i32
      %lt3A_272 = arith.cmpi slt, %rem3A_268, %lt3A_271 : i32
      %lt3A_273 = arith.constant 0 : i32
      %lt3A_274 = arith.cmpi slt, %select_n3A_267, %lt3A_273 : i32
      %ne3A_275 = arith.xori %lt3A_272, %lt3A_274 : i1
      %and3A_276 = arith.andi %ne3A_275, %ne3A_270 : i1
      %add3A_277 = arith.addi %rem3A_268, %select_n3A_267 : i32
      %select_n3A_278 = arith.select %and3A_276, %add3A_277, %rem3A_268 : i32
      %eq3A_279 = arith.constant 2 : i32
      %eq3A_280 = arith.cmpi eq, %select_n3A_278, %eq3A_279 : i32
      %convert_element_type3A_281 = arith.extui %eq3A_280 : i1 to i32
      %cond3A_282 = arith.constant 0 : i32
      %cond3A_283 = arith.cmpi ne, %convert_element_type3A_281, %cond3A_282 : i32
      scf.if %cond3A_283 {
        %dma_wait3A_306 = arith.constant 0 : i32
        %dma_wait3A_307 = arith.constant 0 : i32
        %dma_wait3A_308 = tpu.memref_slice %arg4[%dma_wait3A_306, %dma_wait3A_307] : memref<10000x144xf32, #tpu.memory_space<hbm>> -> memref<10000x144xf32, #tpu.memory_space<hbm>>
        tpu.wait_indirect_dma semaphore(%arg22 : memref<!tpu.dma_semaphore, #tpu.memory_space<semaphore_mem>>) src(%dma_wait3A_308 : memref<10000x144xf32, #tpu.memory_space<hbm>>) dst(%arg16 : memref<128x144xf32, #tpu.memory_space<vmem>>)
        %ge3A = arith.constant 1 : i32
        %ge3A_309 = arith.cmpi sge, %while3A_219, %ge3A : i32
        %convert_element_type3A_310 = arith.extui %ge3A_309 : i1 to i32
        %cond3A_311 = arith.constant 0 : i32
        %cond3A_312 = arith.cmpi ne, %convert_element_type3A_310, %cond3A_311 : i32
        scf.if %cond3A_312 {
          %dma_wait3A_322 = arith.constant 0 : i32
          %dma_wait3A_323 = arith.constant 0 : i32
          %dma_wait3A_324 = tpu.memref_slice %arg7[%dma_wait3A_322, %dma_wait3A_323] : memref<10240x144xf32, #tpu.memory_space<vmem_shared>> -> memref<10240x144xf32, #tpu.memory_space<vmem_shared>>
          tpu.wait_indirect_dma semaphore(%arg25 : memref<!tpu.dma_semaphore, #tpu.memory_space<semaphore_mem>>) src(%arg17 : memref<128x144xf32, #tpu.memory_space<vmem>>) dst(%dma_wait3A_324 : memref<10240x144xf32, #tpu.memory_space<vmem_shared>>)
        } else {
        }
        %dma_start3A_313 = arith.constant 0 : i32
        %dma_start3A_314 = arith.constant 0 : i32
        %dma_start3A_315 = tpu.memref_slice %arg7[%dma_start3A_313, %dma_start3A_314] : memref<10240x144xf32, #tpu.memory_space<vmem_shared>> -> memref<10240x144xf32, #tpu.memory_space<vmem_shared>>
        tpu.enqueue_indirect_dma source(%arg16 : memref<128x144xf32, #tpu.memory_space<vmem>>) target(%dma_start3A_315 : memref<10240x144xf32, #tpu.memory_space<vmem_shared>>) offsets(%arg13 : memref<128xi32, #tpu.memory_space<vmem>>) semaphore(%arg24 : memref<!tpu.dma_semaphore, #tpu.memory_space<semaphore_mem>>) {add = true}
        %add3A_316 = arith.constant 1 : i32
        %add3A_317 = arith.addi %while3A_219, %add3A_316 : i32
        %lt3A_318 = arith.cmpi slt, %add3A_317, %add3A_4 : i32
        %convert_element_type3A_319 = arith.extui %lt3A_318 : i1 to i32
        %cond3A_320 = arith.constant 0 : i32
        %cond3A_321 = arith.cmpi ne, %convert_element_type3A_319, %cond3A_320 : i32
        scf.if %cond3A_321 {
          %dma_wait3A_322 = arith.constant 0 : i32
          %dma_wait3A_323 = tpu.memref_slice %arg2[%dma_wait3A_322] : memref<320000xi32, #tpu.memory_space<hbm>> -> memref<128xi32, #tpu.memory_space<hbm>>
          %dma_wait3A_324 = arith.constant 0 : i32
          %dma_wait3A_325 = tpu.memref_slice %arg2[%dma_wait3A_324] : memref<320000xi32, #tpu.memory_space<hbm>> -> memref<128xi32, #tpu.memory_space<hbm>>
          tpu.wait_dma2 semaphore(%arg21 : memref<!tpu.dma_semaphore, #tpu.memory_space<semaphore_mem>>) src(%dma_wait3A_325 : memref<128xi32, #tpu.memory_space<hbm>>) dst(%arg14 : memref<128xi32, #tpu.memory_space<vmem>>)
          %dma_wait3A_326 = arith.constant 0 : i32
          %dma_wait3A_327 = tpu.memref_slice %arg3[%dma_wait3A_326] : memref<320000xi32, #tpu.memory_space<hbm>> -> memref<128xi32, #tpu.memory_space<hbm>>
          %dma_wait3A_328 = arith.constant 0 : i32
          %dma_wait3A_329 = tpu.memref_slice %arg3[%dma_wait3A_328] : memref<320000xi32, #tpu.memory_space<hbm>> -> memref<128xi32, #tpu.memory_space<hbm>>
          tpu.wait_dma2 semaphore(%arg21 : memref<!tpu.dma_semaphore, #tpu.memory_space<semaphore_mem>>) src(%dma_wait3A_329 : memref<128xi32, #tpu.memory_space<hbm>>) dst(%arg15 : memref<128xi32, #tpu.memory_space<vmem>>)
          %dma_start3A_330 = arith.constant 0 : i32
          %dma_start3A_331 = arith.constant 0 : i32
          %dma_start3A_332 = tpu.memref_slice %arg4[%dma_start3A_330, %dma_start3A_331] : memref<10000x144xf32, #tpu.memory_space<hbm>> -> memref<10000x144xf32, #tpu.memory_space<hbm>>
          tpu.enqueue_indirect_dma source(%dma_start3A_332 : memref<10000x144xf32, #tpu.memory_space<hbm>>) target(%arg17 : memref<128x144xf32, #tpu.memory_space<vmem>>) offsets(%arg14 : memref<128xi32, #tpu.memory_space<vmem>>) semaphore(%arg23 : memref<!tpu.dma_semaphore, #tpu.memory_space<semaphore_mem>>)
          %add3A_333 = arith.constant 3 : i32
          %add3A_334 = arith.addi %while3A_219, %add3A_333 : i32
          %lt3A_335 = arith.cmpi slt, %add3A_334, %add3A_4 : i32
          %convert_element_type3A_336 = arith.extui %lt3A_335 : i1 to i32
          %cond3A_337 = arith.constant 0 : i32
          %cond3A_338 = arith.cmpi ne, %convert_element_type3A_336, %cond3A_337 : i32
          scf.if %cond3A_338 {
            %add3A_339 = arith.constant 3 : i32
            %add3A_340 = arith.addi %while3A_219, %add3A_339 : i32
            %mul3A_341 = arith.constant 32 : i32
            %mul3A_342 = arith.muli %mul3A_341, %add3A_340 : i32
            %add3A_343 = arith.addi %add3A, %mul3A_342 : i32
            %mul3A_344 = arith.constant 128 : i32
            %mul3A_345 = arith.muli %add3A_343, %mul3A_344 : i32
            %multiple_of3A_346 = tpu.assume_multiple %mul3A_345, 8 : i32
            %dma_start3A_347 = tpu.memref_slice %arg2[%multiple_of3A_346] : memref<320000xi32, #tpu.memory_space<hbm>> -> memref<128xi32, #tpu.memory_space<hbm>>
            %dma_start3A_348 = tpu.memref_slice %arg2[%multiple_of3A_346] : memref<320000xi32, #tpu.memory_space<hbm>> -> memref<128xi32, #tpu.memory_space<hbm>>
            tpu.enqueue_dma source(%dma_start3A_348 : memref<128xi32, #tpu.memory_space<hbm>>) target(%arg10 : memref<128xi32, #tpu.memory_space<vmem>>) target_semaphore(%arg19 : memref<!tpu.dma_semaphore, #tpu.memory_space<semaphore_mem>>)
            %dma_start3A_349 = tpu.memref_slice %arg3[%multiple_of3A_346] : memref<320000xi32, #tpu.memory_space<hbm>> -> memref<128xi32, #tpu.memory_space<hbm>>
            %dma_start3A_350 = tpu.memref_slice %arg3[%multiple_of3A_346] : memref<320000xi32, #tpu.memory_space<hbm>> -> memref<128xi32, #tpu.memory_space<hbm>>
            tpu.enqueue_dma source(%dma_start3A_350 : memref<128xi32, #tpu.memory_space<hbm>>) target(%arg11 : memref<128xi32, #tpu.memory_space<vmem>>) target_semaphore(%arg19 : memref<!tpu.dma_semaphore, #tpu.memory_space<semaphore_mem>>)
          } else {
          }
        } else {
        }
      } else {
      }
      %jit3A_284 = arith.constant 4 : i32
      %eq3A_285 = arith.constant 0 : i32
      %eq3A_286 = arith.cmpi eq, %jit3A_284, %eq3A_285 : i32
      %jit3A_287 = arith.constant 1 : i32
      %select_n3A_288 = arith.select %eq3A_286, %jit3A_287, %jit3A_284 : i32
      %rem3A_289 = arith.remsi %while3A_219, %select_n3A_288 : i32
      %ne3A_290 = arith.constant 0 : i32
      %ne3A_291 = arith.cmpi ne, %rem3A_289, %ne3A_290 : i32
      %lt3A_292 = arith.constant 0 : i32
      %lt3A_293 = arith.cmpi slt, %rem3A_289, %lt3A_292 : i32
      %lt3A_294 = arith.constant 0 : i32
      %lt3A_295 = arith.cmpi slt, %select_n3A_288, %lt3A_294 : i32
      %ne3A_296 = arith.xori %lt3A_293, %lt3A_295 : i1
      %and3A_297 = arith.andi %ne3A_296, %ne3A_291 : i1
      %add3A_298 = arith.addi %rem3A_289, %select_n3A_288 : i32
      %select_n3A_299 = arith.select %and3A_297, %add3A_298, %rem3A_289 : i32
      %eq3A_300 = arith.constant 3 : i32
      %eq3A_301 = arith.cmpi eq, %select_n3A_299, %eq3A_300 : i32
      %convert_element_type3A_302 = arith.extui %eq3A_301 : i1 to i32
      %cond3A_303 = arith.constant 0 : i32
      %cond3A_304 = arith.cmpi ne, %convert_element_type3A_302, %cond3A_303 : i32
      scf.if %cond3A_304 {
        %dma_wait3A_306 = arith.constant 0 : i32
        %dma_wait3A_307 = arith.constant 0 : i32
        %dma_wait3A_308 = tpu.memref_slice %arg4[%dma_wait3A_306, %dma_wait3A_307] : memref<10000x144xf32, #tpu.memory_space<hbm>> -> memref<10000x144xf32, #tpu.memory_space<hbm>>
        tpu.wait_indirect_dma semaphore(%arg23 : memref<!tpu.dma_semaphore, #tpu.memory_space<semaphore_mem>>) src(%dma_wait3A_308 : memref<10000x144xf32, #tpu.memory_space<hbm>>) dst(%arg17 : memref<128x144xf32, #tpu.memory_space<vmem>>)
        %ge3A = arith.constant 1 : i32
        %ge3A_309 = arith.cmpi sge, %while3A_219, %ge3A : i32
        %convert_element_type3A_310 = arith.extui %ge3A_309 : i1 to i32
        %cond3A_311 = arith.constant 0 : i32
        %cond3A_312 = arith.cmpi ne, %convert_element_type3A_310, %cond3A_311 : i32
        scf.if %cond3A_312 {
          %dma_wait3A_322 = arith.constant 0 : i32
          %dma_wait3A_323 = arith.constant 0 : i32
          %dma_wait3A_324 = tpu.memref_slice %arg7[%dma_wait3A_322, %dma_wait3A_323] : memref<10240x144xf32, #tpu.memory_space<vmem_shared>> -> memref<10240x144xf32, #tpu.memory_space<vmem_shared>>
          tpu.wait_indirect_dma semaphore(%arg24 : memref<!tpu.dma_semaphore, #tpu.memory_space<semaphore_mem>>) src(%arg16 : memref<128x144xf32, #tpu.memory_space<vmem>>) dst(%dma_wait3A_324 : memref<10240x144xf32, #tpu.memory_space<vmem_shared>>)
        } else {
        }
        %dma_start3A_313 = arith.constant 0 : i32
        %dma_start3A_314 = arith.constant 0 : i32
        %dma_start3A_315 = tpu.memref_slice %arg7[%dma_start3A_313, %dma_start3A_314] : memref<10240x144xf32, #tpu.memory_space<vmem_shared>> -> memref<10240x144xf32, #tpu.memory_space<vmem_shared>>
        tpu.enqueue_indirect_dma source(%arg17 : memref<128x144xf32, #tpu.memory_space<vmem>>) target(%dma_start3A_315 : memref<10240x144xf32, #tpu.memory_space<vmem_shared>>) offsets(%arg15 : memref<128xi32, #tpu.memory_space<vmem>>) semaphore(%arg25 : memref<!tpu.dma_semaphore, #tpu.memory_space<semaphore_mem>>) {add = true}
        %add3A_316 = arith.constant 1 : i32
        %add3A_317 = arith.addi %while3A_219, %add3A_316 : i32
        %lt3A_318 = arith.cmpi slt, %add3A_317, %add3A_4 : i32
        %convert_element_type3A_319 = arith.extui %lt3A_318 : i1 to i32
        %cond3A_320 = arith.constant 0 : i32
        %cond3A_321 = arith.cmpi ne, %convert_element_type3A_319, %cond3A_320 : i32
        scf.if %cond3A_321 {
          %dma_wait3A_322 = arith.constant 0 : i32
          %dma_wait3A_323 = tpu.memref_slice %arg2[%dma_wait3A_322] : memref<320000xi32, #tpu.memory_space<hbm>> -> memref<128xi32, #tpu.memory_space<hbm>>
          %dma_wait3A_324 = arith.constant 0 : i32
          %dma_wait3A_325 = tpu.memref_slice %arg2[%dma_wait3A_324] : memref<320000xi32, #tpu.memory_space<hbm>> -> memref<128xi32, #tpu.memory_space<hbm>>
          tpu.wait_dma2 semaphore(%arg18 : memref<!tpu.dma_semaphore, #tpu.memory_space<semaphore_mem>>) src(%dma_wait3A_325 : memref<128xi32, #tpu.memory_space<hbm>>) dst(%arg8 : memref<128xi32, #tpu.memory_space<vmem>>)
          %dma_wait3A_326 = arith.constant 0 : i32
          %dma_wait3A_327 = tpu.memref_slice %arg3[%dma_wait3A_326] : memref<320000xi32, #tpu.memory_space<hbm>> -> memref<128xi32, #tpu.memory_space<hbm>>
          %dma_wait3A_328 = arith.constant 0 : i32
          %dma_wait3A_329 = tpu.memref_slice %arg3[%dma_wait3A_328] : memref<320000xi32, #tpu.memory_space<hbm>> -> memref<128xi32, #tpu.memory_space<hbm>>
          tpu.wait_dma2 semaphore(%arg18 : memref<!tpu.dma_semaphore, #tpu.memory_space<semaphore_mem>>) src(%dma_wait3A_329 : memref<128xi32, #tpu.memory_space<hbm>>) dst(%arg9 : memref<128xi32, #tpu.memory_space<vmem>>)
          %dma_start3A_330 = arith.constant 0 : i32
          %dma_start3A_331 = arith.constant 0 : i32
          %dma_start3A_332 = tpu.memref_slice %arg4[%dma_start3A_330, %dma_start3A_331] : memref<10000x144xf32, #tpu.memory_space<hbm>> -> memref<10000x144xf32, #tpu.memory_space<hbm>>
          tpu.enqueue_indirect_dma source(%dma_start3A_332 : memref<10000x144xf32, #tpu.memory_space<hbm>>) target(%arg16 : memref<128x144xf32, #tpu.memory_space<vmem>>) offsets(%arg8 : memref<128xi32, #tpu.memory_space<vmem>>) semaphore(%arg22 : memref<!tpu.dma_semaphore, #tpu.memory_space<semaphore_mem>>)
          %add3A_333 = arith.constant 3 : i32
          %add3A_334 = arith.addi %while3A_219, %add3A_333 : i32
          %lt3A_335 = arith.cmpi slt, %add3A_334, %add3A_4 : i32
          %convert_element_type3A_336 = arith.extui %lt3A_335 : i1 to i32
          %cond3A_337 = arith.constant 0 : i32
          %cond3A_338 = arith.cmpi ne, %convert_element_type3A_336, %cond3A_337 : i32
          scf.if %cond3A_338 {
            %add3A_339 = arith.constant 3 : i32
            %add3A_340 = arith.addi %while3A_219, %add3A_339 : i32
            %mul3A_341 = arith.constant 32 : i32
            %mul3A_342 = arith.muli %mul3A_341, %add3A_340 : i32
            %add3A_343 = arith.addi %add3A, %mul3A_342 : i32
            %mul3A_344 = arith.constant 128 : i32
            %mul3A_345 = arith.muli %add3A_343, %mul3A_344 : i32
            %multiple_of3A_346 = tpu.assume_multiple %mul3A_345, 8 : i32
            %dma_start3A_347 = tpu.memref_slice %arg2[%multiple_of3A_346] : memref<320000xi32, #tpu.memory_space<hbm>> -> memref<128xi32, #tpu.memory_space<hbm>>
            %dma_start3A_348 = tpu.memref_slice %arg2[%multiple_of3A_346] : memref<320000xi32, #tpu.memory_space<hbm>> -> memref<128xi32, #tpu.memory_space<hbm>>
            tpu.enqueue_dma source(%dma_start3A_348 : memref<128xi32, #tpu.memory_space<hbm>>) target(%arg12 : memref<128xi32, #tpu.memory_space<vmem>>) target_semaphore(%arg20 : memref<!tpu.dma_semaphore, #tpu.memory_space<semaphore_mem>>)
            %dma_start3A_349 = tpu.memref_slice %arg3[%multiple_of3A_346] : memref<320000xi32, #tpu.memory_space<hbm>> -> memref<128xi32, #tpu.memory_space<hbm>>
            %dma_start3A_350 = tpu.memref_slice %arg3[%multiple_of3A_346] : memref<320000xi32, #tpu.memory_space<hbm>> -> memref<128xi32, #tpu.memory_space<hbm>>
            tpu.enqueue_dma source(%dma_start3A_350 : memref<128xi32, #tpu.memory_space<hbm>>) target(%arg13 : memref<128xi32, #tpu.memory_space<vmem>>) target_semaphore(%arg20 : memref<!tpu.dma_semaphore, #tpu.memory_space<semaphore_mem>>)
          } else {
          }
        } else {
        }
      } else {
      }
      %while3A_305 = arith.constant 0 : i32
      scf.yield %while3A_305 : i32
    }
    %sub3A = arith.constant 1 : i32
    %sub3A_71 = arith.subi %add3A_4, %sub3A : i32
    %jit3A_72 = arith.constant 4 : i32
    %eq3A = arith.constant 0 : i32
    %eq3A_73 = arith.cmpi eq, %jit3A_72, %eq3A : i32
    %jit3A_74 = arith.constant 1 : i32
    %select_n3A_75 = arith.select %eq3A_73, %jit3A_74, %jit3A_72 : i32
    %rem3A = arith.remsi %sub3A_71, %select_n3A_75 : i32
    %ne3A = arith.constant 0 : i32
    %ne3A_76 = arith.cmpi ne, %rem3A, %ne3A : i32
    %lt3A_77 = arith.constant 0 : i32
    %lt3A_78 = arith.cmpi slt, %rem3A, %lt3A_77 : i32
    %lt3A_79 = arith.constant 0 : i32
    %lt3A_80 = arith.cmpi slt, %select_n3A_75, %lt3A_79 : i32
    %ne3A_81 = arith.xori %lt3A_78, %lt3A_80 : i1
    %and3A = arith.andi %ne3A_81, %ne3A_76 : i1
    %add3A_82 = arith.addi %rem3A, %select_n3A_75 : i32
    %select_n3A_83 = arith.select %and3A, %add3A_82, %rem3A : i32
    %eq3A_84 = arith.constant 0 : i32
    %eq3A_85 = arith.cmpi eq, %select_n3A_83, %eq3A_84 : i32
    %convert_element_type3A_86 = arith.extui %eq3A_85 : i1 to i32
    %cond3A_87 = arith.constant 0 : i32
    %cond3A_88 = arith.cmpi ne, %convert_element_type3A_86, %cond3A_87 : i32
    scf.if %cond3A_88 {
      %dma_wait3A_219 = arith.constant 0 : i32
      %dma_wait3A_220 = arith.constant 0 : i32
      %dma_wait3A_221 = tpu.memref_slice %arg7[%dma_wait3A_219, %dma_wait3A_220] : memref<10240x144xf32, #tpu.memory_space<vmem_shared>> -> memref<10240x144xf32, #tpu.memory_space<vmem_shared>>
      tpu.wait_indirect_dma semaphore(%arg24 : memref<!tpu.dma_semaphore, #tpu.memory_space<semaphore_mem>>) src(%arg16 : memref<128x144xf32, #tpu.memory_space<vmem>>) dst(%dma_wait3A_221 : memref<10240x144xf32, #tpu.memory_space<vmem_shared>>)
    } else {
    }
    %sub3A_89 = arith.constant 1 : i32
    %sub3A_90 = arith.subi %add3A_4, %sub3A_89 : i32
    %jit3A_91 = arith.constant 4 : i32
    %eq3A_92 = arith.constant 0 : i32
    %eq3A_93 = arith.cmpi eq, %jit3A_91, %eq3A_92 : i32
    %jit3A_94 = arith.constant 1 : i32
    %select_n3A_95 = arith.select %eq3A_93, %jit3A_94, %jit3A_91 : i32
    %rem3A_96 = arith.remsi %sub3A_90, %select_n3A_95 : i32
    %ne3A_97 = arith.constant 0 : i32
    %ne3A_98 = arith.cmpi ne, %rem3A_96, %ne3A_97 : i32
    %lt3A_99 = arith.constant 0 : i32
    %lt3A_100 = arith.cmpi slt, %rem3A_96, %lt3A_99 : i32
    %lt3A_101 = arith.constant 0 : i32
    %lt3A_102 = arith.cmpi slt, %select_n3A_95, %lt3A_101 : i32
    %ne3A_103 = arith.xori %lt3A_100, %lt3A_102 : i1
    %and3A_104 = arith.andi %ne3A_103, %ne3A_98 : i1
    %add3A_105 = arith.addi %rem3A_96, %select_n3A_95 : i32
    %select_n3A_106 = arith.select %and3A_104, %add3A_105, %rem3A_96 : i32
    %eq3A_107 = arith.constant 1 : i32
    %eq3A_108 = arith.cmpi eq, %select_n3A_106, %eq3A_107 : i32
    %convert_element_type3A_109 = arith.extui %eq3A_108 : i1 to i32
    %cond3A_110 = arith.constant 0 : i32
    %cond3A_111 = arith.cmpi ne, %convert_element_type3A_109, %cond3A_110 : i32
    scf.if %cond3A_111 {
      %dma_wait3A_219 = arith.constant 0 : i32
      %dma_wait3A_220 = arith.constant 0 : i32
      %dma_wait3A_221 = tpu.memref_slice %arg7[%dma_wait3A_219, %dma_wait3A_220] : memref<10240x144xf32, #tpu.memory_space<vmem_shared>> -> memref<10240x144xf32, #tpu.memory_space<vmem_shared>>
      tpu.wait_indirect_dma semaphore(%arg25 : memref<!tpu.dma_semaphore, #tpu.memory_space<semaphore_mem>>) src(%arg17 : memref<128x144xf32, #tpu.memory_space<vmem>>) dst(%dma_wait3A_221 : memref<10240x144xf32, #tpu.memory_space<vmem_shared>>)
    } else {
    }
    %sub3A_112 = arith.constant 1 : i32
    %sub3A_113 = arith.subi %add3A_4, %sub3A_112 : i32
    %jit3A_114 = arith.constant 4 : i32
    %eq3A_115 = arith.constant 0 : i32
    %eq3A_116 = arith.cmpi eq, %jit3A_114, %eq3A_115 : i32
    %jit3A_117 = arith.constant 1 : i32
    %select_n3A_118 = arith.select %eq3A_116, %jit3A_117, %jit3A_114 : i32
    %rem3A_119 = arith.remsi %sub3A_113, %select_n3A_118 : i32
    %ne3A_120 = arith.constant 0 : i32
    %ne3A_121 = arith.cmpi ne, %rem3A_119, %ne3A_120 : i32
    %lt3A_122 = arith.constant 0 : i32
    %lt3A_123 = arith.cmpi slt, %rem3A_119, %lt3A_122 : i32
    %lt3A_124 = arith.constant 0 : i32
    %lt3A_125 = arith.cmpi slt, %select_n3A_118, %lt3A_124 : i32
    %ne3A_126 = arith.xori %lt3A_123, %lt3A_125 : i1
    %and3A_127 = arith.andi %ne3A_126, %ne3A_121 : i1
    %add3A_128 = arith.addi %rem3A_119, %select_n3A_118 : i32
    %select_n3A_129 = arith.select %and3A_127, %add3A_128, %rem3A_119 : i32
    %eq3A_130 = arith.constant 2 : i32
    %eq3A_131 = arith.cmpi eq, %select_n3A_129, %eq3A_130 : i32
    %convert_element_type3A_132 = arith.extui %eq3A_131 : i1 to i32
    %cond3A_133 = arith.constant 0 : i32
    %cond3A_134 = arith.cmpi ne, %convert_element_type3A_132, %cond3A_133 : i32
    scf.if %cond3A_134 {
      %dma_wait3A_219 = arith.constant 0 : i32
      %dma_wait3A_220 = arith.constant 0 : i32
      %dma_wait3A_221 = tpu.memref_slice %arg7[%dma_wait3A_219, %dma_wait3A_220] : memref<10240x144xf32, #tpu.memory_space<vmem_shared>> -> memref<10240x144xf32, #tpu.memory_space<vmem_shared>>
      tpu.wait_indirect_dma semaphore(%arg24 : memref<!tpu.dma_semaphore, #tpu.memory_space<semaphore_mem>>) src(%arg16 : memref<128x144xf32, #tpu.memory_space<vmem>>) dst(%dma_wait3A_221 : memref<10240x144xf32, #tpu.memory_space<vmem_shared>>)
    } else {
    }
    %sub3A_135 = arith.constant 1 : i32
    %sub3A_136 = arith.subi %add3A_4, %sub3A_135 : i32
    %jit3A_137 = arith.constant 4 : i32
    %eq3A_138 = arith.constant 0 : i32
    %eq3A_139 = arith.cmpi eq, %jit3A_137, %eq3A_138 : i32
    %jit3A_140 = arith.constant 1 : i32
    %select_n3A_141 = arith.select %eq3A_139, %jit3A_140, %jit3A_137 : i32
    %rem3A_142 = arith.remsi %sub3A_136, %select_n3A_141 : i32
    %ne3A_143 = arith.constant 0 : i32
    %ne3A_144 = arith.cmpi ne, %rem3A_142, %ne3A_143 : i32
    %lt3A_145 = arith.constant 0 : i32
    %lt3A_146 = arith.cmpi slt, %rem3A_142, %lt3A_145 : i32
    %lt3A_147 = arith.constant 0 : i32
    %lt3A_148 = arith.cmpi slt, %select_n3A_141, %lt3A_147 : i32
    %ne3A_149 = arith.xori %lt3A_146, %lt3A_148 : i1
    %and3A_150 = arith.andi %ne3A_149, %ne3A_144 : i1
    %add3A_151 = arith.addi %rem3A_142, %select_n3A_141 : i32
    %select_n3A_152 = arith.select %and3A_150, %add3A_151, %rem3A_142 : i32
    %eq3A_153 = arith.constant 3 : i32
    %eq3A_154 = arith.cmpi eq, %select_n3A_152, %eq3A_153 : i32
    %convert_element_type3A_155 = arith.extui %eq3A_154 : i1 to i32
    %cond3A_156 = arith.constant 0 : i32
    %cond3A_157 = arith.cmpi ne, %convert_element_type3A_155, %cond3A_156 : i32
    scf.if %cond3A_157 {
      %dma_wait3A_219 = arith.constant 0 : i32
      %dma_wait3A_220 = arith.constant 0 : i32
      %dma_wait3A_221 = tpu.memref_slice %arg7[%dma_wait3A_219, %dma_wait3A_220] : memref<10240x144xf32, #tpu.memory_space<vmem_shared>> -> memref<10240x144xf32, #tpu.memory_space<vmem_shared>>
      tpu.wait_indirect_dma semaphore(%arg25 : memref<!tpu.dma_semaphore, #tpu.memory_space<semaphore_mem>>) src(%arg17 : memref<128x144xf32, #tpu.memory_space<vmem>>) dst(%dma_wait3A_221 : memref<10240x144xf32, #tpu.memory_space<vmem_shared>>)
    } else {
    }
    %barrier3A_158 = arith.constant 0 : index
    tpu.barrier barrier_id(%barrier3A_158)
    %mul3A_159 = arith.constant 640 : i32
    %mul3A_160 = arith.muli %arg1, %mul3A_159 : i32
    %add3A_161 = arith.constant 0 : i32
    %add3A_162 = arith.addi %mul3A_160, %add3A_161 : i32
    %multiple_of3A_163 = tpu.assume_multiple %add3A_162, 128 : i32
    "tpu.region"() ({
      %run_scoped3A = tpu.sem_alloc : memref<!tpu.dma_semaphore, #tpu.memory_space<semaphore_mem>>
      %dma_start3A_219 = arith.constant 0 : i32
      %dma_start3A_220 = tpu.memref_slice %arg7[%multiple_of3A_163, %dma_start3A_219] : memref<10240x144xf32, #tpu.memory_space<vmem_shared>> -> memref<128x144xf32, #tpu.memory_space<vmem_shared>>
      %dma_start3A_221 = arith.constant 0 : i32
      %dma_start3A_222 = tpu.memref_slice %arg7[%multiple_of3A_163, %dma_start3A_221] : memref<10240x144xf32, #tpu.memory_space<vmem_shared>> -> memref<128x144xf32, #tpu.memory_space<vmem_shared>>
      tpu.enqueue_dma source(%dma_start3A_222 : memref<128x144xf32, #tpu.memory_space<vmem_shared>>) target(%arg16 : memref<128x144xf32, #tpu.memory_space<vmem>>) target_semaphore(%run_scoped3A : memref<!tpu.dma_semaphore, #tpu.memory_space<semaphore_mem>>)
      %dma_wait3A_223 = arith.constant 0 : i32
      %dma_wait3A_224 = tpu.memref_slice %arg7[%multiple_of3A_163, %dma_wait3A_223] : memref<10240x144xf32, #tpu.memory_space<vmem_shared>> -> memref<128x144xf32, #tpu.memory_space<vmem_shared>>
      %dma_wait3A_225 = arith.constant 0 : i32
      %dma_wait3A_226 = tpu.memref_slice %arg7[%multiple_of3A_163, %dma_wait3A_225] : memref<10240x144xf32, #tpu.memory_space<vmem_shared>> -> memref<128x144xf32, #tpu.memory_space<vmem_shared>>
      tpu.wait_dma2 semaphore(%run_scoped3A : memref<!tpu.dma_semaphore, #tpu.memory_space<semaphore_mem>>) src(%dma_wait3A_226 : memref<128x144xf32, #tpu.memory_space<vmem_shared>>) dst(%arg16 : memref<128x144xf32, #tpu.memory_space<vmem>>)
      tpu.yield
    }) : () -> ()
    %scan3A_164 = arith.constant 0 : i32
    %scan3A_165 = arith.constant 0 : i32
    %scan3A_166 = arith.constant 128 : i32
    %scan3A_167 = arith.addi %scan3A_165, %scan3A_166 : i32
    %scan3A_168 = arith.constant 1 : i32
    %scan3A_169 = scf.for %scan3A_219 = %scan3A_165 to %scan3A_167 step %scan3A_168 iter_args(%scan3A_220 = %scan3A_164) -> (i32)  : i32 {
      %get3A = arith.index_cast %scan3A_219 : i32 to index
      %get3A_221 = arith.constant 128 : index
      %get3A_222 = tpu.vector_load %arg16[%get3A, %get3A_221] {strides = array<i32>} : memref<128x144xf32, #tpu.memory_space<vmem>>, vector<1x16xf32>,
      %get3A_223 = vector.shape_cast %get3A_222 : vector<1x16xf32> to vector<16xf32>
      %slice3A = vector.extract_strided_slice %get3A_223 {offsets = [0], sizes = [1], strides = [1]} : vector<16xf32> to vector<1xf32>
      %squeeze3A = vector.extract %slice3A[0] : f32 from vector<1xf32>
      %broadcast_in_dim3A = vector.broadcast %squeeze3A : f32 to vector<16xf32>
      %swap3A = arith.index_cast %scan3A_219 : i32 to index
      %swap3A_224 = arith.constant 128 : index
      %swap3A_225 = tpu.vector_load %arg16[%swap3A, %swap3A_224] {strides = array<i32>} : memref<128x144xf32, #tpu.memory_space<vmem>>, vector<1x16xf32>,
      %swap3A_226 = vector.shape_cast %swap3A_225 : vector<1x16xf32> to vector<16xf32>
      %swap3A_227 = vector.shape_cast %broadcast_in_dim3A : vector<16xf32> to vector<1x16xf32>
      tpu.vector_store %arg16[%swap3A, %swap3A_224], %swap3A_227 {strides = array<i32>} : memref<128x144xf32, #tpu.memory_space<vmem>>, vector<1x16xf32>,
      %scan3A_228 = arith.constant 0 : i32
      scf.yield %scan3A_228 : i32
    }
    %scan3A_170 = arith.constant 128 : i32
    "tpu.region"() ({
      %run_scoped3A = tpu.sem_alloc : memref<!tpu.dma_semaphore, #tpu.memory_space<semaphore_mem>>
      %dma_start3A_219 = arith.constant 0 : i32
      %dma_start3A_220 = arith.constant 0 : i32
      %dma_start3A_221 = tpu.memref_slice %arg16[%dma_start3A_219, %dma_start3A_220] : memref<128x144xf32, #tpu.memory_space<vmem>> -> memref<128x128xf32, #tpu.memory_space<vmem>>
      %dma_start3A_222 = arith.constant 0 : i32
      %dma_start3A_223 = tpu.memref_slice %arg5[%arg0, %multiple_of3A_163, %dma_start3A_222] : memref<2x10240x128xf32, #tpu.memory_space<hbm>> -> memref<1x128x128xf32, #tpu.memory_space<hbm>>
      %dma_start3A_224 = tpu.memref_squeeze %dma_start3A_223 : memref<1x128x128xf32, #tpu.memory_space<hbm>> -> memref<128x128xf32, #tpu.memory_space<hbm>>
      %dma_start3A_225 = arith.constant 0 : i32
      %dma_start3A_226 = tpu.memref_slice %arg5[%arg0, %multiple_of3A_163, %dma_start3A_225] : memref<2x10240x128xf32, #tpu.memory_space<hbm>> -> memref<1x128x128xf32, #tpu.memory_space<hbm>>
      %dma_start3A_227 = tpu.memref_squeeze %dma_start3A_226 : memref<1x128x128xf32, #tpu.memory_space<hbm>> -> memref<128x128xf32, #tpu.memory_space<hbm>>
      %dma_start3A_228 = arith.constant 0 : i32
      %dma_start3A_229 = arith.constant 0 : i32
      %dma_start3A_230 = tpu.memref_slice %arg16[%dma_start3A_228, %dma_start3A_229] : memref<128x144xf32, #tpu.memory_space<vmem>> -> memref<128x128xf32, #tpu.memory_space<vmem>>
      tpu.enqueue_dma source(%dma_start3A_230 : memref<128x128xf32, #tpu.memory_space<vmem>>) target(%dma_start3A_227 : memref<128x128xf32, #tpu.memory_space<hbm>>) target_semaphore(%run_scoped3A : memref<!tpu.dma_semaphore, #tpu.memory_space<semaphore_mem>>)
      %dma_wait3A_231 = arith.constant 0 : i32
      %dma_wait3A_232 = arith.constant 0 : i32
      %dma_wait3A_233 = tpu.memref_slice %arg16[%dma_wait3A_231, %dma_wait3A_232] : memref<128x144xf32, #tpu.memory_space<vmem>> -> memref<128x128xf32, #tpu.memory_space<vmem>>
      %dma_wait3A_234 = arith.constant 0 : i32
      %dma_wait3A_235 = tpu.memref_slice %arg5[%arg0, %multiple_of3A_163, %dma_wait3A_234] : memref<2x10240x128xf32, #tpu.memory_space<hbm>> -> memref<1x128x128xf32, #tpu.memory_space<hbm>>
      %dma_wait3A_236 = tpu.memref_squeeze %dma_wait3A_235 : memref<1x128x128xf32, #tpu.memory_space<hbm>> -> memref<128x128xf32, #tpu.memory_space<hbm>>
      %dma_wait3A_237 = arith.constant 0 : i32
      %dma_wait3A_238 = tpu.memref_slice %arg5[%arg0, %multiple_of3A_163, %dma_wait3A_237] : memref<2x10240x128xf32, #tpu.memory_space<hbm>> -> memref<1x128x128xf32, #tpu.memory_space<hbm>>
      %dma_wait3A_239 = tpu.memref_squeeze %dma_wait3A_238 : memref<1x128x128xf32, #tpu.memory_space<hbm>> -> memref<128x128xf32, #tpu.memory_space<hbm>>
      %dma_wait3A_240 = arith.constant 0 : i32
      %dma_wait3A_241 = arith.constant 0 : i32
      %dma_wait3A_242 = tpu.memref_slice %arg16[%dma_wait3A_240, %dma_wait3A_241] : memref<128x144xf32, #tpu.memory_space<vmem>> -> memref<128x128xf32, #tpu.memory_space<vmem>>
      tpu.wait_dma2 semaphore(%run_scoped3A : memref<!tpu.dma_semaphore, #tpu.memory_space<semaphore_mem>>) src(%dma_wait3A_242 : memref<128x128xf32, #tpu.memory_space<vmem>>) dst(%dma_wait3A_239 : memref<128x128xf32, #tpu.memory_space<hbm>>)
      tpu.yield
    }) : () -> ()
    "tpu.region"() ({
      %run_scoped3A = tpu.sem_alloc : memref<!tpu.dma_semaphore, #tpu.memory_space<semaphore_mem>>
      %dma_start3A_219 = arith.constant 0 : i32
      %dma_start3A_220 = arith.constant 128 : i32
      %dma_start3A_221 = tpu.memref_slice %arg16[%dma_start3A_219, %dma_start3A_220] : memref<128x144xf32, #tpu.memory_space<vmem>> -> memref<128x16xf32, #tpu.memory_space<vmem>>
      %dma_start3A_222 = arith.constant 0 : i32
      %dma_start3A_223 = tpu.memref_slice %arg6[%arg0, %multiple_of3A_163, %dma_start3A_222] : memref<2x10240x16xf32, #tpu.memory_space<hbm>> -> memref<1x128x16xf32, #tpu.memory_space<hbm>>
      %dma_start3A_224 = tpu.memref_squeeze %dma_start3A_223 : memref<1x128x16xf32, #tpu.memory_space<hbm>> -> memref<128x16xf32, #tpu.memory_space<hbm>>
      %dma_start3A_225 = arith.constant 0 : i32
      %dma_start3A_226 = tpu.memref_slice %arg6[%arg0, %multiple_of3A_163, %dma_start3A_225] : memref<2x10240x16xf32, #tpu.memory_space<hbm>> -> memref<1x128x16xf32, #tpu.memory_space<hbm>>
      %dma_start3A_227 = tpu.memref_squeeze %dma_start3A_226 : memref<1x128x16xf32, #tpu.memory_space<hbm>> -> memref<128x16xf32, #tpu.memory_space<hbm>>
      %dma_start3A_228 = arith.constant 0 : i32
      %dma_start3A_229 = arith.constant 128 : i32
      %dma_start3A_230 = tpu.memref_slice %arg16[%dma_start3A_228, %dma_start3A_229] : memref<128x144xf32, #tpu.memory_space<vmem>> -> memref<128x16xf32, #tpu.memory_space<vmem>>
      tpu.enqueue_dma source(%dma_start3A_230 : memref<128x16xf32, #tpu.memory_space<vmem>>) target(%dma_start3A_227 : memref<128x16xf32, #tpu.memory_space<hbm>>) target_semaphore(%run_scoped3A : memref<!tpu.dma_semaphore, #tpu.memory_space<semaphore_mem>>)
      %dma_wait3A_231 = arith.constant 0 : i32
      %dma_wait3A_232 = arith.constant 128 : i32
      %dma_wait3A_233 = tpu.memref_slice %arg16[%dma_wait3A_231, %dma_wait3A_232] : memref<128x144xf32, #tpu.memory_space<vmem>> -> memref<128x16xf32, #tpu.memory_space<vmem>>
      %dma_wait3A_234 = arith.constant 0 : i32
      %dma_wait3A_235 = tpu.memref_slice %arg6[%arg0, %multiple_of3A_163, %dma_wait3A_234] : memref<2x10240x16xf32, #tpu.memory_space<hbm>> -> memref<1x128x16xf32, #tpu.memory_space<hbm>>
      %dma_wait3A_236 = tpu.memref_squeeze %dma_wait3A_235 : memref<1x128x16xf32, #tpu.memory_space<hbm>> -> memref<128x16xf32, #tpu.memory_space<hbm>>
      %dma_wait3A_237 = arith.constant 0 : i32
      %dma_wait3A_238 = tpu.memref_slice %arg6[%arg0, %multiple_of3A_163, %dma_wait3A_237] : memref<2x10240x16xf32, #tpu.memory_space<hbm>> -> memref<1x128x16xf32, #tpu.memory_space<hbm>>
      %dma_wait3A_239 = tpu.memref_squeeze %dma_wait3A_238 : memref<1x128x16xf32, #tpu.memory_space<hbm>> -> memref<128x16xf32, #tpu.memory_space<hbm>>
      %dma_wait3A_240 = arith.constant 0 : i32
      %dma_wait3A_241 = arith.constant 128 : i32
      %dma_wait3A_242 = tpu.memref_slice %arg16[%dma_wait3A_240, %dma_wait3A_241] : memref<128x144xf32, #tpu.memory_space<vmem>> -> memref<128x16xf32, #tpu.memory_space<vmem>>
      tpu.wait_dma2 semaphore(%run_scoped3A : memref<!tpu.dma_semaphore, #tpu.memory_space<semaphore_mem>>) src(%dma_wait3A_242 : memref<128x16xf32, #tpu.memory_space<vmem>>) dst(%dma_wait3A_239 : memref<128x16xf32, #tpu.memory_space<hbm>>)
      tpu.yield
    }) : () -> ()
    %mul3A_171 = arith.constant 640 : i32
    %mul3A_172 = arith.muli %arg1, %mul3A_171 : i32
    %add3A_173 = arith.constant 128 : i32
    %add3A_174 = arith.addi %mul3A_172, %add3A_173 : i32
    %multiple_of3A_175 = tpu.assume_multiple %add3A_174, 128 : i32
    "tpu.region"() ({
      %run_scoped3A = tpu.sem_alloc : memref<!tpu.dma_semaphore, #tpu.memory_space<semaphore_mem>>
      %dma_start3A_219 = arith.constant 0 : i32
      %dma_start3A_220 = tpu.memref_slice %arg7[%multiple_of3A_175, %dma_start3A_219] : memref<10240x144xf32, #tpu.memory_space<vmem_shared>> -> memref<128x144xf32, #tpu.memory_space<vmem_shared>>
      %dma_start3A_221 = arith.constant 0 : i32
      %dma_start3A_222 = tpu.memref_slice %arg7[%multiple_of3A_175, %dma_start3A_221] : memref<10240x144xf32, #tpu.memory_space<vmem_shared>> -> memref<128x144xf32, #tpu.memory_space<vmem_shared>>
      tpu.enqueue_dma source(%dma_start3A_222 : memref<128x144xf32, #tpu.memory_space<vmem_shared>>) target(%arg16 : memref<128x144xf32, #tpu.memory_space<vmem>>) target_semaphore(%run_scoped3A : memref<!tpu.dma_semaphore, #tpu.memory_space<semaphore_mem>>)
      %dma_wait3A_223 = arith.constant 0 : i32
      %dma_wait3A_224 = tpu.memref_slice %arg7[%multiple_of3A_175, %dma_wait3A_223] : memref<10240x144xf32, #tpu.memory_space<vmem_shared>> -> memref<128x144xf32, #tpu.memory_space<vmem_shared>>
      %dma_wait3A_225 = arith.constant 0 : i32
      %dma_wait3A_226 = tpu.memref_slice %arg7[%multiple_of3A_175, %dma_wait3A_225] : memref<10240x144xf32, #tpu.memory_space<vmem_shared>> -> memref<128x144xf32, #tpu.memory_space<vmem_shared>>
      tpu.wait_dma2 semaphore(%run_scoped3A : memref<!tpu.dma_semaphore, #tpu.memory_space<semaphore_mem>>) src(%dma_wait3A_226 : memref<128x144xf32, #tpu.memory_space<vmem_shared>>) dst(%arg16 : memref<128x144xf32, #tpu.memory_space<vmem>>)
      tpu.yield
    }) : () -> ()
    %scan3A_176 = arith.constant 0 : i32
    %scan3A_177 = arith.constant 0 : i32
    %scan3A_178 = arith.constant 128 : i32
    %scan3A_179 = arith.addi %scan3A_177, %scan3A_178 : i32
    %scan3A_180 = arith.constant 1 : i32
    %scan3A_181 = scf.for %scan3A_219 = %scan3A_177 to %scan3A_179 step %scan3A_180 iter_args(%scan3A_220 = %scan3A_176) -> (i32)  : i32 {
      %get3A = arith.index_cast %scan3A_219 : i32 to index
      %get3A_221 = arith.constant 128 : index
      %get3A_222 = tpu.vector_load %arg16[%get3A, %get3A_221] {strides = array<i32>} : memref<128x144xf32, #tpu.memory_space<vmem>>, vector<1x16xf32>,
      %get3A_223 = vector.shape_cast %get3A_222 : vector<1x16xf32> to vector<16xf32>
      %slice3A = vector.extract_strided_slice %get3A_223 {offsets = [0], sizes = [1], strides = [1]} : vector<16xf32> to vector<1xf32>
      %squeeze3A = vector.extract %slice3A[0] : f32 from vector<1xf32>
      %broadcast_in_dim3A = vector.broadcast %squeeze3A : f32 to vector<16xf32>
      %swap3A = arith.index_cast %scan3A_219 : i32 to index
      %swap3A_224 = arith.constant 128 : index
      %swap3A_225 = tpu.vector_load %arg16[%swap3A, %swap3A_224] {strides = array<i32>} : memref<128x144xf32, #tpu.memory_space<vmem>>, vector<1x16xf32>,
      %swap3A_226 = vector.shape_cast %swap3A_225 : vector<1x16xf32> to vector<16xf32>
      %swap3A_227 = vector.shape_cast %broadcast_in_dim3A : vector<16xf32> to vector<1x16xf32>
      tpu.vector_store %arg16[%swap3A, %swap3A_224], %swap3A_227 {strides = array<i32>} : memref<128x144xf32, #tpu.memory_space<vmem>>, vector<1x16xf32>,
      %scan3A_228 = arith.constant 0 : i32
      scf.yield %scan3A_228 : i32
    }
    %scan3A_182 = arith.constant 128 : i32
    "tpu.region"() ({
      %run_scoped3A = tpu.sem_alloc : memref<!tpu.dma_semaphore, #tpu.memory_space<semaphore_mem>>
      %dma_start3A_219 = arith.constant 0 : i32
      %dma_start3A_220 = arith.constant 0 : i32
      %dma_start3A_221 = tpu.memref_slice %arg16[%dma_start3A_219, %dma_start3A_220] : memref<128x144xf32, #tpu.memory_space<vmem>> -> memref<128x128xf32, #tpu.memory_space<vmem>>
      %dma_start3A_222 = arith.constant 0 : i32
      %dma_start3A_223 = tpu.memref_slice %arg5[%arg0, %multiple_of3A_175, %dma_start3A_222] : memref<2x10240x128xf32, #tpu.memory_space<hbm>> -> memref<1x128x128xf32, #tpu.memory_space<hbm>>
      %dma_start3A_224 = tpu.memref_squeeze %dma_start3A_223 : memref<1x128x128xf32, #tpu.memory_space<hbm>> -> memref<128x128xf32, #tpu.memory_space<hbm>>
      %dma_start3A_225 = arith.constant 0 : i32
      %dma_start3A_226 = tpu.memref_slice %arg5[%arg0, %multiple_of3A_175, %dma_start3A_225] : memref<2x10240x128xf32, #tpu.memory_space<hbm>> -> memref<1x128x128xf32, #tpu.memory_space<hbm>>
      %dma_start3A_227 = tpu.memref_squeeze %dma_start3A_226 : memref<1x128x128xf32, #tpu.memory_space<hbm>> -> memref<128x128xf32, #tpu.memory_space<hbm>>
      %dma_start3A_228 = arith.constant 0 : i32
      %dma_start3A_229 = arith.constant 0 : i32
      %dma_start3A_230 = tpu.memref_slice %arg16[%dma_start3A_228, %dma_start3A_229] : memref<128x144xf32, #tpu.memory_space<vmem>> -> memref<128x128xf32, #tpu.memory_space<vmem>>
      tpu.enqueue_dma source(%dma_start3A_230 : memref<128x128xf32, #tpu.memory_space<vmem>>) target(%dma_start3A_227 : memref<128x128xf32, #tpu.memory_space<hbm>>) target_semaphore(%run_scoped3A : memref<!tpu.dma_semaphore, #tpu.memory_space<semaphore_mem>>)
      %dma_wait3A_231 = arith.constant 0 : i32
      %dma_wait3A_232 = arith.constant 0 : i32
      %dma_wait3A_233 = tpu.memref_slice %arg16[%dma_wait3A_231, %dma_wait3A_232] : memref<128x144xf32, #tpu.memory_space<vmem>> -> memref<128x128xf32, #tpu.memory_space<vmem>>
      %dma_wait3A_234 = arith.constant 0 : i32
      %dma_wait3A_235 = tpu.memref_slice %arg5[%arg0, %multiple_of3A_175, %dma_wait3A_234] : memref<2x10240x128xf32, #tpu.memory_space<hbm>> -> memref<1x128x128xf32, #tpu.memory_space<hbm>>
      %dma_wait3A_236 = tpu.memref_squeeze %dma_wait3A_235 : memref<1x128x128xf32, #tpu.memory_space<hbm>> -> memref<128x128xf32, #tpu.memory_space<hbm>>
      %dma_wait3A_237 = arith.constant 0 : i32
      %dma_wait3A_238 = tpu.memref_slice %arg5[%arg0, %multiple_of3A_175, %dma_wait3A_237] : memref<2x10240x128xf32, #tpu.memory_space<hbm>> -> memref<1x128x128xf32, #tpu.memory_space<hbm>>
      %dma_wait3A_239 = tpu.memref_squeeze %dma_wait3A_238 : memref<1x128x128xf32, #tpu.memory_space<hbm>> -> memref<128x128xf32, #tpu.memory_space<hbm>>
      %dma_wait3A_240 = arith.constant 0 : i32
      %dma_wait3A_241 = arith.constant 0 : i32
      %dma_wait3A_242 = tpu.memref_slice %arg16[%dma_wait3A_240, %dma_wait3A_241] : memref<128x144xf32, #tpu.memory_space<vmem>> -> memref<128x128xf32, #tpu.memory_space<vmem>>
      tpu.wait_dma2 semaphore(%run_scoped3A : memref<!tpu.dma_semaphore, #tpu.memory_space<semaphore_mem>>) src(%dma_wait3A_242 : memref<128x128xf32, #tpu.memory_space<vmem>>) dst(%dma_wait3A_239 : memref<128x128xf32, #tpu.memory_space<hbm>>)
      tpu.yield
    }) : () -> ()
    "tpu.region"() ({
      %run_scoped3A = tpu.sem_alloc : memref<!tpu.dma_semaphore, #tpu.memory_space<semaphore_mem>>
      %dma_start3A_219 = arith.constant 0 : i32
      %dma_start3A_220 = arith.constant 128 : i32
      %dma_start3A_221 = tpu.memref_slice %arg16[%dma_start3A_219, %dma_start3A_220] : memref<128x144xf32, #tpu.memory_space<vmem>> -> memref<128x16xf32, #tpu.memory_space<vmem>>
      %dma_start3A_222 = arith.constant 0 : i32
      %dma_start3A_223 = tpu.memref_slice %arg6[%arg0, %multiple_of3A_175, %dma_start3A_222] : memref<2x10240x16xf32, #tpu.memory_space<hbm>> -> memref<1x128x16xf32, #tpu.memory_space<hbm>>
      %dma_start3A_224 = tpu.memref_squeeze %dma_start3A_223 : memref<1x128x16xf32, #tpu.memory_space<hbm>> -> memref<128x16xf32, #tpu.memory_space<hbm>>
      %dma_start3A_225 = arith.constant 0 : i32
      %dma_start3A_226 = tpu.memref_slice %arg6[%arg0, %multiple_of3A_175, %dma_start3A_225] : memref<2x10240x16xf32, #tpu.memory_space<hbm>> -> memref<1x128x16xf32, #tpu.memory_space<hbm>>
      %dma_start3A_227 = tpu.memref_squeeze %dma_start3A_226 : memref<1x128x16xf32, #tpu.memory_space<hbm>> -> memref<128x16xf32, #tpu.memory_space<hbm>>
      %dma_start3A_228 = arith.constant 0 : i32
      %dma_start3A_229 = arith.constant 128 : i32
      %dma_start3A_230 = tpu.memref_slice %arg16[%dma_start3A_228, %dma_start3A_229] : memref<128x144xf32, #tpu.memory_space<vmem>> -> memref<128x16xf32, #tpu.memory_space<vmem>>
      tpu.enqueue_dma source(%dma_start3A_230 : memref<128x16xf32, #tpu.memory_space<vmem>>) target(%dma_start3A_227 : memref<128x16xf32, #tpu.memory_space<hbm>>) target_semaphore(%run_scoped3A : memref<!tpu.dma_semaphore, #tpu.memory_space<semaphore_mem>>)
      %dma_wait3A_231 = arith.constant 0 : i32
      %dma_wait3A_232 = arith.constant 128 : i32
      %dma_wait3A_233 = tpu.memref_slice %arg16[%dma_wait3A_231, %dma_wait3A_232] : memref<128x144xf32, #tpu.memory_space<vmem>> -> memref<128x16xf32, #tpu.memory_space<vmem>>
      %dma_wait3A_234 = arith.constant 0 : i32
      %dma_wait3A_235 = tpu.memref_slice %arg6[%arg0, %multiple_of3A_175, %dma_wait3A_234] : memref<2x10240x16xf32, #tpu.memory_space<hbm>> -> memref<1x128x16xf32, #tpu.memory_space<hbm>>
      %dma_wait3A_236 = tpu.memref_squeeze %dma_wait3A_235 : memref<1x128x16xf32, #tpu.memory_space<hbm>> -> memref<128x16xf32, #tpu.memory_space<hbm>>
      %dma_wait3A_237 = arith.constant 0 : i32
      %dma_wait3A_238 = tpu.memref_slice %arg6[%arg0, %multiple_of3A_175, %dma_wait3A_237] : memref<2x10240x16xf32, #tpu.memory_space<hbm>> -> memref<1x128x16xf32, #tpu.memory_space<hbm>>
      %dma_wait3A_239 = tpu.memref_squeeze %dma_wait3A_238 : memref<1x128x16xf32, #tpu.memory_space<hbm>> -> memref<128x16xf32, #tpu.memory_space<hbm>>
      %dma_wait3A_240 = arith.constant 0 : i32
      %dma_wait3A_241 = arith.constant 128 : i32
      %dma_wait3A_242 = tpu.memref_slice %arg16[%dma_wait3A_240, %dma_wait3A_241] : memref<128x144xf32, #tpu.memory_space<vmem>> -> memref<128x16xf32, #tpu.memory_space<vmem>>
      tpu.wait_dma2 semaphore(%run_scoped3A : memref<!tpu.dma_semaphore, #tpu.memory_space<semaphore_mem>>) src(%dma_wait3A_242 : memref<128x16xf32, #tpu.memory_space<vmem>>) dst(%dma_wait3A_239 : memref<128x16xf32, #tpu.memory_space<hbm>>)
      tpu.yield
    }) : () -> ()
    %mul3A_183 = arith.constant 640 : i32
    %mul3A_184 = arith.muli %arg1, %mul3A_183 : i32
    %add3A_185 = arith.constant 256 : i32
    %add3A_186 = arith.addi %mul3A_184, %add3A_185 : i32
    %multiple_of3A_187 = tpu.assume_multiple %add3A_186, 128 : i32
    "tpu.region"() ({
      %run_scoped3A = tpu.sem_alloc : memref<!tpu.dma_semaphore, #tpu.memory_space<semaphore_mem>>
      %dma_start3A_219 = arith.constant 0 : i32
      %dma_start3A_220 = tpu.memref_slice %arg7[%multiple_of3A_187, %dma_start3A_219] : memref<10240x144xf32, #tpu.memory_space<vmem_shared>> -> memref<128x144xf32, #tpu.memory_space<vmem_shared>>
      %dma_start3A_221 = arith.constant 0 : i32
      %dma_start3A_222 = tpu.memref_slice %arg7[%multiple_of3A_187, %dma_start3A_221] : memref<10240x144xf32, #tpu.memory_space<vmem_shared>> -> memref<128x144xf32, #tpu.memory_space<vmem_shared>>
      tpu.enqueue_dma source(%dma_start3A_222 : memref<128x144xf32, #tpu.memory_space<vmem_shared>>) target(%arg16 : memref<128x144xf32, #tpu.memory_space<vmem>>) target_semaphore(%run_scoped3A : memref<!tpu.dma_semaphore, #tpu.memory_space<semaphore_mem>>)
      %dma_wait3A_223 = arith.constant 0 : i32
      %dma_wait3A_224 = tpu.memref_slice %arg7[%multiple_of3A_187, %dma_wait3A_223] : memref<10240x144xf32, #tpu.memory_space<vmem_shared>> -> memref<128x144xf32, #tpu.memory_space<vmem_shared>>
      %dma_wait3A_225 = arith.constant 0 : i32
      %dma_wait3A_226 = tpu.memref_slice %arg7[%multiple_of3A_187, %dma_wait3A_225] : memref<10240x144xf32, #tpu.memory_space<vmem_shared>> -> memref<128x144xf32, #tpu.memory_space<vmem_shared>>
      tpu.wait_dma2 semaphore(%run_scoped3A : memref<!tpu.dma_semaphore, #tpu.memory_space<semaphore_mem>>) src(%dma_wait3A_226 : memref<128x144xf32, #tpu.memory_space<vmem_shared>>) dst(%arg16 : memref<128x144xf32, #tpu.memory_space<vmem>>)
      tpu.yield
    }) : () -> ()
    %scan3A_188 = arith.constant 0 : i32
    %scan3A_189 = arith.constant 0 : i32
    %scan3A_190 = arith.constant 128 : i32
    %scan3A_191 = arith.addi %scan3A_189, %scan3A_190 : i32
    %scan3A_192 = arith.constant 1 : i32
    %scan3A_193 = scf.for %scan3A_219 = %scan3A_189 to %scan3A_191 step %scan3A_192 iter_args(%scan3A_220 = %scan3A_188) -> (i32)  : i32 {
      %get3A = arith.index_cast %scan3A_219 : i32 to index
      %get3A_221 = arith.constant 128 : index
      %get3A_222 = tpu.vector_load %arg16[%get3A, %get3A_221] {strides = array<i32>} : memref<128x144xf32, #tpu.memory_space<vmem>>, vector<1x16xf32>,
      %get3A_223 = vector.shape_cast %get3A_222 : vector<1x16xf32> to vector<16xf32>
      %slice3A = vector.extract_strided_slice %get3A_223 {offsets = [0], sizes = [1], strides = [1]} : vector<16xf32> to vector<1xf32>
      %squeeze3A = vector.extract %slice3A[0] : f32 from vector<1xf32>
      %broadcast_in_dim3A = vector.broadcast %squeeze3A : f32 to vector<16xf32>
      %swap3A = arith.index_cast %scan3A_219 : i32 to index
      %swap3A_224 = arith.constant 128 : index
      %swap3A_225 = tpu.vector_load %arg16[%swap3A, %swap3A_224] {strides = array<i32>} : memref<128x144xf32, #tpu.memory_space<vmem>>, vector<1x16xf32>,
      %swap3A_226 = vector.shape_cast %swap3A_225 : vector<1x16xf32> to vector<16xf32>
      %swap3A_227 = vector.shape_cast %broadcast_in_dim3A : vector<16xf32> to vector<1x16xf32>
      tpu.vector_store %arg16[%swap3A, %swap3A_224], %swap3A_227 {strides = array<i32>} : memref<128x144xf32, #tpu.memory_space<vmem>>, vector<1x16xf32>,
      %scan3A_228 = arith.constant 0 : i32
      scf.yield %scan3A_228 : i32
    }
    %scan3A_194 = arith.constant 128 : i32
    "tpu.region"() ({
      %run_scoped3A = tpu.sem_alloc : memref<!tpu.dma_semaphore, #tpu.memory_space<semaphore_mem>>
      %dma_start3A_219 = arith.constant 0 : i32
      %dma_start3A_220 = arith.constant 0 : i32
      %dma_start3A_221 = tpu.memref_slice %arg16[%dma_start3A_219, %dma_start3A_220] : memref<128x144xf32, #tpu.memory_space<vmem>> -> memref<128x128xf32, #tpu.memory_space<vmem>>
      %dma_start3A_222 = arith.constant 0 : i32
      %dma_start3A_223 = tpu.memref_slice %arg5[%arg0, %multiple_of3A_187, %dma_start3A_222] : memref<2x10240x128xf32, #tpu.memory_space<hbm>> -> memref<1x128x128xf32, #tpu.memory_space<hbm>>
      %dma_start3A_224 = tpu.memref_squeeze %dma_start3A_223 : memref<1x128x128xf32, #tpu.memory_space<hbm>> -> memref<128x128xf32, #tpu.memory_space<hbm>>
      %dma_start3A_225 = arith.constant 0 : i32
      %dma_start3A_226 = tpu.memref_slice %arg5[%arg0, %multiple_of3A_187, %dma_start3A_225] : memref<2x10240x128xf32, #tpu.memory_space<hbm>> -> memref<1x128x128xf32, #tpu.memory_space<hbm>>
      %dma_start3A_227 = tpu.memref_squeeze %dma_start3A_226 : memref<1x128x128xf32, #tpu.memory_space<hbm>> -> memref<128x128xf32, #tpu.memory_space<hbm>>
      %dma_start3A_228 = arith.constant 0 : i32
      %dma_start3A_229 = arith.constant 0 : i32
      %dma_start3A_230 = tpu.memref_slice %arg16[%dma_start3A_228, %dma_start3A_229] : memref<128x144xf32, #tpu.memory_space<vmem>> -> memref<128x128xf32, #tpu.memory_space<vmem>>
      tpu.enqueue_dma source(%dma_start3A_230 : memref<128x128xf32, #tpu.memory_space<vmem>>) target(%dma_start3A_227 : memref<128x128xf32, #tpu.memory_space<hbm>>) target_semaphore(%run_scoped3A : memref<!tpu.dma_semaphore, #tpu.memory_space<semaphore_mem>>)
      %dma_wait3A_231 = arith.constant 0 : i32
      %dma_wait3A_232 = arith.constant 0 : i32
      %dma_wait3A_233 = tpu.memref_slice %arg16[%dma_wait3A_231, %dma_wait3A_232] : memref<128x144xf32, #tpu.memory_space<vmem>> -> memref<128x128xf32, #tpu.memory_space<vmem>>
      %dma_wait3A_234 = arith.constant 0 : i32
      %dma_wait3A_235 = tpu.memref_slice %arg5[%arg0, %multiple_of3A_187, %dma_wait3A_234] : memref<2x10240x128xf32, #tpu.memory_space<hbm>> -> memref<1x128x128xf32, #tpu.memory_space<hbm>>
      %dma_wait3A_236 = tpu.memref_squeeze %dma_wait3A_235 : memref<1x128x128xf32, #tpu.memory_space<hbm>> -> memref<128x128xf32, #tpu.memory_space<hbm>>
      %dma_wait3A_237 = arith.constant 0 : i32
      %dma_wait3A_238 = tpu.memref_slice %arg5[%arg0, %multiple_of3A_187, %dma_wait3A_237] : memref<2x10240x128xf32, #tpu.memory_space<hbm>> -> memref<1x128x128xf32, #tpu.memory_space<hbm>>
      %dma_wait3A_239 = tpu.memref_squeeze %dma_wait3A_238 : memref<1x128x128xf32, #tpu.memory_space<hbm>> -> memref<128x128xf32, #tpu.memory_space<hbm>>
      %dma_wait3A_240 = arith.constant 0 : i32
      %dma_wait3A_241 = arith.constant 0 : i32
      %dma_wait3A_242 = tpu.memref_slice %arg16[%dma_wait3A_240, %dma_wait3A_241] : memref<128x144xf32, #tpu.memory_space<vmem>> -> memref<128x128xf32, #tpu.memory_space<vmem>>
      tpu.wait_dma2 semaphore(%run_scoped3A : memref<!tpu.dma_semaphore, #tpu.memory_space<semaphore_mem>>) src(%dma_wait3A_242 : memref<128x128xf32, #tpu.memory_space<vmem>>) dst(%dma_wait3A_239 : memref<128x128xf32, #tpu.memory_space<hbm>>)
      tpu.yield
    }) : () -> ()
    "tpu.region"() ({
      %run_scoped3A = tpu.sem_alloc : memref<!tpu.dma_semaphore, #tpu.memory_space<semaphore_mem>>
      %dma_start3A_219 = arith.constant 0 : i32
      %dma_start3A_220 = arith.constant 128 : i32
      %dma_start3A_221 = tpu.memref_slice %arg16[%dma_start3A_219, %dma_start3A_220] : memref<128x144xf32, #tpu.memory_space<vmem>> -> memref<128x16xf32, #tpu.memory_space<vmem>>
      %dma_start3A_222 = arith.constant 0 : i32
      %dma_start3A_223 = tpu.memref_slice %arg6[%arg0, %multiple_of3A_187, %dma_start3A_222] : memref<2x10240x16xf32, #tpu.memory_space<hbm>> -> memref<1x128x16xf32, #tpu.memory_space<hbm>>
      %dma_start3A_224 = tpu.memref_squeeze %dma_start3A_223 : memref<1x128x16xf32, #tpu.memory_space<hbm>> -> memref<128x16xf32, #tpu.memory_space<hbm>>
      %dma_start3A_225 = arith.constant 0 : i32
      %dma_start3A_226 = tpu.memref_slice %arg6[%arg0, %multiple_of3A_187, %dma_start3A_225] : memref<2x10240x16xf32, #tpu.memory_space<hbm>> -> memref<1x128x16xf32, #tpu.memory_space<hbm>>
      %dma_start3A_227 = tpu.memref_squeeze %dma_start3A_226 : memref<1x128x16xf32, #tpu.memory_space<hbm>> -> memref<128x16xf32, #tpu.memory_space<hbm>>
      %dma_start3A_228 = arith.constant 0 : i32
      %dma_start3A_229 = arith.constant 128 : i32
      %dma_start3A_230 = tpu.memref_slice %arg16[%dma_start3A_228, %dma_start3A_229] : memref<128x144xf32, #tpu.memory_space<vmem>> -> memref<128x16xf32, #tpu.memory_space<vmem>>
      tpu.enqueue_dma source(%dma_start3A_230 : memref<128x16xf32, #tpu.memory_space<vmem>>) target(%dma_start3A_227 : memref<128x16xf32, #tpu.memory_space<hbm>>) target_semaphore(%run_scoped3A : memref<!tpu.dma_semaphore, #tpu.memory_space<semaphore_mem>>)
      %dma_wait3A_231 = arith.constant 0 : i32
      %dma_wait3A_232 = arith.constant 128 : i32
      %dma_wait3A_233 = tpu.memref_slice %arg16[%dma_wait3A_231, %dma_wait3A_232] : memref<128x144xf32, #tpu.memory_space<vmem>> -> memref<128x16xf32, #tpu.memory_space<vmem>>
      %dma_wait3A_234 = arith.constant 0 : i32
      %dma_wait3A_235 = tpu.memref_slice %arg6[%arg0, %multiple_of3A_187, %dma_wait3A_234] : memref<2x10240x16xf32, #tpu.memory_space<hbm>> -> memref<1x128x16xf32, #tpu.memory_space<hbm>>
      %dma_wait3A_236 = tpu.memref_squeeze %dma_wait3A_235 : memref<1x128x16xf32, #tpu.memory_space<hbm>> -> memref<128x16xf32, #tpu.memory_space<hbm>>
      %dma_wait3A_237 = arith.constant 0 : i32
      %dma_wait3A_238 = tpu.memref_slice %arg6[%arg0, %multiple_of3A_187, %dma_wait3A_237] : memref<2x10240x16xf32, #tpu.memory_space<hbm>> -> memref<1x128x16xf32, #tpu.memory_space<hbm>>
      %dma_wait3A_239 = tpu.memref_squeeze %dma_wait3A_238 : memref<1x128x16xf32, #tpu.memory_space<hbm>> -> memref<128x16xf32, #tpu.memory_space<hbm>>
      %dma_wait3A_240 = arith.constant 0 : i32
      %dma_wait3A_241 = arith.constant 128 : i32
      %dma_wait3A_242 = tpu.memref_slice %arg16[%dma_wait3A_240, %dma_wait3A_241] : memref<128x144xf32, #tpu.memory_space<vmem>> -> memref<128x16xf32, #tpu.memory_space<vmem>>
      tpu.wait_dma2 semaphore(%run_scoped3A : memref<!tpu.dma_semaphore, #tpu.memory_space<semaphore_mem>>) src(%dma_wait3A_242 : memref<128x16xf32, #tpu.memory_space<vmem>>) dst(%dma_wait3A_239 : memref<128x16xf32, #tpu.memory_space<hbm>>)
      tpu.yield
    }) : () -> ()
    %mul3A_195 = arith.constant 640 : i32
    %mul3A_196 = arith.muli %arg1, %mul3A_195 : i32
    %add3A_197 = arith.constant 384 : i32
    %add3A_198 = arith.addi %mul3A_196, %add3A_197 : i32
    %multiple_of3A_199 = tpu.assume_multiple %add3A_198, 128 : i32
    "tpu.region"() ({
      %run_scoped3A = tpu.sem_alloc : memref<!tpu.dma_semaphore, #tpu.memory_space<semaphore_mem>>
      %dma_start3A_219 = arith.constant 0 : i32
      %dma_start3A_220 = tpu.memref_slice %arg7[%multiple_of3A_199, %dma_start3A_219] : memref<10240x144xf32, #tpu.memory_space<vmem_shared>> -> memref<128x144xf32, #tpu.memory_space<vmem_shared>>
      %dma_start3A_221 = arith.constant 0 : i32
      %dma_start3A_222 = tpu.memref_slice %arg7[%multiple_of3A_199, %dma_start3A_221] : memref<10240x144xf32, #tpu.memory_space<vmem_shared>> -> memref<128x144xf32, #tpu.memory_space<vmem_shared>>
      tpu.enqueue_dma source(%dma_start3A_222 : memref<128x144xf32, #tpu.memory_space<vmem_shared>>) target(%arg16 : memref<128x144xf32, #tpu.memory_space<vmem>>) target_semaphore(%run_scoped3A : memref<!tpu.dma_semaphore, #tpu.memory_space<semaphore_mem>>)
      %dma_wait3A_223 = arith.constant 0 : i32
      %dma_wait3A_224 = tpu.memref_slice %arg7[%multiple_of3A_199, %dma_wait3A_223] : memref<10240x144xf32, #tpu.memory_space<vmem_shared>> -> memref<128x144xf32, #tpu.memory_space<vmem_shared>>
      %dma_wait3A_225 = arith.constant 0 : i32
      %dma_wait3A_226 = tpu.memref_slice %arg7[%multiple_of3A_199, %dma_wait3A_225] : memref<10240x144xf32, #tpu.memory_space<vmem_shared>> -> memref<128x144xf32, #tpu.memory_space<vmem_shared>>
      tpu.wait_dma2 semaphore(%run_scoped3A : memref<!tpu.dma_semaphore, #tpu.memory_space<semaphore_mem>>) src(%dma_wait3A_226 : memref<128x144xf32, #tpu.memory_space<vmem_shared>>) dst(%arg16 : memref<128x144xf32, #tpu.memory_space<vmem>>)
      tpu.yield
    }) : () -> ()
    %scan3A_200 = arith.constant 0 : i32
    %scan3A_201 = arith.constant 0 : i32
    %scan3A_202 = arith.constant 128 : i32
    %scan3A_203 = arith.addi %scan3A_201, %scan3A_202 : i32
    %scan3A_204 = arith.constant 1 : i32
    %scan3A_205 = scf.for %scan3A_219 = %scan3A_201 to %scan3A_203 step %scan3A_204 iter_args(%scan3A_220 = %scan3A_200) -> (i32)  : i32 {
      %get3A = arith.index_cast %scan3A_219 : i32 to index
      %get3A_221 = arith.constant 128 : index
      %get3A_222 = tpu.vector_load %arg16[%get3A, %get3A_221] {strides = array<i32>} : memref<128x144xf32, #tpu.memory_space<vmem>>, vector<1x16xf32>,
      %get3A_223 = vector.shape_cast %get3A_222 : vector<1x16xf32> to vector<16xf32>
      %slice3A = vector.extract_strided_slice %get3A_223 {offsets = [0], sizes = [1], strides = [1]} : vector<16xf32> to vector<1xf32>
      %squeeze3A = vector.extract %slice3A[0] : f32 from vector<1xf32>
      %broadcast_in_dim3A = vector.broadcast %squeeze3A : f32 to vector<16xf32>
      %swap3A = arith.index_cast %scan3A_219 : i32 to index
      %swap3A_224 = arith.constant 128 : index
      %swap3A_225 = tpu.vector_load %arg16[%swap3A, %swap3A_224] {strides = array<i32>} : memref<128x144xf32, #tpu.memory_space<vmem>>, vector<1x16xf32>,
      %swap3A_226 = vector.shape_cast %swap3A_225 : vector<1x16xf32> to vector<16xf32>
      %swap3A_227 = vector.shape_cast %broadcast_in_dim3A : vector<16xf32> to vector<1x16xf32>
      tpu.vector_store %arg16[%swap3A, %swap3A_224], %swap3A_227 {strides = array<i32>} : memref<128x144xf32, #tpu.memory_space<vmem>>, vector<1x16xf32>,
      %scan3A_228 = arith.constant 0 : i32
      scf.yield %scan3A_228 : i32
    }
    %scan3A_206 = arith.constant 128 : i32
    "tpu.region"() ({
      %run_scoped3A = tpu.sem_alloc : memref<!tpu.dma_semaphore, #tpu.memory_space<semaphore_mem>>
      %dma_start3A_219 = arith.constant 0 : i32
      %dma_start3A_220 = arith.constant 0 : i32
      %dma_start3A_221 = tpu.memref_slice %arg16[%dma_start3A_219, %dma_start3A_220] : memref<128x144xf32, #tpu.memory_space<vmem>> -> memref<128x128xf32, #tpu.memory_space<vmem>>
      %dma_start3A_222 = arith.constant 0 : i32
      %dma_start3A_223 = tpu.memref_slice %arg5[%arg0, %multiple_of3A_199, %dma_start3A_222] : memref<2x10240x128xf32, #tpu.memory_space<hbm>> -> memref<1x128x128xf32, #tpu.memory_space<hbm>>
      %dma_start3A_224 = tpu.memref_squeeze %dma_start3A_223 : memref<1x128x128xf32, #tpu.memory_space<hbm>> -> memref<128x128xf32, #tpu.memory_space<hbm>>
      %dma_start3A_225 = arith.constant 0 : i32
      %dma_start3A_226 = tpu.memref_slice %arg5[%arg0, %multiple_of3A_199, %dma_start3A_225] : memref<2x10240x128xf32, #tpu.memory_space<hbm>> -> memref<1x128x128xf32, #tpu.memory_space<hbm>>
      %dma_start3A_227 = tpu.memref_squeeze %dma_start3A_226 : memref<1x128x128xf32, #tpu.memory_space<hbm>> -> memref<128x128xf32, #tpu.memory_space<hbm>>
      %dma_start3A_228 = arith.constant 0 : i32
      %dma_start3A_229 = arith.constant 0 : i32
      %dma_start3A_230 = tpu.memref_slice %arg16[%dma_start3A_228, %dma_start3A_229] : memref<128x144xf32, #tpu.memory_space<vmem>> -> memref<128x128xf32, #tpu.memory_space<vmem>>
      tpu.enqueue_dma source(%dma_start3A_230 : memref<128x128xf32, #tpu.memory_space<vmem>>) target(%dma_start3A_227 : memref<128x128xf32, #tpu.memory_space<hbm>>) target_semaphore(%run_scoped3A : memref<!tpu.dma_semaphore, #tpu.memory_space<semaphore_mem>>)
      %dma_wait3A_231 = arith.constant 0 : i32
      %dma_wait3A_232 = arith.constant 0 : i32
      %dma_wait3A_233 = tpu.memref_slice %arg16[%dma_wait3A_231, %dma_wait3A_232] : memref<128x144xf32, #tpu.memory_space<vmem>> -> memref<128x128xf32, #tpu.memory_space<vmem>>
      %dma_wait3A_234 = arith.constant 0 : i32
      %dma_wait3A_235 = tpu.memref_slice %arg5[%arg0, %multiple_of3A_199, %dma_wait3A_234] : memref<2x10240x128xf32, #tpu.memory_space<hbm>> -> memref<1x128x128xf32, #tpu.memory_space<hbm>>
      %dma_wait3A_236 = tpu.memref_squeeze %dma_wait3A_235 : memref<1x128x128xf32, #tpu.memory_space<hbm>> -> memref<128x128xf32, #tpu.memory_space<hbm>>
      %dma_wait3A_237 = arith.constant 0 : i32
      %dma_wait3A_238 = tpu.memref_slice %arg5[%arg0, %multiple_of3A_199, %dma_wait3A_237] : memref<2x10240x128xf32, #tpu.memory_space<hbm>> -> memref<1x128x128xf32, #tpu.memory_space<hbm>>
      %dma_wait3A_239 = tpu.memref_squeeze %dma_wait3A_238 : memref<1x128x128xf32, #tpu.memory_space<hbm>> -> memref<128x128xf32, #tpu.memory_space<hbm>>
      %dma_wait3A_240 = arith.constant 0 : i32
      %dma_wait3A_241 = arith.constant 0 : i32
      %dma_wait3A_242 = tpu.memref_slice %arg16[%dma_wait3A_240, %dma_wait3A_241] : memref<128x144xf32, #tpu.memory_space<vmem>> -> memref<128x128xf32, #tpu.memory_space<vmem>>
      tpu.wait_dma2 semaphore(%run_scoped3A : memref<!tpu.dma_semaphore, #tpu.memory_space<semaphore_mem>>) src(%dma_wait3A_242 : memref<128x128xf32, #tpu.memory_space<vmem>>) dst(%dma_wait3A_239 : memref<128x128xf32, #tpu.memory_space<hbm>>)
      tpu.yield
    }) : () -> ()
    "tpu.region"() ({
      %run_scoped3A = tpu.sem_alloc : memref<!tpu.dma_semaphore, #tpu.memory_space<semaphore_mem>>
      %dma_start3A_219 = arith.constant 0 : i32
      %dma_start3A_220 = arith.constant 128 : i32
      %dma_start3A_221 = tpu.memref_slice %arg16[%dma_start3A_219, %dma_start3A_220] : memref<128x144xf32, #tpu.memory_space<vmem>> -> memref<128x16xf32, #tpu.memory_space<vmem>>
      %dma_start3A_222 = arith.constant 0 : i32
      %dma_start3A_223 = tpu.memref_slice %arg6[%arg0, %multiple_of3A_199, %dma_start3A_222] : memref<2x10240x16xf32, #tpu.memory_space<hbm>> -> memref<1x128x16xf32, #tpu.memory_space<hbm>>
      %dma_start3A_224 = tpu.memref_squeeze %dma_start3A_223 : memref<1x128x16xf32, #tpu.memory_space<hbm>> -> memref<128x16xf32, #tpu.memory_space<hbm>>
      %dma_start3A_225 = arith.constant 0 : i32
      %dma_start3A_226 = tpu.memref_slice %arg6[%arg0, %multiple_of3A_199, %dma_start3A_225] : memref<2x10240x16xf32, #tpu.memory_space<hbm>> -> memref<1x128x16xf32, #tpu.memory_space<hbm>>
      %dma_start3A_227 = tpu.memref_squeeze %dma_start3A_226 : memref<1x128x16xf32, #tpu.memory_space<hbm>> -> memref<128x16xf32, #tpu.memory_space<hbm>>
      %dma_start3A_228 = arith.constant 0 : i32
      %dma_start3A_229 = arith.constant 128 : i32
      %dma_start3A_230 = tpu.memref_slice %arg16[%dma_start3A_228, %dma_start3A_229] : memref<128x144xf32, #tpu.memory_space<vmem>> -> memref<128x16xf32, #tpu.memory_space<vmem>>
      tpu.enqueue_dma source(%dma_start3A_230 : memref<128x16xf32, #tpu.memory_space<vmem>>) target(%dma_start3A_227 : memref<128x16xf32, #tpu.memory_space<hbm>>) target_semaphore(%run_scoped3A : memref<!tpu.dma_semaphore, #tpu.memory_space<semaphore_mem>>)
      %dma_wait3A_231 = arith.constant 0 : i32
      %dma_wait3A_232 = arith.constant 128 : i32
      %dma_wait3A_233 = tpu.memref_slice %arg16[%dma_wait3A_231, %dma_wait3A_232] : memref<128x144xf32, #tpu.memory_space<vmem>> -> memref<128x16xf32, #tpu.memory_space<vmem>>
      %dma_wait3A_234 = arith.constant 0 : i32
      %dma_wait3A_235 = tpu.memref_slice %arg6[%arg0, %multiple_of3A_199, %dma_wait3A_234] : memref<2x10240x16xf32, #tpu.memory_space<hbm>> -> memref<1x128x16xf32, #tpu.memory_space<hbm>>
      %dma_wait3A_236 = tpu.memref_squeeze %dma_wait3A_235 : memref<1x128x16xf32, #tpu.memory_space<hbm>> -> memref<128x16xf32, #tpu.memory_space<hbm>>
      %dma_wait3A_237 = arith.constant 0 : i32
      %dma_wait3A_238 = tpu.memref_slice %arg6[%arg0, %multiple_of3A_199, %dma_wait3A_237] : memref<2x10240x16xf32, #tpu.memory_space<hbm>> -> memref<1x128x16xf32, #tpu.memory_space<hbm>>
      %dma_wait3A_239 = tpu.memref_squeeze %dma_wait3A_238 : memref<1x128x16xf32, #tpu.memory_space<hbm>> -> memref<128x16xf32, #tpu.memory_space<hbm>>
      %dma_wait3A_240 = arith.constant 0 : i32
      %dma_wait3A_241 = arith.constant 128 : i32
      %dma_wait3A_242 = tpu.memref_slice %arg16[%dma_wait3A_240, %dma_wait3A_241] : memref<128x144xf32, #tpu.memory_space<vmem>> -> memref<128x16xf32, #tpu.memory_space<vmem>>
      tpu.wait_dma2 semaphore(%run_scoped3A : memref<!tpu.dma_semaphore, #tpu.memory_space<semaphore_mem>>) src(%dma_wait3A_242 : memref<128x16xf32, #tpu.memory_space<vmem>>) dst(%dma_wait3A_239 : memref<128x16xf32, #tpu.memory_space<hbm>>)
      tpu.yield
    }) : () -> ()
    %mul3A_207 = arith.constant 640 : i32
    %mul3A_208 = arith.muli %arg1, %mul3A_207 : i32
    %add3A_209 = arith.constant 512 : i32
    %add3A_210 = arith.addi %mul3A_208, %add3A_209 : i32
    %multiple_of3A_211 = tpu.assume_multiple %add3A_210, 128 : i32
    "tpu.region"() ({
      %run_scoped3A = tpu.sem_alloc : memref<!tpu.dma_semaphore, #tpu.memory_space<semaphore_mem>>
      %dma_start3A_219 = arith.constant 0 : i32
      %dma_start3A_220 = tpu.memref_slice %arg7[%multiple_of3A_211, %dma_start3A_219] : memref<10240x144xf32, #tpu.memory_space<vmem_shared>> -> memref<128x144xf32, #tpu.memory_space<vmem_shared>>
      %dma_start3A_221 = arith.constant 0 : i32
      %dma_start3A_222 = tpu.memref_slice %arg7[%multiple_of3A_211, %dma_start3A_221] : memref<10240x144xf32, #tpu.memory_space<vmem_shared>> -> memref<128x144xf32, #tpu.memory_space<vmem_shared>>
      tpu.enqueue_dma source(%dma_start3A_222 : memref<128x144xf32, #tpu.memory_space<vmem_shared>>) target(%arg16 : memref<128x144xf32, #tpu.memory_space<vmem>>) target_semaphore(%run_scoped3A : memref<!tpu.dma_semaphore, #tpu.memory_space<semaphore_mem>>)
      %dma_wait3A_223 = arith.constant 0 : i32
      %dma_wait3A_224 = tpu.memref_slice %arg7[%multiple_of3A_211, %dma_wait3A_223] : memref<10240x144xf32, #tpu.memory_space<vmem_shared>> -> memref<128x144xf32, #tpu.memory_space<vmem_shared>>
      %dma_wait3A_225 = arith.constant 0 : i32
      %dma_wait3A_226 = tpu.memref_slice %arg7[%multiple_of3A_211, %dma_wait3A_225] : memref<10240x144xf32, #tpu.memory_space<vmem_shared>> -> memref<128x144xf32, #tpu.memory_space<vmem_shared>>
      tpu.wait_dma2 semaphore(%run_scoped3A : memref<!tpu.dma_semaphore, #tpu.memory_space<semaphore_mem>>) src(%dma_wait3A_226 : memref<128x144xf32, #tpu.memory_space<vmem_shared>>) dst(%arg16 : memref<128x144xf32, #tpu.memory_space<vmem>>)
      tpu.yield
    }) : () -> ()
    %scan3A_212 = arith.constant 0 : i32
    %scan3A_213 = arith.constant 0 : i32
    %scan3A_214 = arith.constant 128 : i32
    %scan3A_215 = arith.addi %scan3A_213, %scan3A_214 : i32
    %scan3A_216 = arith.constant 1 : i32
    %scan3A_217 = scf.for %scan3A_219 = %scan3A_213 to %scan3A_215 step %scan3A_216 iter_args(%scan3A_220 = %scan3A_212) -> (i32)  : i32 {
      %get3A = arith.index_cast %scan3A_219 : i32 to index
      %get3A_221 = arith.constant 128 : index
      %get3A_222 = tpu.vector_load %arg16[%get3A, %get3A_221] {strides = array<i32>} : memref<128x144xf32, #tpu.memory_space<vmem>>, vector<1x16xf32>,
      %get3A_223 = vector.shape_cast %get3A_222 : vector<1x16xf32> to vector<16xf32>
      %slice3A = vector.extract_strided_slice %get3A_223 {offsets = [0], sizes = [1], strides = [1]} : vector<16xf32> to vector<1xf32>
      %squeeze3A = vector.extract %slice3A[0] : f32 from vector<1xf32>
      %broadcast_in_dim3A = vector.broadcast %squeeze3A : f32 to vector<16xf32>
      %swap3A = arith.index_cast %scan3A_219 : i32 to index
      %swap3A_224 = arith.constant 128 : index
      %swap3A_225 = tpu.vector_load %arg16[%swap3A, %swap3A_224] {strides = array<i32>} : memref<128x144xf32, #tpu.memory_space<vmem>>, vector<1x16xf32>,
      %swap3A_226 = vector.shape_cast %swap3A_225 : vector<1x16xf32> to vector<16xf32>
      %swap3A_227 = vector.shape_cast %broadcast_in_dim3A : vector<16xf32> to vector<1x16xf32>
      tpu.vector_store %arg16[%swap3A, %swap3A_224], %swap3A_227 {strides = array<i32>} : memref<128x144xf32, #tpu.memory_space<vmem>>, vector<1x16xf32>,
      %scan3A_228 = arith.constant 0 : i32
      scf.yield %scan3A_228 : i32
    }
    %scan3A_218 = arith.constant 128 : i32
    "tpu.region"() ({
      %run_scoped3A = tpu.sem_alloc : memref<!tpu.dma_semaphore, #tpu.memory_space<semaphore_mem>>
      %dma_start3A_219 = arith.constant 0 : i32
      %dma_start3A_220 = arith.constant 0 : i32
      %dma_start3A_221 = tpu.memref_slice %arg16[%dma_start3A_219, %dma_start3A_220] : memref<128x144xf32, #tpu.memory_space<vmem>> -> memref<128x128xf32, #tpu.memory_space<vmem>>
      %dma_start3A_222 = arith.constant 0 : i32
      %dma_start3A_223 = tpu.memref_slice %arg5[%arg0, %multiple_of3A_211, %dma_start3A_222] : memref<2x10240x128xf32, #tpu.memory_space<hbm>> -> memref<1x128x128xf32, #tpu.memory_space<hbm>>
      %dma_start3A_224 = tpu.memref_squeeze %dma_start3A_223 : memref<1x128x128xf32, #tpu.memory_space<hbm>> -> memref<128x128xf32, #tpu.memory_space<hbm>>
      %dma_start3A_225 = arith.constant 0 : i32
      %dma_start3A_226 = tpu.memref_slice %arg5[%arg0, %multiple_of3A_211, %dma_start3A_225] : memref<2x10240x128xf32, #tpu.memory_space<hbm>> -> memref<1x128x128xf32, #tpu.memory_space<hbm>>
      %dma_start3A_227 = tpu.memref_squeeze %dma_start3A_226 : memref<1x128x128xf32, #tpu.memory_space<hbm>> -> memref<128x128xf32, #tpu.memory_space<hbm>>
      %dma_start3A_228 = arith.constant 0 : i32
      %dma_start3A_229 = arith.constant 0 : i32
      %dma_start3A_230 = tpu.memref_slice %arg16[%dma_start3A_228, %dma_start3A_229] : memref<128x144xf32, #tpu.memory_space<vmem>> -> memref<128x128xf32, #tpu.memory_space<vmem>>
      tpu.enqueue_dma source(%dma_start3A_230 : memref<128x128xf32, #tpu.memory_space<vmem>>) target(%dma_start3A_227 : memref<128x128xf32, #tpu.memory_space<hbm>>) target_semaphore(%run_scoped3A : memref<!tpu.dma_semaphore, #tpu.memory_space<semaphore_mem>>)
      %dma_wait3A_231 = arith.constant 0 : i32
      %dma_wait3A_232 = arith.constant 0 : i32
      %dma_wait3A_233 = tpu.memref_slice %arg16[%dma_wait3A_231, %dma_wait3A_232] : memref<128x144xf32, #tpu.memory_space<vmem>> -> memref<128x128xf32, #tpu.memory_space<vmem>>
      %dma_wait3A_234 = arith.constant 0 : i32
      %dma_wait3A_235 = tpu.memref_slice %arg5[%arg0, %multiple_of3A_211, %dma_wait3A_234] : memref<2x10240x128xf32, #tpu.memory_space<hbm>> -> memref<1x128x128xf32, #tpu.memory_space<hbm>>
      %dma_wait3A_236 = tpu.memref_squeeze %dma_wait3A_235 : memref<1x128x128xf32, #tpu.memory_space<hbm>> -> memref<128x128xf32, #tpu.memory_space<hbm>>
      %dma_wait3A_237 = arith.constant 0 : i32
      %dma_wait3A_238 = tpu.memref_slice %arg5[%arg0, %multiple_of3A_211, %dma_wait3A_237] : memref<2x10240x128xf32, #tpu.memory_space<hbm>> -> memref<1x128x128xf32, #tpu.memory_space<hbm>>
      %dma_wait3A_239 = tpu.memref_squeeze %dma_wait3A_238 : memref<1x128x128xf32, #tpu.memory_space<hbm>> -> memref<128x128xf32, #tpu.memory_space<hbm>>
      %dma_wait3A_240 = arith.constant 0 : i32
      %dma_wait3A_241 = arith.constant 0 : i32
      %dma_wait3A_242 = tpu.memref_slice %arg16[%dma_wait3A_240, %dma_wait3A_241] : memref<128x144xf32, #tpu.memory_space<vmem>> -> memref<128x128xf32, #tpu.memory_space<vmem>>
      tpu.wait_dma2 semaphore(%run_scoped3A : memref<!tpu.dma_semaphore, #tpu.memory_space<semaphore_mem>>) src(%dma_wait3A_242 : memref<128x128xf32, #tpu.memory_space<vmem>>) dst(%dma_wait3A_239 : memref<128x128xf32, #tpu.memory_space<hbm>>)
      tpu.yield
    }) : () -> ()
    "tpu.region"() ({
      %run_scoped3A = tpu.sem_alloc : memref<!tpu.dma_semaphore, #tpu.memory_space<semaphore_mem>>
      %dma_start3A_219 = arith.constant 0 : i32
      %dma_start3A_220 = arith.constant 128 : i32
      %dma_start3A_221 = tpu.memref_slice %arg16[%dma_start3A_219, %dma_start3A_220] : memref<128x144xf32, #tpu.memory_space<vmem>> -> memref<128x16xf32, #tpu.memory_space<vmem>>
      %dma_start3A_222 = arith.constant 0 : i32
      %dma_start3A_223 = tpu.memref_slice %arg6[%arg0, %multiple_of3A_211, %dma_start3A_222] : memref<2x10240x16xf32, #tpu.memory_space<hbm>> -> memref<1x128x16xf32, #tpu.memory_space<hbm>>
      %dma_start3A_224 = tpu.memref_squeeze %dma_start3A_223 : memref<1x128x16xf32, #tpu.memory_space<hbm>> -> memref<128x16xf32, #tpu.memory_space<hbm>>
      %dma_start3A_225 = arith.constant 0 : i32
      %dma_start3A_226 = tpu.memref_slice %arg6[%arg0, %multiple_of3A_211, %dma_start3A_225] : memref<2x10240x16xf32, #tpu.memory_space<hbm>> -> memref<1x128x16xf32, #tpu.memory_space<hbm>>
      %dma_start3A_227 = tpu.memref_squeeze %dma_start3A_226 : memref<1x128x16xf32, #tpu.memory_space<hbm>> -> memref<128x16xf32, #tpu.memory_space<hbm>>
      %dma_start3A_228 = arith.constant 0 : i32
      %dma_start3A_229 = arith.constant 128 : i32
      %dma_start3A_230 = tpu.memref_slice %arg16[%dma_start3A_228, %dma_start3A_229] : memref<128x144xf32, #tpu.memory_space<vmem>> -> memref<128x16xf32, #tpu.memory_space<vmem>>
      tpu.enqueue_dma source(%dma_start3A_230 : memref<128x16xf32, #tpu.memory_space<vmem>>) target(%dma_start3A_227 : memref<128x16xf32, #tpu.memory_space<hbm>>) target_semaphore(%run_scoped3A : memref<!tpu.dma_semaphore, #tpu.memory_space<semaphore_mem>>)
      %dma_wait3A_231 = arith.constant 0 : i32
      %dma_wait3A_232 = arith.constant 128 : i32
      %dma_wait3A_233 = tpu.memref_slice %arg16[%dma_wait3A_231, %dma_wait3A_232] : memref<128x144xf32, #tpu.memory_space<vmem>> -> memref<128x16xf32, #tpu.memory_space<vmem>>
      %dma_wait3A_234 = arith.constant 0 : i32
      %dma_wait3A_235 = tpu.memref_slice %arg6[%arg0, %multiple_of3A_211, %dma_wait3A_234] : memref<2x10240x16xf32, #tpu.memory_space<hbm>> -> memref<1x128x16xf32, #tpu.memory_space<hbm>>
      %dma_wait3A_236 = tpu.memref_squeeze %dma_wait3A_235 : memref<1x128x16xf32, #tpu.memory_space<hbm>> -> memref<128x16xf32, #tpu.memory_space<hbm>>
      %dma_wait3A_237 = arith.constant 0 : i32
      %dma_wait3A_238 = tpu.memref_slice %arg6[%arg0, %multiple_of3A_211, %dma_wait3A_237] : memref<2x10240x16xf32, #tpu.memory_space<hbm>> -> memref<1x128x16xf32, #tpu.memory_space<hbm>>
      %dma_wait3A_239 = tpu.memref_squeeze %dma_wait3A_238 : memref<1x128x16xf32, #tpu.memory_space<hbm>> -> memref<128x16xf32, #tpu.memory_space<hbm>>
      %dma_wait3A_240 = arith.constant 0 : i32
      %dma_wait3A_241 = arith.constant 128 : i32
      %dma_wait3A_242 = tpu.memref_slice %arg16[%dma_wait3A_240, %dma_wait3A_241] : memref<128x144xf32, #tpu.memory_space<vmem>> -> memref<128x16xf32, #tpu.memory_space<vmem>>
      tpu.wait_dma2 semaphore(%run_scoped3A : memref<!tpu.dma_semaphore, #tpu.memory_space<semaphore_mem>>) src(%dma_wait3A_242 : memref<128x16xf32, #tpu.memory_space<vmem>>) dst(%dma_wait3A_239 : memref<128x16xf32, #tpu.memory_space<hbm>>)
      tpu.yield
    }) : () -> ()
    return
  }
}

#map = affine_map<(d0, d1) -> (0)>
#map1 = affine_map<(d0, d1) -> (0, 0, 0)>
module attributes {stable_mosaic.version = 14 : i64} {
  func.func @_sc_degree(%arg0: i32, %arg1: i32, %arg2: memref<320000xi32, #tpu.memory_space<hbm>>, %arg3: memref<2x10240x16xf32, #tpu.memory_space<hbm>>, %arg4: memref<10240x16xf32, #tpu.memory_space<vmem_shared>>, %arg5: memref<128xi32, #tpu.memory_space<vmem>>, %arg6: memref<128xi32, #tpu.memory_space<vmem>>, %arg7: memref<128xi32, #tpu.memory_space<vmem>>, %arg8: memref<128xi32, #tpu.memory_space<vmem>>, %arg9: memref<128x16xf32, #tpu.memory_space<vmem>>, %arg10: memref<128x16xf32, #tpu.memory_space<vmem>>, %arg11: memref<!tpu.dma_semaphore, #tpu.memory_space<semaphore_mem>>, %arg12: memref<!tpu.dma_semaphore, #tpu.memory_space<semaphore_mem>>, %arg13: memref<!tpu.dma_semaphore, #tpu.memory_space<semaphore_mem>>, %arg14: memref<!tpu.dma_semaphore, #tpu.memory_space<semaphore_mem>>, %arg15: memref<!tpu.dma_semaphore, #tpu.memory_space<semaphore_mem>>, %arg16: memref<!tpu.dma_semaphore, #tpu.memory_space<semaphore_mem>>) attributes {dimension_semantics = [#tpu.dimension_semantics<core_parallel>, #tpu.dimension_semantics<subcore_parallel>], iteration_bounds = array<i64: 2, 16>, scalar_prefetch = 0 : i64, scratch_operands = 13 : i64, tpu.core_type = #tpu.core_type<sc_vector_subcore>, window_params = [{transform_indices = #map}, {transform_indices = #map1}]} {
    %mul3A = arith.constant 2 : i32
    %mul3A_0 = arith.muli %arg1, %mul3A : i32
    %add3A = arith.addi %mul3A_0, %arg0 : i32
    %lt3A = arith.constant 4 : i32
    %lt3A_1 = arith.cmpi slt, %add3A, %lt3A : i32
    %jit3A = arith.constant 1 : i32
    %jit3A_2 = arith.constant 0 : i32
    %select_n3A = arith.select %lt3A_1, %jit3A, %jit3A_2 : i32
    %add3A_3 = arith.constant 78 : i32
    %add3A_4 = arith.addi %add3A_3, %select_n3A : i32
    %scan3A = arith.constant 0 : i32
    %scan3A_5 = arith.constant 0 : i32
    %scan3A_6 = arith.constant 128 : i32
    %scan3A_7 = arith.addi %scan3A_5, %scan3A_6 : i32
    %scan3A_8 = arith.constant 1 : i32
    %scan3A_9 = scf.for %scan3A_277 = %scan3A_5 to %scan3A_7 step %scan3A_8 iter_args(%scan3A_278 = %scan3A) -> (i32)  : i32 {
      %broadcast_in_dim3A = arith.constant 1.000000e+00 : f32
      %broadcast_in_dim3A_279 = vector.broadcast %broadcast_in_dim3A : f32 to vector<16xf32>
      %swap3A = arith.index_cast %scan3A_277 : i32 to index
      %swap3A_280 = arith.constant 0 : index
      %swap3A_281 = tpu.vector_load %arg9[%swap3A, %swap3A_280] {strides = array<i32>} : memref<128x16xf32, #tpu.memory_space<vmem>>, vector<1x16xf32>,
      %swap3A_282 = vector.shape_cast %swap3A_281 : vector<1x16xf32> to vector<16xf32>
      %swap3A_283 = vector.shape_cast %broadcast_in_dim3A_279 : vector<16xf32> to vector<1x16xf32>
      tpu.vector_store %arg9[%swap3A, %swap3A_280], %swap3A_283 {strides = array<i32>} : memref<128x16xf32, #tpu.memory_space<vmem>>, vector<1x16xf32>,
      %scan3A_284 = arith.constant 0 : i32
      scf.yield %scan3A_284 : i32
    }
    %scan3A_10 = arith.constant 128 : i32
    %scan3A_11 = arith.constant 0 : i32
    %scan3A_12 = arith.constant 0 : i32
    %scan3A_13 = arith.constant 128 : i32
    %scan3A_14 = arith.addi %scan3A_12, %scan3A_13 : i32
    %scan3A_15 = arith.constant 1 : i32
    %scan3A_16 = scf.for %scan3A_277 = %scan3A_12 to %scan3A_14 step %scan3A_15 iter_args(%scan3A_278 = %scan3A_11) -> (i32)  : i32 {
      %broadcast_in_dim3A = arith.constant 0.000000e+00 : f32
      %broadcast_in_dim3A_279 = vector.broadcast %broadcast_in_dim3A : f32 to vector<16xf32>
      %swap3A = arith.index_cast %scan3A_277 : i32 to index
      %swap3A_280 = arith.constant 0 : index
      %swap3A_281 = tpu.vector_load %arg10[%swap3A, %swap3A_280] {strides = array<i32>} : memref<128x16xf32, #tpu.memory_space<vmem>>, vector<1x16xf32>,
      %swap3A_282 = vector.shape_cast %swap3A_281 : vector<1x16xf32> to vector<16xf32>
      %swap3A_283 = vector.shape_cast %broadcast_in_dim3A_279 : vector<16xf32> to vector<1x16xf32>
      tpu.vector_store %arg10[%swap3A, %swap3A_280], %swap3A_283 {strides = array<i32>} : memref<128x16xf32, #tpu.memory_space<vmem>>, vector<1x16xf32>,
      %scan3A_284 = arith.constant 0 : i32
      scf.yield %scan3A_284 : i32
    }
    %scan3A_17 = arith.constant 128 : i32
    %mul3A_18 = arith.constant 640 : i32
    %mul3A_19 = arith.muli %arg1, %mul3A_18 : i32
    %add3A_20 = arith.constant 0 : i32
    %add3A_21 = arith.addi %mul3A_19, %add3A_20 : i32
    %multiple_of3A = tpu.assume_multiple %add3A_21, 128 : i32
    "tpu.region"() ({
      %run_scoped3A = tpu.sem_alloc : memref<!tpu.dma_semaphore, #tpu.memory_space<semaphore_mem>>
      %dma_start3A_277 = arith.constant 0 : i32
      %dma_start3A_278 = tpu.memref_slice %arg4[%multiple_of3A, %dma_start3A_277] : memref<10240x16xf32, #tpu.memory_space<vmem_shared>> -> memref<128x16xf32, #tpu.memory_space<vmem_shared>>
      %dma_start3A_279 = arith.constant 0 : i32
      %dma_start3A_280 = tpu.memref_slice %arg4[%multiple_of3A, %dma_start3A_279] : memref<10240x16xf32, #tpu.memory_space<vmem_shared>> -> memref<128x16xf32, #tpu.memory_space<vmem_shared>>
      tpu.enqueue_dma source(%arg10 : memref<128x16xf32, #tpu.memory_space<vmem>>) target(%dma_start3A_280 : memref<128x16xf32, #tpu.memory_space<vmem_shared>>) target_semaphore(%run_scoped3A : memref<!tpu.dma_semaphore, #tpu.memory_space<semaphore_mem>>)
      %dma_wait3A = arith.constant 0 : i32
      %dma_wait3A_281 = tpu.memref_slice %arg4[%multiple_of3A, %dma_wait3A] : memref<10240x16xf32, #tpu.memory_space<vmem_shared>> -> memref<128x16xf32, #tpu.memory_space<vmem_shared>>
      %dma_wait3A_282 = arith.constant 0 : i32
      %dma_wait3A_283 = tpu.memref_slice %arg4[%multiple_of3A, %dma_wait3A_282] : memref<10240x16xf32, #tpu.memory_space<vmem_shared>> -> memref<128x16xf32, #tpu.memory_space<vmem_shared>>
      tpu.wait_dma2 semaphore(%run_scoped3A : memref<!tpu.dma_semaphore, #tpu.memory_space<semaphore_mem>>) src(%arg10 : memref<128x16xf32, #tpu.memory_space<vmem>>) dst(%dma_wait3A_283 : memref<128x16xf32, #tpu.memory_space<vmem_shared>>)
      tpu.yield
    }) : () -> ()
    %mul3A_22 = arith.constant 640 : i32
    %mul3A_23 = arith.muli %arg1, %mul3A_22 : i32
    %add3A_24 = arith.constant 128 : i32
    %add3A_25 = arith.addi %mul3A_23, %add3A_24 : i32
    %multiple_of3A_26 = tpu.assume_multiple %add3A_25, 128 : i32
    "tpu.region"() ({
      %run_scoped3A = tpu.sem_alloc : memref<!tpu.dma_semaphore, #tpu.memory_space<semaphore_mem>>
      %dma_start3A_277 = arith.constant 0 : i32
      %dma_start3A_278 = tpu.memref_slice %arg4[%multiple_of3A_26, %dma_start3A_277] : memref<10240x16xf32, #tpu.memory_space<vmem_shared>> -> memref<128x16xf32, #tpu.memory_space<vmem_shared>>
      %dma_start3A_279 = arith.constant 0 : i32
      %dma_start3A_280 = tpu.memref_slice %arg4[%multiple_of3A_26, %dma_start3A_279] : memref<10240x16xf32, #tpu.memory_space<vmem_shared>> -> memref<128x16xf32, #tpu.memory_space<vmem_shared>>
      tpu.enqueue_dma source(%arg10 : memref<128x16xf32, #tpu.memory_space<vmem>>) target(%dma_start3A_280 : memref<128x16xf32, #tpu.memory_space<vmem_shared>>) target_semaphore(%run_scoped3A : memref<!tpu.dma_semaphore, #tpu.memory_space<semaphore_mem>>)
      %dma_wait3A = arith.constant 0 : i32
      %dma_wait3A_281 = tpu.memref_slice %arg4[%multiple_of3A_26, %dma_wait3A] : memref<10240x16xf32, #tpu.memory_space<vmem_shared>> -> memref<128x16xf32, #tpu.memory_space<vmem_shared>>
      %dma_wait3A_282 = arith.constant 0 : i32
      %dma_wait3A_283 = tpu.memref_slice %arg4[%multiple_of3A_26, %dma_wait3A_282] : memref<10240x16xf32, #tpu.memory_space<vmem_shared>> -> memref<128x16xf32, #tpu.memory_space<vmem_shared>>
      tpu.wait_dma2 semaphore(%run_scoped3A : memref<!tpu.dma_semaphore, #tpu.memory_space<semaphore_mem>>) src(%arg10 : memref<128x16xf32, #tpu.memory_space<vmem>>) dst(%dma_wait3A_283 : memref<128x16xf32, #tpu.memory_space<vmem_shared>>)
      tpu.yield
    }) : () -> ()
    %mul3A_27 = arith.constant 640 : i32
    %mul3A_28 = arith.muli %arg1, %mul3A_27 : i32
    %add3A_29 = arith.constant 256 : i32
    %add3A_30 = arith.addi %mul3A_28, %add3A_29 : i32
    %multiple_of3A_31 = tpu.assume_multiple %add3A_30, 128 : i32
    "tpu.region"() ({
      %run_scoped3A = tpu.sem_alloc : memref<!tpu.dma_semaphore, #tpu.memory_space<semaphore_mem>>
      %dma_start3A_277 = arith.constant 0 : i32
      %dma_start3A_278 = tpu.memref_slice %arg4[%multiple_of3A_31, %dma_start3A_277] : memref<10240x16xf32, #tpu.memory_space<vmem_shared>> -> memref<128x16xf32, #tpu.memory_space<vmem_shared>>
      %dma_start3A_279 = arith.constant 0 : i32
      %dma_start3A_280 = tpu.memref_slice %arg4[%multiple_of3A_31, %dma_start3A_279] : memref<10240x16xf32, #tpu.memory_space<vmem_shared>> -> memref<128x16xf32, #tpu.memory_space<vmem_shared>>
      tpu.enqueue_dma source(%arg10 : memref<128x16xf32, #tpu.memory_space<vmem>>) target(%dma_start3A_280 : memref<128x16xf32, #tpu.memory_space<vmem_shared>>) target_semaphore(%run_scoped3A : memref<!tpu.dma_semaphore, #tpu.memory_space<semaphore_mem>>)
      %dma_wait3A = arith.constant 0 : i32
      %dma_wait3A_281 = tpu.memref_slice %arg4[%multiple_of3A_31, %dma_wait3A] : memref<10240x16xf32, #tpu.memory_space<vmem_shared>> -> memref<128x16xf32, #tpu.memory_space<vmem_shared>>
      %dma_wait3A_282 = arith.constant 0 : i32
      %dma_wait3A_283 = tpu.memref_slice %arg4[%multiple_of3A_31, %dma_wait3A_282] : memref<10240x16xf32, #tpu.memory_space<vmem_shared>> -> memref<128x16xf32, #tpu.memory_space<vmem_shared>>
      tpu.wait_dma2 semaphore(%run_scoped3A : memref<!tpu.dma_semaphore, #tpu.memory_space<semaphore_mem>>) src(%arg10 : memref<128x16xf32, #tpu.memory_space<vmem>>) dst(%dma_wait3A_283 : memref<128x16xf32, #tpu.memory_space<vmem_shared>>)
      tpu.yield
    }) : () -> ()
    %mul3A_32 = arith.constant 640 : i32
    %mul3A_33 = arith.muli %arg1, %mul3A_32 : i32
    %add3A_34 = arith.constant 384 : i32
    %add3A_35 = arith.addi %mul3A_33, %add3A_34 : i32
    %multiple_of3A_36 = tpu.assume_multiple %add3A_35, 128 : i32
    "tpu.region"() ({
      %run_scoped3A = tpu.sem_alloc : memref<!tpu.dma_semaphore, #tpu.memory_space<semaphore_mem>>
      %dma_start3A_277 = arith.constant 0 : i32
      %dma_start3A_278 = tpu.memref_slice %arg4[%multiple_of3A_36, %dma_start3A_277] : memref<10240x16xf32, #tpu.memory_space<vmem_shared>> -> memref<128x16xf32, #tpu.memory_space<vmem_shared>>
      %dma_start3A_279 = arith.constant 0 : i32
      %dma_start3A_280 = tpu.memref_slice %arg4[%multiple_of3A_36, %dma_start3A_279] : memref<10240x16xf32, #tpu.memory_space<vmem_shared>> -> memref<128x16xf32, #tpu.memory_space<vmem_shared>>
      tpu.enqueue_dma source(%arg10 : memref<128x16xf32, #tpu.memory_space<vmem>>) target(%dma_start3A_280 : memref<128x16xf32, #tpu.memory_space<vmem_shared>>) target_semaphore(%run_scoped3A : memref<!tpu.dma_semaphore, #tpu.memory_space<semaphore_mem>>)
      %dma_wait3A = arith.constant 0 : i32
      %dma_wait3A_281 = tpu.memref_slice %arg4[%multiple_of3A_36, %dma_wait3A] : memref<10240x16xf32, #tpu.memory_space<vmem_shared>> -> memref<128x16xf32, #tpu.memory_space<vmem_shared>>
      %dma_wait3A_282 = arith.constant 0 : i32
      %dma_wait3A_283 = tpu.memref_slice %arg4[%multiple_of3A_36, %dma_wait3A_282] : memref<10240x16xf32, #tpu.memory_space<vmem_shared>> -> memref<128x16xf32, #tpu.memory_space<vmem_shared>>
      tpu.wait_dma2 semaphore(%run_scoped3A : memref<!tpu.dma_semaphore, #tpu.memory_space<semaphore_mem>>) src(%arg10 : memref<128x16xf32, #tpu.memory_space<vmem>>) dst(%dma_wait3A_283 : memref<128x16xf32, #tpu.memory_space<vmem_shared>>)
      tpu.yield
    }) : () -> ()
    %mul3A_37 = arith.constant 640 : i32
    %mul3A_38 = arith.muli %arg1, %mul3A_37 : i32
    %add3A_39 = arith.constant 512 : i32
    %add3A_40 = arith.addi %mul3A_38, %add3A_39 : i32
    %multiple_of3A_41 = tpu.assume_multiple %add3A_40, 128 : i32
    "tpu.region"() ({
      %run_scoped3A = tpu.sem_alloc : memref<!tpu.dma_semaphore, #tpu.memory_space<semaphore_mem>>
      %dma_start3A_277 = arith.constant 0 : i32
      %dma_start3A_278 = tpu.memref_slice %arg4[%multiple_of3A_41, %dma_start3A_277] : memref<10240x16xf32, #tpu.memory_space<vmem_shared>> -> memref<128x16xf32, #tpu.memory_space<vmem_shared>>
      %dma_start3A_279 = arith.constant 0 : i32
      %dma_start3A_280 = tpu.memref_slice %arg4[%multiple_of3A_41, %dma_start3A_279] : memref<10240x16xf32, #tpu.memory_space<vmem_shared>> -> memref<128x16xf32, #tpu.memory_space<vmem_shared>>
      tpu.enqueue_dma source(%arg10 : memref<128x16xf32, #tpu.memory_space<vmem>>) target(%dma_start3A_280 : memref<128x16xf32, #tpu.memory_space<vmem_shared>>) target_semaphore(%run_scoped3A : memref<!tpu.dma_semaphore, #tpu.memory_space<semaphore_mem>>)
      %dma_wait3A = arith.constant 0 : i32
      %dma_wait3A_281 = tpu.memref_slice %arg4[%multiple_of3A_41, %dma_wait3A] : memref<10240x16xf32, #tpu.memory_space<vmem_shared>> -> memref<128x16xf32, #tpu.memory_space<vmem_shared>>
      %dma_wait3A_282 = arith.constant 0 : i32
      %dma_wait3A_283 = tpu.memref_slice %arg4[%multiple_of3A_41, %dma_wait3A_282] : memref<10240x16xf32, #tpu.memory_space<vmem_shared>> -> memref<128x16xf32, #tpu.memory_space<vmem_shared>>
      tpu.wait_dma2 semaphore(%run_scoped3A : memref<!tpu.dma_semaphore, #tpu.memory_space<semaphore_mem>>) src(%arg10 : memref<128x16xf32, #tpu.memory_space<vmem>>) dst(%dma_wait3A_283 : memref<128x16xf32, #tpu.memory_space<vmem_shared>>)
      tpu.yield
    }) : () -> ()
    %barrier3A = arith.constant 0 : index
    tpu.barrier barrier_id(%barrier3A)
    %add3A_42 = arith.constant 0 : i32
    %add3A_43 = arith.addi %add3A, %add3A_42 : i32
    %mul3A_44 = arith.constant 128 : i32
    %mul3A_45 = arith.muli %add3A_43, %mul3A_44 : i32
    %multiple_of3A_46 = tpu.assume_multiple %mul3A_45, 8 : i32
    %dma_start3A = tpu.memref_slice %arg2[%multiple_of3A_46] : memref<320000xi32, #tpu.memory_space<hbm>> -> memref<128xi32, #tpu.memory_space<hbm>>
    %dma_start3A_47 = tpu.memref_slice %arg2[%multiple_of3A_46] : memref<320000xi32, #tpu.memory_space<hbm>> -> memref<128xi32, #tpu.memory_space<hbm>>
    tpu.enqueue_dma source(%dma_start3A_47 : memref<128xi32, #tpu.memory_space<hbm>>) target(%arg5 : memref<128xi32, #tpu.memory_space<vmem>>) target_semaphore(%arg11 : memref<!tpu.dma_semaphore, #tpu.memory_space<semaphore_mem>>)
    %gt3A = arith.constant 1 : i32
    %gt3A_48 = arith.cmpi sgt, %add3A_4, %gt3A : i32
    %convert_element_type3A = arith.extui %gt3A_48 : i1 to i32
    %cond3A = arith.constant 0 : i32
    %cond3A_49 = arith.cmpi ne, %convert_element_type3A, %cond3A : i32
    scf.if %cond3A_49 {
      %add3A_277 = arith.constant 32 : i32
      %add3A_278 = arith.addi %add3A, %add3A_277 : i32
      %mul3A_279 = arith.constant 128 : i32
      %mul3A_280 = arith.muli %add3A_278, %mul3A_279 : i32
      %multiple_of3A_281 = tpu.assume_multiple %mul3A_280, 8 : i32
      %dma_start3A_282 = tpu.memref_slice %arg2[%multiple_of3A_281] : memref<320000xi32, #tpu.memory_space<hbm>> -> memref<128xi32, #tpu.memory_space<hbm>>
      %dma_start3A_283 = tpu.memref_slice %arg2[%multiple_of3A_281] : memref<320000xi32, #tpu.memory_space<hbm>> -> memref<128xi32, #tpu.memory_space<hbm>>
      tpu.enqueue_dma source(%dma_start3A_283 : memref<128xi32, #tpu.memory_space<hbm>>) target(%arg6 : memref<128xi32, #tpu.memory_space<vmem>>) target_semaphore(%arg12 : memref<!tpu.dma_semaphore, #tpu.memory_space<semaphore_mem>>)
    } else {
    }
    %while3A = arith.constant 0 : i32
    %while3A_50 = arith.constant 0 : i32
    %while3A_51 = arith.subi %add3A_4, %while3A : i32
    %while3A_52 = arith.addi %while3A, %while3A_51 : i32
    %while3A_53 = arith.constant 1 : i32
    %while3A_54 = arith.divsi %while3A_51, %while3A_53 : i32
    %while3A_55 = arith.muli %while3A_54, %while3A_53 : i32
    %while3A_56 = arith.addi %while3A, %while3A_55 : i32
    %while3A_57 = arith.constant 1 : i32
    %while3A_58 = scf.for %while3A_277 = %while3A to %while3A_56 step %while3A_57 iter_args(%while3A_278 = %while3A_50) -> (i32)  : i32 {
      %jit3A_279 = arith.constant 4 : i32
      %eq3A_280 = arith.constant 0 : i32
      %eq3A_281 = arith.cmpi eq, %jit3A_279, %eq3A_280 : i32
      %jit3A_282 = arith.constant 1 : i32
      %select_n3A_283 = arith.select %eq3A_281, %jit3A_282, %jit3A_279 : i32
      %rem3A_284 = arith.remsi %while3A_277, %select_n3A_283 : i32
      %ne3A_285 = arith.constant 0 : i32
      %ne3A_286 = arith.cmpi ne, %rem3A_284, %ne3A_285 : i32
      %lt3A_287 = arith.constant 0 : i32
      %lt3A_288 = arith.cmpi slt, %rem3A_284, %lt3A_287 : i32
      %lt3A_289 = arith.constant 0 : i32
      %lt3A_290 = arith.cmpi slt, %select_n3A_283, %lt3A_289 : i32
      %ne3A_291 = arith.xori %lt3A_288, %lt3A_290 : i1
      %and3A_292 = arith.andi %ne3A_291, %ne3A_286 : i1
      %add3A_293 = arith.addi %rem3A_284, %select_n3A_283 : i32
      %select_n3A_294 = arith.select %and3A_292, %add3A_293, %rem3A_284 : i32
      %eq3A_295 = arith.constant 0 : i32
      %eq3A_296 = arith.cmpi eq, %select_n3A_294, %eq3A_295 : i32
      %convert_element_type3A_297 = arith.extui %eq3A_296 : i1 to i32
      %cond3A_298 = arith.constant 0 : i32
      %cond3A_299 = arith.cmpi ne, %convert_element_type3A_297, %cond3A_298 : i32
      scf.if %cond3A_299 {
        %dma_wait3A = arith.constant 0 : i32
        %dma_wait3A_364 = tpu.memref_slice %arg2[%dma_wait3A] : memref<320000xi32, #tpu.memory_space<hbm>> -> memref<128xi32, #tpu.memory_space<hbm>>
        %dma_wait3A_365 = arith.constant 0 : i32
        %dma_wait3A_366 = tpu.memref_slice %arg2[%dma_wait3A_365] : memref<320000xi32, #tpu.memory_space<hbm>> -> memref<128xi32, #tpu.memory_space<hbm>>
        tpu.wait_dma2 semaphore(%arg11 : memref<!tpu.dma_semaphore, #tpu.memory_space<semaphore_mem>>) src(%dma_wait3A_366 : memref<128xi32, #tpu.memory_space<hbm>>) dst(%arg5 : memref<128xi32, #tpu.memory_space<vmem>>)
        %ge3A_367 = arith.constant 2 : i32
        %ge3A_368 = arith.cmpi sge, %while3A_277, %ge3A_367 : i32
        %convert_element_type3A_369 = arith.extui %ge3A_368 : i1 to i32
        %cond3A_370 = arith.constant 0 : i32
        %cond3A_371 = arith.cmpi ne, %convert_element_type3A_369, %cond3A_370 : i32
        scf.if %cond3A_371 {
          %dma_wait3A_381 = arith.constant 0 : i32
          %dma_wait3A_382 = arith.constant 0 : i32
          %dma_wait3A_383 = tpu.memref_slice %arg4[%dma_wait3A_381, %dma_wait3A_382] : memref<10240x16xf32, #tpu.memory_space<vmem_shared>> -> memref<10240x16xf32, #tpu.memory_space<vmem_shared>>
          tpu.wait_indirect_dma semaphore(%arg15 : memref<!tpu.dma_semaphore, #tpu.memory_space<semaphore_mem>>) src(%arg9 : memref<128x16xf32, #tpu.memory_space<vmem>>) dst(%dma_wait3A_383 : memref<10240x16xf32, #tpu.memory_space<vmem_shared>>)
        } else {
        }
        %dma_start3A_372 = arith.constant 0 : i32
        %dma_start3A_373 = arith.constant 0 : i32
        %dma_start3A_374 = tpu.memref_slice %arg4[%dma_start3A_372, %dma_start3A_373] : memref<10240x16xf32, #tpu.memory_space<vmem_shared>> -> memref<10240x16xf32, #tpu.memory_space<vmem_shared>>
        tpu.enqueue_indirect_dma source(%arg9 : memref<128x16xf32, #tpu.memory_space<vmem>>) target(%dma_start3A_374 : memref<10240x16xf32, #tpu.memory_space<vmem_shared>>) offsets(%arg5 : memref<128xi32, #tpu.memory_space<vmem>>) semaphore(%arg15 : memref<!tpu.dma_semaphore, #tpu.memory_space<semaphore_mem>>) {add = true}
        %add3A_375 = arith.constant 2 : i32
        %add3A_376 = arith.addi %while3A_277, %add3A_375 : i32
        %lt3A_377 = arith.cmpi slt, %add3A_376, %add3A_4 : i32
        %convert_element_type3A_378 = arith.extui %lt3A_377 : i1 to i32
        %cond3A_379 = arith.constant 0 : i32
        %cond3A_380 = arith.cmpi ne, %convert_element_type3A_378, %cond3A_379 : i32
        scf.if %cond3A_380 {
          %add3A_381 = arith.constant 2 : i32
          %add3A_382 = arith.addi %while3A_277, %add3A_381 : i32
          %mul3A_383 = arith.constant 32 : i32
          %mul3A_384 = arith.muli %mul3A_383, %add3A_382 : i32
          %add3A_385 = arith.addi %add3A, %mul3A_384 : i32
          %mul3A_386 = arith.constant 128 : i32
          %mul3A_387 = arith.muli %add3A_385, %mul3A_386 : i32
          %multiple_of3A_388 = tpu.assume_multiple %mul3A_387, 8 : i32
          %dma_start3A_389 = tpu.memref_slice %arg2[%multiple_of3A_388] : memref<320000xi32, #tpu.memory_space<hbm>> -> memref<128xi32, #tpu.memory_space<hbm>>
          %dma_start3A_390 = tpu.memref_slice %arg2[%multiple_of3A_388] : memref<320000xi32, #tpu.memory_space<hbm>> -> memref<128xi32, #tpu.memory_space<hbm>>
          tpu.enqueue_dma source(%dma_start3A_390 : memref<128xi32, #tpu.memory_space<hbm>>) target(%arg7 : memref<128xi32, #tpu.memory_space<vmem>>) target_semaphore(%arg13 : memref<!tpu.dma_semaphore, #tpu.memory_space<semaphore_mem>>)
        } else {
        }
      } else {
      }
      %jit3A_300 = arith.constant 4 : i32
      %eq3A_301 = arith.constant 0 : i32
      %eq3A_302 = arith.cmpi eq, %jit3A_300, %eq3A_301 : i32
      %jit3A_303 = arith.constant 1 : i32
      %select_n3A_304 = arith.select %eq3A_302, %jit3A_303, %jit3A_300 : i32
      %rem3A_305 = arith.remsi %while3A_277, %select_n3A_304 : i32
      %ne3A_306 = arith.constant 0 : i32
      %ne3A_307 = arith.cmpi ne, %rem3A_305, %ne3A_306 : i32
      %lt3A_308 = arith.constant 0 : i32
      %lt3A_309 = arith.cmpi slt, %rem3A_305, %lt3A_308 : i32
      %lt3A_310 = arith.constant 0 : i32
      %lt3A_311 = arith.cmpi slt, %select_n3A_304, %lt3A_310 : i32
      %ne3A_312 = arith.xori %lt3A_309, %lt3A_311 : i1
      %and3A_313 = arith.andi %ne3A_312, %ne3A_307 : i1
      %add3A_314 = arith.addi %rem3A_305, %select_n3A_304 : i32
      %select_n3A_315 = arith.select %and3A_313, %add3A_314, %rem3A_305 : i32
      %eq3A_316 = arith.constant 1 : i32
      %eq3A_317 = arith.cmpi eq, %select_n3A_315, %eq3A_316 : i32
      %convert_element_type3A_318 = arith.extui %eq3A_317 : i1 to i32
      %cond3A_319 = arith.constant 0 : i32
      %cond3A_320 = arith.cmpi ne, %convert_element_type3A_318, %cond3A_319 : i32
      scf.if %cond3A_320 {
        %dma_wait3A = arith.constant 0 : i32
        %dma_wait3A_364 = tpu.memref_slice %arg2[%dma_wait3A] : memref<320000xi32, #tpu.memory_space<hbm>> -> memref<128xi32, #tpu.memory_space<hbm>>
        %dma_wait3A_365 = arith.constant 0 : i32
        %dma_wait3A_366 = tpu.memref_slice %arg2[%dma_wait3A_365] : memref<320000xi32, #tpu.memory_space<hbm>> -> memref<128xi32, #tpu.memory_space<hbm>>
        tpu.wait_dma2 semaphore(%arg12 : memref<!tpu.dma_semaphore, #tpu.memory_space<semaphore_mem>>) src(%dma_wait3A_366 : memref<128xi32, #tpu.memory_space<hbm>>) dst(%arg6 : memref<128xi32, #tpu.memory_space<vmem>>)
        %ge3A_367 = arith.constant 2 : i32
        %ge3A_368 = arith.cmpi sge, %while3A_277, %ge3A_367 : i32
        %convert_element_type3A_369 = arith.extui %ge3A_368 : i1 to i32
        %cond3A_370 = arith.constant 0 : i32
        %cond3A_371 = arith.cmpi ne, %convert_element_type3A_369, %cond3A_370 : i32
        scf.if %cond3A_371 {
          %dma_wait3A_381 = arith.constant 0 : i32
          %dma_wait3A_382 = arith.constant 0 : i32
          %dma_wait3A_383 = tpu.memref_slice %arg4[%dma_wait3A_381, %dma_wait3A_382] : memref<10240x16xf32, #tpu.memory_space<vmem_shared>> -> memref<10240x16xf32, #tpu.memory_space<vmem_shared>>
          tpu.wait_indirect_dma semaphore(%arg16 : memref<!tpu.dma_semaphore, #tpu.memory_space<semaphore_mem>>) src(%arg9 : memref<128x16xf32, #tpu.memory_space<vmem>>) dst(%dma_wait3A_383 : memref<10240x16xf32, #tpu.memory_space<vmem_shared>>)
        } else {
        }
        %dma_start3A_372 = arith.constant 0 : i32
        %dma_start3A_373 = arith.constant 0 : i32
        %dma_start3A_374 = tpu.memref_slice %arg4[%dma_start3A_372, %dma_start3A_373] : memref<10240x16xf32, #tpu.memory_space<vmem_shared>> -> memref<10240x16xf32, #tpu.memory_space<vmem_shared>>
        tpu.enqueue_indirect_dma source(%arg9 : memref<128x16xf32, #tpu.memory_space<vmem>>) target(%dma_start3A_374 : memref<10240x16xf32, #tpu.memory_space<vmem_shared>>) offsets(%arg6 : memref<128xi32, #tpu.memory_space<vmem>>) semaphore(%arg16 : memref<!tpu.dma_semaphore, #tpu.memory_space<semaphore_mem>>) {add = true}
        %add3A_375 = arith.constant 2 : i32
        %add3A_376 = arith.addi %while3A_277, %add3A_375 : i32
        %lt3A_377 = arith.cmpi slt, %add3A_376, %add3A_4 : i32
        %convert_element_type3A_378 = arith.extui %lt3A_377 : i1 to i32
        %cond3A_379 = arith.constant 0 : i32
        %cond3A_380 = arith.cmpi ne, %convert_element_type3A_378, %cond3A_379 : i32
        scf.if %cond3A_380 {
          %add3A_381 = arith.constant 2 : i32
          %add3A_382 = arith.addi %while3A_277, %add3A_381 : i32
          %mul3A_383 = arith.constant 32 : i32
          %mul3A_384 = arith.muli %mul3A_383, %add3A_382 : i32
          %add3A_385 = arith.addi %add3A, %mul3A_384 : i32
          %mul3A_386 = arith.constant 128 : i32
          %mul3A_387 = arith.muli %add3A_385, %mul3A_386 : i32
          %multiple_of3A_388 = tpu.assume_multiple %mul3A_387, 8 : i32
          %dma_start3A_389 = tpu.memref_slice %arg2[%multiple_of3A_388] : memref<320000xi32, #tpu.memory_space<hbm>> -> memref<128xi32, #tpu.memory_space<hbm>>
          %dma_start3A_390 = tpu.memref_slice %arg2[%multiple_of3A_388] : memref<320000xi32, #tpu.memory_space<hbm>> -> memref<128xi32, #tpu.memory_space<hbm>>
          tpu.enqueue_dma source(%dma_start3A_390 : memref<128xi32, #tpu.memory_space<hbm>>) target(%arg8 : memref<128xi32, #tpu.memory_space<vmem>>) target_semaphore(%arg14 : memref<!tpu.dma_semaphore, #tpu.memory_space<semaphore_mem>>)
        } else {
        }
      } else {
      }
      %jit3A_321 = arith.constant 4 : i32
      %eq3A_322 = arith.constant 0 : i32
      %eq3A_323 = arith.cmpi eq, %jit3A_321, %eq3A_322 : i32
      %jit3A_324 = arith.constant 1 : i32
      %select_n3A_325 = arith.select %eq3A_323, %jit3A_324, %jit3A_321 : i32
      %rem3A_326 = arith.remsi %while3A_277, %select_n3A_325 : i32
      %ne3A_327 = arith.constant 0 : i32
      %ne3A_328 = arith.cmpi ne, %rem3A_326, %ne3A_327 : i32
      %lt3A_329 = arith.constant 0 : i32
      %lt3A_330 = arith.cmpi slt, %rem3A_326, %lt3A_329 : i32
      %lt3A_331 = arith.constant 0 : i32
      %lt3A_332 = arith.cmpi slt, %select_n3A_325, %lt3A_331 : i32
      %ne3A_333 = arith.xori %lt3A_330, %lt3A_332 : i1
      %and3A_334 = arith.andi %ne3A_333, %ne3A_328 : i1
      %add3A_335 = arith.addi %rem3A_326, %select_n3A_325 : i32
      %select_n3A_336 = arith.select %and3A_334, %add3A_335, %rem3A_326 : i32
      %eq3A_337 = arith.constant 2 : i32
      %eq3A_338 = arith.cmpi eq, %select_n3A_336, %eq3A_337 : i32
      %convert_element_type3A_339 = arith.extui %eq3A_338 : i1 to i32
      %cond3A_340 = arith.constant 0 : i32
      %cond3A_341 = arith.cmpi ne, %convert_element_type3A_339, %cond3A_340 : i32
      scf.if %cond3A_341 {
        %dma_wait3A = arith.constant 0 : i32
        %dma_wait3A_364 = tpu.memref_slice %arg2[%dma_wait3A] : memref<320000xi32, #tpu.memory_space<hbm>> -> memref<128xi32, #tpu.memory_space<hbm>>
        %dma_wait3A_365 = arith.constant 0 : i32
        %dma_wait3A_366 = tpu.memref_slice %arg2[%dma_wait3A_365] : memref<320000xi32, #tpu.memory_space<hbm>> -> memref<128xi32, #tpu.memory_space<hbm>>
        tpu.wait_dma2 semaphore(%arg13 : memref<!tpu.dma_semaphore, #tpu.memory_space<semaphore_mem>>) src(%dma_wait3A_366 : memref<128xi32, #tpu.memory_space<hbm>>) dst(%arg7 : memref<128xi32, #tpu.memory_space<vmem>>)
        %ge3A_367 = arith.constant 2 : i32
        %ge3A_368 = arith.cmpi sge, %while3A_277, %ge3A_367 : i32
        %convert_element_type3A_369 = arith.extui %ge3A_368 : i1 to i32
        %cond3A_370 = arith.constant 0 : i32
        %cond3A_371 = arith.cmpi ne, %convert_element_type3A_369, %cond3A_370 : i32
        scf.if %cond3A_371 {
          %dma_wait3A_381 = arith.constant 0 : i32
          %dma_wait3A_382 = arith.constant 0 : i32
          %dma_wait3A_383 = tpu.memref_slice %arg4[%dma_wait3A_381, %dma_wait3A_382] : memref<10240x16xf32, #tpu.memory_space<vmem_shared>> -> memref<10240x16xf32, #tpu.memory_space<vmem_shared>>
          tpu.wait_indirect_dma semaphore(%arg15 : memref<!tpu.dma_semaphore, #tpu.memory_space<semaphore_mem>>) src(%arg9 : memref<128x16xf32, #tpu.memory_space<vmem>>) dst(%dma_wait3A_383 : memref<10240x16xf32, #tpu.memory_space<vmem_shared>>)
        } else {
        }
        %dma_start3A_372 = arith.constant 0 : i32
        %dma_start3A_373 = arith.constant 0 : i32
        %dma_start3A_374 = tpu.memref_slice %arg4[%dma_start3A_372, %dma_start3A_373] : memref<10240x16xf32, #tpu.memory_space<vmem_shared>> -> memref<10240x16xf32, #tpu.memory_space<vmem_shared>>
        tpu.enqueue_indirect_dma source(%arg9 : memref<128x16xf32, #tpu.memory_space<vmem>>) target(%dma_start3A_374 : memref<10240x16xf32, #tpu.memory_space<vmem_shared>>) offsets(%arg7 : memref<128xi32, #tpu.memory_space<vmem>>) semaphore(%arg15 : memref<!tpu.dma_semaphore, #tpu.memory_space<semaphore_mem>>) {add = true}
        %add3A_375 = arith.constant 2 : i32
        %add3A_376 = arith.addi %while3A_277, %add3A_375 : i32
        %lt3A_377 = arith.cmpi slt, %add3A_376, %add3A_4 : i32
        %convert_element_type3A_378 = arith.extui %lt3A_377 : i1 to i32
        %cond3A_379 = arith.constant 0 : i32
        %cond3A_380 = arith.cmpi ne, %convert_element_type3A_378, %cond3A_379 : i32
        scf.if %cond3A_380 {
          %add3A_381 = arith.constant 2 : i32
          %add3A_382 = arith.addi %while3A_277, %add3A_381 : i32
          %mul3A_383 = arith.constant 32 : i32
          %mul3A_384 = arith.muli %mul3A_383, %add3A_382 : i32
          %add3A_385 = arith.addi %add3A, %mul3A_384 : i32
          %mul3A_386 = arith.constant 128 : i32
          %mul3A_387 = arith.muli %add3A_385, %mul3A_386 : i32
          %multiple_of3A_388 = tpu.assume_multiple %mul3A_387, 8 : i32
          %dma_start3A_389 = tpu.memref_slice %arg2[%multiple_of3A_388] : memref<320000xi32, #tpu.memory_space<hbm>> -> memref<128xi32, #tpu.memory_space<hbm>>
          %dma_start3A_390 = tpu.memref_slice %arg2[%multiple_of3A_388] : memref<320000xi32, #tpu.memory_space<hbm>> -> memref<128xi32, #tpu.memory_space<hbm>>
          tpu.enqueue_dma source(%dma_start3A_390 : memref<128xi32, #tpu.memory_space<hbm>>) target(%arg5 : memref<128xi32, #tpu.memory_space<vmem>>) target_semaphore(%arg11 : memref<!tpu.dma_semaphore, #tpu.memory_space<semaphore_mem>>)
        } else {
        }
      } else {
      }
      %jit3A_342 = arith.constant 4 : i32
      %eq3A_343 = arith.constant 0 : i32
      %eq3A_344 = arith.cmpi eq, %jit3A_342, %eq3A_343 : i32
      %jit3A_345 = arith.constant 1 : i32
      %select_n3A_346 = arith.select %eq3A_344, %jit3A_345, %jit3A_342 : i32
      %rem3A_347 = arith.remsi %while3A_277, %select_n3A_346 : i32
      %ne3A_348 = arith.constant 0 : i32
      %ne3A_349 = arith.cmpi ne, %rem3A_347, %ne3A_348 : i32
      %lt3A_350 = arith.constant 0 : i32
      %lt3A_351 = arith.cmpi slt, %rem3A_347, %lt3A_350 : i32
      %lt3A_352 = arith.constant 0 : i32
      %lt3A_353 = arith.cmpi slt, %select_n3A_346, %lt3A_352 : i32
      %ne3A_354 = arith.xori %lt3A_351, %lt3A_353 : i1
      %and3A_355 = arith.andi %ne3A_354, %ne3A_349 : i1
      %add3A_356 = arith.addi %rem3A_347, %select_n3A_346 : i32
      %select_n3A_357 = arith.select %and3A_355, %add3A_356, %rem3A_347 : i32
      %eq3A_358 = arith.constant 3 : i32
      %eq3A_359 = arith.cmpi eq, %select_n3A_357, %eq3A_358 : i32
      %convert_element_type3A_360 = arith.extui %eq3A_359 : i1 to i32
      %cond3A_361 = arith.constant 0 : i32
      %cond3A_362 = arith.cmpi ne, %convert_element_type3A_360, %cond3A_361 : i32
      scf.if %cond3A_362 {
        %dma_wait3A = arith.constant 0 : i32
        %dma_wait3A_364 = tpu.memref_slice %arg2[%dma_wait3A] : memref<320000xi32, #tpu.memory_space<hbm>> -> memref<128xi32, #tpu.memory_space<hbm>>
        %dma_wait3A_365 = arith.constant 0 : i32
        %dma_wait3A_366 = tpu.memref_slice %arg2[%dma_wait3A_365] : memref<320000xi32, #tpu.memory_space<hbm>> -> memref<128xi32, #tpu.memory_space<hbm>>
        tpu.wait_dma2 semaphore(%arg14 : memref<!tpu.dma_semaphore, #tpu.memory_space<semaphore_mem>>) src(%dma_wait3A_366 : memref<128xi32, #tpu.memory_space<hbm>>) dst(%arg8 : memref<128xi32, #tpu.memory_space<vmem>>)
        %ge3A_367 = arith.constant 2 : i32
        %ge3A_368 = arith.cmpi sge, %while3A_277, %ge3A_367 : i32
        %convert_element_type3A_369 = arith.extui %ge3A_368 : i1 to i32
        %cond3A_370 = arith.constant 0 : i32
        %cond3A_371 = arith.cmpi ne, %convert_element_type3A_369, %cond3A_370 : i32
        scf.if %cond3A_371 {
          %dma_wait3A_381 = arith.constant 0 : i32
          %dma_wait3A_382 = arith.constant 0 : i32
          %dma_wait3A_383 = tpu.memref_slice %arg4[%dma_wait3A_381, %dma_wait3A_382] : memref<10240x16xf32, #tpu.memory_space<vmem_shared>> -> memref<10240x16xf32, #tpu.memory_space<vmem_shared>>
          tpu.wait_indirect_dma semaphore(%arg16 : memref<!tpu.dma_semaphore, #tpu.memory_space<semaphore_mem>>) src(%arg9 : memref<128x16xf32, #tpu.memory_space<vmem>>) dst(%dma_wait3A_383 : memref<10240x16xf32, #tpu.memory_space<vmem_shared>>)
        } else {
        }
        %dma_start3A_372 = arith.constant 0 : i32
        %dma_start3A_373 = arith.constant 0 : i32
        %dma_start3A_374 = tpu.memref_slice %arg4[%dma_start3A_372, %dma_start3A_373] : memref<10240x16xf32, #tpu.memory_space<vmem_shared>> -> memref<10240x16xf32, #tpu.memory_space<vmem_shared>>
        tpu.enqueue_indirect_dma source(%arg9 : memref<128x16xf32, #tpu.memory_space<vmem>>) target(%dma_start3A_374 : memref<10240x16xf32, #tpu.memory_space<vmem_shared>>) offsets(%arg8 : memref<128xi32, #tpu.memory_space<vmem>>) semaphore(%arg16 : memref<!tpu.dma_semaphore, #tpu.memory_space<semaphore_mem>>) {add = true}
        %add3A_375 = arith.constant 2 : i32
        %add3A_376 = arith.addi %while3A_277, %add3A_375 : i32
        %lt3A_377 = arith.cmpi slt, %add3A_376, %add3A_4 : i32
        %convert_element_type3A_378 = arith.extui %lt3A_377 : i1 to i32
        %cond3A_379 = arith.constant 0 : i32
        %cond3A_380 = arith.cmpi ne, %convert_element_type3A_378, %cond3A_379 : i32
        scf.if %cond3A_380 {
          %add3A_381 = arith.constant 2 : i32
          %add3A_382 = arith.addi %while3A_277, %add3A_381 : i32
          %mul3A_383 = arith.constant 32 : i32
          %mul3A_384 = arith.muli %mul3A_383, %add3A_382 : i32
          %add3A_385 = arith.addi %add3A, %mul3A_384 : i32
          %mul3A_386 = arith.constant 128 : i32
          %mul3A_387 = arith.muli %add3A_385, %mul3A_386 : i32
          %multiple_of3A_388 = tpu.assume_multiple %mul3A_387, 8 : i32
          %dma_start3A_389 = tpu.memref_slice %arg2[%multiple_of3A_388] : memref<320000xi32, #tpu.memory_space<hbm>> -> memref<128xi32, #tpu.memory_space<hbm>>
          %dma_start3A_390 = tpu.memref_slice %arg2[%multiple_of3A_388] : memref<320000xi32, #tpu.memory_space<hbm>> -> memref<128xi32, #tpu.memory_space<hbm>>
          tpu.enqueue_dma source(%dma_start3A_390 : memref<128xi32, #tpu.memory_space<hbm>>) target(%arg6 : memref<128xi32, #tpu.memory_space<vmem>>) target_semaphore(%arg12 : memref<!tpu.dma_semaphore, #tpu.memory_space<semaphore_mem>>)
        } else {
        }
      } else {
      }
      %while3A_363 = arith.constant 0 : i32
      scf.yield %while3A_363 : i32
    }
    %while3A_59 = arith.constant 1 : i32
    %while3A_60 = scf.for %while3A_277 = %while3A_56 to %while3A_52 step %while3A_59 iter_args(%while3A_278 = %while3A_58) -> (i32)  : i32 {
      %jit3A_279 = arith.constant 4 : i32
      %eq3A_280 = arith.constant 0 : i32
      %eq3A_281 = arith.cmpi eq, %jit3A_279, %eq3A_280 : i32
      %jit3A_282 = arith.constant 1 : i32
      %select_n3A_283 = arith.select %eq3A_281, %jit3A_282, %jit3A_279 : i32
      %rem3A_284 = arith.remsi %while3A_277, %select_n3A_283 : i32
      %ne3A_285 = arith.constant 0 : i32
      %ne3A_286 = arith.cmpi ne, %rem3A_284, %ne3A_285 : i32
      %lt3A_287 = arith.constant 0 : i32
      %lt3A_288 = arith.cmpi slt, %rem3A_284, %lt3A_287 : i32
      %lt3A_289 = arith.constant 0 : i32
      %lt3A_290 = arith.cmpi slt, %select_n3A_283, %lt3A_289 : i32
      %ne3A_291 = arith.xori %lt3A_288, %lt3A_290 : i1
      %and3A_292 = arith.andi %ne3A_291, %ne3A_286 : i1
      %add3A_293 = arith.addi %rem3A_284, %select_n3A_283 : i32
      %select_n3A_294 = arith.select %and3A_292, %add3A_293, %rem3A_284 : i32
      %eq3A_295 = arith.constant 0 : i32
      %eq3A_296 = arith.cmpi eq, %select_n3A_294, %eq3A_295 : i32
      %convert_element_type3A_297 = arith.extui %eq3A_296 : i1 to i32
      %cond3A_298 = arith.constant 0 : i32
      %cond3A_299 = arith.cmpi ne, %convert_element_type3A_297, %cond3A_298 : i32
      scf.if %cond3A_299 {
        %dma_wait3A = arith.constant 0 : i32
        %dma_wait3A_364 = tpu.memref_slice %arg2[%dma_wait3A] : memref<320000xi32, #tpu.memory_space<hbm>> -> memref<128xi32, #tpu.memory_space<hbm>>
        %dma_wait3A_365 = arith.constant 0 : i32
        %dma_wait3A_366 = tpu.memref_slice %arg2[%dma_wait3A_365] : memref<320000xi32, #tpu.memory_space<hbm>> -> memref<128xi32, #tpu.memory_space<hbm>>
        tpu.wait_dma2 semaphore(%arg11 : memref<!tpu.dma_semaphore, #tpu.memory_space<semaphore_mem>>) src(%dma_wait3A_366 : memref<128xi32, #tpu.memory_space<hbm>>) dst(%arg5 : memref<128xi32, #tpu.memory_space<vmem>>)
        %ge3A_367 = arith.constant 2 : i32
        %ge3A_368 = arith.cmpi sge, %while3A_277, %ge3A_367 : i32
        %convert_element_type3A_369 = arith.extui %ge3A_368 : i1 to i32
        %cond3A_370 = arith.constant 0 : i32
        %cond3A_371 = arith.cmpi ne, %convert_element_type3A_369, %cond3A_370 : i32
        scf.if %cond3A_371 {
          %dma_wait3A_381 = arith.constant 0 : i32
          %dma_wait3A_382 = arith.constant 0 : i32
          %dma_wait3A_383 = tpu.memref_slice %arg4[%dma_wait3A_381, %dma_wait3A_382] : memref<10240x16xf32, #tpu.memory_space<vmem_shared>> -> memref<10240x16xf32, #tpu.memory_space<vmem_shared>>
          tpu.wait_indirect_dma semaphore(%arg15 : memref<!tpu.dma_semaphore, #tpu.memory_space<semaphore_mem>>) src(%arg9 : memref<128x16xf32, #tpu.memory_space<vmem>>) dst(%dma_wait3A_383 : memref<10240x16xf32, #tpu.memory_space<vmem_shared>>)
        } else {
        }
        %dma_start3A_372 = arith.constant 0 : i32
        %dma_start3A_373 = arith.constant 0 : i32
        %dma_start3A_374 = tpu.memref_slice %arg4[%dma_start3A_372, %dma_start3A_373] : memref<10240x16xf32, #tpu.memory_space<vmem_shared>> -> memref<10240x16xf32, #tpu.memory_space<vmem_shared>>
        tpu.enqueue_indirect_dma source(%arg9 : memref<128x16xf32, #tpu.memory_space<vmem>>) target(%dma_start3A_374 : memref<10240x16xf32, #tpu.memory_space<vmem_shared>>) offsets(%arg5 : memref<128xi32, #tpu.memory_space<vmem>>) semaphore(%arg15 : memref<!tpu.dma_semaphore, #tpu.memory_space<semaphore_mem>>) {add = true}
        %add3A_375 = arith.constant 2 : i32
        %add3A_376 = arith.addi %while3A_277, %add3A_375 : i32
        %lt3A_377 = arith.cmpi slt, %add3A_376, %add3A_4 : i32
        %convert_element_type3A_378 = arith.extui %lt3A_377 : i1 to i32
        %cond3A_379 = arith.constant 0 : i32
        %cond3A_380 = arith.cmpi ne, %convert_element_type3A_378, %cond3A_379 : i32
        scf.if %cond3A_380 {
          %add3A_381 = arith.constant 2 : i32
          %add3A_382 = arith.addi %while3A_277, %add3A_381 : i32
          %mul3A_383 = arith.constant 32 : i32
          %mul3A_384 = arith.muli %mul3A_383, %add3A_382 : i32
          %add3A_385 = arith.addi %add3A, %mul3A_384 : i32
          %mul3A_386 = arith.constant 128 : i32
          %mul3A_387 = arith.muli %add3A_385, %mul3A_386 : i32
          %multiple_of3A_388 = tpu.assume_multiple %mul3A_387, 8 : i32
          %dma_start3A_389 = tpu.memref_slice %arg2[%multiple_of3A_388] : memref<320000xi32, #tpu.memory_space<hbm>> -> memref<128xi32, #tpu.memory_space<hbm>>
          %dma_start3A_390 = tpu.memref_slice %arg2[%multiple_of3A_388] : memref<320000xi32, #tpu.memory_space<hbm>> -> memref<128xi32, #tpu.memory_space<hbm>>
          tpu.enqueue_dma source(%dma_start3A_390 : memref<128xi32, #tpu.memory_space<hbm>>) target(%arg7 : memref<128xi32, #tpu.memory_space<vmem>>) target_semaphore(%arg13 : memref<!tpu.dma_semaphore, #tpu.memory_space<semaphore_mem>>)
        } else {
        }
      } else {
      }
      %jit3A_300 = arith.constant 4 : i32
      %eq3A_301 = arith.constant 0 : i32
      %eq3A_302 = arith.cmpi eq, %jit3A_300, %eq3A_301 : i32
      %jit3A_303 = arith.constant 1 : i32
      %select_n3A_304 = arith.select %eq3A_302, %jit3A_303, %jit3A_300 : i32
      %rem3A_305 = arith.remsi %while3A_277, %select_n3A_304 : i32
      %ne3A_306 = arith.constant 0 : i32
      %ne3A_307 = arith.cmpi ne, %rem3A_305, %ne3A_306 : i32
      %lt3A_308 = arith.constant 0 : i32
      %lt3A_309 = arith.cmpi slt, %rem3A_305, %lt3A_308 : i32
      %lt3A_310 = arith.constant 0 : i32
      %lt3A_311 = arith.cmpi slt, %select_n3A_304, %lt3A_310 : i32
      %ne3A_312 = arith.xori %lt3A_309, %lt3A_311 : i1
      %and3A_313 = arith.andi %ne3A_312, %ne3A_307 : i1
      %add3A_314 = arith.addi %rem3A_305, %select_n3A_304 : i32
      %select_n3A_315 = arith.select %and3A_313, %add3A_314, %rem3A_305 : i32
      %eq3A_316 = arith.constant 1 : i32
      %eq3A_317 = arith.cmpi eq, %select_n3A_315, %eq3A_316 : i32
      %convert_element_type3A_318 = arith.extui %eq3A_317 : i1 to i32
      %cond3A_319 = arith.constant 0 : i32
      %cond3A_320 = arith.cmpi ne, %convert_element_type3A_318, %cond3A_319 : i32
      scf.if %cond3A_320 {
        %dma_wait3A = arith.constant 0 : i32
        %dma_wait3A_364 = tpu.memref_slice %arg2[%dma_wait3A] : memref<320000xi32, #tpu.memory_space<hbm>> -> memref<128xi32, #tpu.memory_space<hbm>>
        %dma_wait3A_365 = arith.constant 0 : i32
        %dma_wait3A_366 = tpu.memref_slice %arg2[%dma_wait3A_365] : memref<320000xi32, #tpu.memory_space<hbm>> -> memref<128xi32, #tpu.memory_space<hbm>>
        tpu.wait_dma2 semaphore(%arg12 : memref<!tpu.dma_semaphore, #tpu.memory_space<semaphore_mem>>) src(%dma_wait3A_366 : memref<128xi32, #tpu.memory_space<hbm>>) dst(%arg6 : memref<128xi32, #tpu.memory_space<vmem>>)
        %ge3A_367 = arith.constant 2 : i32
        %ge3A_368 = arith.cmpi sge, %while3A_277, %ge3A_367 : i32
        %convert_element_type3A_369 = arith.extui %ge3A_368 : i1 to i32
        %cond3A_370 = arith.constant 0 : i32
        %cond3A_371 = arith.cmpi ne, %convert_element_type3A_369, %cond3A_370 : i32
        scf.if %cond3A_371 {
          %dma_wait3A_381 = arith.constant 0 : i32
          %dma_wait3A_382 = arith.constant 0 : i32
          %dma_wait3A_383 = tpu.memref_slice %arg4[%dma_wait3A_381, %dma_wait3A_382] : memref<10240x16xf32, #tpu.memory_space<vmem_shared>> -> memref<10240x16xf32, #tpu.memory_space<vmem_shared>>
          tpu.wait_indirect_dma semaphore(%arg16 : memref<!tpu.dma_semaphore, #tpu.memory_space<semaphore_mem>>) src(%arg9 : memref<128x16xf32, #tpu.memory_space<vmem>>) dst(%dma_wait3A_383 : memref<10240x16xf32, #tpu.memory_space<vmem_shared>>)
        } else {
        }
        %dma_start3A_372 = arith.constant 0 : i32
        %dma_start3A_373 = arith.constant 0 : i32
        %dma_start3A_374 = tpu.memref_slice %arg4[%dma_start3A_372, %dma_start3A_373] : memref<10240x16xf32, #tpu.memory_space<vmem_shared>> -> memref<10240x16xf32, #tpu.memory_space<vmem_shared>>
        tpu.enqueue_indirect_dma source(%arg9 : memref<128x16xf32, #tpu.memory_space<vmem>>) target(%dma_start3A_374 : memref<10240x16xf32, #tpu.memory_space<vmem_shared>>) offsets(%arg6 : memref<128xi32, #tpu.memory_space<vmem>>) semaphore(%arg16 : memref<!tpu.dma_semaphore, #tpu.memory_space<semaphore_mem>>) {add = true}
        %add3A_375 = arith.constant 2 : i32
        %add3A_376 = arith.addi %while3A_277, %add3A_375 : i32
        %lt3A_377 = arith.cmpi slt, %add3A_376, %add3A_4 : i32
        %convert_element_type3A_378 = arith.extui %lt3A_377 : i1 to i32
        %cond3A_379 = arith.constant 0 : i32
        %cond3A_380 = arith.cmpi ne, %convert_element_type3A_378, %cond3A_379 : i32
        scf.if %cond3A_380 {
          %add3A_381 = arith.constant 2 : i32
          %add3A_382 = arith.addi %while3A_277, %add3A_381 : i32
          %mul3A_383 = arith.constant 32 : i32
          %mul3A_384 = arith.muli %mul3A_383, %add3A_382 : i32
          %add3A_385 = arith.addi %add3A, %mul3A_384 : i32
          %mul3A_386 = arith.constant 128 : i32
          %mul3A_387 = arith.muli %add3A_385, %mul3A_386 : i32
          %multiple_of3A_388 = tpu.assume_multiple %mul3A_387, 8 : i32
          %dma_start3A_389 = tpu.memref_slice %arg2[%multiple_of3A_388] : memref<320000xi32, #tpu.memory_space<hbm>> -> memref<128xi32, #tpu.memory_space<hbm>>
          %dma_start3A_390 = tpu.memref_slice %arg2[%multiple_of3A_388] : memref<320000xi32, #tpu.memory_space<hbm>> -> memref<128xi32, #tpu.memory_space<hbm>>
          tpu.enqueue_dma source(%dma_start3A_390 : memref<128xi32, #tpu.memory_space<hbm>>) target(%arg8 : memref<128xi32, #tpu.memory_space<vmem>>) target_semaphore(%arg14 : memref<!tpu.dma_semaphore, #tpu.memory_space<semaphore_mem>>)
        } else {
        }
      } else {
      }
      %jit3A_321 = arith.constant 4 : i32
      %eq3A_322 = arith.constant 0 : i32
      %eq3A_323 = arith.cmpi eq, %jit3A_321, %eq3A_322 : i32
      %jit3A_324 = arith.constant 1 : i32
      %select_n3A_325 = arith.select %eq3A_323, %jit3A_324, %jit3A_321 : i32
      %rem3A_326 = arith.remsi %while3A_277, %select_n3A_325 : i32
      %ne3A_327 = arith.constant 0 : i32
      %ne3A_328 = arith.cmpi ne, %rem3A_326, %ne3A_327 : i32
      %lt3A_329 = arith.constant 0 : i32
      %lt3A_330 = arith.cmpi slt, %rem3A_326, %lt3A_329 : i32
      %lt3A_331 = arith.constant 0 : i32
      %lt3A_332 = arith.cmpi slt, %select_n3A_325, %lt3A_331 : i32
      %ne3A_333 = arith.xori %lt3A_330, %lt3A_332 : i1
      %and3A_334 = arith.andi %ne3A_333, %ne3A_328 : i1
      %add3A_335 = arith.addi %rem3A_326, %select_n3A_325 : i32
      %select_n3A_336 = arith.select %and3A_334, %add3A_335, %rem3A_326 : i32
      %eq3A_337 = arith.constant 2 : i32
      %eq3A_338 = arith.cmpi eq, %select_n3A_336, %eq3A_337 : i32
      %convert_element_type3A_339 = arith.extui %eq3A_338 : i1 to i32
      %cond3A_340 = arith.constant 0 : i32
      %cond3A_341 = arith.cmpi ne, %convert_element_type3A_339, %cond3A_340 : i32
      scf.if %cond3A_341 {
        %dma_wait3A = arith.constant 0 : i32
        %dma_wait3A_364 = tpu.memref_slice %arg2[%dma_wait3A] : memref<320000xi32, #tpu.memory_space<hbm>> -> memref<128xi32, #tpu.memory_space<hbm>>
        %dma_wait3A_365 = arith.constant 0 : i32
        %dma_wait3A_366 = tpu.memref_slice %arg2[%dma_wait3A_365] : memref<320000xi32, #tpu.memory_space<hbm>> -> memref<128xi32, #tpu.memory_space<hbm>>
        tpu.wait_dma2 semaphore(%arg13 : memref<!tpu.dma_semaphore, #tpu.memory_space<semaphore_mem>>) src(%dma_wait3A_366 : memref<128xi32, #tpu.memory_space<hbm>>) dst(%arg7 : memref<128xi32, #tpu.memory_space<vmem>>)
        %ge3A_367 = arith.constant 2 : i32
        %ge3A_368 = arith.cmpi sge, %while3A_277, %ge3A_367 : i32
        %convert_element_type3A_369 = arith.extui %ge3A_368 : i1 to i32
        %cond3A_370 = arith.constant 0 : i32
        %cond3A_371 = arith.cmpi ne, %convert_element_type3A_369, %cond3A_370 : i32
        scf.if %cond3A_371 {
          %dma_wait3A_381 = arith.constant 0 : i32
          %dma_wait3A_382 = arith.constant 0 : i32
          %dma_wait3A_383 = tpu.memref_slice %arg4[%dma_wait3A_381, %dma_wait3A_382] : memref<10240x16xf32, #tpu.memory_space<vmem_shared>> -> memref<10240x16xf32, #tpu.memory_space<vmem_shared>>
          tpu.wait_indirect_dma semaphore(%arg15 : memref<!tpu.dma_semaphore, #tpu.memory_space<semaphore_mem>>) src(%arg9 : memref<128x16xf32, #tpu.memory_space<vmem>>) dst(%dma_wait3A_383 : memref<10240x16xf32, #tpu.memory_space<vmem_shared>>)
        } else {
        }
        %dma_start3A_372 = arith.constant 0 : i32
        %dma_start3A_373 = arith.constant 0 : i32
        %dma_start3A_374 = tpu.memref_slice %arg4[%dma_start3A_372, %dma_start3A_373] : memref<10240x16xf32, #tpu.memory_space<vmem_shared>> -> memref<10240x16xf32, #tpu.memory_space<vmem_shared>>
        tpu.enqueue_indirect_dma source(%arg9 : memref<128x16xf32, #tpu.memory_space<vmem>>) target(%dma_start3A_374 : memref<10240x16xf32, #tpu.memory_space<vmem_shared>>) offsets(%arg7 : memref<128xi32, #tpu.memory_space<vmem>>) semaphore(%arg15 : memref<!tpu.dma_semaphore, #tpu.memory_space<semaphore_mem>>) {add = true}
        %add3A_375 = arith.constant 2 : i32
        %add3A_376 = arith.addi %while3A_277, %add3A_375 : i32
        %lt3A_377 = arith.cmpi slt, %add3A_376, %add3A_4 : i32
        %convert_element_type3A_378 = arith.extui %lt3A_377 : i1 to i32
        %cond3A_379 = arith.constant 0 : i32
        %cond3A_380 = arith.cmpi ne, %convert_element_type3A_378, %cond3A_379 : i32
        scf.if %cond3A_380 {
          %add3A_381 = arith.constant 2 : i32
          %add3A_382 = arith.addi %while3A_277, %add3A_381 : i32
          %mul3A_383 = arith.constant 32 : i32
          %mul3A_384 = arith.muli %mul3A_383, %add3A_382 : i32
          %add3A_385 = arith.addi %add3A, %mul3A_384 : i32
          %mul3A_386 = arith.constant 128 : i32
          %mul3A_387 = arith.muli %add3A_385, %mul3A_386 : i32
          %multiple_of3A_388 = tpu.assume_multiple %mul3A_387, 8 : i32
          %dma_start3A_389 = tpu.memref_slice %arg2[%multiple_of3A_388] : memref<320000xi32, #tpu.memory_space<hbm>> -> memref<128xi32, #tpu.memory_space<hbm>>
          %dma_start3A_390 = tpu.memref_slice %arg2[%multiple_of3A_388] : memref<320000xi32, #tpu.memory_space<hbm>> -> memref<128xi32, #tpu.memory_space<hbm>>
          tpu.enqueue_dma source(%dma_start3A_390 : memref<128xi32, #tpu.memory_space<hbm>>) target(%arg5 : memref<128xi32, #tpu.memory_space<vmem>>) target_semaphore(%arg11 : memref<!tpu.dma_semaphore, #tpu.memory_space<semaphore_mem>>)
        } else {
        }
      } else {
      }
      %jit3A_342 = arith.constant 4 : i32
      %eq3A_343 = arith.constant 0 : i32
      %eq3A_344 = arith.cmpi eq, %jit3A_342, %eq3A_343 : i32
      %jit3A_345 = arith.constant 1 : i32
      %select_n3A_346 = arith.select %eq3A_344, %jit3A_345, %jit3A_342 : i32
      %rem3A_347 = arith.remsi %while3A_277, %select_n3A_346 : i32
      %ne3A_348 = arith.constant 0 : i32
      %ne3A_349 = arith.cmpi ne, %rem3A_347, %ne3A_348 : i32
      %lt3A_350 = arith.constant 0 : i32
      %lt3A_351 = arith.cmpi slt, %rem3A_347, %lt3A_350 : i32
      %lt3A_352 = arith.constant 0 : i32
      %lt3A_353 = arith.cmpi slt, %select_n3A_346, %lt3A_352 : i32
      %ne3A_354 = arith.xori %lt3A_351, %lt3A_353 : i1
      %and3A_355 = arith.andi %ne3A_354, %ne3A_349 : i1
      %add3A_356 = arith.addi %rem3A_347, %select_n3A_346 : i32
      %select_n3A_357 = arith.select %and3A_355, %add3A_356, %rem3A_347 : i32
      %eq3A_358 = arith.constant 3 : i32
      %eq3A_359 = arith.cmpi eq, %select_n3A_357, %eq3A_358 : i32
      %convert_element_type3A_360 = arith.extui %eq3A_359 : i1 to i32
      %cond3A_361 = arith.constant 0 : i32
      %cond3A_362 = arith.cmpi ne, %convert_element_type3A_360, %cond3A_361 : i32
      scf.if %cond3A_362 {
        %dma_wait3A = arith.constant 0 : i32
        %dma_wait3A_364 = tpu.memref_slice %arg2[%dma_wait3A] : memref<320000xi32, #tpu.memory_space<hbm>> -> memref<128xi32, #tpu.memory_space<hbm>>
        %dma_wait3A_365 = arith.constant 0 : i32
        %dma_wait3A_366 = tpu.memref_slice %arg2[%dma_wait3A_365] : memref<320000xi32, #tpu.memory_space<hbm>> -> memref<128xi32, #tpu.memory_space<hbm>>
        tpu.wait_dma2 semaphore(%arg14 : memref<!tpu.dma_semaphore, #tpu.memory_space<semaphore_mem>>) src(%dma_wait3A_366 : memref<128xi32, #tpu.memory_space<hbm>>) dst(%arg8 : memref<128xi32, #tpu.memory_space<vmem>>)
        %ge3A_367 = arith.constant 2 : i32
        %ge3A_368 = arith.cmpi sge, %while3A_277, %ge3A_367 : i32
        %convert_element_type3A_369 = arith.extui %ge3A_368 : i1 to i32
        %cond3A_370 = arith.constant 0 : i32
        %cond3A_371 = arith.cmpi ne, %convert_element_type3A_369, %cond3A_370 : i32
        scf.if %cond3A_371 {
          %dma_wait3A_381 = arith.constant 0 : i32
          %dma_wait3A_382 = arith.constant 0 : i32
          %dma_wait3A_383 = tpu.memref_slice %arg4[%dma_wait3A_381, %dma_wait3A_382] : memref<10240x16xf32, #tpu.memory_space<vmem_shared>> -> memref<10240x16xf32, #tpu.memory_space<vmem_shared>>
          tpu.wait_indirect_dma semaphore(%arg16 : memref<!tpu.dma_semaphore, #tpu.memory_space<semaphore_mem>>) src(%arg9 : memref<128x16xf32, #tpu.memory_space<vmem>>) dst(%dma_wait3A_383 : memref<10240x16xf32, #tpu.memory_space<vmem_shared>>)
        } else {
        }
        %dma_start3A_372 = arith.constant 0 : i32
        %dma_start3A_373 = arith.constant 0 : i32
        %dma_start3A_374 = tpu.memref_slice %arg4[%dma_start3A_372, %dma_start3A_373] : memref<10240x16xf32, #tpu.memory_space<vmem_shared>> -> memref<10240x16xf32, #tpu.memory_space<vmem_shared>>
        tpu.enqueue_indirect_dma source(%arg9 : memref<128x16xf32, #tpu.memory_space<vmem>>) target(%dma_start3A_374 : memref<10240x16xf32, #tpu.memory_space<vmem_shared>>) offsets(%arg8 : memref<128xi32, #tpu.memory_space<vmem>>) semaphore(%arg16 : memref<!tpu.dma_semaphore, #tpu.memory_space<semaphore_mem>>) {add = true}
        %add3A_375 = arith.constant 2 : i32
        %add3A_376 = arith.addi %while3A_277, %add3A_375 : i32
        %lt3A_377 = arith.cmpi slt, %add3A_376, %add3A_4 : i32
        %convert_element_type3A_378 = arith.extui %lt3A_377 : i1 to i32
        %cond3A_379 = arith.constant 0 : i32
        %cond3A_380 = arith.cmpi ne, %convert_element_type3A_378, %cond3A_379 : i32
        scf.if %cond3A_380 {
          %add3A_381 = arith.constant 2 : i32
          %add3A_382 = arith.addi %while3A_277, %add3A_381 : i32
          %mul3A_383 = arith.constant 32 : i32
          %mul3A_384 = arith.muli %mul3A_383, %add3A_382 : i32
          %add3A_385 = arith.addi %add3A, %mul3A_384 : i32
          %mul3A_386 = arith.constant 128 : i32
          %mul3A_387 = arith.muli %add3A_385, %mul3A_386 : i32
          %multiple_of3A_388 = tpu.assume_multiple %mul3A_387, 8 : i32
          %dma_start3A_389 = tpu.memref_slice %arg2[%multiple_of3A_388] : memref<320000xi32, #tpu.memory_space<hbm>> -> memref<128xi32, #tpu.memory_space<hbm>>
          %dma_start3A_390 = tpu.memref_slice %arg2[%multiple_of3A_388] : memref<320000xi32, #tpu.memory_space<hbm>> -> memref<128xi32, #tpu.memory_space<hbm>>
          tpu.enqueue_dma source(%dma_start3A_390 : memref<128xi32, #tpu.memory_space<hbm>>) target(%arg6 : memref<128xi32, #tpu.memory_space<vmem>>) target_semaphore(%arg12 : memref<!tpu.dma_semaphore, #tpu.memory_space<semaphore_mem>>)
        } else {
        }
      } else {
      }
      %while3A_363 = arith.constant 0 : i32
      scf.yield %while3A_363 : i32
    }
    %sub3A = arith.constant 1 : i32
    %sub3A_61 = arith.subi %add3A_4, %sub3A : i32
    %jit3A_62 = arith.constant 4 : i32
    %eq3A = arith.constant 0 : i32
    %eq3A_63 = arith.cmpi eq, %jit3A_62, %eq3A : i32
    %jit3A_64 = arith.constant 1 : i32
    %select_n3A_65 = arith.select %eq3A_63, %jit3A_64, %jit3A_62 : i32
    %rem3A = arith.remsi %sub3A_61, %select_n3A_65 : i32
    %ne3A = arith.constant 0 : i32
    %ne3A_66 = arith.cmpi ne, %rem3A, %ne3A : i32
    %lt3A_67 = arith.constant 0 : i32
    %lt3A_68 = arith.cmpi slt, %rem3A, %lt3A_67 : i32
    %lt3A_69 = arith.constant 0 : i32
    %lt3A_70 = arith.cmpi slt, %select_n3A_65, %lt3A_69 : i32
    %ne3A_71 = arith.xori %lt3A_68, %lt3A_70 : i1
    %and3A = arith.andi %ne3A_71, %ne3A_66 : i1
    %add3A_72 = arith.addi %rem3A, %select_n3A_65 : i32
    %select_n3A_73 = arith.select %and3A, %add3A_72, %rem3A : i32
    %eq3A_74 = arith.constant 0 : i32
    %eq3A_75 = arith.cmpi eq, %select_n3A_73, %eq3A_74 : i32
    %convert_element_type3A_76 = arith.extui %eq3A_75 : i1 to i32
    %cond3A_77 = arith.constant 0 : i32
    %cond3A_78 = arith.cmpi ne, %convert_element_type3A_76, %cond3A_77 : i32
    scf.if %cond3A_78 {
      %dma_wait3A = arith.constant 0 : i32
      %dma_wait3A_277 = arith.constant 0 : i32
      %dma_wait3A_278 = tpu.memref_slice %arg4[%dma_wait3A, %dma_wait3A_277] : memref<10240x16xf32, #tpu.memory_space<vmem_shared>> -> memref<10240x16xf32, #tpu.memory_space<vmem_shared>>
      tpu.wait_indirect_dma semaphore(%arg15 : memref<!tpu.dma_semaphore, #tpu.memory_space<semaphore_mem>>) src(%arg9 : memref<128x16xf32, #tpu.memory_space<vmem>>) dst(%dma_wait3A_278 : memref<10240x16xf32, #tpu.memory_space<vmem_shared>>)
    } else {
    }
    %sub3A_79 = arith.constant 2 : i32
    %sub3A_80 = arith.subi %add3A_4, %sub3A_79 : i32
    %jit3A_81 = arith.constant 4 : i32
    %eq3A_82 = arith.constant 0 : i32
    %eq3A_83 = arith.cmpi eq, %jit3A_81, %eq3A_82 : i32
    %jit3A_84 = arith.constant 1 : i32
    %select_n3A_85 = arith.select %eq3A_83, %jit3A_84, %jit3A_81 : i32
    %rem3A_86 = arith.remsi %sub3A_80, %select_n3A_85 : i32
    %ne3A_87 = arith.constant 0 : i32
    %ne3A_88 = arith.cmpi ne, %rem3A_86, %ne3A_87 : i32
    %lt3A_89 = arith.constant 0 : i32
    %lt3A_90 = arith.cmpi slt, %rem3A_86, %lt3A_89 : i32
    %lt3A_91 = arith.constant 0 : i32
    %lt3A_92 = arith.cmpi slt, %select_n3A_85, %lt3A_91 : i32
    %ne3A_93 = arith.xori %lt3A_90, %lt3A_92 : i1
    %and3A_94 = arith.andi %ne3A_93, %ne3A_88 : i1
    %add3A_95 = arith.addi %rem3A_86, %select_n3A_85 : i32
    %select_n3A_96 = arith.select %and3A_94, %add3A_95, %rem3A_86 : i32
    %eq3A_97 = arith.constant 0 : i32
    %eq3A_98 = arith.cmpi eq, %select_n3A_96, %eq3A_97 : i32
    %ge3A = arith.constant 2 : i32
    %ge3A_99 = arith.cmpi sge, %add3A_4, %ge3A : i32
    %and3A_100 = arith.andi %eq3A_98, %ge3A_99 : i1
    %convert_element_type3A_101 = arith.extui %and3A_100 : i1 to i32
    %cond3A_102 = arith.constant 0 : i32
    %cond3A_103 = arith.cmpi ne, %convert_element_type3A_101, %cond3A_102 : i32
    scf.if %cond3A_103 {
      %dma_wait3A = arith.constant 0 : i32
      %dma_wait3A_277 = arith.constant 0 : i32
      %dma_wait3A_278 = tpu.memref_slice %arg4[%dma_wait3A, %dma_wait3A_277] : memref<10240x16xf32, #tpu.memory_space<vmem_shared>> -> memref<10240x16xf32, #tpu.memory_space<vmem_shared>>
      tpu.wait_indirect_dma semaphore(%arg15 : memref<!tpu.dma_semaphore, #tpu.memory_space<semaphore_mem>>) src(%arg9 : memref<128x16xf32, #tpu.memory_space<vmem>>) dst(%dma_wait3A_278 : memref<10240x16xf32, #tpu.memory_space<vmem_shared>>)
    } else {
    }
    %sub3A_104 = arith.constant 1 : i32
    %sub3A_105 = arith.subi %add3A_4, %sub3A_104 : i32
    %jit3A_106 = arith.constant 4 : i32
    %eq3A_107 = arith.constant 0 : i32
    %eq3A_108 = arith.cmpi eq, %jit3A_106, %eq3A_107 : i32
    %jit3A_109 = arith.constant 1 : i32
    %select_n3A_110 = arith.select %eq3A_108, %jit3A_109, %jit3A_106 : i32
    %rem3A_111 = arith.remsi %sub3A_105, %select_n3A_110 : i32
    %ne3A_112 = arith.constant 0 : i32
    %ne3A_113 = arith.cmpi ne, %rem3A_111, %ne3A_112 : i32
    %lt3A_114 = arith.constant 0 : i32
    %lt3A_115 = arith.cmpi slt, %rem3A_111, %lt3A_114 : i32
    %lt3A_116 = arith.constant 0 : i32
    %lt3A_117 = arith.cmpi slt, %select_n3A_110, %lt3A_116 : i32
    %ne3A_118 = arith.xori %lt3A_115, %lt3A_117 : i1
    %and3A_119 = arith.andi %ne3A_118, %ne3A_113 : i1
    %add3A_120 = arith.addi %rem3A_111, %select_n3A_110 : i32
    %select_n3A_121 = arith.select %and3A_119, %add3A_120, %rem3A_111 : i32
    %eq3A_122 = arith.constant 1 : i32
    %eq3A_123 = arith.cmpi eq, %select_n3A_121, %eq3A_122 : i32
    %convert_element_type3A_124 = arith.extui %eq3A_123 : i1 to i32
    %cond3A_125 = arith.constant 0 : i32
    %cond3A_126 = arith.cmpi ne, %convert_element_type3A_124, %cond3A_125 : i32
    scf.if %cond3A_126 {
      %dma_wait3A = arith.constant 0 : i32
      %dma_wait3A_277 = arith.constant 0 : i32
      %dma_wait3A_278 = tpu.memref_slice %arg4[%dma_wait3A, %dma_wait3A_277] : memref<10240x16xf32, #tpu.memory_space<vmem_shared>> -> memref<10240x16xf32, #tpu.memory_space<vmem_shared>>
      tpu.wait_indirect_dma semaphore(%arg16 : memref<!tpu.dma_semaphore, #tpu.memory_space<semaphore_mem>>) src(%arg9 : memref<128x16xf32, #tpu.memory_space<vmem>>) dst(%dma_wait3A_278 : memref<10240x16xf32, #tpu.memory_space<vmem_shared>>)
    } else {
    }
    %sub3A_127 = arith.constant 2 : i32
    %sub3A_128 = arith.subi %add3A_4, %sub3A_127 : i32
    %jit3A_129 = arith.constant 4 : i32
    %eq3A_130 = arith.constant 0 : i32
    %eq3A_131 = arith.cmpi eq, %jit3A_129, %eq3A_130 : i32
    %jit3A_132 = arith.constant 1 : i32
    %select_n3A_133 = arith.select %eq3A_131, %jit3A_132, %jit3A_129 : i32
    %rem3A_134 = arith.remsi %sub3A_128, %select_n3A_133 : i32
    %ne3A_135 = arith.constant 0 : i32
    %ne3A_136 = arith.cmpi ne, %rem3A_134, %ne3A_135 : i32
    %lt3A_137 = arith.constant 0 : i32
    %lt3A_138 = arith.cmpi slt, %rem3A_134, %lt3A_137 : i32
    %lt3A_139 = arith.constant 0 : i32
    %lt3A_140 = arith.cmpi slt, %select_n3A_133, %lt3A_139 : i32
    %ne3A_141 = arith.xori %lt3A_138, %lt3A_140 : i1
    %and3A_142 = arith.andi %ne3A_141, %ne3A_136 : i1
    %add3A_143 = arith.addi %rem3A_134, %select_n3A_133 : i32
    %select_n3A_144 = arith.select %and3A_142, %add3A_143, %rem3A_134 : i32
    %eq3A_145 = arith.constant 1 : i32
    %eq3A_146 = arith.cmpi eq, %select_n3A_144, %eq3A_145 : i32
    %ge3A_147 = arith.constant 2 : i32
    %ge3A_148 = arith.cmpi sge, %add3A_4, %ge3A_147 : i32
    %and3A_149 = arith.andi %eq3A_146, %ge3A_148 : i1
    %convert_element_type3A_150 = arith.extui %and3A_149 : i1 to i32
    %cond3A_151 = arith.constant 0 : i32
    %cond3A_152 = arith.cmpi ne, %convert_element_type3A_150, %cond3A_151 : i32
    scf.if %cond3A_152 {
      %dma_wait3A = arith.constant 0 : i32
      %dma_wait3A_277 = arith.constant 0 : i32
      %dma_wait3A_278 = tpu.memref_slice %arg4[%dma_wait3A, %dma_wait3A_277] : memref<10240x16xf32, #tpu.memory_space<vmem_shared>> -> memref<10240x16xf32, #tpu.memory_space<vmem_shared>>
      tpu.wait_indirect_dma semaphore(%arg16 : memref<!tpu.dma_semaphore, #tpu.memory_space<semaphore_mem>>) src(%arg9 : memref<128x16xf32, #tpu.memory_space<vmem>>) dst(%dma_wait3A_278 : memref<10240x16xf32, #tpu.memory_space<vmem_shared>>)
    } else {
    }
    %sub3A_153 = arith.constant 1 : i32
    %sub3A_154 = arith.subi %add3A_4, %sub3A_153 : i32
    %jit3A_155 = arith.constant 4 : i32
    %eq3A_156 = arith.constant 0 : i32
    %eq3A_157 = arith.cmpi eq, %jit3A_155, %eq3A_156 : i32
    %jit3A_158 = arith.constant 1 : i32
    %select_n3A_159 = arith.select %eq3A_157, %jit3A_158, %jit3A_155 : i32
    %rem3A_160 = arith.remsi %sub3A_154, %select_n3A_159 : i32
    %ne3A_161 = arith.constant 0 : i32
    %ne3A_162 = arith.cmpi ne, %rem3A_160, %ne3A_161 : i32
    %lt3A_163 = arith.constant 0 : i32
    %lt3A_164 = arith.cmpi slt, %rem3A_160, %lt3A_163 : i32
    %lt3A_165 = arith.constant 0 : i32
    %lt3A_166 = arith.cmpi slt, %select_n3A_159, %lt3A_165 : i32
    %ne3A_167 = arith.xori %lt3A_164, %lt3A_166 : i1
    %and3A_168 = arith.andi %ne3A_167, %ne3A_162 : i1
    %add3A_169 = arith.addi %rem3A_160, %select_n3A_159 : i32
    %select_n3A_170 = arith.select %and3A_168, %add3A_169, %rem3A_160 : i32
    %eq3A_171 = arith.constant 2 : i32
    %eq3A_172 = arith.cmpi eq, %select_n3A_170, %eq3A_171 : i32
    %convert_element_type3A_173 = arith.extui %eq3A_172 : i1 to i32
    %cond3A_174 = arith.constant 0 : i32
    %cond3A_175 = arith.cmpi ne, %convert_element_type3A_173, %cond3A_174 : i32
    scf.if %cond3A_175 {
      %dma_wait3A = arith.constant 0 : i32
      %dma_wait3A_277 = arith.constant 0 : i32
      %dma_wait3A_278 = tpu.memref_slice %arg4[%dma_wait3A, %dma_wait3A_277] : memref<10240x16xf32, #tpu.memory_space<vmem_shared>> -> memref<10240x16xf32, #tpu.memory_space<vmem_shared>>
      tpu.wait_indirect_dma semaphore(%arg15 : memref<!tpu.dma_semaphore, #tpu.memory_space<semaphore_mem>>) src(%arg9 : memref<128x16xf32, #tpu.memory_space<vmem>>) dst(%dma_wait3A_278 : memref<10240x16xf32, #tpu.memory_space<vmem_shared>>)
    } else {
    }
    %sub3A_176 = arith.constant 2 : i32
    %sub3A_177 = arith.subi %add3A_4, %sub3A_176 : i32
    %jit3A_178 = arith.constant 4 : i32
    %eq3A_179 = arith.constant 0 : i32
    %eq3A_180 = arith.cmpi eq, %jit3A_178, %eq3A_179 : i32
    %jit3A_181 = arith.constant 1 : i32
    %select_n3A_182 = arith.select %eq3A_180, %jit3A_181, %jit3A_178 : i32
    %rem3A_183 = arith.remsi %sub3A_177, %select_n3A_182 : i32
    %ne3A_184 = arith.constant 0 : i32
    %ne3A_185 = arith.cmpi ne, %rem3A_183, %ne3A_184 : i32
    %lt3A_186 = arith.constant 0 : i32
    %lt3A_187 = arith.cmpi slt, %rem3A_183, %lt3A_186 : i32
    %lt3A_188 = arith.constant 0 : i32
    %lt3A_189 = arith.cmpi slt, %select_n3A_182, %lt3A_188 : i32
    %ne3A_190 = arith.xori %lt3A_187, %lt3A_189 : i1
    %and3A_191 = arith.andi %ne3A_190, %ne3A_185 : i1
    %add3A_192 = arith.addi %rem3A_183, %select_n3A_182 : i32
    %select_n3A_193 = arith.select %and3A_191, %add3A_192, %rem3A_183 : i32
    %eq3A_194 = arith.constant 2 : i32
    %eq3A_195 = arith.cmpi eq, %select_n3A_193, %eq3A_194 : i32
    %ge3A_196 = arith.constant 2 : i32
    %ge3A_197 = arith.cmpi sge, %add3A_4, %ge3A_196 : i32
    %and3A_198 = arith.andi %eq3A_195, %ge3A_197 : i1
    %convert_element_type3A_199 = arith.extui %and3A_198 : i1 to i32
    %cond3A_200 = arith.constant 0 : i32
    %cond3A_201 = arith.cmpi ne, %convert_element_type3A_199, %cond3A_200 : i32
    scf.if %cond3A_201 {
      %dma_wait3A = arith.constant 0 : i32
      %dma_wait3A_277 = arith.constant 0 : i32
      %dma_wait3A_278 = tpu.memref_slice %arg4[%dma_wait3A, %dma_wait3A_277] : memref<10240x16xf32, #tpu.memory_space<vmem_shared>> -> memref<10240x16xf32, #tpu.memory_space<vmem_shared>>
      tpu.wait_indirect_dma semaphore(%arg15 : memref<!tpu.dma_semaphore, #tpu.memory_space<semaphore_mem>>) src(%arg9 : memref<128x16xf32, #tpu.memory_space<vmem>>) dst(%dma_wait3A_278 : memref<10240x16xf32, #tpu.memory_space<vmem_shared>>)
    } else {
    }
    %sub3A_202 = arith.constant 1 : i32
    %sub3A_203 = arith.subi %add3A_4, %sub3A_202 : i32
    %jit3A_204 = arith.constant 4 : i32
    %eq3A_205 = arith.constant 0 : i32
    %eq3A_206 = arith.cmpi eq, %jit3A_204, %eq3A_205 : i32
    %jit3A_207 = arith.constant 1 : i32
    %select_n3A_208 = arith.select %eq3A_206, %jit3A_207, %jit3A_204 : i32
    %rem3A_209 = arith.remsi %sub3A_203, %select_n3A_208 : i32
    %ne3A_210 = arith.constant 0 : i32
    %ne3A_211 = arith.cmpi ne, %rem3A_209, %ne3A_210 : i32
    %lt3A_212 = arith.constant 0 : i32
    %lt3A_213 = arith.cmpi slt, %rem3A_209, %lt3A_212 : i32
    %lt3A_214 = arith.constant 0 : i32
    %lt3A_215 = arith.cmpi slt, %select_n3A_208, %lt3A_214 : i32
    %ne3A_216 = arith.xori %lt3A_213, %lt3A_215 : i1
    %and3A_217 = arith.andi %ne3A_216, %ne3A_211 : i1
    %add3A_218 = arith.addi %rem3A_209, %select_n3A_208 : i32
    %select_n3A_219 = arith.select %and3A_217, %add3A_218, %rem3A_209 : i32
    %eq3A_220 = arith.constant 3 : i32
    %eq3A_221 = arith.cmpi eq, %select_n3A_219, %eq3A_220 : i32
    %convert_element_type3A_222 = arith.extui %eq3A_221 : i1 to i32
    %cond3A_223 = arith.constant 0 : i32
    %cond3A_224 = arith.cmpi ne, %convert_element_type3A_222, %cond3A_223 : i32
    scf.if %cond3A_224 {
      %dma_wait3A = arith.constant 0 : i32
      %dma_wait3A_277 = arith.constant 0 : i32
      %dma_wait3A_278 = tpu.memref_slice %arg4[%dma_wait3A, %dma_wait3A_277] : memref<10240x16xf32, #tpu.memory_space<vmem_shared>> -> memref<10240x16xf32, #tpu.memory_space<vmem_shared>>
      tpu.wait_indirect_dma semaphore(%arg16 : memref<!tpu.dma_semaphore, #tpu.memory_space<semaphore_mem>>) src(%arg9 : memref<128x16xf32, #tpu.memory_space<vmem>>) dst(%dma_wait3A_278 : memref<10240x16xf32, #tpu.memory_space<vmem_shared>>)
    } else {
    }
    %sub3A_225 = arith.constant 2 : i32
    %sub3A_226 = arith.subi %add3A_4, %sub3A_225 : i32
    %jit3A_227 = arith.constant 4 : i32
    %eq3A_228 = arith.constant 0 : i32
    %eq3A_229 = arith.cmpi eq, %jit3A_227, %eq3A_228 : i32
    %jit3A_230 = arith.constant 1 : i32
    %select_n3A_231 = arith.select %eq3A_229, %jit3A_230, %jit3A_227 : i32
    %rem3A_232 = arith.remsi %sub3A_226, %select_n3A_231 : i32
    %ne3A_233 = arith.constant 0 : i32
    %ne3A_234 = arith.cmpi ne, %rem3A_232, %ne3A_233 : i32
    %lt3A_235 = arith.constant 0 : i32
    %lt3A_236 = arith.cmpi slt, %rem3A_232, %lt3A_235 : i32
    %lt3A_237 = arith.constant 0 : i32
    %lt3A_238 = arith.cmpi slt, %select_n3A_231, %lt3A_237 : i32
    %ne3A_239 = arith.xori %lt3A_236, %lt3A_238 : i1
    %and3A_240 = arith.andi %ne3A_239, %ne3A_234 : i1
    %add3A_241 = arith.addi %rem3A_232, %select_n3A_231 : i32
    %select_n3A_242 = arith.select %and3A_240, %add3A_241, %rem3A_232 : i32
    %eq3A_243 = arith.constant 3 : i32
    %eq3A_244 = arith.cmpi eq, %select_n3A_242, %eq3A_243 : i32
    %ge3A_245 = arith.constant 2 : i32
    %ge3A_246 = arith.cmpi sge, %add3A_4, %ge3A_245 : i32
    %and3A_247 = arith.andi %eq3A_244, %ge3A_246 : i1
    %convert_element_type3A_248 = arith.extui %and3A_247 : i1 to i32
    %cond3A_249 = arith.constant 0 : i32
    %cond3A_250 = arith.cmpi ne, %convert_element_type3A_248, %cond3A_249 : i32
    scf.if %cond3A_250 {
      %dma_wait3A = arith.constant 0 : i32
      %dma_wait3A_277 = arith.constant 0 : i32
      %dma_wait3A_278 = tpu.memref_slice %arg4[%dma_wait3A, %dma_wait3A_277] : memref<10240x16xf32, #tpu.memory_space<vmem_shared>> -> memref<10240x16xf32, #tpu.memory_space<vmem_shared>>
      tpu.wait_indirect_dma semaphore(%arg16 : memref<!tpu.dma_semaphore, #tpu.memory_space<semaphore_mem>>) src(%arg9 : memref<128x16xf32, #tpu.memory_space<vmem>>) dst(%dma_wait3A_278 : memref<10240x16xf32, #tpu.memory_space<vmem_shared>>)
    } else {
    }
    %barrier3A_251 = arith.constant 0 : index
    tpu.barrier barrier_id(%barrier3A_251)
    %mul3A_252 = arith.constant 640 : i32
    %mul3A_253 = arith.muli %arg1, %mul3A_252 : i32
    %add3A_254 = arith.constant 0 : i32
    %add3A_255 = arith.addi %mul3A_253, %add3A_254 : i32
    %multiple_of3A_256 = tpu.assume_multiple %add3A_255, 128 : i32
    "tpu.region"() ({
      %run_scoped3A = tpu.sem_alloc : memref<!tpu.dma_semaphore, #tpu.memory_space<semaphore_mem>>
      %dma_start3A_277 = arith.constant 0 : i32
      %dma_start3A_278 = tpu.memref_slice %arg4[%multiple_of3A_256, %dma_start3A_277] : memref<10240x16xf32, #tpu.memory_space<vmem_shared>> -> memref<128x16xf32, #tpu.memory_space<vmem_shared>>
      %dma_start3A_279 = arith.constant 0 : i32
      %dma_start3A_280 = tpu.memref_slice %arg4[%multiple_of3A_256, %dma_start3A_279] : memref<10240x16xf32, #tpu.memory_space<vmem_shared>> -> memref<128x16xf32, #tpu.memory_space<vmem_shared>>
      tpu.enqueue_dma source(%dma_start3A_280 : memref<128x16xf32, #tpu.memory_space<vmem_shared>>) target(%arg10 : memref<128x16xf32, #tpu.memory_space<vmem>>) target_semaphore(%run_scoped3A : memref<!tpu.dma_semaphore, #tpu.memory_space<semaphore_mem>>)
      %dma_wait3A = arith.constant 0 : i32
      %dma_wait3A_281 = tpu.memref_slice %arg4[%multiple_of3A_256, %dma_wait3A] : memref<10240x16xf32, #tpu.memory_space<vmem_shared>> -> memref<128x16xf32, #tpu.memory_space<vmem_shared>>
      %dma_wait3A_282 = arith.constant 0 : i32
      %dma_wait3A_283 = tpu.memref_slice %arg4[%multiple_of3A_256, %dma_wait3A_282] : memref<10240x16xf32, #tpu.memory_space<vmem_shared>> -> memref<128x16xf32, #tpu.memory_space<vmem_shared>>
      tpu.wait_dma2 semaphore(%run_scoped3A : memref<!tpu.dma_semaphore, #tpu.memory_space<semaphore_mem>>) src(%dma_wait3A_283 : memref<128x16xf32, #tpu.memory_space<vmem_shared>>) dst(%arg10 : memref<128x16xf32, #tpu.memory_space<vmem>>)
      tpu.yield
    }) : () -> ()
    "tpu.region"() ({
      %run_scoped3A = tpu.sem_alloc : memref<!tpu.dma_semaphore, #tpu.memory_space<semaphore_mem>>
      %dma_start3A_277 = arith.constant 0 : i32
      %dma_start3A_278 = tpu.memref_slice %arg3[%arg0, %multiple_of3A_256, %dma_start3A_277] : memref<2x10240x16xf32, #tpu.memory_space<hbm>> -> memref<1x128x16xf32, #tpu.memory_space<hbm>>
      %dma_start3A_279 = tpu.memref_squeeze %dma_start3A_278 : memref<1x128x16xf32, #tpu.memory_space<hbm>> -> memref<128x16xf32, #tpu.memory_space<hbm>>
      %dma_start3A_280 = arith.constant 0 : i32
      %dma_start3A_281 = tpu.memref_slice %arg3[%arg0, %multiple_of3A_256, %dma_start3A_280] : memref<2x10240x16xf32, #tpu.memory_space<hbm>> -> memref<1x128x16xf32, #tpu.memory_space<hbm>>
      %dma_start3A_282 = tpu.memref_squeeze %dma_start3A_281 : memref<1x128x16xf32, #tpu.memory_space<hbm>> -> memref<128x16xf32, #tpu.memory_space<hbm>>
      tpu.enqueue_dma source(%arg10 : memref<128x16xf32, #tpu.memory_space<vmem>>) target(%dma_start3A_282 : memref<128x16xf32, #tpu.memory_space<hbm>>) target_semaphore(%run_scoped3A : memref<!tpu.dma_semaphore, #tpu.memory_space<semaphore_mem>>)
      %dma_wait3A = arith.constant 0 : i32
      %dma_wait3A_283 = tpu.memref_slice %arg3[%arg0, %multiple_of3A_256, %dma_wait3A] : memref<2x10240x16xf32, #tpu.memory_space<hbm>> -> memref<1x128x16xf32, #tpu.memory_space<hbm>>
      %dma_wait3A_284 = tpu.memref_squeeze %dma_wait3A_283 : memref<1x128x16xf32, #tpu.memory_space<hbm>> -> memref<128x16xf32, #tpu.memory_space<hbm>>
      %dma_wait3A_285 = arith.constant 0 : i32
      %dma_wait3A_286 = tpu.memref_slice %arg3[%arg0, %multiple_of3A_256, %dma_wait3A_285] : memref<2x10240x16xf32, #tpu.memory_space<hbm>> -> memref<1x128x16xf32, #tpu.memory_space<hbm>>
      %dma_wait3A_287 = tpu.memref_squeeze %dma_wait3A_286 : memref<1x128x16xf32, #tpu.memory_space<hbm>> -> memref<128x16xf32, #tpu.memory_space<hbm>>
      tpu.wait_dma2 semaphore(%run_scoped3A : memref<!tpu.dma_semaphore, #tpu.memory_space<semaphore_mem>>) src(%arg10 : memref<128x16xf32, #tpu.memory_space<vmem>>) dst(%dma_wait3A_287 : memref<128x16xf32, #tpu.memory_space<hbm>>)
      tpu.yield
    }) : () -> ()
    %mul3A_257 = arith.constant 640 : i32
    %mul3A_258 = arith.muli %arg1, %mul3A_257 : i32
    %add3A_259 = arith.constant 128 : i32
    %add3A_260 = arith.addi %mul3A_258, %add3A_259 : i32
    %multiple_of3A_261 = tpu.assume_multiple %add3A_260, 128 : i32
    "tpu.region"() ({
      %run_scoped3A = tpu.sem_alloc : memref<!tpu.dma_semaphore, #tpu.memory_space<semaphore_mem>>
      %dma_start3A_277 = arith.constant 0 : i32
      %dma_start3A_278 = tpu.memref_slice %arg4[%multiple_of3A_261, %dma_start3A_277] : memref<10240x16xf32, #tpu.memory_space<vmem_shared>> -> memref<128x16xf32, #tpu.memory_space<vmem_shared>>
      %dma_start3A_279 = arith.constant 0 : i32
      %dma_start3A_280 = tpu.memref_slice %arg4[%multiple_of3A_261, %dma_start3A_279] : memref<10240x16xf32, #tpu.memory_space<vmem_shared>> -> memref<128x16xf32, #tpu.memory_space<vmem_shared>>
      tpu.enqueue_dma source(%dma_start3A_280 : memref<128x16xf32, #tpu.memory_space<vmem_shared>>) target(%arg10 : memref<128x16xf32, #tpu.memory_space<vmem>>) target_semaphore(%run_scoped3A : memref<!tpu.dma_semaphore, #tpu.memory_space<semaphore_mem>>)
      %dma_wait3A = arith.constant 0 : i32
      %dma_wait3A_281 = tpu.memref_slice %arg4[%multiple_of3A_261, %dma_wait3A] : memref<10240x16xf32, #tpu.memory_space<vmem_shared>> -> memref<128x16xf32, #tpu.memory_space<vmem_shared>>
      %dma_wait3A_282 = arith.constant 0 : i32
      %dma_wait3A_283 = tpu.memref_slice %arg4[%multiple_of3A_261, %dma_wait3A_282] : memref<10240x16xf32, #tpu.memory_space<vmem_shared>> -> memref<128x16xf32, #tpu.memory_space<vmem_shared>>
      tpu.wait_dma2 semaphore(%run_scoped3A : memref<!tpu.dma_semaphore, #tpu.memory_space<semaphore_mem>>) src(%dma_wait3A_283 : memref<128x16xf32, #tpu.memory_space<vmem_shared>>) dst(%arg10 : memref<128x16xf32, #tpu.memory_space<vmem>>)
      tpu.yield
    }) : () -> ()
    "tpu.region"() ({
      %run_scoped3A = tpu.sem_alloc : memref<!tpu.dma_semaphore, #tpu.memory_space<semaphore_mem>>
      %dma_start3A_277 = arith.constant 0 : i32
      %dma_start3A_278 = tpu.memref_slice %arg3[%arg0, %multiple_of3A_261, %dma_start3A_277] : memref<2x10240x16xf32, #tpu.memory_space<hbm>> -> memref<1x128x16xf32, #tpu.memory_space<hbm>>
      %dma_start3A_279 = tpu.memref_squeeze %dma_start3A_278 : memref<1x128x16xf32, #tpu.memory_space<hbm>> -> memref<128x16xf32, #tpu.memory_space<hbm>>
      %dma_start3A_280 = arith.constant 0 : i32
      %dma_start3A_281 = tpu.memref_slice %arg3[%arg0, %multiple_of3A_261, %dma_start3A_280] : memref<2x10240x16xf32, #tpu.memory_space<hbm>> -> memref<1x128x16xf32, #tpu.memory_space<hbm>>
      %dma_start3A_282 = tpu.memref_squeeze %dma_start3A_281 : memref<1x128x16xf32, #tpu.memory_space<hbm>> -> memref<128x16xf32, #tpu.memory_space<hbm>>
      tpu.enqueue_dma source(%arg10 : memref<128x16xf32, #tpu.memory_space<vmem>>) target(%dma_start3A_282 : memref<128x16xf32, #tpu.memory_space<hbm>>) target_semaphore(%run_scoped3A : memref<!tpu.dma_semaphore, #tpu.memory_space<semaphore_mem>>)
      %dma_wait3A = arith.constant 0 : i32
      %dma_wait3A_283 = tpu.memref_slice %arg3[%arg0, %multiple_of3A_261, %dma_wait3A] : memref<2x10240x16xf32, #tpu.memory_space<hbm>> -> memref<1x128x16xf32, #tpu.memory_space<hbm>>
      %dma_wait3A_284 = tpu.memref_squeeze %dma_wait3A_283 : memref<1x128x16xf32, #tpu.memory_space<hbm>> -> memref<128x16xf32, #tpu.memory_space<hbm>>
      %dma_wait3A_285 = arith.constant 0 : i32
      %dma_wait3A_286 = tpu.memref_slice %arg3[%arg0, %multiple_of3A_261, %dma_wait3A_285] : memref<2x10240x16xf32, #tpu.memory_space<hbm>> -> memref<1x128x16xf32, #tpu.memory_space<hbm>>
      %dma_wait3A_287 = tpu.memref_squeeze %dma_wait3A_286 : memref<1x128x16xf32, #tpu.memory_space<hbm>> -> memref<128x16xf32, #tpu.memory_space<hbm>>
      tpu.wait_dma2 semaphore(%run_scoped3A : memref<!tpu.dma_semaphore, #tpu.memory_space<semaphore_mem>>) src(%arg10 : memref<128x16xf32, #tpu.memory_space<vmem>>) dst(%dma_wait3A_287 : memref<128x16xf32, #tpu.memory_space<hbm>>)
      tpu.yield
    }) : () -> ()
    %mul3A_262 = arith.constant 640 : i32
    %mul3A_263 = arith.muli %arg1, %mul3A_262 : i32
    %add3A_264 = arith.constant 256 : i32
    %add3A_265 = arith.addi %mul3A_263, %add3A_264 : i32
    %multiple_of3A_266 = tpu.assume_multiple %add3A_265, 128 : i32
    "tpu.region"() ({
      %run_scoped3A = tpu.sem_alloc : memref<!tpu.dma_semaphore, #tpu.memory_space<semaphore_mem>>
      %dma_start3A_277 = arith.constant 0 : i32
      %dma_start3A_278 = tpu.memref_slice %arg4[%multiple_of3A_266, %dma_start3A_277] : memref<10240x16xf32, #tpu.memory_space<vmem_shared>> -> memref<128x16xf32, #tpu.memory_space<vmem_shared>>
      %dma_start3A_279 = arith.constant 0 : i32
      %dma_start3A_280 = tpu.memref_slice %arg4[%multiple_of3A_266, %dma_start3A_279] : memref<10240x16xf32, #tpu.memory_space<vmem_shared>> -> memref<128x16xf32, #tpu.memory_space<vmem_shared>>
      tpu.enqueue_dma source(%dma_start3A_280 : memref<128x16xf32, #tpu.memory_space<vmem_shared>>) target(%arg10 : memref<128x16xf32, #tpu.memory_space<vmem>>) target_semaphore(%run_scoped3A : memref<!tpu.dma_semaphore, #tpu.memory_space<semaphore_mem>>)
      %dma_wait3A = arith.constant 0 : i32
      %dma_wait3A_281 = tpu.memref_slice %arg4[%multiple_of3A_266, %dma_wait3A] : memref<10240x16xf32, #tpu.memory_space<vmem_shared>> -> memref<128x16xf32, #tpu.memory_space<vmem_shared>>
      %dma_wait3A_282 = arith.constant 0 : i32
      %dma_wait3A_283 = tpu.memref_slice %arg4[%multiple_of3A_266, %dma_wait3A_282] : memref<10240x16xf32, #tpu.memory_space<vmem_shared>> -> memref<128x16xf32, #tpu.memory_space<vmem_shared>>
      tpu.wait_dma2 semaphore(%run_scoped3A : memref<!tpu.dma_semaphore, #tpu.memory_space<semaphore_mem>>) src(%dma_wait3A_283 : memref<128x16xf32, #tpu.memory_space<vmem_shared>>) dst(%arg10 : memref<128x16xf32, #tpu.memory_space<vmem>>)
      tpu.yield
    }) : () -> ()
    "tpu.region"() ({
      %run_scoped3A = tpu.sem_alloc : memref<!tpu.dma_semaphore, #tpu.memory_space<semaphore_mem>>
      %dma_start3A_277 = arith.constant 0 : i32
      %dma_start3A_278 = tpu.memref_slice %arg3[%arg0, %multiple_of3A_266, %dma_start3A_277] : memref<2x10240x16xf32, #tpu.memory_space<hbm>> -> memref<1x128x16xf32, #tpu.memory_space<hbm>>
      %dma_start3A_279 = tpu.memref_squeeze %dma_start3A_278 : memref<1x128x16xf32, #tpu.memory_space<hbm>> -> memref<128x16xf32, #tpu.memory_space<hbm>>
      %dma_start3A_280 = arith.constant 0 : i32
      %dma_start3A_281 = tpu.memref_slice %arg3[%arg0, %multiple_of3A_266, %dma_start3A_280] : memref<2x10240x16xf32, #tpu.memory_space<hbm>> -> memref<1x128x16xf32, #tpu.memory_space<hbm>>
      %dma_start3A_282 = tpu.memref_squeeze %dma_start3A_281 : memref<1x128x16xf32, #tpu.memory_space<hbm>> -> memref<128x16xf32, #tpu.memory_space<hbm>>
      tpu.enqueue_dma source(%arg10 : memref<128x16xf32, #tpu.memory_space<vmem>>) target(%dma_start3A_282 : memref<128x16xf32, #tpu.memory_space<hbm>>) target_semaphore(%run_scoped3A : memref<!tpu.dma_semaphore, #tpu.memory_space<semaphore_mem>>)
      %dma_wait3A = arith.constant 0 : i32
      %dma_wait3A_283 = tpu.memref_slice %arg3[%arg0, %multiple_of3A_266, %dma_wait3A] : memref<2x10240x16xf32, #tpu.memory_space<hbm>> -> memref<1x128x16xf32, #tpu.memory_space<hbm>>
      %dma_wait3A_284 = tpu.memref_squeeze %dma_wait3A_283 : memref<1x128x16xf32, #tpu.memory_space<hbm>> -> memref<128x16xf32, #tpu.memory_space<hbm>>
      %dma_wait3A_285 = arith.constant 0 : i32
      %dma_wait3A_286 = tpu.memref_slice %arg3[%arg0, %multiple_of3A_266, %dma_wait3A_285] : memref<2x10240x16xf32, #tpu.memory_space<hbm>> -> memref<1x128x16xf32, #tpu.memory_space<hbm>>
      %dma_wait3A_287 = tpu.memref_squeeze %dma_wait3A_286 : memref<1x128x16xf32, #tpu.memory_space<hbm>> -> memref<128x16xf32, #tpu.memory_space<hbm>>
      tpu.wait_dma2 semaphore(%run_scoped3A : memref<!tpu.dma_semaphore, #tpu.memory_space<semaphore_mem>>) src(%arg10 : memref<128x16xf32, #tpu.memory_space<vmem>>) dst(%dma_wait3A_287 : memref<128x16xf32, #tpu.memory_space<hbm>>)
      tpu.yield
    }) : () -> ()
    %mul3A_267 = arith.constant 640 : i32
    %mul3A_268 = arith.muli %arg1, %mul3A_267 : i32
    %add3A_269 = arith.constant 384 : i32
    %add3A_270 = arith.addi %mul3A_268, %add3A_269 : i32
    %multiple_of3A_271 = tpu.assume_multiple %add3A_270, 128 : i32
    "tpu.region"() ({
      %run_scoped3A = tpu.sem_alloc : memref<!tpu.dma_semaphore, #tpu.memory_space<semaphore_mem>>
      %dma_start3A_277 = arith.constant 0 : i32
      %dma_start3A_278 = tpu.memref_slice %arg4[%multiple_of3A_271, %dma_start3A_277] : memref<10240x16xf32, #tpu.memory_space<vmem_shared>> -> memref<128x16xf32, #tpu.memory_space<vmem_shared>>
      %dma_start3A_279 = arith.constant 0 : i32
      %dma_start3A_280 = tpu.memref_slice %arg4[%multiple_of3A_271, %dma_start3A_279] : memref<10240x16xf32, #tpu.memory_space<vmem_shared>> -> memref<128x16xf32, #tpu.memory_space<vmem_shared>>
      tpu.enqueue_dma source(%dma_start3A_280 : memref<128x16xf32, #tpu.memory_space<vmem_shared>>) target(%arg10 : memref<128x16xf32, #tpu.memory_space<vmem>>) target_semaphore(%run_scoped3A : memref<!tpu.dma_semaphore, #tpu.memory_space<semaphore_mem>>)
      %dma_wait3A = arith.constant 0 : i32
      %dma_wait3A_281 = tpu.memref_slice %arg4[%multiple_of3A_271, %dma_wait3A] : memref<10240x16xf32, #tpu.memory_space<vmem_shared>> -> memref<128x16xf32, #tpu.memory_space<vmem_shared>>
      %dma_wait3A_282 = arith.constant 0 : i32
      %dma_wait3A_283 = tpu.memref_slice %arg4[%multiple_of3A_271, %dma_wait3A_282] : memref<10240x16xf32, #tpu.memory_space<vmem_shared>> -> memref<128x16xf32, #tpu.memory_space<vmem_shared>>
      tpu.wait_dma2 semaphore(%run_scoped3A : memref<!tpu.dma_semaphore, #tpu.memory_space<semaphore_mem>>) src(%dma_wait3A_283 : memref<128x16xf32, #tpu.memory_space<vmem_shared>>) dst(%arg10 : memref<128x16xf32, #tpu.memory_space<vmem>>)
      tpu.yield
    }) : () -> ()
    "tpu.region"() ({
      %run_scoped3A = tpu.sem_alloc : memref<!tpu.dma_semaphore, #tpu.memory_space<semaphore_mem>>
      %dma_start3A_277 = arith.constant 0 : i32
      %dma_start3A_278 = tpu.memref_slice %arg3[%arg0, %multiple_of3A_271, %dma_start3A_277] : memref<2x10240x16xf32, #tpu.memory_space<hbm>> -> memref<1x128x16xf32, #tpu.memory_space<hbm>>
      %dma_start3A_279 = tpu.memref_squeeze %dma_start3A_278 : memref<1x128x16xf32, #tpu.memory_space<hbm>> -> memref<128x16xf32, #tpu.memory_space<hbm>>
      %dma_start3A_280 = arith.constant 0 : i32
      %dma_start3A_281 = tpu.memref_slice %arg3[%arg0, %multiple_of3A_271, %dma_start3A_280] : memref<2x10240x16xf32, #tpu.memory_space<hbm>> -> memref<1x128x16xf32, #tpu.memory_space<hbm>>
      %dma_start3A_282 = tpu.memref_squeeze %dma_start3A_281 : memref<1x128x16xf32, #tpu.memory_space<hbm>> -> memref<128x16xf32, #tpu.memory_space<hbm>>
      tpu.enqueue_dma source(%arg10 : memref<128x16xf32, #tpu.memory_space<vmem>>) target(%dma_start3A_282 : memref<128x16xf32, #tpu.memory_space<hbm>>) target_semaphore(%run_scoped3A : memref<!tpu.dma_semaphore, #tpu.memory_space<semaphore_mem>>)
      %dma_wait3A = arith.constant 0 : i32
      %dma_wait3A_283 = tpu.memref_slice %arg3[%arg0, %multiple_of3A_271, %dma_wait3A] : memref<2x10240x16xf32, #tpu.memory_space<hbm>> -> memref<1x128x16xf32, #tpu.memory_space<hbm>>
      %dma_wait3A_284 = tpu.memref_squeeze %dma_wait3A_283 : memref<1x128x16xf32, #tpu.memory_space<hbm>> -> memref<128x16xf32, #tpu.memory_space<hbm>>
      %dma_wait3A_285 = arith.constant 0 : i32
      %dma_wait3A_286 = tpu.memref_slice %arg3[%arg0, %multiple_of3A_271, %dma_wait3A_285] : memref<2x10240x16xf32, #tpu.memory_space<hbm>> -> memref<1x128x16xf32, #tpu.memory_space<hbm>>
      %dma_wait3A_287 = tpu.memref_squeeze %dma_wait3A_286 : memref<1x128x16xf32, #tpu.memory_space<hbm>> -> memref<128x16xf32, #tpu.memory_space<hbm>>
      tpu.wait_dma2 semaphore(%run_scoped3A : memref<!tpu.dma_semaphore, #tpu.memory_space<semaphore_mem>>) src(%arg10 : memref<128x16xf32, #tpu.memory_space<vmem>>) dst(%dma_wait3A_287 : memref<128x16xf32, #tpu.memory_space<hbm>>)
      tpu.yield
    }) : () -> ()
    %mul3A_272 = arith.constant 640 : i32
    %mul3A_273 = arith.muli %arg1, %mul3A_272 : i32
    %add3A_274 = arith.constant 512 : i32
    %add3A_275 = arith.addi %mul3A_273, %add3A_274 : i32
    %multiple_of3A_276 = tpu.assume_multiple %add3A_275, 128 : i32
    "tpu.region"() ({
      %run_scoped3A = tpu.sem_alloc : memref<!tpu.dma_semaphore, #tpu.memory_space<semaphore_mem>>
      %dma_start3A_277 = arith.constant 0 : i32
      %dma_start3A_278 = tpu.memref_slice %arg4[%multiple_of3A_276, %dma_start3A_277] : memref<10240x16xf32, #tpu.memory_space<vmem_shared>> -> memref<128x16xf32, #tpu.memory_space<vmem_shared>>
      %dma_start3A_279 = arith.constant 0 : i32
      %dma_start3A_280 = tpu.memref_slice %arg4[%multiple_of3A_276, %dma_start3A_279] : memref<10240x16xf32, #tpu.memory_space<vmem_shared>> -> memref<128x16xf32, #tpu.memory_space<vmem_shared>>
      tpu.enqueue_dma source(%dma_start3A_280 : memref<128x16xf32, #tpu.memory_space<vmem_shared>>) target(%arg10 : memref<128x16xf32, #tpu.memory_space<vmem>>) target_semaphore(%run_scoped3A : memref<!tpu.dma_semaphore, #tpu.memory_space<semaphore_mem>>)
      %dma_wait3A = arith.constant 0 : i32
      %dma_wait3A_281 = tpu.memref_slice %arg4[%multiple_of3A_276, %dma_wait3A] : memref<10240x16xf32, #tpu.memory_space<vmem_shared>> -> memref<128x16xf32, #tpu.memory_space<vmem_shared>>
      %dma_wait3A_282 = arith.constant 0 : i32
      %dma_wait3A_283 = tpu.memref_slice %arg4[%multiple_of3A_276, %dma_wait3A_282] : memref<10240x16xf32, #tpu.memory_space<vmem_shared>> -> memref<128x16xf32, #tpu.memory_space<vmem_shared>>
      tpu.wait_dma2 semaphore(%run_scoped3A : memref<!tpu.dma_semaphore, #tpu.memory_space<semaphore_mem>>) src(%dma_wait3A_283 : memref<128x16xf32, #tpu.memory_space<vmem_shared>>) dst(%arg10 : memref<128x16xf32, #tpu.memory_space<vmem>>)
      tpu.yield
    }) : () -> ()
    "tpu.region"() ({
      %run_scoped3A = tpu.sem_alloc : memref<!tpu.dma_semaphore, #tpu.memory_space<semaphore_mem>>
      %dma_start3A_277 = arith.constant 0 : i32
      %dma_start3A_278 = tpu.memref_slice %arg3[%arg0, %multiple_of3A_276, %dma_start3A_277] : memref<2x10240x16xf32, #tpu.memory_space<hbm>> -> memref<1x128x16xf32, #tpu.memory_space<hbm>>
      %dma_start3A_279 = tpu.memref_squeeze %dma_start3A_278 : memref<1x128x16xf32, #tpu.memory_space<hbm>> -> memref<128x16xf32, #tpu.memory_space<hbm>>
      %dma_start3A_280 = arith.constant 0 : i32
      %dma_start3A_281 = tpu.memref_slice %arg3[%arg0, %multiple_of3A_276, %dma_start3A_280] : memref<2x10240x16xf32, #tpu.memory_space<hbm>> -> memref<1x128x16xf32, #tpu.memory_space<hbm>>
      %dma_start3A_282 = tpu.memref_squeeze %dma_start3A_281 : memref<1x128x16xf32, #tpu.memory_space<hbm>> -> memref<128x16xf32, #tpu.memory_space<hbm>>
      tpu.enqueue_dma source(%arg10 : memref<128x16xf32, #tpu.memory_space<vmem>>) target(%dma_start3A_282 : memref<128x16xf32, #tpu.memory_space<hbm>>) target_semaphore(%run_scoped3A : memref<!tpu.dma_semaphore, #tpu.memory_space<semaphore_mem>>)
      %dma_wait3A = arith.constant 0 : i32
      %dma_wait3A_283 = tpu.memref_slice %arg3[%arg0, %multiple_of3A_276, %dma_wait3A] : memref<2x10240x16xf32, #tpu.memory_space<hbm>> -> memref<1x128x16xf32, #tpu.memory_space<hbm>>
      %dma_wait3A_284 = tpu.memref_squeeze %dma_wait3A_283 : memref<1x128x16xf32, #tpu.memory_space<hbm>> -> memref<128x16xf32, #tpu.memory_space<hbm>>
      %dma_wait3A_285 = arith.constant 0 : i32
      %dma_wait3A_286 = tpu.memref_slice %arg3[%arg0, %multiple_of3A_276, %dma_wait3A_285] : memref<2x10240x16xf32, #tpu.memory_space<hbm>> -> memref<1x128x16xf32, #tpu.memory_space<hbm>>
      %dma_wait3A_287 = tpu.memref_squeeze %dma_wait3A_286 : memref<1x128x16xf32, #tpu.memory_space<hbm>> -> memref<128x16xf32, #tpu.memory_space<hbm>>
      tpu.wait_dma2 semaphore(%run_scoped3A : memref<!tpu.dma_semaphore, #tpu.memory_space<semaphore_mem>>) src(%arg10 : memref<128x16xf32, #tpu.memory_space<vmem>>) dst(%dma_wait3A_287 : memref<128x16xf32, #tpu.memory_space<hbm>>)
      tpu.yield
    }) : () -> ()
    return
  }
}

module attributes {stable_mosaic.version = 14 : i64} {
  func.func @_tc_prep_body(%arg0: i32, %arg1: memref<2x1000x16xf32, #tpu.memory_space<vmem>>, %arg2: memref<1000x128xf32, #tpu.memory_space<vmem>>, %arg3: memref<1000x144xf32, #tpu.memory_space<vmem>>, %arg4: memref<1000x16xf32, #tpu.memory_space<vmem>>) attributes {dimension_semantics = [#tpu.dimension_semantics<arbitrary>], iteration_bounds = array<i64: 10>, scalar_prefetch = 0 : i64, scratch_operands = 0 : i64, tpu.core_type = #tpu.core_type<tc>, window_params = [{transform_indices = @transform_0, window_bounds = array<i64: 2, 1000, 16>}, {transform_indices = @transform_1, window_bounds = array<i64: 1000, 128>}, {transform_indices = @transform_2, window_bounds = array<i64: 1000, 144>}, {transform_indices = @transform_3, window_bounds = array<i64: 1000, 16>}]} {
    %get3A = arith.constant 0 : index
    %get3A_0 = arith.constant 0 : index
    %get3A_1 = arith.constant 0 : index
    %get3A_2 = vector.load %arg1[%get3A, %get3A_0, %get3A_1] : memref<2x1000x16xf32, #tpu.memory_space<vmem>>, vector<1x1000x1xf32>
    %get3A_3 = vector.shape_cast %get3A_2 : vector<1x1000x1xf32> to vector<1000x1xf32>
    %get3A_4 = arith.constant 1 : index
    %get3A_5 = arith.constant 0 : index
    %get3A_6 = arith.constant 0 : index
    %get3A_7 = vector.load %arg1[%get3A_4, %get3A_5, %get3A_6] : memref<2x1000x16xf32, #tpu.memory_space<vmem>>, vector<1x1000x1xf32>
    %get3A_8 = vector.shape_cast %get3A_7 : vector<1x1000x1xf32> to vector<1000x1xf32>
    %add3A = arith.addf %get3A_3, %get3A_8 : vector<1000x1xf32>
    %max3A = arith.constant 1.000000e+00 : f32
    %max3A_9 = vector.broadcast %max3A : f32 to vector<1000x1xf32>
    %max3A_10 = arith.maximumf %add3A, %max3A_9 : vector<1000x1xf32>
    %rsqrt3A = math.rsqrt %max3A_10 : vector<1000x1xf32>
    %get3A_11 = arith.constant 0 : index
    %get3A_12 = arith.constant 0 : index
    %get3A_13 = vector.load %arg2[%get3A_11, %get3A_12] : memref<1000x128xf32, #tpu.memory_space<vmem>>, vector<1000x128xf32>
    %mul3A = vector.broadcast %rsqrt3A : vector<1000x1xf32> to vector<1000x128xf32>
    %mul3A_14 = arith.mulf %get3A_13, %mul3A : vector<1000x128xf32>
    %broadcast_in_dim3A = arith.constant 0.000000e+00 : f32
    %broadcast_in_dim3A_15 = vector.broadcast %broadcast_in_dim3A : f32 to vector<1000x15xf32>
    %concatenate3A = tpu.concatenate %mul3A_14, %rsqrt3A, %broadcast_in_dim3A_15 in 1 : vector<1000x128xf32>, vector<1000x1xf32>, vector<1000x15xf32> -> vector<1000x144xf32>
    %swap3A = arith.constant 0 : index
    %swap3A_16 = arith.constant 0 : index
    %swap3A_17 = vector.load %arg3[%swap3A, %swap3A_16] : memref<1000x144xf32, #tpu.memory_space<vmem>>, vector<1000x144xf32>
    tpu.vector_store %arg3[%swap3A, %swap3A_16], %concatenate3A {strides = array<i32>} : memref<1000x144xf32, #tpu.memory_space<vmem>>, vector<1000x144xf32>,
    %broadcast_in_dim3A_18 = vector.shape_cast %rsqrt3A : vector<1000x1xf32> to vector<1000x1xf32>
    %broadcast_in_dim3A_19 = vector.broadcast %broadcast_in_dim3A_18 : vector<1000x1xf32> to vector<1000x16xf32>
    %swap3A_20 = arith.constant 0 : index
    %swap3A_21 = arith.constant 0 : index
    %swap3A_22 = vector.load %arg4[%swap3A_20, %swap3A_21] : memref<1000x16xf32, #tpu.memory_space<vmem>>, vector<1000x16xf32>
    tpu.vector_store %arg4[%swap3A_20, %swap3A_21], %broadcast_in_dim3A_19 {strides = array<i32>} : memref<1000x16xf32, #tpu.memory_space<vmem>>, vector<1000x16xf32>,
    return
  }
  func.func @transform_0(%arg0: i32) -> (i32, i32, i32) {
    %c0_i32 = arith.constant 0 : i32
    %c0_i32_0 = arith.constant 0 : i32
    %c0_i32_1 = arith.constant 0 : i32
    return %c0_i32, %arg0, %c0_i32_0 : i32, i32, i32
  }
  func.func @transform_1(%arg0: i32) -> (i32, i32) {
    %c0_i32 = arith.constant 0 : i32
    %c0_i32_0 = arith.constant 0 : i32
    return %arg0, %c0_i32 : i32, i32
  }
  func.func @transform_2(%arg0: i32) -> (i32, i32) {
    %c0_i32 = arith.constant 0 : i32
    %c0_i32_0 = arith.constant 0 : i32
    return %arg0, %c0_i32 : i32, i32
  }
  func.func @transform_3(%arg0: i32) -> (i32, i32) {
    %c0_i32 = arith.constant 0 : i32
    %c0_i32_0 = arith.constant 0 : i32
    return %arg0, %c0_i32 : i32, i32
  }
}

module attributes {stable_mosaic.version = 14 : i64} {
  func.func @_tc_final_body(%arg0: i32, %arg1: memref<1000x128xf32, #tpu.memory_space<vmem>>, %arg2: memref<1000x16xf32, #tpu.memory_space<vmem>>, %arg3: memref<2x1000x128xf32, #tpu.memory_space<vmem>>, %arg4: memref<2x1000x16xf32, #tpu.memory_space<vmem>>, %arg5: memref<128x128xf32, #tpu.memory_space<vmem>>, %arg6: memref<128x128xf32, #tpu.memory_space<vmem>>, %arg7: memref<1000x128xf32, #tpu.memory_space<vmem>>) attributes {dimension_semantics = [#tpu.dimension_semantics<arbitrary>], iteration_bounds = array<i64: 10>, scalar_prefetch = 0 : i64, scratch_operands = 0 : i64, tpu.core_type = #tpu.core_type<tc>, window_params = [{transform_indices = @transform_0, window_bounds = array<i64: 1000, 128>}, {transform_indices = @transform_1, window_bounds = array<i64: 1000, 16>}, {transform_indices = @transform_2, window_bounds = array<i64: 2, 1000, 128>}, {transform_indices = @transform_3, window_bounds = array<i64: 2, 1000, 16>}, {pipeline_mode = #tpu.pipeline_mode<synchronous>, transform_indices = @transform_4, window_bounds = array<i64: 128, 128>}, {pipeline_mode = #tpu.pipeline_mode<synchronous>, transform_indices = @transform_5, window_bounds = array<i64: 128, 128>}, {transform_indices = @transform_6, window_bounds = array<i64: 1000, 128>}]} {
    %get3A = arith.constant 0 : index
    %get3A_0 = arith.constant 0 : index
    %get3A_1 = arith.constant 0 : index
    %get3A_2 = vector.load %arg3[%get3A, %get3A_0, %get3A_1] : memref<2x1000x128xf32, #tpu.memory_space<vmem>>, vector<1x1000x128xf32>
    %get3A_3 = vector.shape_cast %get3A_2 : vector<1x1000x128xf32> to vector<1000x128xf32>
    %get3A_4 = arith.constant 1 : index
    %get3A_5 = arith.constant 0 : index
    %get3A_6 = arith.constant 0 : index
    %get3A_7 = vector.load %arg3[%get3A_4, %get3A_5, %get3A_6] : memref<2x1000x128xf32, #tpu.memory_space<vmem>>, vector<1x1000x128xf32>
    %get3A_8 = vector.shape_cast %get3A_7 : vector<1x1000x128xf32> to vector<1000x128xf32>
    %add3A = arith.addf %get3A_3, %get3A_8 : vector<1000x128xf32>
    %get3A_9 = arith.constant 0 : index
    %get3A_10 = arith.constant 0 : index
    %get3A_11 = arith.constant 0 : index
    %get3A_12 = vector.load %arg4[%get3A_9, %get3A_10, %get3A_11] : memref<2x1000x16xf32, #tpu.memory_space<vmem>>, vector<1x1000x1xf32>
    %get3A_13 = vector.shape_cast %get3A_12 : vector<1x1000x1xf32> to vector<1000x1xf32>
    %get3A_14 = arith.constant 1 : index
    %get3A_15 = arith.constant 0 : index
    %get3A_16 = arith.constant 0 : index
    %get3A_17 = vector.load %arg4[%get3A_14, %get3A_15, %get3A_16] : memref<2x1000x16xf32, #tpu.memory_space<vmem>>, vector<1x1000x1xf32>
    %get3A_18 = vector.shape_cast %get3A_17 : vector<1x1000x1xf32> to vector<1000x1xf32>
    %add3A_19 = arith.addf %get3A_13, %get3A_18 : vector<1000x1xf32>
    %get3A_20 = arith.constant 0 : index
    %get3A_21 = arith.constant 0 : index
    %get3A_22 = vector.load %arg1[%get3A_20, %get3A_21] : memref<1000x128xf32, #tpu.memory_space<vmem>>, vector<1000x128xf32>
    %get3A_23 = arith.constant 0 : index
    %get3A_24 = arith.constant 0 : index
    %get3A_25 = vector.load %arg2[%get3A_23, %get3A_24] : memref<1000x16xf32, #tpu.memory_space<vmem>>, vector<1000x1xf32>
    %mul3A = vector.broadcast %get3A_25 : vector<1000x1xf32> to vector<1000x128xf32>
    %mul3A_26 = arith.mulf %get3A_22, %mul3A : vector<1000x128xf32>
    %mul3A_27 = vector.broadcast %add3A_19 : vector<1000x1xf32> to vector<1000x128xf32>
    %mul3A_28 = arith.mulf %mul3A_26, %mul3A_27 : vector<1000x128xf32>
    %add3A_29 = arith.addf %get3A_22, %mul3A_28 : vector<1000x128xf32>
    %mul3A_30 = arith.mulf %mul3A_26, %add3A : vector<1000x128xf32>
    %get3A_31 = arith.constant 0 : index
    %get3A_32 = arith.constant 0 : index
    %get3A_33 = vector.load %arg5[%get3A_31, %get3A_32] : memref<128x128xf32, #tpu.memory_space<vmem>>, vector<128x128xf32>
    %dot_general3A = arith.constant dense<0.000000e+00> : vector<1000x128xf32>
    %dot_general3A_34 = tpu.matmul %add3A_29, %get3A_33, %dot_general3A {dimension_numbers = #tpu.dot_dimension_numbers<[1], [1], [0], [0], [0, 0, 1, 0], [], []>, precision = #tpu.contract_precision<fp32>, transpose_lhs_hint = false} : vector<1000x128xf32>, vector<128x128xf32>, vector<1000x128xf32> -> vector<1000x128xf32>
    %get3A_35 = arith.constant 0 : index
    %get3A_36 = arith.constant 0 : index
    %get3A_37 = vector.load %arg6[%get3A_35, %get3A_36] : memref<128x128xf32, #tpu.memory_space<vmem>>, vector<128x128xf32>
    %dot_general3A_38 = arith.constant dense<0.000000e+00> : vector<1000x128xf32>
    %dot_general3A_39 = tpu.matmul %mul3A_30, %get3A_37, %dot_general3A_38 {dimension_numbers = #tpu.dot_dimension_numbers<[1], [1], [0], [0], [0, 0, 1, 0], [], []>, precision = #tpu.contract_precision<fp32>, transpose_lhs_hint = false} : vector<1000x128xf32>, vector<128x128xf32>, vector<1000x128xf32> -> vector<1000x128xf32>
    %add3A_40 = arith.addf %dot_general3A_34, %dot_general3A_39 : vector<1000x128xf32>
    %ge3A = arith.constant 0.000000e+00 : f32
    %ge3A_41 = vector.broadcast %ge3A : f32 to vector<1000x128xf32>
    %ge3A_42 = arith.cmpf oge, %add3A_40, %ge3A_41 : vector<1000x128xf32>
    %mul3A_43 = arith.constant 2.000000e-01 : f32
    %mul3A_44 = vector.broadcast %mul3A_43 : f32 to vector<1000x128xf32>
    %mul3A_45 = arith.mulf %mul3A_44, %add3A_40 : vector<1000x128xf32>
    %select_n3A = arith.select %ge3A_42, %add3A_40, %mul3A_45 : vector<1000x128xi1>, vector<1000x128xf32>
    %mul3A_46 = arith.mulf %select_n3A, %select_n3A : vector<1000x128xf32>
    %reduce_sum3A = arith.constant dense<0.000000e+00> : vector<1000xf32>
    %reduce_sum3A_47 = vector.multi_reduction <add>, %mul3A_46, %reduce_sum3A [1] : vector<1000x128xf32> to vector<1000xf32>
    %broadcast_in_dim3A = vector.shape_cast %reduce_sum3A_47 : vector<1000xf32> to vector<1000x1xf32>
    %sqrt3A = math.sqrt %broadcast_in_dim3A : vector<1000x1xf32>
    %max3A = arith.constant 9.99999996E-13 : f32
    %max3A_48 = vector.broadcast %max3A : f32 to vector<1000x1xf32>
    %max3A_49 = arith.maximumf %sqrt3A, %max3A_48 : vector<1000x1xf32>
    %div3A = vector.broadcast %max3A_49 : vector<1000x1xf32> to vector<1000x128xf32>
    %div3A_50 = arith.divf %select_n3A, %div3A : vector<1000x128xf32>
    %swap3A = arith.constant 0 : index
    %swap3A_51 = arith.constant 0 : index
    %swap3A_52 = vector.load %arg7[%swap3A, %swap3A_51] : memref<1000x128xf32, #tpu.memory_space<vmem>>, vector<1000x128xf32>
    tpu.vector_store %arg7[%swap3A, %swap3A_51], %div3A_50 {strides = array<i32>} : memref<1000x128xf32, #tpu.memory_space<vmem>>, vector<1000x128xf32>,
    return
  }
  func.func @transform_0(%arg0: i32) -> (i32, i32) {
    %c0_i32 = arith.constant 0 : i32
    %c0_i32_0 = arith.constant 0 : i32
    return %arg0, %c0_i32 : i32, i32
  }
  func.func @transform_1(%arg0: i32) -> (i32, i32) {
    %c0_i32 = arith.constant 0 : i32
    %c0_i32_0 = arith.constant 0 : i32
    return %arg0, %c0_i32 : i32, i32
  }
  func.func @transform_2(%arg0: i32) -> (i32, i32, i32) {
    %c0_i32 = arith.constant 0 : i32
    %c0_i32_0 = arith.constant 0 : i32
    %c0_i32_1 = arith.constant 0 : i32
    return %c0_i32, %arg0, %c0_i32_0 : i32, i32, i32
  }
  func.func @transform_3(%arg0: i32) -> (i32, i32, i32) {
    %c0_i32 = arith.constant 0 : i32
    %c0_i32_0 = arith.constant 0 : i32
    %c0_i32_1 = arith.constant 0 : i32
    return %c0_i32, %arg0, %c0_i32_0 : i32, i32, i32
  }
  func.func @transform_4(%arg0: i32) -> (i32, i32) {
    %c0_i32 = arith.constant 0 : i32
    %c0_i32_0 = arith.constant 0 : i32
    %c0_i32_1 = arith.constant 0 : i32
    return %c0_i32, %c0_i32_0 : i32, i32
  }
  func.func @transform_5(%arg0: i32) -> (i32, i32) {
    %c0_i32 = arith.constant 0 : i32
    %c0_i32_0 = arith.constant 0 : i32
    %c0_i32_1 = arith.constant 0 : i32
    return %c0_i32, %c0_i32_0 : i32, i32
  }
  func.func @transform_6(%arg0: i32) -> (i32, i32) {
    %c0_i32 = arith.constant 0 : i32
    %c0_i32_0 = arith.constant 0 : i32
    return %arg0, %c0_i32 : i32, i32
  }
}

</mosaic_0001>

<sc_bundles>
// kernel: kernel.6.cloned.1.call-start
scs
__scs_entry_jumppad:
0x0: {  	(pc) =	sbr.rel $0x88, $3  }
0x1: {  	(tag) =	ssettag $0x0;
	lr =	simm.s32 $0x1  }
0x2: {  	[smem:$0x3F9D] =	sst lr;
	_ =	strace $0xD0000000  }
0x3: {  	_ = 	snop  }
0x4: {  	_ = 	snop  }
0x5: {  	_ = 	snop  }
0x6: {  	_ = 	snop  }
0x7: {  	_ = 	snop  }
__scs_overlays_trampoline_lowered:
0x8: {  	[smem:$0x3FAC] =	sst s0  }
0x9: {  	[smem:$0x3FAD] =	sst s1  }
0xa: {  	[smem:$0x3FAE] =	sst s2  }
0xb: {  	[smem:$0x3FAF] =	sst s3  }
0xc: {  	[smem:$0x3FB0] =	sst s4  }
0xd: {  	[smem:$0x3FB1] =	sst s5  }
0xe: {  	[smem:$0x3FB2] =	sst s6  }
0xf: {  	[smem:$0x3FB3] =	sst s7  }
0x10: {  	[smem:$0x3FB4] =	sst s8  }
0x11: {  	[smem:$0x3FB5] =	sst s9;
	s0 =	simm.s32 @!p0 $0x0  }
0x12: {  	s1 =	sld [smem:$0x3F9B];
	s0 =	simm.s32 @p0 $0x1  }
0x13: {  	[smem:$0x3FB6] =	sst s0;
	s0 =	simm.s32 @!p1 $0x0  }
0x14: {  	s2 =	sld [smem:$0x3F9A];
	s0 =	simm.s32 @p1 $0x1  }
0x15: {  	[smem:$0x3FB7] =	sst s0;
	s0 =	simm.s32 @!p2 $0x0  }
0x16: {  	s3 =	sld [smem:$0x3FDB];
	s0 =	simm.s32 @p2 $0x1  }
0x17: {  	s4 =	simm.s32 $0x1BF5;
	[smem:$0x3FB9] =	sst s0  }
0x18: {  	s0 =	sld [smem:$0x3F9C];
	_ =	swait.ge [sflag:s4], $0x0  }
0x19: {  	s7 =	sld [smem:$0x3F9D]  }
0x1a: {  	s8 =	sadd.s32 $0xFFFFE003, lr  }
0x1b: {  	s9 =	sadd.s32 $0xFFFFFEF7, lr;
	s5 =	simm.s32 $0xFFFFFFFF;
	p2 =	slt.u32 s8, $0xFFFFF086  }
0x1c: {  	p1 =	slt.u32 s9, $0xF7A;
	s5 =	simm.s32 @!p2 $0x0  }
0x1d: {  	s5 =	simm.s32 @p1 $0x1;
	p0 =	seq.s32 s7, s2  }
0x1e: {  	s7 =	smul.u32 @!p0 $0xF7A, s2;
	p2 =	seq.s32 @!p0 s5, $0x0  }
0x1f: {  	s9 =	smul.u32 $0xF7A, s1;
	s8 =	simm.s32 @!p0 $0x1BF5;
	p2 =	por !p2, p0  }
0x20: {  	[sflag:s8] =	ssyncset.s32 @!p0 $0xFFFFF086;
	s6 =	sadd.s32 @!p0 s3, s7;
	s7 =	simm.s32 @!p0 $0x108  }
0x21: {  	s3 =	sadd.s32 s3, s9;
	s6 =	sadd.s32 @!p0 $0x88, s6;
	s7 =	simm.s32 @p2 $0x1082  }
0x22: {  	[simem:s7], [sflag:s8] =	dma.local @!p0 [hbm:s6], $0xF7A  }
0x23: {  	s9 =	sor.u32 $0xD0000000, s2;
	s6 =	simm.s32 $0x108;
	_ =	swait.ge @!p0 [sflag:s8], $0x0  }
0x24: {  	s3 =	sadd.s32 $0x88, s3;
	s6 =	simm.s32 @!p1 $0x1082;
	[sflag:s4] =	ssyncset.s32 $0xFFFFF086  }
0x25: {  	[simem:s6], [sflag:s4] =	dma.local [hbm:s3], $0xF7A  }
0x26: {  	[smem:$0x3F9D] =	sst s1;
	(tag) =	ssettag s2;
	_ =	strace s9  }
0x27: {  	s1 =	sld [smem:$0x3FAD]  }
0x28: {  	s2 =	sld [smem:$0x3FAE]  }
0x29: {  	s4 =	sld [smem:$0x3FB0]  }
0x2a: {  	p0 =	seq.s32 s5, $0x0;
	s5 =	sld [smem:$0x3FB1]  }
0x2b: {  	s6 =	sld [smem:$0x3FB2]  }
0x2c: {  	s7 =	sld [smem:$0x3FB3]  }
0x2d: {  	s3 =	simm.s32 $0x108;
	s8 =	sld [smem:$0x3FB4]  }
0x2e: {  	s3 =	simm.s32 @!p0 $0x1082;
	s9 =	sld [smem:$0x3FB5]  }
0x2f: {  	lr =	sadd.s32 s0, s3;
	s0 =	sld [smem:$0x3FAC]  }
0x30: {  	s3 =	sld [smem:$0x3FAF]  }
0x31: {  	[smem:$0x3FB8] =	sst s10  }
0x32: {  	s10 =	sld [smem:$0x3FB6];
	_ =	sdelay $0x3  }
0x33: {  	p0 =	seq.s32 s10, $0x1;
	s10 =	sld [smem:$0x3FB8];
	_ =	sdelay $0x3  }
0x34: {  	[smem:$0x3FB8] =	sst s10  }
0x35: {  	s10 =	sld [smem:$0x3FB7];
	_ =	sdelay $0x3  }
0x36: {  	p1 =	seq.s32 s10, $0x1;
	s10 =	sld [smem:$0x3FB8];
	_ =	sdelay $0x3  }
0x37: {  	[smem:$0x3FB8] =	sst s10  }
0x38: {  	s10 =	sld [smem:$0x3FB9]  }
0x39: {  	_ = 	snop;
	(pc) =	sbr.ind lr, $3  }
0x3a: {  	_ = 	snop  }
0x3b: {  	_ = 	snop  }
0x3c: {  	p2 =	seq.s32 s10, $0x1;
	s10 =	sld [smem:$0x3FB8]  }
0x3d: {  	_ =	shalt  }
0x3e: {  	_ =	shalt  }
0x3f: {  	_ =	shalt  }
0x40: {  	_ =	shalt  }
0x41: {  	_ =	shalt  }
0x42: {  	_ =	shalt  }
0x43: {  	_ =	shalt  }
0x44: {  	_ =	shalt  }
0x45: {  	_ =	shalt  }
0x46: {  	_ =	shalt  }
0x47: {  	_ =	shalt  }
0x48: {  	_ =	shalt  }
0x49: {  	_ =	shalt  }
0x4a: {  	_ =	shalt  }
0x4b: {  	_ =	shalt  }
0x4c: {  	_ =	shalt  }
0x4d: {  	_ =	shalt  }
0x4e: {  	_ =	shalt  }
0x4f: {  	_ =	shalt  }
0x50: {  	_ =	shalt  }
0x51: {  	_ =	shalt  }
0x52: {  	_ =	shalt  }
0x53: {  	_ =	shalt  }
0x54: {  	_ =	shalt  }
0x55: {  	_ =	shalt  }
0x56: {  	_ =	shalt  }
0x57: {  	_ =	shalt  }
0x58: {  	_ =	shalt  }
0x59: {  	_ =	shalt  }
0x5a: {  	_ =	shalt  }
0x5b: {  	_ =	shalt  }
0x5c: {  	_ =	shalt  }
0x5d: {  	_ =	shalt  }
0x5e: {  	_ =	shalt  }
0x5f: {  	_ =	shalt  }
0x60: {  	_ =	shalt  }
0x61: {  	_ =	shalt  }
0x62: {  	_ =	shalt  }
0x63: {  	_ =	shalt  }
0x64: {  	_ =	shalt  }
0x65: {  	_ =	shalt  }
0x66: {  	_ =	shalt  }
0x67: {  	_ =	shalt  }
0x68: {  	_ =	shalt  }
0x69: {  	_ =	shalt  }
0x6a: {  	_ =	shalt  }
0x6b: {  	_ =	shalt  }
0x6c: {  	_ =	shalt  }
0x6d: {  	_ =	shalt  }
0x6e: {  	_ =	shalt  }
0x6f: {  	_ =	shalt  }
0x70: {  	_ =	shalt  }
0x71: {  	_ =	shalt  }
0x72: {  	_ =	shalt  }
0x73: {  	_ =	shalt  }
0x74: {  	_ =	shalt  }
0x75: {  	_ =	shalt  }
0x76: {  	_ =	shalt  }
0x77: {  	_ =	shalt  }
0x78: {  	_ =	shalt  }
0x79: {  	_ =	shalt  }
0x7a: {  	_ =	shalt  }
0x7b: {  	_ =	shalt  }
0x7c: {  	_ =	shalt  }
0x7d: {  	_ =	shalt  }
0x7e: {  	_ =	shalt  }
0x7f: {  	_ =	shalt  }
0x80: {  	_ =	shalt  }
0x81: {  	_ =	shalt  }
0x82: {  	_ =	shalt  }
0x83: {  	_ =	shalt  }
0x84: {  	_ =	shalt  }
0x85: {  	_ =	shalt  }
0x86: {  	_ =	shalt  }
0x87: {  	_ =	shalt  }
.Lfunc_end0:
.L_simem_size_0:
called_computation_lowered:
.L_overlay_start_0:
0x88: {  	s2 =	sld [smem:$0x3FD9]  }
0x89: {  	s3 =	sld [smem:$0x3FFE];
	_ =	sdelay $0x1  }
0x8a: {  	s1 =	srdreg.scid  }
0x8b: {  	s0 =	sand.u32 $0x1, s1  }
0x8c: {  	s17 =	sshll.u32 s0, $0xA;
	s2 =	sadd.s32 s3, s2  }
0x8d: {  	s2 =	sadd.s32 s2, s17  }
0x8e: {  	[smem:$0x3FC4] =	sst s2  }
0x8f: {  	_ = 	snop  }
0x90: {  	s2 =	sld [smem:$0x3FD0];
	(tm) =	ssettm $0x1  }
0x91: {  	s18 =	sld [smem:$0x3FFB];
	_ =	sdelay $0x3  }
0x92: {  	_ =	strace s18  }
0x93: {  	s3 =	sld [smem:$0x3FFC];
	_ =	sdelay $0x3  }
0x94: {  	_ =	strace s3  }
0x95: {  	s3 =	sld [smem:$0x3FFD];
	_ =	sdelay $0x3  }
0x96: {  	_ =	strace s3  }
0x97: {  	_ =	strace $0x8FFFFFFF  }
0x98: {  	s19 =	sld [smem:$0x3FDB];
	_ =	sdelay $0x1  }
0x99: {  	s4 =	simm.s32 $_scs_section_size  }
0x9a: {  	s5 =	simm.s32 $_size__tile_overlayer_lowered;
	s6 =	simm.s32 $_tile_overlayer_lowered  }
0x9b: {  	s22 =	simm.s32 $0x1BFF;
	s21 =	sshll.u32 s6, $0x1;
	s3 =	sadd.s32 s4, s19  }
0x9c: {  	s7 =	simm.s32 $0x0;
	s20 =	sshll.u32 s5, $0x1;
	s5 =	sadd.s32 s21, s3  }
0x9d: {  	[timem:s7], [sflag:s22] =	dma.local [hbm:s5], s20  }
0x9e: {  	_ =	swait.ge [sflag:s22], s20  }
0x9f: {  	s4 =	ssub.s32 $0x0, s20;
	[sflag:s22] =	ssyncset.done $0x0  }
0xa0: {  	[sflag:s22] =	ssyncadd.s32 s4;
	_ =	sdelay $0x1  }
0xa1: {  	s23 =	simm.s32 $0x1B8B  }
0xa2: {  	_ =	swait.ge [sflag:s23], $0x1  }
0xa3: {  	[sflag:s23] =	ssyncset.done $0x0  }
0xa4: {  	s25 =	simm.s32 $0x1B8E;
	s24 =	sld [smem:$0x3FFE];
	[sflag:s23] =	ssyncadd.s32 $0xFFFFFFFF  }
0xa5: {  	s26 =	simm.s32 $execute0_lowered;
	[smem:$0x3FD2] =	sst s25  }
0xa6: {  	s5 =	sshll.u32 s26, $0x1;
	_ =	strace $0x80000046;
	[dreg:$0x1] =	wrdreg $0xFFFFFFFF  }
0xa7: {  	s28 =	simm.s32 $_size_execute0_lowered;
	s3 =	sadd.s32 s3, s5;
	[dreg:$0x0] =	wrdreg $0x0  }
0xa8: {  	s5 =	sshll.u32 s28, $0x1;
	[dreg:$0x2] =	wrdreg s3  }
0xa9: {  	[dreg:$0x3] =	wrdreg s5  }
0xaa: {  	[dreg:$0x4] =	wrdreg $0xC0  }
0xab: {  	_ =	task [dreg:s7], $0x5FFFF  }
0xac: {  	[dreg:$0x1] =	wrdreg $0xFFFFFFFF  }
0xad: {  	[dreg:$0x0] =	wrdreg $0x60  }
0xae: {  	[dreg:$0x2] =	wrdreg s24  }
0xaf: {  	[dreg:$0x3] =	wrdreg s2  }
0xb0: {  	[dreg:$0x4] =	wrdreg $0x0  }
0xb1: {  	[dreg:$0x5] =	wrdreg $0x9  }
0xb2: {  	_ =	task.clear_ibuf [dreg:s7], $0x6FFFF;
	_ =	strace $0x90000046  }
0xb3: {  	s29 =	simm.s32 $0x9;
	_ =	strace $0x80000048  }
0xb4: {  	_ =	swait.ge [sflag:s29], $0x1  }
0xb5: {  	[sflag:s29] =	ssyncadd.s32 $0xFFFFFFFF  }
0xb6: {  	_ =	strace $0x90000048  }
0xb7: {  	_ =	sfence  }
0xb8: {  	s30 =	sld [smem:$0x0];
	_ =	sdelay $0x2  }
0xb9: {  	s31 =	sshll.u32 s1, $0xD;
	s1 =	sshrl.u32 s1, $0x2  }
0xba: {  	s3 =	sand.u32 $0x4000, s31;
	s1 =	sadd.s32 s1, s30  }
0xbb: {  	s0 =	sor.u32 s3, s0;
	s1 =	sshll.u32 s1, $0x11  }
0xbc: {  	s0 =	sor.u32 s1, s0  }
0xbd: {  	s0 =	sadd.s32 $0x8F2B, s0  }
0xbe: {  	[sflag:s0] =	ssyncadd.remote.s32 $0x1  }
0xbf: {  	_ =	sfence.sel $0xFFFF  }
0xc0: {  	[dreg:$0x0] =	wrdreg $0xFFFFFFFF;
	(pc) =	sbr.abs _section_cstart, $3  }
0xc1: {  	[dreg:$0x1] =	wrdreg $0xFFFFFFFF  }
0xc2: {  	_ =	task.clear_ibuf [dreg:s7], $0x2FFFF;
	_ =	strace $0x9FFFFFFF  }
0xc3: {  	(tm) =	ssettm $0x7FFFFFFF  }
tec
execute0_lowered:
.L_overlay_start_1:
0x0: {  	(tag) =	ssettag $0x1  }
0x1: {  	s4 =	rddreg [dreg:$0x0]  }
0x2: {  	s16 =	rddreg [dreg:$0x1]  }
0x3: {  	s1 =	rddreg [dreg:$0x2]  }
0x4: {  	s3 =	simm.s32 $0x0;
	s5 =	srdreg.scid;
	s2 =	stileid.u32  }
0x5: {  	s23 =	simm.s32 $0x2800;
	s24 =	simm.s32 $0x2880;
	s25 =	simm.s32 $0x0  }
0x6: {  	[smem:$0x7FF] =	sst s3;
	s17 =	sand.u32 $0x1, s5;
	s20 =	sadd.s32 $0xB200, s4  }
0x7: {  	s9 =	smul.u32 $0x2800, s2;
	p0 =	slt.u32 s2, $0x2;
	s4 =	simm.s32 $0x4F  }
0x8: {  	s10 =	sshll.u32 s2, $0x5;
	s31 =	sshll.u32 s2, $0x8;
	_ =	strace $0x80000047  }
0x9: {  	s5 =	ssub.s32 $0x2, s17;
	s4 =	simm.s32 @!p0 $0x4E;
	s19 =	smul.u32 $0x28000, s17  }
0xa: {  	s11 =	sshll.u32 s17, $0x4;
	s22 =	sshll.u32 s17, $0x7;
	s6 =	sshrl.u32 s5, $0x1  }
0xb: {  	s13 =	sadd.s32 $0x800, s9;
	s14 =	sadd.s32 $0x1000, s9;
	s15 =	sadd.s32 $0x1800, s9  }
0xc: {  	s21 =	sadd.s32 $0x2000, s9;
	s10 =	sor.u32 s11, s10;
	s18 =	ssub.s32 s5, s6  }
0xd: {  	s5 =	sadd.s32 s9, s1;
	s6 =	sadd.s32 s13, s1;
	s7 =	sadd.s32 s14, s1  }
0xe: {  	s8 =	sadd.s32 s15, s1;
	s30 =	sadd.s32 s9, s19;
	s9 =	sadd.s32 s21, s1  }
0xf: {  	s10 =	sadd.s32 s20, s10;
	s13 =	sadd.s32 s19, s13;
	s14 =	sadd.s32 s19, s14  }
0x10: {  	s15 =	sadd.s32 s19, s15;
	s19 =	sadd.s32 s19, s21;
	s21 =	sor.u32 s22, s31  }
0x11: {  	s22 =	simm.s32 $0x7;
	s12 =	sshrl.u32 s30, $0x3;
	s11 =	sadd.s32 $0x200, s10  }
0x12: {  	s13 =	sshrl.u32 s13, $0x3;
	s14 =	sshrl.u32 s14, $0x3;
	s15 =	sshrl.u32 s15, $0x3  }
0x13: {  	s19 =	sshrl.u32 s19, $0x3;
	s17 =	smax.u32 s18, $0x1;
	s18 =	simm.s32 $0x6  }
0x14: {  	s21 =	sor.u32 $0x2000, s21;
	s12 =	sadd.s32 s16, s12;
	s13 =	sadd.s32 s16, s13  }
0x15: {  	s14 =	sadd.s32 s16, s14;
	s15 =	sadd.s32 s16, s15;
	s16 =	sadd.s32 s16, s19  }
0x16: {  	s19 =	simm.s32 $0x5;
	s18 =	simm.s32 @!p0 $0x5;
	s21 =	sshrl.u32 s21, $0x3  }
0x17: {  	v0 =	vimm.f32 $1.000000000e+00;
	v1 =	vimm.f32 $0.0e+00;
	s19 =	simm.s32 @!p0 $0x6;
	s20 =	sadd.s32 s21, s20;
	s21 =	simm.s32 $0x3200  }
.LBB2_1:
0x18: {  	s26 =	simm.s32 $0x0  }
.LBB2_2:
0x19: {  	p0 =	sne.s32 s26, $0x1FC0  }
.Ltmp0:
0x1a: {  	_ = 	snop;
	(pc) =	sbr.rel @p0 .LBB2_2-.Ltmp0, $3  }
0x1b: {  	_ =	sdelay $0x1  }
0x1c: {  	s28 =	sshra.s32 s26, $0x2  }
0x1d: {  	s26 =	sadd.s32 $0x40, s26;
	[tilespmem:s28+$0x2A00] =	vst v0  }
0x1e: {  	s26 =	simm.s32 $0x40;
	s28 =	simm.s32 $0x0  }
.LBB2_4:
0x1f: {  	p0 =	sne.s32 s26, $0x1FC0;
	[tilespmem:s28+$0x3200] =	vst v1;
	s28 =	smov.u32 s26;
	s26 =	sadd.s32 $0x40, s26  }
.Ltmp1:
0x20: {  	(pc) =	sbr.rel @p0 .LBB2_4-.Ltmp1, $2  }
0x21: {  	_ =	sdelay $0x2  }
0x22: {  	s28 =	sshra.s32 s28, $0x2  }
0x23: {  	[tilespmem:s28+$0x3200] =	vst v1  }
0x24: {  	[spmem:s5] =	stream.linear.scatter [tilespmem:s21], [sflag:$0x7], $0x800, $0x38;
	[tilespmem:$0x3A00] =	vst v63  }
0x25: {  	_ =	swait.ge [sflag:s22], $0x800  }
0x26: {  	[sflag:s22] =	ssyncset.done $0x0  }
0x27: {  	[sflag:s22] =	ssyncadd.s32 $0xFFFFF800  }
0x28: {  	[spmem:s6] =	stream.linear.scatter [tilespmem:s21], [sflag:$0x7], $0x800, $0x38;
	[tilespmem:$0x3A00] =	vst v63  }
0x29: {  	_ =	swait.ge [sflag:s22], $0x800  }
0x2a: {  	[sflag:s22] =	ssyncset.done $0x0  }
0x2b: {  	[sflag:s22] =	ssyncadd.s32 $0xFFFFF800  }
0x2c: {  	[spmem:s7] =	stream.linear.scatter [tilespmem:s21], [sflag:$0x7], $0x800, $0x38;
	[tilespmem:$0x3A00] =	vst v63  }
0x2d: {  	_ =	swait.ge [sflag:s22], $0x800  }
0x2e: {  	[sflag:s22] =	ssyncset.done $0x0  }
0x2f: {  	[sflag:s22] =	ssyncadd.s32 $0xFFFFF800  }
0x30: {  	[spmem:s8] =	stream.linear.scatter [tilespmem:s21], [sflag:$0x7], $0x800, $0x38;
	[tilespmem:$0x3A00] =	vst v63  }
0x31: {  	_ =	swait.ge [sflag:s22], $0x800  }
0x32: {  	[sflag:s22] =	ssyncset.done $0x0  }
0x33: {  	[sflag:s22] =	ssyncadd.s32 $0xFFFFF800  }
0x34: {  	[spmem:s9] =	stream.linear.scatter [tilespmem:s21], [sflag:$0x7], $0x800, $0x38;
	[tilespmem:$0x3A00] =	vst v63  }
0x35: {  	_ =	swait.ge [sflag:s22], $0x800  }
0x36: {  	[sflag:s22] =	ssyncset.done $0x0  }
0x37: {  	[sflag:s22] =	ssyncadd.s32 $0xFFFFF800  }
0x38: {  	s26 =	simm.s32 $0x0;
	[bflag:$0x0] =	sbarrier.arrive $0xFFFF  }
0x39: {  	[tilespmem:s23], [sflag:$0x1] =	stream.linear.gather [hbm4b:s10+s26], $0x80, $0x38;
	[tilespmem:$0x3A00] =	vst v63  }
0x3a: {  	s28 =	smov.u32 s20  }
0x3b: {  	[tilespmem:s24], [sflag:$0x2] =	stream.linear.gather [hbm4b:s11+s26], $0x80, $0x38;
	[tilespmem:$0x3A00] =	vst v63  }
.LBB2_6:
0x3c: {  	s29 =	sand.u32 $0x3, s26  }
0x3d: {  	p0 =	sgt.s32 s29, $0x1  }
0x3e: {  	p1 =	seq.s32 @p0 s29, $0x2  }
0x3f: {  	p2 =	por !p1, !p0  }
0x40: {  	p3 =	slt.u32 @!p2 s26, $0x2;
	s30 =	simm.s32 @!p2 $0x3  }
0x41: {  	_ =	swait.ge @!p2 [sflag:s30], $0x80;
	p3 =	por @p0 p3, !p1  }
0x42: {  	[sflag:s30] =	ssyncset.done @!p2 $0x0;
	p3 =	por p3, !p0  }
0x43: {  	[sflag:s30] =	ssyncadd.s32 @!p2 $0xFFFFFF80;
	s30 =	simm.s32 @!p3 $0x5  }
0x44: {  	_ =	swait.ge @!p3 [sflag:s30], $0x800  }
0x45: {  	s31 =	simm.s32 @!p2 $0x2900;
	[sflag:s30] =	ssyncset.done @!p3 $0x0  }
0x46: {  	s0 =	simm.s32 @!p2 $0x2A00;
	[sflag:s30] =	ssyncadd.s32 @!p3 $0xFFFFF800;
	s30 =	simm.s32 @!p2 $0x80  }
0x47: {  	[spmem:s1] =	stream.indirect.scatter.add.f32 @!p2 [tilespmem:s0], [sflag:$0x5], $0x10, s31, s30, $0xb8;
	[tilespmem:$0x3A00] =	vst v63  }
0x48: {  	s0 =	sadd.s32 @!p2 $0x2, s26  }
0x49: {  	p2 =	sge.u32 @!p2 s0, s4  }
0x4a: {  	p2 =	por @p0 p2, !p1  }
0x4b: {  	p2 =	por p2, !p0  }
0x4c: {  	s0 =	simm.s32 @!p2 $0x0;
	s30 =	simm.s32 @!p2 $0x2800  }
0x4d: {  	[tilespmem:s30], [sflag:$0x1] =	stream.linear.gather @!p2 [hbm4b:s28+s0], $0x80, $0x38;
	[tilespmem:$0x3A00] =	vst v63  }
0x4e: {  	p2 =	por p1, !p0  }
0x4f: {  	p3 =	slt.u32 @!p2 s26, $0x2;
	s0 =	simm.s32 @!p2 $0x4  }
0x50: {  	_ =	swait.ge @!p2 [sflag:s0], $0x80;
	p3 =	por @p0 p3, p1  }
0x51: {  	[sflag:s0] =	ssyncset.done @!p2 $0x0;
	p3 =	por p3, !p0  }
0x52: {  	[sflag:s0] =	ssyncadd.s32 @!p2 $0xFFFFFF80;
	s0 =	simm.s32 @!p3 $0x6  }
0x53: {  	_ =	swait.ge @!p3 [sflag:s0], $0x800  }
0x54: {  	s30 =	simm.s32 @!p2 $0x2980;
	[sflag:s0] =	ssyncset.done @!p3 $0x0  }
0x55: {  	s31 =	simm.s32 @!p2 $0x2A00;
	[sflag:s0] =	ssyncadd.s32 @!p3 $0xFFFFF800;
	s0 =	simm.s32 @!p2 $0x80  }
0x56: {  	[spmem:s1] =	stream.indirect.scatter.add.f32 @!p2 [tilespmem:s31], [sflag:$0x6], $0x10, s30, s0, $0xb8;
	[tilespmem:$0x3A00] =	vst v63  }
0x57: {  	s0 =	sadd.s32 @!p2 $0x2, s26  }
0x58: {  	p2 =	sge.u32 @!p2 s0, s4  }
0x59: {  	p1 =	por @p0 p2, p1  }
0x5a: {  	p1 =	por p1, !p0  }
0x5b: {  	s0 =	simm.s32 @!p1 $0x0;
	s30 =	simm.s32 @!p1 $0x2880  }
0x5c: {  	[tilespmem:s30], [sflag:$0x2] =	stream.linear.gather @!p1 [hbm4b:s28+s0], $0x80, $0x38;
	[tilespmem:$0x3A00] =	vst v63  }
0x5d: {  	p1 =	seq.s32 @!p0 s29, $0x0  }
0x5e: {  	p2 =	por !p1, p0  }
0x5f: {  	p3 =	slt.u32 @!p2 s26, $0x2;
	s0 =	simm.s32 @!p2 $0x1  }
0x60: {  	_ =	swait.ge @!p2 [sflag:s0], $0x80;
	p3 =	por @!p0 p3, !p1  }
0x61: {  	[sflag:s0] =	ssyncset.done @!p2 $0x0;
	p3 =	por p3, p0  }
0x62: {  	[sflag:s0] =	ssyncadd.s32 @!p2 $0xFFFFFF80;
	s0 =	simm.s32 @!p3 $0x5  }
0x63: {  	_ =	swait.ge @!p3 [sflag:s0], $0x800  }
0x64: {  	s29 =	simm.s32 @!p2 $0x2800;
	[sflag:s0] =	ssyncset.done @!p3 $0x0  }
0x65: {  	s30 =	simm.s32 @!p2 $0x2A00;
	[sflag:s0] =	ssyncadd.s32 @!p3 $0xFFFFF800;
	s0 =	simm.s32 @!p2 $0x80  }
0x66: {  	[spmem:s1] =	stream.indirect.scatter.add.f32 @!p2 [tilespmem:s30], [sflag:$0x5], $0x10, s29, s0, $0xb8;
	[tilespmem:$0x3A00] =	vst v63  }
0x67: {  	s0 =	sadd.s32 @!p2 $0x2, s26  }
0x68: {  	p2 =	sge.u32 @!p2 s0, s4  }
0x69: {  	p2 =	por @!p0 p2, !p1  }
0x6a: {  	p2 =	por p2, p0  }
0x6b: {  	s0 =	simm.s32 @!p2 $0x0;
	s29 =	simm.s32 @!p2 $0x2900  }
0x6c: {  	[tilespmem:s29], [sflag:$0x3] =	stream.linear.gather @!p2 [hbm4b:s28+s0], $0x80, $0x38;
	[tilespmem:$0x3A00] =	vst v63  }
0x6d: {  	p2 =	por p1, p0  }
0x6e: {  	p3 =	slt.u32 @!p2 s26, $0x2;
	s0 =	simm.s32 @!p2 $0x2  }
0x6f: {  	_ =	swait.ge @!p2 [sflag:s0], $0x80;
	p3 =	por @!p0 p3, p1  }
0x70: {  	[sflag:s0] =	ssyncset.done @!p2 $0x0;
	p3 =	por p3, p0  }
0x71: {  	[sflag:s0] =	ssyncadd.s32 @!p2 $0xFFFFFF80;
	s0 =	simm.s32 @!p3 $0x6  }
0x72: {  	_ =	swait.ge @!p3 [sflag:s0], $0x800  }
0x73: {  	s29 =	simm.s32 @!p2 $0x2880;
	[sflag:s0] =	ssyncset.done @!p3 $0x0  }
0x74: {  	s30 =	simm.s32 @!p2 $0x2A00;
	[sflag:s0] =	ssyncadd.s32 @!p3 $0xFFFFF800;
	s0 =	simm.s32 @!p2 $0x80  }
0x75: {  	[spmem:s1] =	stream.indirect.scatter.add.f32 @!p2 [tilespmem:s30], [sflag:$0x6], $0x10, s29, s0, $0xb8;
	[tilespmem:$0x3A00] =	vst v63  }
0x76: {  	s0 =	sadd.s32 @!p2 $0x2, s26  }
0x77: {  	p2 =	sge.u32 @!p2 s0, s4  }
0x78: {  	p1 =	por @!p0 p2, p1  }
0x79: {  	p0 =	por p1, p0  }
0x7a: {  	s26 =	sadd.s32 $0x1, s26;
	s0 =	simm.s32 @!p0 $0x0;
	s29 =	simm.s32 @!p0 $0x2980  }
0x7b: {  	[tilespmem:s29], [sflag:$0x4] =	stream.linear.gather @!p0 [hbm4b:s28+s0], $0x80, $0x38;
	[tilespmem:$0x3A00] =	vst v63  }
0x7c: {  	p0 =	sne.s32 s4, s26  }
.Ltmp2:
0x7d: {  	_ = 	snop;
	(pc) =	sbr.rel @p0 .LBB2_6-.Ltmp2, $2  }
0x7e: {  	_ =	sdelay $0x2  }
0x7f: {  	s28 =	sadd.s32 $0x200, s28  }
0x80: {  	_ =	swait.ge [sflag:s18], $0x800  }
0x81: {  	[sflag:s18] =	ssyncset.done $0x0  }
0x82: {  	[sflag:s18] =	ssyncadd.s32 $0xFFFFF800  }
0x83: {  	_ =	swait.ge [sflag:s19], $0x800  }
0x84: {  	[sflag:s19] =	ssyncset.done $0x0  }
0x85: {  	[sflag:s19] =	ssyncadd.s32 $0xFFFFF800  }
0x86: {  	[bflag:$0x0] =	sbarrier.arrive $0xFFFF  }
0x87: {  	[tilespmem:s21], [sflag:$0x7] =	stream.linear.gather [spmem:s5], $0x800, $0x38;
	[tilespmem:$0x3A00] =	vst v63  }
0x88: {  	_ =	swait.ge [sflag:s22], $0x800  }
0x89: {  	[sflag:s22] =	ssyncset.done $0x0  }
0x8a: {  	[sflag:s22] =	ssyncadd.s32 $0xFFFFF800  }
0x8b: {  	[hbm4b:s12+s3] =	stream.linear.scatter [tilespmem:s21], [sflag:$0x7], $0x800, $0x38;
	[tilespmem:$0x3A00] =	vst v63  }
0x8c: {  	_ =	swait.ge [sflag:s22], $0x800  }
0x8d: {  	[sflag:s22] =	ssyncset.done $0x0  }
0x8e: {  	[sflag:s22] =	ssyncadd.s32 $0xFFFFF800  }
0x8f: {  	[tilespmem:s21], [sflag:$0x7] =	stream.linear.gather [spmem:s6], $0x800, $0x38;
	[tilespmem:$0x3A00] =	vst v63  }
0x90: {  	_ =	swait.ge [sflag:s22], $0x800  }
0x91: {  	[sflag:s22] =	ssyncset.done $0x0  }
0x92: {  	[sflag:s22] =	ssyncadd.s32 $0xFFFFF800  }
0x93: {  	[hbm4b:s13+s3] =	stream.linear.scatter [tilespmem:s21], [sflag:$0x7], $0x800, $0x38;
	[tilespmem:$0x3A00] =	vst v63  }
0x94: {  	_ =	swait.ge [sflag:s22], $0x800  }
0x95: {  	[sflag:s22] =	ssyncset.done $0x0  }
0x96: {  	[sflag:s22] =	ssyncadd.s32 $0xFFFFF800  }
0x97: {  	[tilespmem:s21], [sflag:$0x7] =	stream.linear.gather [spmem:s7], $0x800, $0x38;
	[tilespmem:$0x3A00] =	vst v63  }
0x98: {  	_ =	swait.ge [sflag:s22], $0x800  }
0x99: {  	[sflag:s22] =	ssyncset.done $0x0  }
0x9a: {  	[sflag:s22] =	ssyncadd.s32 $0xFFFFF800  }
0x9b: {  	[hbm4b:s14+s3] =	stream.linear.scatter [tilespmem:s21], [sflag:$0x7], $0x800, $0x38;
	[tilespmem:$0x3A00] =	vst v63  }
0x9c: {  	_ =	swait.ge [sflag:s22], $0x800  }
0x9d: {  	[sflag:s22] =	ssyncset.done $0x0  }
0x9e: {  	[sflag:s22] =	ssyncadd.s32 $0xFFFFF800  }
0x9f: {  	[tilespmem:s21], [sflag:$0x7] =	stream.linear.gather [spmem:s8], $0x800, $0x38;
	[tilespmem:$0x3A00] =	vst v63  }
0xa0: {  	_ =	swait.ge [sflag:s22], $0x800  }
0xa1: {  	[sflag:s22] =	ssyncset.done $0x0  }
0xa2: {  	[sflag:s22] =	ssyncadd.s32 $0xFFFFF800  }
0xa3: {  	[hbm4b:s15+s3] =	stream.linear.scatter [tilespmem:s21], [sflag:$0x7], $0x800, $0x38;
	[tilespmem:$0x3A00] =	vst v63  }
0xa4: {  	_ =	swait.ge [sflag:s22], $0x800  }
0xa5: {  	[sflag:s22] =	ssyncset.done $0x0  }
0xa6: {  	[sflag:s22] =	ssyncadd.s32 $0xFFFFF800  }
0xa7: {  	[tilespmem:s21], [sflag:$0x7] =	stream.linear.gather [spmem:s9], $0x800, $0x38;
	[tilespmem:$0x3A00] =	vst v63  }
0xa8: {  	s25 =	sadd.s32 $0x1, s25;
	_ =	swait.ge [sflag:s22], $0x800  }
0xa9: {  	p0 =	sne.s32 s25, s17;
	[sflag:s22] =	ssyncset.done $0x0  }
.Ltmp3:
0xaa: {  	[sflag:s22] =	ssyncadd.s32 $0xFFFFF800;
	(pc) =	sbr.rel @p0 .LBB2_1-.Ltmp3, $4  }
0xab: {  	[hbm4b:s16+s3] =	stream.linear.scatter [tilespmem:s21], [sflag:$0x7], $0x800, $0x38;
	[tilespmem:$0x3A00] =	vst v63  }
0xac: {  	_ =	swait.ge [sflag:s22], $0x800  }
0xad: {  	[sflag:s22] =	ssyncset.done $0x0  }
0xae: {  	[sflag:s22] =	ssyncadd.s32 $0xFFFFF800  }
0xaf: {  	_ =	sfence.sel $0x180000  }
0xb0: {  	[bflag:$0x0] =	sbarrier.arrive $0xFFFF  }
0xb1: {  	_ =	strace $0x90000047  }
0xb2: {  	[bflag:$0x2] =	sbarrier.arrive $0xFFFF  }
0xb3: {  	p0 =	sne.s32 s2, $0x0;
	s0 =	rddreg [dreg:$0x3]  }
0xb4: {  	s0 =	sadd.s32 @!p0 $0x100000, s0  }
0xb5: {  	[sflag:s0] =	ssyncadd.tile.s32 @!p0 $0x1;
	_ =	shalt  }
.Lfunc_end2:
_tile_overlayer_lowered:
.L_overlay_start_2:
0xb6: {  	(tag) =	ssettag $0x2  }
0xb7: {  	s0 =	rddreg [dreg:$0x0];
	s2 =	stileid.u32  }
0xb8: {  	s1 =	rddreg [dreg:$0x1];
	p0 =	sne.s32 s2, $0x0  }
0xb9: {  	s3 =	rddreg [dreg:$0x2];
	[bflag:$0x3] =	sbarrier.arrive $0xFFFF;
	s2 =	simm.s32 @!p0 $0x1C07  }
0xba: {  	[timem:s3], [sflag:s2] =	dma.local @!p0 [hbm:s0], s1  }
0xbb: {  	s0 =	simm.s32 @!p0 $0x7  }
0xbc: {  	_ =	swait.ge @!p0 [sflag:s0], s1  }
0xbd: {  	s1 =	ssub.s32 @!p0 $0x0, s1;
	[sflag:s0] =	ssyncset.done @!p0 $0x0  }
0xbe: {  	[sflag:s0] =	ssyncadd.s32 @!p0 s1  }
0xbf: {  	[bflag:$0x3] =	sbarrier.arrive $0xFFFF  }
0xc0: {  	_ =	shalt  }

// kernel: kernel.9.cloned.1.call-start
scs
__scs_entry_jumppad:
0x0: {  	(pc) =	sbr.rel $0x88, $3  }
0x1: {  	(tag) =	ssettag $0x0;
	lr =	simm.s32 $0x1  }
0x2: {  	[smem:$0x3F9D] =	sst lr;
	_ =	strace $0xD0000000  }
0x3: {  	_ = 	snop  }
0x4: {  	_ = 	snop  }
0x5: {  	_ = 	snop  }
0x6: {  	_ = 	snop  }
0x7: {  	_ = 	snop  }
__scs_overlays_trampoline_lowered:
0x8: {  	[smem:$0x3FAC] =	sst s0  }
0x9: {  	[smem:$0x3FAD] =	sst s1  }
0xa: {  	[smem:$0x3FAE] =	sst s2  }
0xb: {  	[smem:$0x3FAF] =	sst s3  }
0xc: {  	[smem:$0x3FB0] =	sst s4  }
0xd: {  	[smem:$0x3FB1] =	sst s5  }
0xe: {  	[smem:$0x3FB2] =	sst s6  }
0xf: {  	[smem:$0x3FB3] =	sst s7  }
0x10: {  	[smem:$0x3FB4] =	sst s8  }
0x11: {  	[smem:$0x3FB5] =	sst s9;
	s0 =	simm.s32 @!p0 $0x0  }
0x12: {  	s1 =	sld [smem:$0x3F9B];
	s0 =	simm.s32 @p0 $0x1  }
0x13: {  	[smem:$0x3FB6] =	sst s0;
	s0 =	simm.s32 @!p1 $0x0  }
0x14: {  	s2 =	sld [smem:$0x3F9A];
	s0 =	simm.s32 @p1 $0x1  }
0x15: {  	[smem:$0x3FB7] =	sst s0;
	s0 =	simm.s32 @!p2 $0x0  }
0x16: {  	s3 =	sld [smem:$0x3FDB];
	s0 =	simm.s32 @p2 $0x1  }
0x17: {  	s4 =	simm.s32 $0x1BF5;
	[smem:$0x3FB9] =	sst s0  }
0x18: {  	s0 =	sld [smem:$0x3F9C];
	_ =	swait.ge [sflag:s4], $0x0  }
0x19: {  	s7 =	sld [smem:$0x3F9D]  }
0x1a: {  	s8 =	sadd.s32 $0xFFFFE003, lr  }
0x1b: {  	s9 =	sadd.s32 $0xFFFFFEF7, lr;
	s5 =	simm.s32 $0xFFFFFFFF;
	p2 =	slt.u32 s8, $0xFFFFF086  }
0x1c: {  	p1 =	slt.u32 s9, $0xF7A;
	s5 =	simm.s32 @!p2 $0x0  }
0x1d: {  	s5 =	simm.s32 @p1 $0x1;
	p0 =	seq.s32 s7, s2  }
0x1e: {  	s7 =	smul.u32 @!p0 $0xF7A, s2;
	p2 =	seq.s32 @!p0 s5, $0x0  }
0x1f: {  	s9 =	smul.u32 $0xF7A, s1;
	s8 =	simm.s32 @!p0 $0x1BF5;
	p2 =	por !p2, p0  }
0x20: {  	[sflag:s8] =	ssyncset.s32 @!p0 $0xFFFFF086;
	s6 =	sadd.s32 @!p0 s3, s7;
	s7 =	simm.s32 @!p0 $0x108  }
0x21: {  	s3 =	sadd.s32 s3, s9;
	s6 =	sadd.s32 @!p0 $0x88, s6;
	s7 =	simm.s32 @p2 $0x1082  }
0x22: {  	[simem:s7], [sflag:s8] =	dma.local @!p0 [hbm:s6], $0xF7A  }
0x23: {  	s9 =	sor.u32 $0xD0000000, s2;
	s6 =	simm.s32 $0x108;
	_ =	swait.ge @!p0 [sflag:s8], $0x0  }
0x24: {  	s3 =	sadd.s32 $0x88, s3;
	s6 =	simm.s32 @!p1 $0x1082;
	[sflag:s4] =	ssyncset.s32 $0xFFFFF086  }
0x25: {  	[simem:s6], [sflag:s4] =	dma.local [hbm:s3], $0xF7A  }
0x26: {  	[smem:$0x3F9D] =	sst s1;
	(tag) =	ssettag s2;
	_ =	strace s9  }
0x27: {  	s1 =	sld [smem:$0x3FAD]  }
0x28: {  	s2 =	sld [smem:$0x3FAE]  }
0x29: {  	s4 =	sld [smem:$0x3FB0]  }
0x2a: {  	p0 =	seq.s32 s5, $0x0;
	s5 =	sld [smem:$0x3FB1]  }
0x2b: {  	s6 =	sld [smem:$0x3FB2]  }
0x2c: {  	s7 =	sld [smem:$0x3FB3]  }
0x2d: {  	s3 =	simm.s32 $0x108;
	s8 =	sld [smem:$0x3FB4]  }
0x2e: {  	s3 =	simm.s32 @!p0 $0x1082;
	s9 =	sld [smem:$0x3FB5]  }
0x2f: {  	lr =	sadd.s32 s0, s3;
	s0 =	sld [smem:$0x3FAC]  }
0x30: {  	s3 =	sld [smem:$0x3FAF]  }
0x31: {  	[smem:$0x3FB8] =	sst s10  }
0x32: {  	s10 =	sld [smem:$0x3FB6];
	_ =	sdelay $0x3  }
0x33: {  	p0 =	seq.s32 s10, $0x1;
	s10 =	sld [smem:$0x3FB8];
	_ =	sdelay $0x3  }
0x34: {  	[smem:$0x3FB8] =	sst s10  }
0x35: {  	s10 =	sld [smem:$0x3FB7];
	_ =	sdelay $0x3  }
0x36: {  	p1 =	seq.s32 s10, $0x1;
	s10 =	sld [smem:$0x3FB8];
	_ =	sdelay $0x3  }
0x37: {  	[smem:$0x3FB8] =	sst s10  }
0x38: {  	s10 =	sld [smem:$0x3FB9]  }
0x39: {  	_ = 	snop;
	(pc) =	sbr.ind lr, $3  }
0x3a: {  	_ = 	snop  }
0x3b: {  	_ = 	snop  }
0x3c: {  	p2 =	seq.s32 s10, $0x1;
	s10 =	sld [smem:$0x3FB8]  }
0x3d: {  	_ =	shalt  }
0x3e: {  	_ =	shalt  }
0x3f: {  	_ =	shalt  }
0x40: {  	_ =	shalt  }
0x41: {  	_ =	shalt  }
0x42: {  	_ =	shalt  }
0x43: {  	_ =	shalt  }
0x44: {  	_ =	shalt  }
0x45: {  	_ =	shalt  }
0x46: {  	_ =	shalt  }
0x47: {  	_ =	shalt  }
0x48: {  	_ =	shalt  }
0x49: {  	_ =	shalt  }
0x4a: {  	_ =	shalt  }
0x4b: {  	_ =	shalt  }
0x4c: {  	_ =	shalt  }
0x4d: {  	_ =	shalt  }
0x4e: {  	_ =	shalt  }
0x4f: {  	_ =	shalt  }
0x50: {  	_ =	shalt  }
0x51: {  	_ =	shalt  }
0x52: {  	_ =	shalt  }
0x53: {  	_ =	shalt  }
0x54: {  	_ =	shalt  }
0x55: {  	_ =	shalt  }
0x56: {  	_ =	shalt  }
0x57: {  	_ =	shalt  }
0x58: {  	_ =	shalt  }
0x59: {  	_ =	shalt  }
0x5a: {  	_ =	shalt  }
0x5b: {  	_ =	shalt  }
0x5c: {  	_ =	shalt  }
0x5d: {  	_ =	shalt  }
0x5e: {  	_ =	shalt  }
0x5f: {  	_ =	shalt  }
0x60: {  	_ =	shalt  }
0x61: {  	_ =	shalt  }
0x62: {  	_ =	shalt  }
0x63: {  	_ =	shalt  }
0x64: {  	_ =	shalt  }
0x65: {  	_ =	shalt  }
0x66: {  	_ =	shalt  }
0x67: {  	_ =	shalt  }
0x68: {  	_ =	shalt  }
0x69: {  	_ =	shalt  }
0x6a: {  	_ =	shalt  }
0x6b: {  	_ =	shalt  }
0x6c: {  	_ =	shalt  }
0x6d: {  	_ =	shalt  }
0x6e: {  	_ =	shalt  }
0x6f: {  	_ =	shalt  }
0x70: {  	_ =	shalt  }
0x71: {  	_ =	shalt  }
0x72: {  	_ =	shalt  }
0x73: {  	_ =	shalt  }
0x74: {  	_ =	shalt  }
0x75: {  	_ =	shalt  }
0x76: {  	_ =	shalt  }
0x77: {  	_ =	shalt  }
0x78: {  	_ =	shalt  }
0x79: {  	_ =	shalt  }
0x7a: {  	_ =	shalt  }
0x7b: {  	_ =	shalt  }
0x7c: {  	_ =	shalt  }
0x7d: {  	_ =	shalt  }
0x7e: {  	_ =	shalt  }
0x7f: {  	_ =	shalt  }
0x80: {  	_ =	shalt  }
0x81: {  	_ =	shalt  }
0x82: {  	_ =	shalt  }
0x83: {  	_ =	shalt  }
0x84: {  	_ =	shalt  }
0x85: {  	_ =	shalt  }
0x86: {  	_ =	shalt  }
0x87: {  	_ =	shalt  }
.Lfunc_end0:
.L_simem_size_0:
called_computation.1_lowered:
.L_overlay_start_0:
0x88: {  	s2 =	sld [smem:$0x3FD9]  }
0x89: {  	s3 =	sld [smem:$0x3FFE];
	_ =	sdelay $0x1  }
0x8a: {  	s1 =	srdreg.scid  }
0x8b: {  	s0 =	sand.u32 $0x1, s1  }
0x8c: {  	s17 =	sshll.u32 s0, $0xA;
	s2 =	sadd.s32 s3, s2  }
0x8d: {  	s2 =	sadd.s32 s2, s17  }
0x8e: {  	[smem:$0x3FC4] =	sst s2  }
0x8f: {  	_ = 	snop  }
0x90: {  	s2 =	sld [smem:$0x3FD0];
	(tm) =	ssettm $0x1  }
0x91: {  	s18 =	sld [smem:$0x3FFB];
	_ =	sdelay $0x3  }
0x92: {  	_ =	strace s18  }
0x93: {  	s3 =	sld [smem:$0x3FFC];
	_ =	sdelay $0x3  }
0x94: {  	_ =	strace s3  }
0x95: {  	s3 =	sld [smem:$0x3FFD];
	_ =	sdelay $0x3  }
0x96: {  	_ =	strace s3  }
0x97: {  	_ =	strace $0x8FFFFFFF  }
0x98: {  	s19 =	sld [smem:$0x3FDB];
	_ =	sdelay $0x1  }
0x99: {  	s4 =	simm.s32 $_scs_section_size  }
0x9a: {  	s5 =	simm.s32 $_size__tile_overlayer_lowered;
	s6 =	simm.s32 $_tile_overlayer_lowered  }
0x9b: {  	s22 =	simm.s32 $0x1BFF;
	s21 =	sshll.u32 s6, $0x1;
	s3 =	sadd.s32 s4, s19  }
0x9c: {  	s7 =	simm.s32 $0x0;
	s20 =	sshll.u32 s5, $0x1;
	s5 =	sadd.s32 s21, s3  }
0x9d: {  	[timem:s7], [sflag:s22] =	dma.local [hbm:s5], s20  }
0x9e: {  	_ =	swait.ge [sflag:s22], s20  }
0x9f: {  	s4 =	ssub.s32 $0x0, s20;
	[sflag:s22] =	ssyncset.done $0x0  }
0xa0: {  	[sflag:s22] =	ssyncadd.s32 s4;
	_ =	sdelay $0x1  }
0xa1: {  	s23 =	simm.s32 $0x1B8B  }
0xa2: {  	_ =	swait.ge [sflag:s23], $0x1  }
0xa3: {  	[sflag:s23] =	ssyncset.done $0x0  }
0xa4: {  	s25 =	simm.s32 $0x1B8E;
	s24 =	sld [smem:$0x3FFE];
	[sflag:s23] =	ssyncadd.s32 $0xFFFFFFFF  }
0xa5: {  	s26 =	simm.s32 $execute0_lowered;
	[smem:$0x3FD2] =	sst s25  }
0xa6: {  	s5 =	sshll.u32 s26, $0x1;
	_ =	strace $0x80000049;
	[dreg:$0x1] =	wrdreg $0xFFFFFFFF  }
0xa7: {  	s28 =	simm.s32 $_size_execute0_lowered;
	s3 =	sadd.s32 s3, s5;
	[dreg:$0x0] =	wrdreg $0x0  }
0xa8: {  	s5 =	sshll.u32 s28, $0x1;
	[dreg:$0x2] =	wrdreg s3  }
0xa9: {  	[dreg:$0x3] =	wrdreg s5  }
0xaa: {  	[dreg:$0x4] =	wrdreg $0xC0  }
0xab: {  	_ =	task [dreg:s7], $0x5FFFF  }
0xac: {  	[dreg:$0x1] =	wrdreg $0xFFFFFFFF  }
0xad: {  	[dreg:$0x0] =	wrdreg $0x60  }
0xae: {  	[dreg:$0x2] =	wrdreg s24  }
0xaf: {  	[dreg:$0x3] =	wrdreg s2  }
0xb0: {  	[dreg:$0x4] =	wrdreg $0x0  }
0xb1: {  	[dreg:$0x5] =	wrdreg $0x9  }
0xb2: {  	_ =	task.clear_ibuf [dreg:s7], $0x6FFFF;
	_ =	strace $0x90000049  }
0xb3: {  	s29 =	simm.s32 $0x9;
	_ =	strace $0x8000004B  }
0xb4: {  	_ =	swait.ge [sflag:s29], $0x1  }
0xb5: {  	[sflag:s29] =	ssyncadd.s32 $0xFFFFFFFF  }
0xb6: {  	_ =	strace $0x9000004B  }
0xb7: {  	_ =	sfence  }
0xb8: {  	s30 =	sld [smem:$0x0];
	_ =	sdelay $0x2  }
0xb9: {  	s31 =	sshll.u32 s1, $0xD;
	s1 =	sshrl.u32 s1, $0x2  }
0xba: {  	s3 =	sand.u32 $0x4000, s31;
	s1 =	sadd.s32 s1, s30  }
0xbb: {  	s0 =	sor.u32 s3, s0;
	s1 =	sshll.u32 s1, $0x11  }
0xbc: {  	s0 =	sor.u32 s1, s0  }
0xbd: {  	s0 =	sadd.s32 $0x8F2B, s0  }
0xbe: {  	[sflag:s0] =	ssyncadd.remote.s32 $0x1  }
0xbf: {  	_ =	sfence.sel $0xFFFF  }
0xc0: {  	[dreg:$0x0] =	wrdreg $0xFFFFFFFF;
	(pc) =	sbr.abs _section_cstart, $3  }
0xc1: {  	[dreg:$0x1] =	wrdreg $0xFFFFFFFF  }
0xc2: {  	_ =	task.clear_ibuf [dreg:s7], $0x2FFFF;
	_ =	strace $0x9FFFFFFF  }
0xc3: {  	(tm) =	ssettm $0x7FFFFFFF  }
tec
execute0_lowered:
.L_overlay_start_1:
0x0: {  	(tag) =	ssettag $0x1  }
0x1: {  	s0 =	rddreg [dreg:$0x0]  }
0x2: {  	s4 =	rddreg [dreg:$0x1]  }
0x3: {  	s1 =	rddreg [dreg:$0x2];
	s3 =	simm.s32 $0x0;
	s2 =	srdreg.scid  }
0x4: {  	s24 =	stileid.u32;
	s29 =	simm.s32 $0x7;
	[smem:$0x7FF] =	sst s3  }
0x5: {  	s13 =	sand.u32 $0x1, s2;
	s5 =	sadd.s32 $0x1400, s0;
	s6 =	smul.u32 $0x280, s24  }
0x6: {  	s11 =	sadd.s32 $0xB200, s0;
	s10 =	sadd.s32 $0x41000, s0;
	s18 =	smul.u32 $0x14000, s24  }
0x7: {  	s17 =	sshll.u32 s24, $0x5;
	s23 =	smul.u32 $0x2800, s24;
	p0 =	slt.u32 s24, $0x2  }
0x8: {  	_ =	strace $0x8000004A;
	s2 =	ssub.s32 $0x2, s13;
	s8 =	sshll.u32 s13, $0x4  }
0x9: {  	s9 =	smul.u32 $0x140000, s13;
	s29 =	simm.s32 @!p0 $0x8;
	s7 =	sshrl.u32 s2, $0x1  }
0xa: {  	s12 =	sadd.s32 $0x80, s6;
	s14 =	sadd.s32 $0x100, s6;
	s15 =	sadd.s32 $0x180, s6  }
0xb: {  	s16 =	sor.u32 s8, s17;
	s17 =	sadd.s32 $0x200, s6;
	s2 =	ssub.s32 s2, s7  }
0xc: {  	s19 =	sadd.s32 s5, s16;
	s20 =	sadd.s32 s11, s16;
	s21 =	sadd.s32 s18, s9  }
0xd: {  	s18 =	smul.u32 $0x28000, s13;
	s22 =	sshll.u32 s12, $0x7;
	[dreg:$0x4] =	wrdreg s19  }
0xe: {  	s13 =	sshll.u32 s13, $0x7;
	[dreg:$0x5] =	wrdreg s20;
	s6 =	sshrl.u32 s21, $0x3  }
0xf: {  	s7 =	sadd.s32 s9, s22;
	s19 =	sshll.u32 s14, $0x7;
	s20 =	sshll.u32 s15, $0x7  }
0x10: {  	s21 =	sshll.u32 s17, $0x7;
	s14 =	sshll.u32 s14, $0x4;
	s15 =	sshll.u32 s15, $0x4  }
0x11: {  	s19 =	sadd.s32 s9, s19;
	s20 =	sadd.s32 s9, s20;
	s9 =	sadd.s32 s9, s21  }
0x12: {  	s21 =	sor.u32 $0x200, s16;
	s6 =	sadd.s32 s10, s6;
	s7 =	sshrl.u32 s7, $0x3  }
0x13: {  	s22 =	sadd.s32 s23, s18;
	s23 =	sshll.u32 s12, $0x4;
	s7 =	sadd.s32 s10, s7  }
0x14: {  	s25 =	sshrl.u32 s19, $0x3;
	s26 =	sshrl.u32 s20, $0x3;
	s31 =	sshrl.u32 s9, $0x3  }
0x15: {  	s19 =	sadd.s32 s18, s23;
	s20 =	sadd.s32 s18, s14;
	s23 =	sadd.s32 s18, s15  }
0x16: {  	s14 =	sadd.s32 s5, s21;
	s15 =	sadd.s32 s11, s21;
	s21 =	sor.u32 $0x400, s16  }
0x17: {  	s16 =	sshrl.u32 s22, $0x3;
	s8 =	sadd.s32 s10, s25;
	s9 =	sadd.s32 s10, s26  }
0x18: {  	s10 =	sadd.s32 s10, s31;
	s25 =	sshll.u32 s17, $0x4;
	[dreg:$0x6] =	wrdreg s14  }
0x19: {  	s26 =	sshll.u32 s24, $0x8;
	[dreg:$0x7] =	wrdreg s15;
	s22 =	sshrl.u32 s19, $0x3  }
0x1a: {  	s19 =	sadd.s32 s5, s21;
	s17 =	sadd.s32 s18, s25;
	s31 =	sor.u32 s13, s26  }
0x1b: {  	s13 =	sadd.s32 s4, s16;
	s14 =	sadd.s32 s4, s22;
	s25 =	sshrl.u32 s20, $0x3  }
0x1c: {  	s26 =	sshrl.u32 s23, $0x3;
	[dreg:$0x8] =	wrdreg s19;
	s20 =	sadd.s32 s11, s21  }
0x1d: {  	s21 =	smul.u32 $0x5A000, s24;
	s22 =	simm.s32 $0x4F;
	s23 =	sadd.s32 $0x15000, s0  }
0x1e: {  	s15 =	sadd.s32 s4, s25;
	s17 =	sshrl.u32 s17, $0x3;
	s16 =	sadd.s32 s4, s26  }
0x1f: {  	s31 =	sor.u32 $0x3000, s31;
	[dreg:$0x9] =	wrdreg s20;
	s26 =	smul.u32 $0x240, s12  }
0x20: {  	s22 =	simm.s32 @!p0 $0x4E;
	s17 =	sadd.s32 s4, s17;
	s4 =	sshrl.u32 s31, $0x3  }
0x21: {  	s31 =	sshrl.u32 s21, $0x2;
	s12 =	sadd.s32 $0x24000, s21;
	s19 =	sadd.s32 $0x36000, s21  }
0x22: {  	s0 =	sadd.s32 $0xFFFFFFFF, s22;
	s11 =	sadd.s32 s4, s11;
	s4 =	sadd.s32 s4, s5  }
0x23: {  	s24 =	sadd.s32 s31, s1;
	s18 =	sshrl.u32 s12, $0x2;
	s20 =	sshrl.u32 s19, $0x2  }
0x24: {  	s31 =	smax.u32 s2, $0x1;
	s2 =	simm.s32 $0x16C00;
	[dreg:$0xa] =	wrdreg s11  }
0x25: {  	s12 =	simm.s32 $0x0;
	[dreg:$0xb] =	wrdreg s4;
	s11 =	sshrl.u32 s26, $0x2  }
0x26: {  	s26 =	sadd.s32 s18, s1;
	s4 =	sadd.s32 $0x48000, s21;
	s28 =	sadd.s32 s20, s1  }
0x27: {  	[dreg:$0xc] =	wrdreg s31;
	s25 =	sadd.s32 s11, s1;
	s21 =	sshrl.u32 s4, $0x2  }
0x28: {  	v0 =	vimm.f32 $0.0e+00;
	s4 =	simm.s32 $0x9;
	s11 =	simm.s32 $0x1;
	s30 =	sadd.s32 s21, s1  }
.LBB2_1:
0x29: {  	s18 =	simm.s32 $0x0;
	s20 =	simm.s32 $0x240  }
.LBB2_2:
0x2a: {  	p0 =	sne.s32 s20, $0x11DC0;
	[tilespmem:s18+$0x16C80] =	vst v0  }
0x2b: {  	[tilespmem:s18+$0x16C00] =	vst v0  }
0x2c: {  	[tilespmem:s18+$0x16C10] =	vst v0  }
0x2d: {  	[tilespmem:s18+$0x16C20] =	vst v0  }
.Ltmp0:
0x2e: {  	[tilespmem:s18+$0x16C30] =	vst v0;
	(pc) =	sbr.rel @p0 .LBB2_2-.Ltmp0, $4  }
0x2f: {  	[tilespmem:s18+$0x16C40] =	vst v0  }
0x30: {  	[tilespmem:s18+$0x16C50] =	vst v0  }
0x31: {  	[tilespmem:s18+$0x16C60] =	vst v0  }
0x32: {  	[tilespmem:s18+$0x16C70] =	vst v0;
	s18 =	sshra.s32 s20, $0x2;
	s20 =	sadd.s32 $0x240, s20  }
0x33: {  	[tilespmem:s18+$0x16C80] =	vst v0  }
0x34: {  	[tilespmem:s18+$0x16C00] =	vst v0  }
0x35: {  	[tilespmem:s18+$0x16C10] =	vst v0  }
0x36: {  	[tilespmem:s18+$0x16C20] =	vst v0  }
0x37: {  	[tilespmem:s18+$0x16C30] =	vst v0  }
0x38: {  	[tilespmem:s18+$0x16C40] =	vst v0  }
0x39: {  	[tilespmem:s18+$0x16C50] =	vst v0  }
0x3a: {  	[tilespmem:s18+$0x16C60] =	vst v0  }
0x3b: {  	[tilespmem:s18+$0x16C70] =	vst v0  }
0x3c: {  	[spmem:s24] =	stream.linear.scatter [tilespmem:s2], [sflag:$0x9], $0x4800, $0x38;
	[tilespmem:$0x1FC00] =	vst v63  }
0x3d: {  	_ =	swait.ge [sflag:s4], $0x4800  }
0x3e: {  	[sflag:s4] =	ssyncset.done $0x0  }
0x3f: {  	[sflag:s4] =	ssyncadd.s32 $0xFFFFB800  }
0x40: {  	[spmem:s25] =	stream.linear.scatter [tilespmem:s2], [sflag:$0x9], $0x4800, $0x38;
	[tilespmem:$0x1FC00] =	vst v63  }
0x41: {  	_ =	swait.ge [sflag:s4], $0x4800  }
0x42: {  	[sflag:s4] =	ssyncset.done $0x0  }
0x43: {  	[sflag:s4] =	ssyncadd.s32 $0xFFFFB800  }
0x44: {  	[spmem:s26] =	stream.linear.scatter [tilespmem:s2], [sflag:$0x9], $0x4800, $0x38;
	[tilespmem:$0x1FC00] =	vst v63  }
0x45: {  	_ =	swait.ge [sflag:s4], $0x4800  }
0x46: {  	[sflag:s4] =	ssyncset.done $0x0  }
0x47: {  	[sflag:s4] =	ssyncadd.s32 $0xFFFFB800  }
0x48: {  	[spmem:s28] =	stream.linear.scatter [tilespmem:s2], [sflag:$0x9], $0x4800, $0x38;
	[tilespmem:$0x1FC00] =	vst v63  }
0x49: {  	_ =	swait.ge [sflag:s4], $0x4800  }
0x4a: {  	[sflag:s4] =	ssyncset.done $0x0  }
0x4b: {  	[sflag:s4] =	ssyncadd.s32 $0xFFFFB800  }
0x4c: {  	[spmem:s30] =	stream.linear.scatter [tilespmem:s2], [sflag:$0x9], $0x4800, $0x38;
	[tilespmem:$0x1FC00] =	vst v63  }
0x4d: {  	_ =	swait.ge [sflag:s4], $0x4800  }
0x4e: {  	[sflag:s4] =	ssyncset.done $0x0  }
0x4f: {  	[sflag:s4] =	ssyncadd.s32 $0xFFFFB800  }
0x50: {  	[bflag:$0x0] =	sbarrier.arrive $0xFFFF  }
0x51: {  	s18 =	simm.s32 $0x0;
	s19 =	simm.s32 $0x16800;
	s5 =	rddreg [dreg:$0x4]  }
0x52: {  	[tilespmem:s19], [sflag:$0x1] =	stream.linear.gather [hbm4b:s5+s18], $0x80, $0x38;
	[tilespmem:$0x1FC00] =	vst v63  }
0x53: {  	s20 =	simm.s32 $0x16880;
	s31 =	rddreg [dreg:$0x5]  }
0x54: {  	[tilespmem:s20], [sflag:$0x1] =	stream.linear.gather [hbm4b:s31+s18], $0x80, $0x38;
	[tilespmem:$0x1FC00] =	vst v63  }
0x55: {  	s21 =	rddreg [dreg:$0x6];
	s31 =	simm.s32 $0x16900  }
0x56: {  	[tilespmem:s31], [sflag:$0x2] =	stream.linear.gather [hbm4b:s21+s18], $0x80, $0x38;
	[tilespmem:$0x1FC00] =	vst v63  }
0x57: {  	s21 =	rddreg [dreg:$0x7];
	s31 =	simm.s32 $0x16980  }
0x58: {  	[tilespmem:s31], [sflag:$0x2] =	stream.linear.gather [hbm4b:s21+s18], $0x80, $0x38;
	[tilespmem:$0x1FC00] =	vst v63  }
0x59: {  	s21 =	rddreg [dreg:$0x8];
	s31 =	simm.s32 $0x16A00  }
0x5a: {  	[tilespmem:s31], [sflag:$0x3] =	stream.linear.gather [hbm4b:s21+s18], $0x80, $0x38;
	[tilespmem:$0x1FC00] =	vst v63  }
0x5b: {  	s20 =	rddreg [dreg:$0x9];
	s21 =	simm.s32 $0x16A80  }
0x5c: {  	[tilespmem:s21], [sflag:$0x3] =	stream.linear.gather [hbm4b:s20+s18], $0x80, $0x38;
	[tilespmem:$0x1FC00] =	vst v63  }
0x5d: {  	_ =	swait.ge [sflag:s11], $0x80  }
0x5e: {  	[sflag:s11] =	ssyncset.done $0x0  }
.Ltmp1:
0x5f: {  	[sflag:s11] =	ssyncadd.s32 $0xFFFFFF80;
	(pc) =	sbr.rel .LBB2_4-.Ltmp1, $4  }
0x60: {  	_ =	swait.ge [sflag:s11], $0x80  }
0x61: {  	[sflag:s11] =	ssyncset.done $0x0;
	s21 =	rddreg [dreg:$0xb]  }
0x62: {  	s31 =	simm.s32 $0x80;
	s20 =	rddreg [dreg:$0xa];
	[sflag:s11] =	ssyncadd.s32 $0xFFFFFF80  }
0x63: {  	[tilespmem:s2], [sflag:$0x5] =	stream.indirect.gather [hbm4b:s23+s31], $0x90, s19, s31, $0xb8;
	[tilespmem:$0x1FC00] =	vst v63  }
.LBB2_6:
0x64: {  	p0 =	seq.s32 s19, $0x2  }
0x65: {  	s5 =	simm.s32 @p0 $0x5  }
0x66: {  	p1 =	seq.s32 @p0 s18, $0x0;
	_ =	swait.ge @p0 [sflag:s5], $0x4800  }
0x67: {  	p1 =	por p1, !p0;
	[sflag:s5] =	ssyncset.done @p0 $0x0  }
0x68: {  	[sflag:s5] =	ssyncadd.s32 @p0 $0xFFFFB800;
	s5 =	simm.s32 @!p1 $0x8  }
0x69: {  	_ =	swait.ge @!p1 [sflag:s5], $0x4800  }
0x6a: {  	s19 =	simm.s32 @p0 $0x16A80;
	s31 =	simm.s32 @p0 $0x16C00;
	[sflag:s5] =	ssyncset.done @!p1 $0x0  }
0x6b: {  	[sflag:s5] =	ssyncadd.s32 @!p1 $0xFFFFB800;
	s5 =	simm.s32 @p0 $0x80;
	p1 =	sge.u32 @p0 s18, s0  }
0x6c: {  	[spmem:s1] =	stream.indirect.scatter.add.f32 @p0 [tilespmem:s31], [sflag:$0x7], $0x90, s19, s5, $0xb8;
	[tilespmem:$0x1FC00] =	vst v63  }
0x6d: {  	p2 =	por p1, !p0  }
0x6e: {  	s5 =	simm.s32 @!p2 $0x4  }
0x6f: {  	_ =	swait.ge @!p2 [sflag:s5], $0x80  }
0x70: {  	[sflag:s5] =	ssyncset.done @!p2 $0x0  }
0x71: {  	[sflag:s5] =	ssyncadd.s32 @!p2 $0xFFFFFF80  }
0x72: {  	_ =	swait.ge @!p2 [sflag:s5], $0x80  }
0x73: {  	s19 =	simm.s32 @!p2 $0x16B00;
	[sflag:s5] =	ssyncset.done @!p2 $0x0  }
0x74: {  	s31 =	simm.s32 @!p2 $0x1B400;
	[sflag:s5] =	ssyncadd.s32 @!p2 $0xFFFFFF80;
	s5 =	simm.s32 @!p2 $0x80  }
0x75: {  	[tilespmem:s31], [sflag:$0x6] =	stream.indirect.gather @!p2 [hbm4b:s23+s5], $0x90, s19, s5, $0xb8;
	[tilespmem:$0x1FC00] =	vst v63  }
0x76: {  	s5 =	sadd.s32 @!p2 $0x3, s18  }
0x77: {  	p2 =	sge.u32 @!p2 s5, s22  }
0x78: {  	p1 =	por @p0 p2, p1  }
0x79: {  	p1 =	por p1, !p0  }
0x7a: {  	s5 =	simm.s32 @!p1 $0x0;
	s19 =	simm.s32 @!p1 $0x16900  }
0x7b: {  	[tilespmem:s19], [sflag:$0x2] =	stream.linear.gather @!p1 [hbm4b:s21+s5], $0x80, $0x38;
	[tilespmem:$0x1FC00] =	vst v63  }
0x7c: {  	s19 =	simm.s32 @!p1 $0x16980  }
0x7d: {  	[tilespmem:s19], [sflag:$0x2] =	stream.linear.gather @!p1 [hbm4b:s20+s5], $0x80, $0x38;
	[tilespmem:$0x1FC00] =	vst v63  }
0x7e: {  	s5 =	simm.s32 @!p0 $0x6  }
0x7f: {  	p1 =	seq.s32 @!p0 s18, $0x0;
	_ =	swait.ge @!p0 [sflag:s5], $0x4800  }
0x80: {  	p1 =	por p1, p0;
	[sflag:s5] =	ssyncset.done @!p0 $0x0  }
0x81: {  	[sflag:s5] =	ssyncadd.s32 @!p0 $0xFFFFB800;
	s5 =	simm.s32 @!p1 $0x7  }
0x82: {  	_ =	swait.ge @!p1 [sflag:s5], $0x4800  }
0x83: {  	s31 =	simm.s32 @!p0 $0x1B400;
	s19 =	simm.s32 @!p0 $0x16B80;
	[sflag:s5] =	ssyncset.done @!p1 $0x0  }
0x84: {  	[sflag:s5] =	ssyncadd.s32 @!p1 $0xFFFFB800;
	s5 =	simm.s32 @!p0 $0x80;
	p1 =	sge.u32 @!p0 s18, s0  }
0x85: {  	[spmem:s1] =	stream.indirect.scatter.add.f32 @!p0 [tilespmem:s31], [sflag:$0x8], $0x90, s19, s5, $0xb8;
	[tilespmem:$0x1FC00] =	vst v63  }
0x86: {  	p2 =	por p1, p0  }
0x87: {  	s5 =	simm.s32 @!p2 $0x1  }
0x88: {  	_ =	swait.ge @!p2 [sflag:s5], $0x80  }
0x89: {  	[sflag:s5] =	ssyncset.done @!p2 $0x0  }
0x8a: {  	[sflag:s5] =	ssyncadd.s32 @!p2 $0xFFFFFF80  }
0x8b: {  	_ =	swait.ge @!p2 [sflag:s5], $0x80  }
0x8c: {  	s19 =	simm.s32 @!p2 $0x16800;
	[sflag:s5] =	ssyncset.done @!p2 $0x0  }
0x8d: {  	s31 =	simm.s32 @!p2 $0x16C00;
	[sflag:s5] =	ssyncadd.s32 @!p2 $0xFFFFFF80;
	s5 =	simm.s32 @!p2 $0x80  }
0x8e: {  	[tilespmem:s31], [sflag:$0x5] =	stream.indirect.gather @!p2 [hbm4b:s23+s5], $0x90, s19, s5, $0xb8;
	[tilespmem:$0x1FC00] =	vst v63  }
0x8f: {  	s5 =	sadd.s32 @!p2 $0x3, s18  }
0x90: {  	p2 =	sge.u32 @!p2 s5, s22  }
0x91: {  	p1 =	por @!p0 p2, p1  }
0x92: {  	p0 =	por p1, p0  }
0x93: {  	s5 =	simm.s32 @!p0 $0x0;
	s19 =	simm.s32 @!p0 $0x16A00  }
0x94: {  	[tilespmem:s19], [sflag:$0x3] =	stream.linear.gather @!p0 [hbm4b:s21+s5], $0x80, $0x38;
	[tilespmem:$0x1FC00] =	vst v63  }
0x95: {  	s19 =	simm.s32 @!p0 $0x16A80  }
0x96: {  	[tilespmem:s19], [sflag:$0x3] =	stream.linear.gather @!p0 [hbm4b:s20+s5], $0x80, $0x38;
	[tilespmem:$0x1FC00] =	vst v63  }
.LBB2_7:
0x97: {  	s18 =	sadd.s32 $0x1, s18  }
0x98: {  	p0 =	sne.s32 s22, s18  }
.Ltmp2:
0x99: {  	_ = 	snop;
	(pc) =	sbr.rel @!p0 .LBB2_8-.Ltmp2, $2  }
0x9a: {  	_ =	sdelay $0x2  }
0x9b: {  	s20 =	sadd.s32 $0x200, s20;
	s21 =	sadd.s32 $0x200, s21  }
.LBB2_4:
0x9c: {  	s19 =	sand.u32 $0x3, s18  }
0x9d: {  	p0 =	sgt.s32 s19, $0x1  }
.Ltmp3:
0x9e: {  	_ = 	snop;
	(pc) =	sbr.rel @p0 .LBB2_6-.Ltmp3, $1  }
0x9f: {  	_ =	sdelay $0x3  }
0xa0: {  	p0 =	seq.s32 s19, $0x0  }
0xa1: {  	s19 =	simm.s32 @p0 $0x5  }
0xa2: {  	p1 =	seq.s32 @p0 s18, $0x0;
	_ =	swait.ge @p0 [sflag:s19], $0x4800  }
0xa3: {  	p1 =	por p1, !p0;
	[sflag:s19] =	ssyncset.done @p0 $0x0  }
0xa4: {  	[sflag:s19] =	ssyncadd.s32 @p0 $0xFFFFB800;
	s19 =	simm.s32 @!p1 $0x8  }
0xa5: {  	_ =	swait.ge @!p1 [sflag:s19], $0x4800  }
0xa6: {  	s5 =	simm.s32 @p0 $0x16880;
	s31 =	simm.s32 @p0 $0x16C00;
	[sflag:s19] =	ssyncset.done @!p1 $0x0  }
0xa7: {  	[sflag:s19] =	ssyncadd.s32 @!p1 $0xFFFFB800;
	s19 =	simm.s32 @p0 $0x80;
	p1 =	sge.u32 @p0 s18, s0  }
0xa8: {  	[spmem:s1] =	stream.indirect.scatter.add.f32 @p0 [tilespmem:s31], [sflag:$0x7], $0x90, s5, s19, $0xb8;
	[tilespmem:$0x1FC00] =	vst v63  }
0xa9: {  	p2 =	por p1, !p0  }
0xaa: {  	s5 =	simm.s32 @!p2 $0x2  }
0xab: {  	_ =	swait.ge @!p2 [sflag:s5], $0x80  }
0xac: {  	[sflag:s5] =	ssyncset.done @!p2 $0x0  }
0xad: {  	[sflag:s5] =	ssyncadd.s32 @!p2 $0xFFFFFF80  }
0xae: {  	_ =	swait.ge @!p2 [sflag:s5], $0x80  }
0xaf: {  	s19 =	simm.s32 @!p2 $0x16900;
	[sflag:s5] =	ssyncset.done @!p2 $0x0  }
0xb0: {  	s31 =	simm.s32 @!p2 $0x1B400;
	[sflag:s5] =	ssyncadd.s32 @!p2 $0xFFFFFF80;
	s5 =	simm.s32 @!p2 $0x80  }
0xb1: {  	[tilespmem:s31], [sflag:$0x6] =	stream.indirect.gather @!p2 [hbm4b:s23+s5], $0x90, s19, s5, $0xb8;
	[tilespmem:$0x1FC00] =	vst v63  }
0xb2: {  	s5 =	sadd.s32 @!p2 $0x3, s18  }
0xb3: {  	p2 =	sge.u32 @!p2 s5, s22  }
0xb4: {  	p1 =	por @p0 p2, p1  }
0xb5: {  	p1 =	por p1, !p0  }
0xb6: {  	s5 =	simm.s32 @!p1 $0x0;
	s19 =	simm.s32 @!p1 $0x16B00  }
0xb7: {  	[tilespmem:s19], [sflag:$0x4] =	stream.linear.gather @!p1 [hbm4b:s21+s5], $0x80, $0x38;
	[tilespmem:$0x1FC00] =	vst v63  }
0xb8: {  	s19 =	simm.s32 @!p1 $0x16B80  }
0xb9: {  	[tilespmem:s19], [sflag:$0x4] =	stream.linear.gather @!p1 [hbm4b:s20+s5], $0x80, $0x38;
	[tilespmem:$0x1FC00] =	vst v63  }
0xba: {  	s5 =	simm.s32 @!p0 $0x6  }
0xbb: {  	p1 =	seq.s32 @!p0 s18, $0x0;
	_ =	swait.ge @!p0 [sflag:s5], $0x4800  }
0xbc: {  	p1 =	por p1, p0;
	[sflag:s5] =	ssyncset.done @!p0 $0x0  }
0xbd: {  	[sflag:s5] =	ssyncadd.s32 @!p0 $0xFFFFB800;
	s5 =	simm.s32 @!p1 $0x7  }
0xbe: {  	_ =	swait.ge @!p1 [sflag:s5], $0x4800  }
0xbf: {  	s31 =	simm.s32 @!p0 $0x1B400;
	s19 =	simm.s32 @!p0 $0x16980;
	[sflag:s5] =	ssyncset.done @!p1 $0x0  }
0xc0: {  	[sflag:s5] =	ssyncadd.s32 @!p1 $0xFFFFB800;
	s5 =	simm.s32 @!p0 $0x80;
	p1 =	sge.u32 @!p0 s18, s0  }
0xc1: {  	[spmem:s1] =	stream.indirect.scatter.add.f32 @!p0 [tilespmem:s31], [sflag:$0x8], $0x90, s19, s5, $0xb8;
	[tilespmem:$0x1FC00] =	vst v63  }
0xc2: {  	p2 =	por p1, p0  }
0xc3: {  	s5 =	simm.s32 @!p2 $0x3  }
0xc4: {  	_ =	swait.ge @!p2 [sflag:s5], $0x80  }
0xc5: {  	[sflag:s5] =	ssyncset.done @!p2 $0x0  }
0xc6: {  	[sflag:s5] =	ssyncadd.s32 @!p2 $0xFFFFFF80  }
0xc7: {  	_ =	swait.ge @!p2 [sflag:s5], $0x80  }
0xc8: {  	s19 =	simm.s32 @!p2 $0x16A00;
	[sflag:s5] =	ssyncset.done @!p2 $0x0  }
0xc9: {  	s31 =	simm.s32 @!p2 $0x16C00;
	[sflag:s5] =	ssyncadd.s32 @!p2 $0xFFFFFF80;
	s5 =	simm.s32 @!p2 $0x80  }
0xca: {  	[tilespmem:s31], [sflag:$0x5] =	stream.indirect.gather @!p2 [hbm4b:s23+s5], $0x90, s19, s5, $0xb8;
	[tilespmem:$0x1FC00] =	vst v63  }
0xcb: {  	s5 =	sadd.s32 @!p2 $0x3, s18  }
0xcc: {  	p2 =	sge.u32 @!p2 s5, s22  }
0xcd: {  	p1 =	por @!p0 p2, p1  }
.Ltmp4:
0xce: {  	p0 =	por p1, p0;
	(pc) =	sbr.rel .LBB2_7-.Ltmp4, $4  }
0xcf: {  	s5 =	simm.s32 @!p0 $0x0;
	s19 =	simm.s32 @!p0 $0x16800  }
0xd0: {  	[tilespmem:s19], [sflag:$0x1] =	stream.linear.gather @!p0 [hbm4b:s21+s5], $0x80, $0x38;
	[tilespmem:$0x1FC00] =	vst v63  }
0xd1: {  	s19 =	simm.s32 @!p0 $0x16880  }
0xd2: {  	[tilespmem:s19], [sflag:$0x1] =	stream.linear.gather @!p0 [hbm4b:s20+s5], $0x80, $0x38;
	[tilespmem:$0x1FC00] =	vst v63  }
.LBB2_8:
0xd3: {  	_ =	swait.ge [sflag:s29], $0x4800  }
0xd4: {  	[sflag:s29] =	ssyncset.done $0x0  }
0xd5: {  	[sflag:s29] =	ssyncadd.s32 $0xFFFFB800  }
0xd6: {  	[bflag:$0x0] =	sbarrier.arrive $0xFFFF  }
0xd7: {  	[tilespmem:s2], [sflag:$0x9] =	stream.linear.gather [spmem:s24], $0x4800, $0x38;
	[tilespmem:$0x1FC00] =	vst v63  }
0xd8: {  	_ =	swait.ge [sflag:s4], $0x4800  }
0xd9: {  	[sflag:s4] =	ssyncset.done $0x0  }
0xda: {  	s20 =	simm.s32 $0x80;
	s18 =	simm.s32 $0x440;
	[sflag:s4] =	ssyncadd.s32 $0xFFFFB800  }
.LBB2_9:
0xdb: {  	p0 =	sne.s32 s18, $0x11FC0;
	v1 =	vld.msk [tilespmem:s20+$0x16C00 ss:$0x0], $0xffff;
	_ =	sdelay $0x1  }
.Ltmp5:
0xdc: {  	(pc) =	sbr.rel @p0 .LBB2_9-.Ltmp5, $2  }
0xdd: {  	_ =	sdelay $0x2  }
0xde: {  	[tilespmem:s20+$0x16C00] =	vst v1;
	s20 =	sshra.s32 s18, $0x2;
	s18 =	sadd.s32 $0x240, s18  }
0xdf: {  	v1 =	vld.msk [tilespmem:s20+$0x16C00 ss:$0x0], $0xffff;
	_ =	sdelay $0x3  }
0xe0: {  	s18 =	simm.s32 $0x16C00  }
0xe1: {  	s19 =	sadd.s32 $0x0, s6;
	s21 =	simm.s32 $0x16C90;
	[tilespmem:s20+$0x16C00] =	vst v1;
	s20 =	simm.s32 $0x10  }
.LBB2_11:
0xe2: {  	[hbm4b:s19+s3] =	stream.linear.scatter [tilespmem:s18], [sflag:$0x9], $0x80, $0x38;
	[tilespmem:$0x1FC00] =	vst v63  }
0xe3: {  	s5 =	smov.u32 s20;
	s18 =	smov.u32 s21;
	p0 =	sne.s32 s20, $0x7F0  }
.Ltmp6:
0xe4: {  	s20 =	sadd.s32 $0x10, s20;
	(pc) =	sbr.rel @p0 .LBB2_11-.Ltmp6, $2  }
0xe5: {  	_ =	sdelay $0x2  }
0xe6: {  	s21 =	sadd.s32 $0x90, s21;
	s19 =	sadd.s32 s5, s6  }
0xe7: {  	[hbm4b:s19+s3] =	stream.linear.scatter [tilespmem:s18], [sflag:$0x9], $0x80, $0x38;
	[tilespmem:$0x1FC00] =	vst v63  }
0xe8: {  	_ =	swait.ge [sflag:s4], $0x4000  }
0xe9: {  	s18 =	simm.s32 $0x16C80;
	s20 =	simm.s32 $0x2;
	[sflag:s4] =	ssyncset.done $0x0  }
0xea: {  	s19 =	sadd.s32 $0x0, s13;
	s21 =	simm.s32 $0x16D10;
	[sflag:s4] =	ssyncadd.s32 $0xFFFFC000  }
.LBB2_13:
0xeb: {  	[hbm4b:s19+s3] =	stream.linear.scatter [tilespmem:s18], [sflag:$0x9], $0x10, $0x38;
	[tilespmem:$0x1FC00] =	vst v63  }
0xec: {  	s5 =	smov.u32 s20;
	s18 =	smov.u32 s21;
	p0 =	sne.s32 s20, $0xFE  }
.Ltmp7:
0xed: {  	s20 =	sadd.s32 $0x2, s20;
	(pc) =	sbr.rel @p0 .LBB2_13-.Ltmp7, $2  }
0xee: {  	_ =	sdelay $0x2  }
0xef: {  	s21 =	sadd.s32 $0x90, s21;
	s19 =	sadd.s32 s5, s13  }
0xf0: {  	[hbm4b:s19+s3] =	stream.linear.scatter [tilespmem:s18], [sflag:$0x9], $0x10, $0x38;
	[tilespmem:$0x1FC00] =	vst v63  }
0xf1: {  	_ =	swait.ge [sflag:s4], $0x800  }
0xf2: {  	[sflag:s4] =	ssyncset.done $0x0  }
0xf3: {  	[sflag:s4] =	ssyncadd.s32 $0xFFFFF800  }
0xf4: {  	[tilespmem:s2], [sflag:$0x9] =	stream.linear.gather [spmem:s25], $0x4800, $0x38;
	[tilespmem:$0x1FC00] =	vst v63  }
0xf5: {  	_ =	swait.ge [sflag:s4], $0x4800  }
0xf6: {  	[sflag:s4] =	ssyncset.done $0x0  }
0xf7: {  	s20 =	simm.s32 $0x80;
	s18 =	simm.s32 $0x440;
	[sflag:s4] =	ssyncadd.s32 $0xFFFFB800  }
.LBB2_15:
0xf8: {  	p0 =	sne.s32 s18, $0x11FC0;
	v1 =	vld.msk [tilespmem:s20+$0x16C00 ss:$0x0], $0xffff;
	_ =	sdelay $0x1  }
.Ltmp8:
0xf9: {  	(pc) =	sbr.rel @p0 .LBB2_15-.Ltmp8, $2  }
0xfa: {  	_ =	sdelay $0x2  }
0xfb: {  	[tilespmem:s20+$0x16C00] =	vst v1;
	s20 =	sshra.s32 s18, $0x2;
	s18 =	sadd.s32 $0x240, s18  }
0xfc: {  	v1 =	vld.msk [tilespmem:s20+$0x16C00 ss:$0x0], $0xffff;
	_ =	sdelay $0x3  }
0xfd: {  	s18 =	simm.s32 $0x16C00  }
0xfe: {  	s19 =	sadd.s32 $0x0, s7;
	s21 =	simm.s32 $0x16C90;
	[tilespmem:s20+$0x16C00] =	vst v1;
	s20 =	simm.s32 $0x10  }
.LBB2_17:
0xff: {  	[hbm4b:s19+s3] =	stream.linear.scatter [tilespmem:s18], [sflag:$0x9], $0x80, $0x38;
	[tilespmem:$0x1FC00] =	vst v63  }
0x100: {  	s5 =	smov.u32 s20;
	s18 =	smov.u32 s21;
	p0 =	sne.s32 s20, $0x7F0  }
.Ltmp9:
0x101: {  	s20 =	sadd.s32 $0x10, s20;
	(pc) =	sbr.rel @p0 .LBB2_17-.Ltmp9, $2  }
0x102: {  	_ =	sdelay $0x2  }
0x103: {  	s21 =	sadd.s32 $0x90, s21;
	s19 =	sadd.s32 s5, s7  }
0x104: {  	[hbm4b:s19+s3] =	stream.linear.scatter [tilespmem:s18], [sflag:$0x9], $0x80, $0x38;
	[tilespmem:$0x1FC00] =	vst v63  }
0x105: {  	_ =	swait.ge [sflag:s4], $0x4000  }
0x106: {  	s18 =	simm.s32 $0x16C80;
	s20 =	simm.s32 $0x2;
	[sflag:s4] =	ssyncset.done $0x0  }
0x107: {  	s19 =	sadd.s32 $0x0, s14;
	s21 =	simm.s32 $0x16D10;
	[sflag:s4] =	ssyncadd.s32 $0xFFFFC000  }
.LBB2_19:
0x108: {  	[hbm4b:s19+s3] =	stream.linear.scatter [tilespmem:s18], [sflag:$0x9], $0x10, $0x38;
	[tilespmem:$0x1FC00] =	vst v63  }
0x109: {  	s5 =	smov.u32 s20;
	s18 =	smov.u32 s21;
	p0 =	sne.s32 s20, $0xFE  }
.Ltmp10:
0x10a: {  	s20 =	sadd.s32 $0x2, s20;
	(pc) =	sbr.rel @p0 .LBB2_19-.Ltmp10, $2  }
0x10b: {  	_ =	sdelay $0x2  }
0x10c: {  	s21 =	sadd.s32 $0x90, s21;
	s19 =	sadd.s32 s5, s14  }
0x10d: {  	[hbm4b:s19+s3] =	stream.linear.scatter [tilespmem:s18], [sflag:$0x9], $0x10, $0x38;
	[tilespmem:$0x1FC00] =	vst v63  }
0x10e: {  	_ =	swait.ge [sflag:s4], $0x800  }
0x10f: {  	[sflag:s4] =	ssyncset.done $0x0  }
0x110: {  	[sflag:s4] =	ssyncadd.s32 $0xFFFFF800  }
0x111: {  	[tilespmem:s2], [sflag:$0x9] =	stream.linear.gather [spmem:s26], $0x4800, $0x38;
	[tilespmem:$0x1FC00] =	vst v63  }
0x112: {  	_ =	swait.ge [sflag:s4], $0x4800  }
0x113: {  	[sflag:s4] =	ssyncset.done $0x0  }
0x114: {  	s20 =	simm.s32 $0x80;
	s18 =	simm.s32 $0x440;
	[sflag:s4] =	ssyncadd.s32 $0xFFFFB800  }
.LBB2_21:
0x115: {  	p0 =	sne.s32 s18, $0x11FC0;
	v1 =	vld.msk [tilespmem:s20+$0x16C00 ss:$0x0], $0xffff;
	_ =	sdelay $0x1  }
.Ltmp11:
0x116: {  	(pc) =	sbr.rel @p0 .LBB2_21-.Ltmp11, $2  }
0x117: {  	_ =	sdelay $0x2  }
0x118: {  	[tilespmem:s20+$0x16C00] =	vst v1;
	s20 =	sshra.s32 s18, $0x2;
	s18 =	sadd.s32 $0x240, s18  }
0x119: {  	v1 =	vld.msk [tilespmem:s20+$0x16C00 ss:$0x0], $0xffff;
	_ =	sdelay $0x3  }
0x11a: {  	s18 =	simm.s32 $0x16C00  }
0x11b: {  	s19 =	sadd.s32 $0x0, s8;
	s21 =	simm.s32 $0x16C90;
	[tilespmem:s20+$0x16C00] =	vst v1;
	s20 =	simm.s32 $0x10  }
.LBB2_23:
0x11c: {  	[hbm4b:s19+s3] =	stream.linear.scatter [tilespmem:s18], [sflag:$0x9], $0x80, $0x38;
	[tilespmem:$0x1FC00] =	vst v63  }
0x11d: {  	s5 =	smov.u32 s20;
	s18 =	smov.u32 s21;
	p0 =	sne.s32 s20, $0x7F0  }
.Ltmp12:
0x11e: {  	s20 =	sadd.s32 $0x10, s20;
	(pc) =	sbr.rel @p0 .LBB2_23-.Ltmp12, $2  }
0x11f: {  	_ =	sdelay $0x2  }
0x120: {  	s21 =	sadd.s32 $0x90, s21;
	s19 =	sadd.s32 s5, s8  }
0x121: {  	[hbm4b:s19+s3] =	stream.linear.scatter [tilespmem:s18], [sflag:$0x9], $0x80, $0x38;
	[tilespmem:$0x1FC00] =	vst v63  }
0x122: {  	_ =	swait.ge [sflag:s4], $0x4000  }
0x123: {  	s18 =	simm.s32 $0x16C80;
	s20 =	simm.s32 $0x2;
	[sflag:s4] =	ssyncset.done $0x0  }
0x124: {  	s19 =	sadd.s32 $0x0, s15;
	s21 =	simm.s32 $0x16D10;
	[sflag:s4] =	ssyncadd.s32 $0xFFFFC000  }
.LBB2_25:
0x125: {  	[hbm4b:s19+s3] =	stream.linear.scatter [tilespmem:s18], [sflag:$0x9], $0x10, $0x38;
	[tilespmem:$0x1FC00] =	vst v63  }
0x126: {  	s5 =	smov.u32 s20;
	s18 =	smov.u32 s21;
	p0 =	sne.s32 s20, $0xFE  }
.Ltmp13:
0x127: {  	s20 =	sadd.s32 $0x2, s20;
	(pc) =	sbr.rel @p0 .LBB2_25-.Ltmp13, $2  }
0x128: {  	_ =	sdelay $0x2  }
0x129: {  	s21 =	sadd.s32 $0x90, s21;
	s19 =	sadd.s32 s5, s15  }
0x12a: {  	[hbm4b:s19+s3] =	stream.linear.scatter [tilespmem:s18], [sflag:$0x9], $0x10, $0x38;
	[tilespmem:$0x1FC00] =	vst v63  }
0x12b: {  	_ =	swait.ge [sflag:s4], $0x800  }
0x12c: {  	[sflag:s4] =	ssyncset.done $0x0  }
0x12d: {  	[sflag:s4] =	ssyncadd.s32 $0xFFFFF800  }
0x12e: {  	[tilespmem:s2], [sflag:$0x9] =	stream.linear.gather [spmem:s28], $0x4800, $0x38;
	[tilespmem:$0x1FC00] =	vst v63  }
0x12f: {  	_ =	swait.ge [sflag:s4], $0x4800  }
0x130: {  	[sflag:s4] =	ssyncset.done $0x0  }
0x131: {  	s20 =	simm.s32 $0x80;
	s18 =	simm.s32 $0x440;
	[sflag:s4] =	ssyncadd.s32 $0xFFFFB800  }
.LBB2_27:
0x132: {  	p0 =	sne.s32 s18, $0x11FC0;
	v1 =	vld.msk [tilespmem:s20+$0x16C00 ss:$0x0], $0xffff;
	_ =	sdelay $0x1  }
.Ltmp14:
0x133: {  	(pc) =	sbr.rel @p0 .LBB2_27-.Ltmp14, $2  }
0x134: {  	_ =	sdelay $0x2  }
0x135: {  	[tilespmem:s20+$0x16C00] =	vst v1;
	s20 =	sshra.s32 s18, $0x2;
	s18 =	sadd.s32 $0x240, s18  }
0x136: {  	v1 =	vld.msk [tilespmem:s20+$0x16C00 ss:$0x0], $0xffff;
	_ =	sdelay $0x3  }
0x137: {  	s18 =	simm.s32 $0x16C00  }
0x138: {  	s19 =	sadd.s32 $0x0, s9;
	s21 =	simm.s32 $0x16C90;
	[tilespmem:s20+$0x16C00] =	vst v1;
	s20 =	simm.s32 $0x10  }
.LBB2_29:
0x139: {  	[hbm4b:s19+s3] =	stream.linear.scatter [tilespmem:s18], [sflag:$0x9], $0x80, $0x38;
	[tilespmem:$0x1FC00] =	vst v63  }
0x13a: {  	s5 =	smov.u32 s20;
	s18 =	smov.u32 s21;
	p0 =	sne.s32 s20, $0x7F0  }
.Ltmp15:
0x13b: {  	s20 =	sadd.s32 $0x10, s20;
	(pc) =	sbr.rel @p0 .LBB2_29-.Ltmp15, $2  }
0x13c: {  	_ =	sdelay $0x2  }
0x13d: {  	s21 =	sadd.s32 $0x90, s21;
	s19 =	sadd.s32 s5, s9  }
0x13e: {  	[hbm4b:s19+s3] =	stream.linear.scatter [tilespmem:s18], [sflag:$0x9], $0x80, $0x38;
	[tilespmem:$0x1FC00] =	vst v63  }
0x13f: {  	_ =	swait.ge [sflag:s4], $0x4000  }
0x140: {  	s18 =	simm.s32 $0x16C80;
	s20 =	simm.s32 $0x2;
	[sflag:s4] =	ssyncset.done $0x0  }
0x141: {  	s19 =	sadd.s32 $0x0, s16;
	s21 =	simm.s32 $0x16D10;
	[sflag:s4] =	ssyncadd.s32 $0xFFFFC000  }
.LBB2_31:
0x142: {  	[hbm4b:s19+s3] =	stream.linear.scatter [tilespmem:s18], [sflag:$0x9], $0x10, $0x38;
	[tilespmem:$0x1FC00] =	vst v63  }
0x143: {  	s5 =	smov.u32 s20;
	s18 =	smov.u32 s21;
	p0 =	sne.s32 s20, $0xFE  }
.Ltmp16:
0x144: {  	s20 =	sadd.s32 $0x2, s20;
	(pc) =	sbr.rel @p0 .LBB2_31-.Ltmp16, $2  }
0x145: {  	_ =	sdelay $0x2  }
0x146: {  	s21 =	sadd.s32 $0x90, s21;
	s19 =	sadd.s32 s5, s16  }
0x147: {  	[hbm4b:s19+s3] =	stream.linear.scatter [tilespmem:s18], [sflag:$0x9], $0x10, $0x38;
	[tilespmem:$0x1FC00] =	vst v63  }
0x148: {  	_ =	swait.ge [sflag:s4], $0x800  }
0x149: {  	[sflag:s4] =	ssyncset.done $0x0  }
0x14a: {  	[sflag:s4] =	ssyncadd.s32 $0xFFFFF800  }
0x14b: {  	[tilespmem:s2], [sflag:$0x9] =	stream.linear.gather [spmem:s30], $0x4800, $0x38;
	[tilespmem:$0x1FC00] =	vst v63  }
0x14c: {  	_ =	swait.ge [sflag:s4], $0x4800  }
0x14d: {  	[sflag:s4] =	ssyncset.done $0x0  }
0x14e: {  	s20 =	simm.s32 $0x80;
	s18 =	simm.s32 $0x440;
	[sflag:s4] =	ssyncadd.s32 $0xFFFFB800  }
.LBB2_33:
0x14f: {  	p0 =	sne.s32 s18, $0x11FC0;
	v1 =	vld.msk [tilespmem:s20+$0x16C00 ss:$0x0], $0xffff;
	_ =	sdelay $0x1  }
.Ltmp17:
0x150: {  	(pc) =	sbr.rel @p0 .LBB2_33-.Ltmp17, $2  }
0x151: {  	_ =	sdelay $0x2  }
0x152: {  	[tilespmem:s20+$0x16C00] =	vst v1;
	s20 =	sshra.s32 s18, $0x2;
	s18 =	sadd.s32 $0x240, s18  }
0x153: {  	v1 =	vld.msk [tilespmem:s20+$0x16C00 ss:$0x0], $0xffff;
	_ =	sdelay $0x3  }
0x154: {  	s18 =	simm.s32 $0x16C00  }
0x155: {  	s19 =	sadd.s32 $0x0, s10;
	s21 =	simm.s32 $0x16C90;
	[tilespmem:s20+$0x16C00] =	vst v1;
	s20 =	simm.s32 $0x10  }
.LBB2_35:
0x156: {  	[hbm4b:s19+s3] =	stream.linear.scatter [tilespmem:s18], [sflag:$0x9], $0x80, $0x38;
	[tilespmem:$0x1FC00] =	vst v63  }
0x157: {  	s5 =	smov.u32 s20;
	s18 =	smov.u32 s21;
	p0 =	sne.s32 s20, $0x7F0  }
.Ltmp18:
0x158: {  	s20 =	sadd.s32 $0x10, s20;
	(pc) =	sbr.rel @p0 .LBB2_35-.Ltmp18, $2  }
0x159: {  	_ =	sdelay $0x2  }
0x15a: {  	s21 =	sadd.s32 $0x90, s21;
	s19 =	sadd.s32 s5, s10  }
0x15b: {  	[hbm4b:s19+s3] =	stream.linear.scatter [tilespmem:s18], [sflag:$0x9], $0x80, $0x38;
	[tilespmem:$0x1FC00] =	vst v63  }
0x15c: {  	_ =	swait.ge [sflag:s4], $0x4000  }
0x15d: {  	s18 =	simm.s32 $0x16C80;
	s20 =	simm.s32 $0x2;
	[sflag:s4] =	ssyncset.done $0x0  }
0x15e: {  	s19 =	sadd.s32 $0x0, s17;
	s21 =	simm.s32 $0x16D10;
	[sflag:s4] =	ssyncadd.s32 $0xFFFFC000  }
.LBB2_37:
0x15f: {  	[hbm4b:s19+s3] =	stream.linear.scatter [tilespmem:s18], [sflag:$0x9], $0x10, $0x38;
	[tilespmem:$0x1FC00] =	vst v63  }
0x160: {  	s5 =	smov.u32 s20;
	s18 =	smov.u32 s21;
	p0 =	sne.s32 s20, $0xFE  }
.Ltmp19:
0x161: {  	s20 =	sadd.s32 $0x2, s20;
	(pc) =	sbr.rel @p0 .LBB2_37-.Ltmp19, $2  }
0x162: {  	_ =	sdelay $0x2  }
0x163: {  	s21 =	sadd.s32 $0x90, s21;
	s19 =	sadd.s32 s5, s17  }
0x164: {  	[hbm4b:s19+s3] =	stream.linear.scatter [tilespmem:s18], [sflag:$0x9], $0x10, $0x38;
	[tilespmem:$0x1FC00] =	vst v63  }
0x165: {  	_ =	swait.ge [sflag:s4], $0x800  }
0x166: {  	s12 =	sadd.s32 $0x1, s12;
	s5 =	rddreg [dreg:$0xc]  }
0x167: {  	p0 =	sne.s32 s12, s5  }
.Ltmp20:
0x168: {  	_ = 	snop;
	(pc) =	sbr.rel @p0 .LBB2_1-.Ltmp20, $3  }
0x169: {  	_ =	sdelay $0x1  }
0x16a: {  	[sflag:s4] =	ssyncset.done $0x0  }
0x16b: {  	[sflag:s4] =	ssyncadd.s32 $0xFFFFF800  }
0x16c: {  	_ =	sfence.sel $0x180000  }
0x16d: {  	[bflag:$0x0] =	sbarrier.arrive $0xFFFF  }
0x16e: {  	_ =	strace $0x9000004A  }
0x16f: {  	s0 =	stileid.u32;
	[bflag:$0x2] =	sbarrier.arrive $0xFFFF  }
0x170: {  	p0 =	sne.s32 s0, $0x0;
	s0 =	rddreg [dreg:$0x3]  }
0x171: {  	s0 =	sadd.s32 @!p0 $0x100000, s0  }
0x172: {  	[sflag:s0] =	ssyncadd.tile.s32 @!p0 $0x1;
	_ =	shalt  }
.Lfunc_end2:
_tile_overlayer_lowered:
.L_overlay_start_2:
0x173: {  	(tag) =	ssettag $0x2  }
0x174: {  	s0 =	rddreg [dreg:$0x0];
	s2 =	stileid.u32  }
0x175: {  	s1 =	rddreg [dreg:$0x1];
	p0 =	sne.s32 s2, $0x0  }
0x176: {  	s3 =	rddreg [dreg:$0x2];
	[bflag:$0x3] =	sbarrier.arrive $0xFFFF;
	s2 =	simm.s32 @!p0 $0x1C09  }
0x177: {  	[timem:s3], [sflag:s2] =	dma.local @!p0 [hbm:s0], s1  }
0x178: {  	s0 =	simm.s32 @!p0 $0x9  }
0x179: {  	_ =	swait.ge @!p0 [sflag:s0], s1  }
0x17a: {  	s1 =	ssub.s32 @!p0 $0x0, s1;
	[sflag:s0] =	ssyncset.done @!p0 $0x0  }
0x17b: {  	[sflag:s0] =	ssyncadd.s32 @!p0 s1  }
0x17c: {  	[bflag:$0x3] =	sbarrier.arrive $0xFFFF  }
0x17d: {  	_ =	shalt  }

</sc_bundles>
